<compile_context>
chip_gen: v7x
topology: tpu7x:2x2x1
jax: 0.10.2.dev20260603
libtpu: 0.0.44.dev20260713+nightly
codegen_flags: <defaults>
</compile_context>

<pallas_src>
import functools

import jax
import jax.numpy as jnp
from jax import lax
from jax.experimental import pallas as pl
from jax.experimental.pallas import tpu as pltpu
from jax.experimental.pallas import tpu_sc as plsc

BM = 256
GATE_BM = 512
_NC = 2
_NS = 16
_NW = _NC * _NS


def _sc_mesh():
    return plsc.VectorSubcoreMesh(core_axis_name="c", subcore_axis_name="s")


def _sc_gather(x, row_token, p):
    row_shape = x.shape[1:]
    row_elems = 1
    for s in row_shape:
        row_elems *= s
    row_bytes = row_elems * x.dtype.itemsize
    rpw = p // _NW
    ch = max(8, (128 * 1024) // row_bytes)
    while rpw % ch:
        ch //= 2
    nbuf = 3
    nch = rpw // ch

    @functools.partial(
        pl.kernel,
        out_type=jax.ShapeDtypeStruct((p,) + row_shape, x.dtype),
        mesh=_sc_mesh(),
        scratch_types=[
            pltpu.VMEM((rpw,), jnp.int32),
            [pltpu.VMEM((ch,) + row_shape, x.dtype)] * nbuf,
            [pltpu.SemaphoreType.DMA] * nbuf,
            [pltpu.SemaphoreType.DMA] * nbuf,
        ],
    )
    def k(tok_hbm, x_hbm, xs_hbm, idx_v, bufs, gsems, wsems):
        wid = lax.axis_index("s") * _NC + lax.axis_index("c")
        base = wid * rpw
        pltpu.sync_copy(tok_hbm.at[pl.ds(base, rpw)], idx_v)

        def g(c):
            return pltpu.make_async_copy(
                x_hbm.at[idx_v.at[pl.ds(c * ch, ch)]], bufs[c % nbuf],
                gsems[c % nbuf])

        def w(c):
            return pltpu.make_async_copy(
                bufs[c % nbuf], xs_hbm.at[pl.ds(base + c * ch, ch)],
                wsems[c % nbuf])

        g(0).start()
        g(1).start()
        for c in range(nch):
            g(c).wait()
            w(c).start()
            if c + 2 < nch:
                if c >= 1:
                    w(c - 1).wait()
                g(c + 2).start()
        for c in range(max(nch - 3, 0), nch):
            w(c).wait()

    return k(row_token, x)


def _sc_combine(zs, pos0, pos1):
    b = pos0.shape[0]
    zdim = zs.shape[1]
    tpw = b // _NW
    ch = 64
    nch = tpw // ch

    @functools.partial(
        pl.kernel,
        out_type=jax.ShapeDtypeStruct((b, zdim), jnp.float32),
        mesh=_sc_mesh(),
        scratch_types=[
            pltpu.VMEM((tpw,), jnp.int32),
            pltpu.VMEM((tpw,), jnp.int32),
            pltpu.VMEM((ch, zdim), jnp.float32),
            pltpu.VMEM((ch, zdim), jnp.float32),
            pltpu.VMEM((ch, zdim), jnp.float32),
            pltpu.VMEM((ch, zdim), jnp.float32),
            pltpu.SemaphoreType.DMA,
            pltpu.SemaphoreType.DMA,
            pltpu.SemaphoreType.DMA,
            pltpu.SemaphoreType.DMA,
            pltpu.SemaphoreType.DMA,
            pltpu.SemaphoreType.DMA,
        ],
    )
    def k(zs_hbm, p0_hbm, p1_hbm, out_hbm, i0_v, i1_v,
          a0, a1, c0, c1, ga0, ga1, gb0, gb1, w0, w1):
        wid = lax.axis_index("s") * _NC + lax.axis_index("c")
        base = wid * tpw
        pltpu.sync_copy(p0_hbm.at[pl.ds(base, tpw)], i0_v)
        pltpu.sync_copy(p1_hbm.at[pl.ds(base, tpw)], i1_v)
        abufs, cbufs = (a0, a1), (c0, c1)
        gasems, gbsems, wsems = (ga0, ga1), (gb0, gb1), (w0, w1)

        def ga(c):
            return pltpu.make_async_copy(
                zs_hbm.at[i0_v.at[pl.ds(c * ch, ch)]], abufs[c % 2],
                gasems[c % 2])

        def gb(c):
            return pltpu.make_async_copy(
                zs_hbm.at[i1_v.at[pl.ds(c * ch, ch)]], cbufs[c % 2],
                gbsems[c % 2])

        def w(c):
            return pltpu.make_async_copy(
                abufs[c % 2], out_hbm.at[pl.ds(base + c * ch, ch)],
                wsems[c % 2])

        ga(0).start(); gb(0).start()
        ga(1).start(); gb(1).start()
        for c in range(nch):
            s = c % 2
            ga(c).wait()
            gb(c).wait()
            ba, bc = abufs[s], cbufs[s]

            @pl.loop(0, ch)
            def _row(r):
                for j in range(zdim // 16):
                    sl = pl.ds(j * 16, 16)
                    ba[r, sl] = ba[r, sl] + bc[r, sl]

            w(c).start()
            if c + 2 < nch:
                w(c).wait()
                ga(c + 2).start()
                gb(c + 2).start()
        w(nch - 2).wait()
        w(nch - 1).wait()

    return k(zs, pos0, pos1)


def _pack_kernel(x_ref, xi_ref):
    xb = x_ref[...]
    u = lax.bitcast_convert_type(xb, jnp.uint32)
    r = (u + jnp.uint32(0x7FFF) + ((u >> 16) & jnp.uint32(1))) >> 16
    half = xb.shape[1] // 2
    xi_ref[...] = lax.bitcast_convert_type(
        r[:, :half] | (r[:, half:] << 16), jnp.int32)


def _pack_x(x):
    b, xdim = x.shape
    return pl.pallas_call(
        _pack_kernel,
        grid=(b // GATE_BM,),
        in_specs=[pl.BlockSpec((GATE_BM, xdim), lambda i: (i, 0))],
        out_specs=pl.BlockSpec((GATE_BM, xdim // 2), lambda i: (i, 0)),
        out_shape=jax.ShapeDtypeStruct((b, xdim // 2), jnp.int32),
    )(x)


def _mlp_kernel(be_ref, xs_ref, ry_ref, rw_ref, w1_ref, b1_ref,
                w2_ref, b2_ref, w3_ref, b3_ref, out_ref):
    half = xs_ref.shape[1]
    xdim = 2 * half
    ui = lax.bitcast_convert_type(xs_ref[...], jnp.uint32)
    xlo = lax.bitcast_convert_type(ui << 16, jnp.float32)
    xhi = lax.bitcast_convert_type(ui & jnp.uint32(0xFFFF0000), jnp.float32)
    w1 = w1_ref[0]
    h1 = jnp.dot(xlo.astype(jnp.bfloat16), w1[:half].astype(jnp.bfloat16),
                 preferred_element_type=jnp.float32)
    h1 = h1 + jnp.dot(xhi.astype(jnp.bfloat16),
                      w1[half:xdim].astype(jnp.bfloat16),
                      preferred_element_type=jnp.float32)
    h1 = h1 + ry_ref[...] * w1[xdim:xdim + 1] + b1_ref[0]
    h1 = jnp.maximum(h1, 0.0)
    h2 = jnp.dot(h1.astype(jnp.bfloat16), w2_ref[0].astype(jnp.bfloat16),
                 preferred_element_type=jnp.float32)
    h2 = jnp.maximum(h2 + b2_ref[0], 0.0)
    z = jnp.dot(h2.astype(jnp.bfloat16), w3_ref[0].astype(jnp.bfloat16),
                preferred_element_type=jnp.float32)
    out_ref[...] = (z + b3_ref[0]) * rw_ref[...]


def _grouped_mlp(xs, row_y, row_w, block_expert, W1, b1, W2, b2, W3, b3):
    p, xhalf = xs.shape
    e, d, h1 = W1.shape
    h2 = W2.shape[2]
    z1 = W3.shape[2]
    nb = p // BM
    grid_spec = pltpu.PrefetchScalarGridSpec(
        num_scalar_prefetch=1,
        grid=(nb,),
        in_specs=[
            pl.BlockSpec((BM, xhalf), lambda i, be: (i, 0)),
            pl.BlockSpec((BM, 1), lambda i, be: (i, 0)),
            pl.BlockSpec((BM, 1), lambda i, be: (i, 0)),
            pl.BlockSpec((1, d, h1), lambda i, be: (be[i], 0, 0)),
            pl.BlockSpec((1, 1, h1), lambda i, be: (be[i], 0, 0)),
            pl.BlockSpec((1, h1, h2), lambda i, be: (be[i], 0, 0)),
            pl.BlockSpec((1, 1, h2), lambda i, be: (be[i], 0, 0)),
            pl.BlockSpec((1, h2, z1), lambda i, be: (be[i], 0, 0)),
            pl.BlockSpec((1, 1, z1), lambda i, be: (be[i], 0, 0)),
        ],
        out_specs=pl.BlockSpec((BM, z1), lambda i, be: (i, 0)),
    )
    return pl.pallas_call(
        _mlp_kernel,
        grid_spec=grid_spec,
        out_shape=jax.ShapeDtypeStruct((p, z1), jnp.float32),
        compiler_params=pltpu.CompilerParams(
            dimension_semantics=("arbitrary",),
        ),
    )(block_expert, xs, row_y.reshape(p, 1), row_w.reshape(p, 1),
      W1, b1.reshape(e, 1, h1), W2, b2.reshape(e, 1, h2),
      W3, b3.reshape(e, 1, z1))


def kernel(x, y, gate_W, gate_b, W1, b1, W2, b2, W3, b3):
    b = x.shape[0]
    e = W1.shape[0]

    inp = jnp.concatenate([x, y.reshape(-1, 1)], axis=1)
    gate_logits = inp @ gate_W + gate_b
    gate_probs = jax.nn.softmax(gate_logits, axis=-1)
    tope_probs, idx = jax.lax.top_k(gate_probs, 2)
    w = tope_probs / jnp.sum(tope_probs, axis=-1, keepdims=True)

    x16 = _pack_x(x)

    ef = idx.reshape(-1)
    wf = w.reshape(-1)
    tf = jnp.repeat(jnp.arange(b, dtype=jnp.int32), 2)
    oh = (ef[:, None] == jnp.arange(e, dtype=jnp.int32)[None, :]).astype(jnp.int32)
    cum = jnp.cumsum(oh, axis=0)
    rank = jnp.take_along_axis(cum, ef[:, None], axis=1)[:, 0] - 1
    counts = cum[-1]
    padded = ((counts + BM - 1) // BM) * BM
    pad_end = jnp.cumsum(padded)
    pad_start = pad_end - padded
    dst = pad_start[ef] + rank
    nb = (2 * b + e * (BM - 1) + BM - 1) // BM
    p = nb * BM
    row_token = jnp.zeros((p,), jnp.int32).at[dst].set(tf)
    row_y = jnp.zeros((p,), jnp.float32).at[dst].set(jnp.repeat(y, 2))
    row_w = jnp.zeros((p,), jnp.float32).at[dst].set(wf)
    block_starts = jnp.arange(nb, dtype=jnp.int32) * BM
    block_expert = jnp.minimum(
        jnp.sum(block_starts[:, None] >= pad_end[None, :], axis=1), e - 1
    ).astype(jnp.int32)

    xs = _sc_gather(x16, row_token, p)

    zs = _grouped_mlp(xs, row_y, row_w, block_expert, W1, b1, W2, b2, W3, b3)

    pos = dst.reshape(b, 2)
    out = _sc_combine(zs, pos[:, 0], pos[:, 1])
    return out

# --- scband reference (transcript-rebuilt; emitter-appended) ---
"""Pipeline reference for scband-mo-e-70909910057610 (READ-ONLY COPY).

The authoritative reference and input builder live on the scoring server;
editing this copy changes nothing except your own understanding.
"""

import jax, jax.numpy as jnp
import numpy as np

TOP_E = 2


def setup_inputs(seed: int = 0) -> dict:
    key = jax.random.key(seed)
    ks = jax.random.split(key, 12)
    B = 8192; X = 2048; Y = 1; H1 = 1024; H2 = 512; Z1 = 256; E = 8
    D = X + Y
    def s(k, shape, fan):
        return jax.random.normal(k, shape, dtype=jnp.float32) * (1.0 / np.sqrt(fan))
    return {
        "x": jax.random.normal(ks[0], (B, X), dtype=jnp.float32),
        "y": jax.random.normal(ks[1], (B,), dtype=jnp.float32),
        "gate_W": s(ks[2], (D, E), D),
        "gate_b": jnp.zeros((E,), dtype=jnp.float32),
        "W1": s(ks[3], (E, D, H1), D),
        "b1": jnp.zeros((E, H1), dtype=jnp.float32),
        "W2": s(ks[4], (E, H1, H2), H1),
        "b2": jnp.zeros((E, H2), dtype=jnp.float32),
        "W3": s(ks[5], (E, H2, Z1), H2),
        "b3": jnp.zeros((E, Z1), dtype=jnp.float32),
    }


def reference(x, y, gate_W, gate_b, W1, b1, W2, b2, W3, b3):
    # y.view(-1, 1); input_pairs = cat((x, y), dim=1)
    inp = jnp.concatenate([x, y.reshape(-1, 1)], axis=1)
    # gate
    gate_logits = inp @ gate_W + gate_b
    gate_probs = jax.nn.softmax(gate_logits, axis=-1)
    tope_probs, tope_idx = jax.lax.top_k(gate_probs, TOP_E)
    # run every expert densely (MLP expert: Linear-ReLU-Linear-ReLU-Linear, dropout inactive in eval)
    h1 = jax.nn.relu(jnp.einsum('bd,edh->beh', inp, W1) + b1[None, :, :])
    h2 = jax.nn.relu(jnp.einsum('beh,ehk->bek', h1, W2) + b2[None, :, :])
    rs = jnp.einsum('bek,ekz->bez', h2, W3) + b3[None, :, :]  # [B, E, Z1]
    # gather selected experts per token: rs[batch_idx, tope_idx]
    selected_rs = jnp.take_along_axis(rs, tope_idx[:, :, None], axis=1)  # [B, top_e, Z1]
    norm_probs = tope_probs / jnp.sum(tope_probs, axis=-1, keepdims=True)
    r_out = jnp.sum(selected_rs * norm_probs[:, :, None], axis=1)
    return r_out

if __name__ == "__main__":
    import jax
    _d = setup_inputs()
    print(jax.jit(kernel)(*tuple(_d.values())))

</pallas_src>

<mosaic_0001>
#map = affine_map<(d0, d1) -> (0)>
#map1 = affine_map<(d0, d1) -> (0, 0)>
module attributes {stable_mosaic.version = 14 : i64} {
  func.func @k(%arg0: i32, %arg1: i32, %arg2: memref<18432xi32, #tpu.memory_space<hbm>>, %arg3: memref<8192x1024xi32, #tpu.memory_space<hbm>>, %arg4: memref<18432x1024xi32, #tpu.memory_space<hbm>>, %arg5: memref<576xi32, #tpu.memory_space<vmem>>, %arg6: memref<32x1024xi32, #tpu.memory_space<vmem>>, %arg7: memref<32x1024xi32, #tpu.memory_space<vmem>>, %arg8: memref<32x1024xi32, #tpu.memory_space<vmem>>, %arg9: memref<!tpu.dma_semaphore, #tpu.memory_space<semaphore_mem>>, %arg10: memref<!tpu.dma_semaphore, #tpu.memory_space<semaphore_mem>>, %arg11: memref<!tpu.dma_semaphore, #tpu.memory_space<semaphore_mem>>, %arg12: memref<!tpu.dma_semaphore, #tpu.memory_space<semaphore_mem>>, %arg13: memref<!tpu.dma_semaphore, #tpu.memory_space<semaphore_mem>>, %arg14: memref<!tpu.dma_semaphore, #tpu.memory_space<semaphore_mem>>) attributes {dimension_semantics = [#tpu.dimension_semantics<core_parallel>, #tpu.dimension_semantics<subcore_parallel>], iteration_bounds = array<i64: 2, 16>, scalar_prefetch = 0 : i64, scratch_operands = 10 : i64, tpu.core_type = #tpu.core_type<sc_vector_subcore>, window_params = [{transform_indices = #map}, {transform_indices = #map1}, {transform_indices = #map1}]} {
    %mul3A = arith.constant 2 : i32
    %mul3A_0 = arith.muli %arg1, %mul3A : i32
    %add3A = arith.addi %mul3A_0, %arg0 : i32
    %mul3A_1 = arith.constant 576 : i32
    %mul3A_2 = arith.muli %add3A, %mul3A_1 : i32
    "tpu.region"() ({
      %run_scoped3A = tpu.sem_alloc : memref<!tpu.dma_semaphore, #tpu.memory_space<semaphore_mem>>
      %dma_start3A_397 = tpu.memref_slice %arg2[%mul3A_2] : memref<18432xi32, #tpu.memory_space<hbm>> -> memref<576xi32, #tpu.memory_space<hbm>>
      %dma_start3A_398 = tpu.memref_slice %arg2[%mul3A_2] : memref<18432xi32, #tpu.memory_space<hbm>> -> memref<576xi32, #tpu.memory_space<hbm>>
      tpu.enqueue_dma source(%dma_start3A_398 : memref<576xi32, #tpu.memory_space<hbm>>) target(%arg5 : memref<576xi32, #tpu.memory_space<vmem>>) target_semaphore(%run_scoped3A : memref<!tpu.dma_semaphore, #tpu.memory_space<semaphore_mem>>)
      %dma_wait3A_399 = tpu.memref_slice %arg2[%mul3A_2] : memref<18432xi32, #tpu.memory_space<hbm>> -> memref<576xi32, #tpu.memory_space<hbm>>
      %dma_wait3A_400 = tpu.memref_slice %arg2[%mul3A_2] : memref<18432xi32, #tpu.memory_space<hbm>> -> memref<576xi32, #tpu.memory_space<hbm>>
      tpu.wait_dma2 semaphore(%run_scoped3A : memref<!tpu.dma_semaphore, #tpu.memory_space<semaphore_mem>>) src(%dma_wait3A_400 : memref<576xi32, #tpu.memory_space<hbm>>) dst(%arg5 : memref<576xi32, #tpu.memory_space<vmem>>)
      tpu.yield
    }) : () -> ()
    %dma_start3A = arith.constant 0 : i32
    %dma_start3A_3 = tpu.memref_slice %arg5[%dma_start3A] : memref<576xi32, #tpu.memory_space<vmem>> -> memref<32xi32, #tpu.memory_space<vmem>>
    %dma_start3A_4 = arith.constant 0 : i32
    %dma_start3A_5 = arith.constant 0 : i32
    %dma_start3A_6 = tpu.memref_slice %arg3[%dma_start3A_4, %dma_start3A_5] : memref<8192x1024xi32, #tpu.memory_space<hbm>> -> memref<8192x1024xi32, #tpu.memory_space<hbm>>
    tpu.enqueue_indirect_dma source(%dma_start3A_6 : memref<8192x1024xi32, #tpu.memory_space<hbm>>) target(%arg6 : memref<32x1024xi32, #tpu.memory_space<vmem>>) offsets(%dma_start3A_3 : memref<32xi32, #tpu.memory_space<vmem>>) semaphore(%arg9 : memref<!tpu.dma_semaphore, #tpu.memory_space<semaphore_mem>>)
    %dma_start3A_7 = arith.constant 32 : i32
    %dma_start3A_8 = tpu.memref_slice %arg5[%dma_start3A_7] : memref<576xi32, #tpu.memory_space<vmem>> -> memref<32xi32, #tpu.memory_space<vmem>>
    %dma_start3A_9 = arith.constant 0 : i32
    %dma_start3A_10 = arith.constant 0 : i32
    %dma_start3A_11 = tpu.memref_slice %arg3[%dma_start3A_9, %dma_start3A_10] : memref<8192x1024xi32, #tpu.memory_space<hbm>> -> memref<8192x1024xi32, #tpu.memory_space<hbm>>
    tpu.enqueue_indirect_dma source(%dma_start3A_11 : memref<8192x1024xi32, #tpu.memory_space<hbm>>) target(%arg7 : memref<32x1024xi32, #tpu.memory_space<vmem>>) offsets(%dma_start3A_8 : memref<32xi32, #tpu.memory_space<vmem>>) semaphore(%arg10 : memref<!tpu.dma_semaphore, #tpu.memory_space<semaphore_mem>>)
    %dma_wait3A = arith.constant 0 : i32
    %dma_wait3A_12 = tpu.memref_slice %arg5[%dma_wait3A] : memref<576xi32, #tpu.memory_space<vmem>> -> memref<32xi32, #tpu.memory_space<vmem>>
    %dma_wait3A_13 = arith.constant 0 : i32
    %dma_wait3A_14 = arith.constant 0 : i32
    %dma_wait3A_15 = tpu.memref_slice %arg3[%dma_wait3A_13, %dma_wait3A_14] : memref<8192x1024xi32, #tpu.memory_space<hbm>> -> memref<8192x1024xi32, #tpu.memory_space<hbm>>
    tpu.wait_indirect_dma semaphore(%arg9 : memref<!tpu.dma_semaphore, #tpu.memory_space<semaphore_mem>>) src(%dma_wait3A_15 : memref<8192x1024xi32, #tpu.memory_space<hbm>>) dst(%arg6 : memref<32x1024xi32, #tpu.memory_space<vmem>>)
    %add3A_16 = arith.constant 0 : i32
    %add3A_17 = arith.addi %mul3A_2, %add3A_16 : i32
    %dma_start3A_18 = arith.constant 0 : i32
    %dma_start3A_19 = tpu.memref_slice %arg4[%add3A_17, %dma_start3A_18] : memref<18432x1024xi32, #tpu.memory_space<hbm>> -> memref<32x1024xi32, #tpu.memory_space<hbm>>
    %dma_start3A_20 = arith.constant 0 : i32
    %dma_start3A_21 = tpu.memref_slice %arg4[%add3A_17, %dma_start3A_20] : memref<18432x1024xi32, #tpu.memory_space<hbm>> -> memref<32x1024xi32, #tpu.memory_space<hbm>>
    tpu.enqueue_dma source(%arg6 : memref<32x1024xi32, #tpu.memory_space<vmem>>) target(%dma_start3A_21 : memref<32x1024xi32, #tpu.memory_space<hbm>>) target_semaphore(%arg12 : memref<!tpu.dma_semaphore, #tpu.memory_space<semaphore_mem>>)
    %dma_start3A_22 = arith.constant 64 : i32
    %dma_start3A_23 = tpu.memref_slice %arg5[%dma_start3A_22] : memref<576xi32, #tpu.memory_space<vmem>> -> memref<32xi32, #tpu.memory_space<vmem>>
    %dma_start3A_24 = arith.constant 0 : i32
    %dma_start3A_25 = arith.constant 0 : i32
    %dma_start3A_26 = tpu.memref_slice %arg3[%dma_start3A_24, %dma_start3A_25] : memref<8192x1024xi32, #tpu.memory_space<hbm>> -> memref<8192x1024xi32, #tpu.memory_space<hbm>>
    tpu.enqueue_indirect_dma source(%dma_start3A_26 : memref<8192x1024xi32, #tpu.memory_space<hbm>>) target(%arg8 : memref<32x1024xi32, #tpu.memory_space<vmem>>) offsets(%dma_start3A_23 : memref<32xi32, #tpu.memory_space<vmem>>) semaphore(%arg11 : memref<!tpu.dma_semaphore, #tpu.memory_space<semaphore_mem>>)
    %dma_wait3A_27 = arith.constant 32 : i32
    %dma_wait3A_28 = tpu.memref_slice %arg5[%dma_wait3A_27] : memref<576xi32, #tpu.memory_space<vmem>> -> memref<32xi32, #tpu.memory_space<vmem>>
    %dma_wait3A_29 = arith.constant 0 : i32
    %dma_wait3A_30 = arith.constant 0 : i32
    %dma_wait3A_31 = tpu.memref_slice %arg3[%dma_wait3A_29, %dma_wait3A_30] : memref<8192x1024xi32, #tpu.memory_space<hbm>> -> memref<8192x1024xi32, #tpu.memory_space<hbm>>
    tpu.wait_indirect_dma semaphore(%arg10 : memref<!tpu.dma_semaphore, #tpu.memory_space<semaphore_mem>>) src(%dma_wait3A_31 : memref<8192x1024xi32, #tpu.memory_space<hbm>>) dst(%arg7 : memref<32x1024xi32, #tpu.memory_space<vmem>>)
    %add3A_32 = arith.constant 32 : i32
    %add3A_33 = arith.addi %mul3A_2, %add3A_32 : i32
    %dma_start3A_34 = arith.constant 0 : i32
    %dma_start3A_35 = tpu.memref_slice %arg4[%add3A_33, %dma_start3A_34] : memref<18432x1024xi32, #tpu.memory_space<hbm>> -> memref<32x1024xi32, #tpu.memory_space<hbm>>
    %dma_start3A_36 = arith.constant 0 : i32
    %dma_start3A_37 = tpu.memref_slice %arg4[%add3A_33, %dma_start3A_36] : memref<18432x1024xi32, #tpu.memory_space<hbm>> -> memref<32x1024xi32, #tpu.memory_space<hbm>>
    tpu.enqueue_dma source(%arg7 : memref<32x1024xi32, #tpu.memory_space<vmem>>) target(%dma_start3A_37 : memref<32x1024xi32, #tpu.memory_space<hbm>>) target_semaphore(%arg13 : memref<!tpu.dma_semaphore, #tpu.memory_space<semaphore_mem>>)
    %add3A_38 = arith.constant 0 : i32
    %add3A_39 = arith.addi %mul3A_2, %add3A_38 : i32
    %dma_wait3A_40 = arith.constant 0 : i32
    %dma_wait3A_41 = tpu.memref_slice %arg4[%add3A_39, %dma_wait3A_40] : memref<18432x1024xi32, #tpu.memory_space<hbm>> -> memref<32x1024xi32, #tpu.memory_space<hbm>>
    %dma_wait3A_42 = arith.constant 0 : i32
    %dma_wait3A_43 = tpu.memref_slice %arg4[%add3A_39, %dma_wait3A_42] : memref<18432x1024xi32, #tpu.memory_space<hbm>> -> memref<32x1024xi32, #tpu.memory_space<hbm>>
    tpu.wait_dma2 semaphore(%arg12 : memref<!tpu.dma_semaphore, #tpu.memory_space<semaphore_mem>>) src(%arg6 : memref<32x1024xi32, #tpu.memory_space<vmem>>) dst(%dma_wait3A_43 : memref<32x1024xi32, #tpu.memory_space<hbm>>)
    %dma_start3A_44 = arith.constant 96 : i32
    %dma_start3A_45 = tpu.memref_slice %arg5[%dma_start3A_44] : memref<576xi32, #tpu.memory_space<vmem>> -> memref<32xi32, #tpu.memory_space<vmem>>
    %dma_start3A_46 = arith.constant 0 : i32
    %dma_start3A_47 = arith.constant 0 : i32
    %dma_start3A_48 = tpu.memref_slice %arg3[%dma_start3A_46, %dma_start3A_47] : memref<8192x1024xi32, #tpu.memory_space<hbm>> -> memref<8192x1024xi32, #tpu.memory_space<hbm>>
    tpu.enqueue_indirect_dma source(%dma_start3A_48 : memref<8192x1024xi32, #tpu.memory_space<hbm>>) target(%arg6 : memref<32x1024xi32, #tpu.memory_space<vmem>>) offsets(%dma_start3A_45 : memref<32xi32, #tpu.memory_space<vmem>>) semaphore(%arg9 : memref<!tpu.dma_semaphore, #tpu.memory_space<semaphore_mem>>)
    %dma_wait3A_49 = arith.constant 64 : i32
    %dma_wait3A_50 = tpu.memref_slice %arg5[%dma_wait3A_49] : memref<576xi32, #tpu.memory_space<vmem>> -> memref<32xi32, #tpu.memory_space<vmem>>
    %dma_wait3A_51 = arith.constant 0 : i32
    %dma_wait3A_52 = arith.constant 0 : i32
    %dma_wait3A_53 = tpu.memref_slice %arg3[%dma_wait3A_51, %dma_wait3A_52] : memref<8192x1024xi32, #tpu.memory_space<hbm>> -> memref<8192x1024xi32, #tpu.memory_space<hbm>>
    tpu.wait_indirect_dma semaphore(%arg11 : memref<!tpu.dma_semaphore, #tpu.memory_space<semaphore_mem>>) src(%dma_wait3A_53 : memref<8192x1024xi32, #tpu.memory_space<hbm>>) dst(%arg8 : memref<32x1024xi32, #tpu.memory_space<vmem>>)
    %add3A_54 = arith.constant 64 : i32
    %add3A_55 = arith.addi %mul3A_2, %add3A_54 : i32
    %dma_start3A_56 = arith.constant 0 : i32
    %dma_start3A_57 = tpu.memref_slice %arg4[%add3A_55, %dma_start3A_56] : memref<18432x1024xi32, #tpu.memory_space<hbm>> -> memref<32x1024xi32, #tpu.memory_space<hbm>>
    %dma_start3A_58 = arith.constant 0 : i32
    %dma_start3A_59 = tpu.memref_slice %arg4[%add3A_55, %dma_start3A_58] : memref<18432x1024xi32, #tpu.memory_space<hbm>> -> memref<32x1024xi32, #tpu.memory_space<hbm>>
    tpu.enqueue_dma source(%arg8 : memref<32x1024xi32, #tpu.memory_space<vmem>>) target(%dma_start3A_59 : memref<32x1024xi32, #tpu.memory_space<hbm>>) target_semaphore(%arg14 : memref<!tpu.dma_semaphore, #tpu.memory_space<semaphore_mem>>)
    %add3A_60 = arith.constant 32 : i32
    %add3A_61 = arith.addi %mul3A_2, %add3A_60 : i32
    %dma_wait3A_62 = arith.constant 0 : i32
    %dma_wait3A_63 = tpu.memref_slice %arg4[%add3A_61, %dma_wait3A_62] : memref<18432x1024xi32, #tpu.memory_space<hbm>> -> memref<32x1024xi32, #tpu.memory_space<hbm>>
    %dma_wait3A_64 = arith.constant 0 : i32
    %dma_wait3A_65 = tpu.memref_slice %arg4[%add3A_61, %dma_wait3A_64] : memref<18432x1024xi32, #tpu.memory_space<hbm>> -> memref<32x1024xi32, #tpu.memory_space<hbm>>
    tpu.wait_dma2 semaphore(%arg13 : memref<!tpu.dma_semaphore, #tpu.memory_space<semaphore_mem>>) src(%arg7 : memref<32x1024xi32, #tpu.memory_space<vmem>>) dst(%dma_wait3A_65 : memref<32x1024xi32, #tpu.memory_space<hbm>>)
    %dma_start3A_66 = arith.constant 128 : i32
    %dma_start3A_67 = tpu.memref_slice %arg5[%dma_start3A_66] : memref<576xi32, #tpu.memory_space<vmem>> -> memref<32xi32, #tpu.memory_space<vmem>>
    %dma_start3A_68 = arith.constant 0 : i32
    %dma_start3A_69 = arith.constant 0 : i32
    %dma_start3A_70 = tpu.memref_slice %arg3[%dma_start3A_68, %dma_start3A_69] : memref<8192x1024xi32, #tpu.memory_space<hbm>> -> memref<8192x1024xi32, #tpu.memory_space<hbm>>
    tpu.enqueue_indirect_dma source(%dma_start3A_70 : memref<8192x1024xi32, #tpu.memory_space<hbm>>) target(%arg7 : memref<32x1024xi32, #tpu.memory_space<vmem>>) offsets(%dma_start3A_67 : memref<32xi32, #tpu.memory_space<vmem>>) semaphore(%arg10 : memref<!tpu.dma_semaphore, #tpu.memory_space<semaphore_mem>>)
    %dma_wait3A_71 = arith.constant 96 : i32
    %dma_wait3A_72 = tpu.memref_slice %arg5[%dma_wait3A_71] : memref<576xi32, #tpu.memory_space<vmem>> -> memref<32xi32, #tpu.memory_space<vmem>>
    %dma_wait3A_73 = arith.constant 0 : i32
    %dma_wait3A_74 = arith.constant 0 : i32
    %dma_wait3A_75 = tpu.memref_slice %arg3[%dma_wait3A_73, %dma_wait3A_74] : memref<8192x1024xi32, #tpu.memory_space<hbm>> -> memref<8192x1024xi32, #tpu.memory_space<hbm>>
    tpu.wait_indirect_dma semaphore(%arg9 : memref<!tpu.dma_semaphore, #tpu.memory_space<semaphore_mem>>) src(%dma_wait3A_75 : memref<8192x1024xi32, #tpu.memory_space<hbm>>) dst(%arg6 : memref<32x1024xi32, #tpu.memory_space<vmem>>)
    %add3A_76 = arith.constant 96 : i32
    %add3A_77 = arith.addi %mul3A_2, %add3A_76 : i32
    %dma_start3A_78 = arith.constant 0 : i32
    %dma_start3A_79 = tpu.memref_slice %arg4[%add3A_77, %dma_start3A_78] : memref<18432x1024xi32, #tpu.memory_space<hbm>> -> memref<32x1024xi32, #tpu.memory_space<hbm>>
    %dma_start3A_80 = arith.constant 0 : i32
    %dma_start3A_81 = tpu.memref_slice %arg4[%add3A_77, %dma_start3A_80] : memref<18432x1024xi32, #tpu.memory_space<hbm>> -> memref<32x1024xi32, #tpu.memory_space<hbm>>
    tpu.enqueue_dma source(%arg6 : memref<32x1024xi32, #tpu.memory_space<vmem>>) target(%dma_start3A_81 : memref<32x1024xi32, #tpu.memory_space<hbm>>) target_semaphore(%arg12 : memref<!tpu.dma_semaphore, #tpu.memory_space<semaphore_mem>>)
    %add3A_82 = arith.constant 64 : i32
    %add3A_83 = arith.addi %mul3A_2, %add3A_82 : i32
    %dma_wait3A_84 = arith.constant 0 : i32
    %dma_wait3A_85 = tpu.memref_slice %arg4[%add3A_83, %dma_wait3A_84] : memref<18432x1024xi32, #tpu.memory_space<hbm>> -> memref<32x1024xi32, #tpu.memory_space<hbm>>
    %dma_wait3A_86 = arith.constant 0 : i32
    %dma_wait3A_87 = tpu.memref_slice %arg4[%add3A_83, %dma_wait3A_86] : memref<18432x1024xi32, #tpu.memory_space<hbm>> -> memref<32x1024xi32, #tpu.memory_space<hbm>>
    tpu.wait_dma2 semaphore(%arg14 : memref<!tpu.dma_semaphore, #tpu.memory_space<semaphore_mem>>) src(%arg8 : memref<32x1024xi32, #tpu.memory_space<vmem>>) dst(%dma_wait3A_87 : memref<32x1024xi32, #tpu.memory_space<hbm>>)
    %dma_start3A_88 = arith.constant 160 : i32
    %dma_start3A_89 = tpu.memref_slice %arg5[%dma_start3A_88] : memref<576xi32, #tpu.memory_space<vmem>> -> memref<32xi32, #tpu.memory_space<vmem>>
    %dma_start3A_90 = arith.constant 0 : i32
    %dma_start3A_91 = arith.constant 0 : i32
    %dma_start3A_92 = tpu.memref_slice %arg3[%dma_start3A_90, %dma_start3A_91] : memref<8192x1024xi32, #tpu.memory_space<hbm>> -> memref<8192x1024xi32, #tpu.memory_space<hbm>>
    tpu.enqueue_indirect_dma source(%dma_start3A_92 : memref<8192x1024xi32, #tpu.memory_space<hbm>>) target(%arg8 : memref<32x1024xi32, #tpu.memory_space<vmem>>) offsets(%dma_start3A_89 : memref<32xi32, #tpu.memory_space<vmem>>) semaphore(%arg11 : memref<!tpu.dma_semaphore, #tpu.memory_space<semaphore_mem>>)
    %dma_wait3A_93 = arith.constant 128 : i32
    %dma_wait3A_94 = tpu.memref_slice %arg5[%dma_wait3A_93] : memref<576xi32, #tpu.memory_space<vmem>> -> memref<32xi32, #tpu.memory_space<vmem>>
    %dma_wait3A_95 = arith.constant 0 : i32
    %dma_wait3A_96 = arith.constant 0 : i32
    %dma_wait3A_97 = tpu.memref_slice %arg3[%dma_wait3A_95, %dma_wait3A_96] : memref<8192x1024xi32, #tpu.memory_space<hbm>> -> memref<8192x1024xi32, #tpu.memory_space<hbm>>
    tpu.wait_indirect_dma semaphore(%arg10 : memref<!tpu.dma_semaphore, #tpu.memory_space<semaphore_mem>>) src(%dma_wait3A_97 : memref<8192x1024xi32, #tpu.memory_space<hbm>>) dst(%arg7 : memref<32x1024xi32, #tpu.memory_space<vmem>>)
    %add3A_98 = arith.constant 128 : i32
    %add3A_99 = arith.addi %mul3A_2, %add3A_98 : i32
    %dma_start3A_100 = arith.constant 0 : i32
    %dma_start3A_101 = tpu.memref_slice %arg4[%add3A_99, %dma_start3A_100] : memref<18432x1024xi32, #tpu.memory_space<hbm>> -> memref<32x1024xi32, #tpu.memory_space<hbm>>
    %dma_start3A_102 = arith.constant 0 : i32
    %dma_start3A_103 = tpu.memref_slice %arg4[%add3A_99, %dma_start3A_102] : memref<18432x1024xi32, #tpu.memory_space<hbm>> -> memref<32x1024xi32, #tpu.memory_space<hbm>>
    tpu.enqueue_dma source(%arg7 : memref<32x1024xi32, #tpu.memory_space<vmem>>) target(%dma_start3A_103 : memref<32x1024xi32, #tpu.memory_space<hbm>>) target_semaphore(%arg13 : memref<!tpu.dma_semaphore, #tpu.memory_space<semaphore_mem>>)
    %add3A_104 = arith.constant 96 : i32
    %add3A_105 = arith.addi %mul3A_2, %add3A_104 : i32
    %dma_wait3A_106 = arith.constant 0 : i32
    %dma_wait3A_107 = tpu.memref_slice %arg4[%add3A_105, %dma_wait3A_106] : memref<18432x1024xi32, #tpu.memory_space<hbm>> -> memref<32x1024xi32, #tpu.memory_space<hbm>>
    %dma_wait3A_108 = arith.constant 0 : i32
    %dma_wait3A_109 = tpu.memref_slice %arg4[%add3A_105, %dma_wait3A_108] : memref<18432x1024xi32, #tpu.memory_space<hbm>> -> memref<32x1024xi32, #tpu.memory_space<hbm>>
    tpu.wait_dma2 semaphore(%arg12 : memref<!tpu.dma_semaphore, #tpu.memory_space<semaphore_mem>>) src(%arg6 : memref<32x1024xi32, #tpu.memory_space<vmem>>) dst(%dma_wait3A_109 : memref<32x1024xi32, #tpu.memory_space<hbm>>)
    %dma_start3A_110 = arith.constant 192 : i32
    %dma_start3A_111 = tpu.memref_slice %arg5[%dma_start3A_110] : memref<576xi32, #tpu.memory_space<vmem>> -> memref<32xi32, #tpu.memory_space<vmem>>
    %dma_start3A_112 = arith.constant 0 : i32
    %dma_start3A_113 = arith.constant 0 : i32
    %dma_start3A_114 = tpu.memref_slice %arg3[%dma_start3A_112, %dma_start3A_113] : memref<8192x1024xi32, #tpu.memory_space<hbm>> -> memref<8192x1024xi32, #tpu.memory_space<hbm>>
    tpu.enqueue_indirect_dma source(%dma_start3A_114 : memref<8192x1024xi32, #tpu.memory_space<hbm>>) target(%arg6 : memref<32x1024xi32, #tpu.memory_space<vmem>>) offsets(%dma_start3A_111 : memref<32xi32, #tpu.memory_space<vmem>>) semaphore(%arg9 : memref<!tpu.dma_semaphore, #tpu.memory_space<semaphore_mem>>)
    %dma_wait3A_115 = arith.constant 160 : i32
    %dma_wait3A_116 = tpu.memref_slice %arg5[%dma_wait3A_115] : memref<576xi32, #tpu.memory_space<vmem>> -> memref<32xi32, #tpu.memory_space<vmem>>
    %dma_wait3A_117 = arith.constant 0 : i32
    %dma_wait3A_118 = arith.constant 0 : i32
    %dma_wait3A_119 = tpu.memref_slice %arg3[%dma_wait3A_117, %dma_wait3A_118] : memref<8192x1024xi32, #tpu.memory_space<hbm>> -> memref<8192x1024xi32, #tpu.memory_space<hbm>>
    tpu.wait_indirect_dma semaphore(%arg11 : memref<!tpu.dma_semaphore, #tpu.memory_space<semaphore_mem>>) src(%dma_wait3A_119 : memref<8192x1024xi32, #tpu.memory_space<hbm>>) dst(%arg8 : memref<32x1024xi32, #tpu.memory_space<vmem>>)
    %add3A_120 = arith.constant 160 : i32
    %add3A_121 = arith.addi %mul3A_2, %add3A_120 : i32
    %dma_start3A_122 = arith.constant 0 : i32
    %dma_start3A_123 = tpu.memref_slice %arg4[%add3A_121, %dma_start3A_122] : memref<18432x1024xi32, #tpu.memory_space<hbm>> -> memref<32x1024xi32, #tpu.memory_space<hbm>>
    %dma_start3A_124 = arith.constant 0 : i32
    %dma_start3A_125 = tpu.memref_slice %arg4[%add3A_121, %dma_start3A_124] : memref<18432x1024xi32, #tpu.memory_space<hbm>> -> memref<32x1024xi32, #tpu.memory_space<hbm>>
    tpu.enqueue_dma source(%arg8 : memref<32x1024xi32, #tpu.memory_space<vmem>>) target(%dma_start3A_125 : memref<32x1024xi32, #tpu.memory_space<hbm>>) target_semaphore(%arg14 : memref<!tpu.dma_semaphore, #tpu.memory_space<semaphore_mem>>)
    %add3A_126 = arith.constant 128 : i32
    %add3A_127 = arith.addi %mul3A_2, %add3A_126 : i32
    %dma_wait3A_128 = arith.constant 0 : i32
    %dma_wait3A_129 = tpu.memref_slice %arg4[%add3A_127, %dma_wait3A_128] : memref<18432x1024xi32, #tpu.memory_space<hbm>> -> memref<32x1024xi32, #tpu.memory_space<hbm>>
    %dma_wait3A_130 = arith.constant 0 : i32
    %dma_wait3A_131 = tpu.memref_slice %arg4[%add3A_127, %dma_wait3A_130] : memref<18432x1024xi32, #tpu.memory_space<hbm>> -> memref<32x1024xi32, #tpu.memory_space<hbm>>
    tpu.wait_dma2 semaphore(%arg13 : memref<!tpu.dma_semaphore, #tpu.memory_space<semaphore_mem>>) src(%arg7 : memref<32x1024xi32, #tpu.memory_space<vmem>>) dst(%dma_wait3A_131 : memref<32x1024xi32, #tpu.memory_space<hbm>>)
    %dma_start3A_132 = arith.constant 224 : i32
    %dma_start3A_133 = tpu.memref_slice %arg5[%dma_start3A_132] : memref<576xi32, #tpu.memory_space<vmem>> -> memref<32xi32, #tpu.memory_space<vmem>>
    %dma_start3A_134 = arith.constant 0 : i32
    %dma_start3A_135 = arith.constant 0 : i32
    %dma_start3A_136 = tpu.memref_slice %arg3[%dma_start3A_134, %dma_start3A_135] : memref<8192x1024xi32, #tpu.memory_space<hbm>> -> memref<8192x1024xi32, #tpu.memory_space<hbm>>
    tpu.enqueue_indirect_dma source(%dma_start3A_136 : memref<8192x1024xi32, #tpu.memory_space<hbm>>) target(%arg7 : memref<32x1024xi32, #tpu.memory_space<vmem>>) offsets(%dma_start3A_133 : memref<32xi32, #tpu.memory_space<vmem>>) semaphore(%arg10 : memref<!tpu.dma_semaphore, #tpu.memory_space<semaphore_mem>>)
    %dma_wait3A_137 = arith.constant 192 : i32
    %dma_wait3A_138 = tpu.memref_slice %arg5[%dma_wait3A_137] : memref<576xi32, #tpu.memory_space<vmem>> -> memref<32xi32, #tpu.memory_space<vmem>>
    %dma_wait3A_139 = arith.constant 0 : i32
    %dma_wait3A_140 = arith.constant 0 : i32
    %dma_wait3A_141 = tpu.memref_slice %arg3[%dma_wait3A_139, %dma_wait3A_140] : memref<8192x1024xi32, #tpu.memory_space<hbm>> -> memref<8192x1024xi32, #tpu.memory_space<hbm>>
    tpu.wait_indirect_dma semaphore(%arg9 : memref<!tpu.dma_semaphore, #tpu.memory_space<semaphore_mem>>) src(%dma_wait3A_141 : memref<8192x1024xi32, #tpu.memory_space<hbm>>) dst(%arg6 : memref<32x1024xi32, #tpu.memory_space<vmem>>)
    %add3A_142 = arith.constant 192 : i32
    %add3A_143 = arith.addi %mul3A_2, %add3A_142 : i32
    %dma_start3A_144 = arith.constant 0 : i32
    %dma_start3A_145 = tpu.memref_slice %arg4[%add3A_143, %dma_start3A_144] : memref<18432x1024xi32, #tpu.memory_space<hbm>> -> memref<32x1024xi32, #tpu.memory_space<hbm>>
    %dma_start3A_146 = arith.constant 0 : i32
    %dma_start3A_147 = tpu.memref_slice %arg4[%add3A_143, %dma_start3A_146] : memref<18432x1024xi32, #tpu.memory_space<hbm>> -> memref<32x1024xi32, #tpu.memory_space<hbm>>
    tpu.enqueue_dma source(%arg6 : memref<32x1024xi32, #tpu.memory_space<vmem>>) target(%dma_start3A_147 : memref<32x1024xi32, #tpu.memory_space<hbm>>) target_semaphore(%arg12 : memref<!tpu.dma_semaphore, #tpu.memory_space<semaphore_mem>>)
    %add3A_148 = arith.constant 160 : i32
    %add3A_149 = arith.addi %mul3A_2, %add3A_148 : i32
    %dma_wait3A_150 = arith.constant 0 : i32
    %dma_wait3A_151 = tpu.memref_slice %arg4[%add3A_149, %dma_wait3A_150] : memref<18432x1024xi32, #tpu.memory_space<hbm>> -> memref<32x1024xi32, #tpu.memory_space<hbm>>
    %dma_wait3A_152 = arith.constant 0 : i32
    %dma_wait3A_153 = tpu.memref_slice %arg4[%add3A_149, %dma_wait3A_152] : memref<18432x1024xi32, #tpu.memory_space<hbm>> -> memref<32x1024xi32, #tpu.memory_space<hbm>>
    tpu.wait_dma2 semaphore(%arg14 : memref<!tpu.dma_semaphore, #tpu.memory_space<semaphore_mem>>) src(%arg8 : memref<32x1024xi32, #tpu.memory_space<vmem>>) dst(%dma_wait3A_153 : memref<32x1024xi32, #tpu.memory_space<hbm>>)
    %dma_start3A_154 = arith.constant 256 : i32
    %dma_start3A_155 = tpu.memref_slice %arg5[%dma_start3A_154] : memref<576xi32, #tpu.memory_space<vmem>> -> memref<32xi32, #tpu.memory_space<vmem>>
    %dma_start3A_156 = arith.constant 0 : i32
    %dma_start3A_157 = arith.constant 0 : i32
    %dma_start3A_158 = tpu.memref_slice %arg3[%dma_start3A_156, %dma_start3A_157] : memref<8192x1024xi32, #tpu.memory_space<hbm>> -> memref<8192x1024xi32, #tpu.memory_space<hbm>>
    tpu.enqueue_indirect_dma source(%dma_start3A_158 : memref<8192x1024xi32, #tpu.memory_space<hbm>>) target(%arg8 : memref<32x1024xi32, #tpu.memory_space<vmem>>) offsets(%dma_start3A_155 : memref<32xi32, #tpu.memory_space<vmem>>) semaphore(%arg11 : memref<!tpu.dma_semaphore, #tpu.memory_space<semaphore_mem>>)
    %dma_wait3A_159 = arith.constant 224 : i32
    %dma_wait3A_160 = tpu.memref_slice %arg5[%dma_wait3A_159] : memref<576xi32, #tpu.memory_space<vmem>> -> memref<32xi32, #tpu.memory_space<vmem>>
    %dma_wait3A_161 = arith.constant 0 : i32
    %dma_wait3A_162 = arith.constant 0 : i32
    %dma_wait3A_163 = tpu.memref_slice %arg3[%dma_wait3A_161, %dma_wait3A_162] : memref<8192x1024xi32, #tpu.memory_space<hbm>> -> memref<8192x1024xi32, #tpu.memory_space<hbm>>
    tpu.wait_indirect_dma semaphore(%arg10 : memref<!tpu.dma_semaphore, #tpu.memory_space<semaphore_mem>>) src(%dma_wait3A_163 : memref<8192x1024xi32, #tpu.memory_space<hbm>>) dst(%arg7 : memref<32x1024xi32, #tpu.memory_space<vmem>>)
    %add3A_164 = arith.constant 224 : i32
    %add3A_165 = arith.addi %mul3A_2, %add3A_164 : i32
    %dma_start3A_166 = arith.constant 0 : i32
    %dma_start3A_167 = tpu.memref_slice %arg4[%add3A_165, %dma_start3A_166] : memref<18432x1024xi32, #tpu.memory_space<hbm>> -> memref<32x1024xi32, #tpu.memory_space<hbm>>
    %dma_start3A_168 = arith.constant 0 : i32
    %dma_start3A_169 = tpu.memref_slice %arg4[%add3A_165, %dma_start3A_168] : memref<18432x1024xi32, #tpu.memory_space<hbm>> -> memref<32x1024xi32, #tpu.memory_space<hbm>>
    tpu.enqueue_dma source(%arg7 : memref<32x1024xi32, #tpu.memory_space<vmem>>) target(%dma_start3A_169 : memref<32x1024xi32, #tpu.memory_space<hbm>>) target_semaphore(%arg13 : memref<!tpu.dma_semaphore, #tpu.memory_space<semaphore_mem>>)
    %add3A_170 = arith.constant 192 : i32
    %add3A_171 = arith.addi %mul3A_2, %add3A_170 : i32
    %dma_wait3A_172 = arith.constant 0 : i32
    %dma_wait3A_173 = tpu.memref_slice %arg4[%add3A_171, %dma_wait3A_172] : memref<18432x1024xi32, #tpu.memory_space<hbm>> -> memref<32x1024xi32, #tpu.memory_space<hbm>>
    %dma_wait3A_174 = arith.constant 0 : i32
    %dma_wait3A_175 = tpu.memref_slice %arg4[%add3A_171, %dma_wait3A_174] : memref<18432x1024xi32, #tpu.memory_space<hbm>> -> memref<32x1024xi32, #tpu.memory_space<hbm>>
    tpu.wait_dma2 semaphore(%arg12 : memref<!tpu.dma_semaphore, #tpu.memory_space<semaphore_mem>>) src(%arg6 : memref<32x1024xi32, #tpu.memory_space<vmem>>) dst(%dma_wait3A_175 : memref<32x1024xi32, #tpu.memory_space<hbm>>)
    %dma_start3A_176 = arith.constant 288 : i32
    %dma_start3A_177 = tpu.memref_slice %arg5[%dma_start3A_176] : memref<576xi32, #tpu.memory_space<vmem>> -> memref<32xi32, #tpu.memory_space<vmem>>
    %dma_start3A_178 = arith.constant 0 : i32
    %dma_start3A_179 = arith.constant 0 : i32
    %dma_start3A_180 = tpu.memref_slice %arg3[%dma_start3A_178, %dma_start3A_179] : memref<8192x1024xi32, #tpu.memory_space<hbm>> -> memref<8192x1024xi32, #tpu.memory_space<hbm>>
    tpu.enqueue_indirect_dma source(%dma_start3A_180 : memref<8192x1024xi32, #tpu.memory_space<hbm>>) target(%arg6 : memref<32x1024xi32, #tpu.memory_space<vmem>>) offsets(%dma_start3A_177 : memref<32xi32, #tpu.memory_space<vmem>>) semaphore(%arg9 : memref<!tpu.dma_semaphore, #tpu.memory_space<semaphore_mem>>)
    %dma_wait3A_181 = arith.constant 256 : i32
    %dma_wait3A_182 = tpu.memref_slice %arg5[%dma_wait3A_181] : memref<576xi32, #tpu.memory_space<vmem>> -> memref<32xi32, #tpu.memory_space<vmem>>
    %dma_wait3A_183 = arith.constant 0 : i32
    %dma_wait3A_184 = arith.constant 0 : i32
    %dma_wait3A_185 = tpu.memref_slice %arg3[%dma_wait3A_183, %dma_wait3A_184] : memref<8192x1024xi32, #tpu.memory_space<hbm>> -> memref<8192x1024xi32, #tpu.memory_space<hbm>>
    tpu.wait_indirect_dma semaphore(%arg11 : memref<!tpu.dma_semaphore, #tpu.memory_space<semaphore_mem>>) src(%dma_wait3A_185 : memref<8192x1024xi32, #tpu.memory_space<hbm>>) dst(%arg8 : memref<32x1024xi32, #tpu.memory_space<vmem>>)
    %add3A_186 = arith.constant 256 : i32
    %add3A_187 = arith.addi %mul3A_2, %add3A_186 : i32
    %dma_start3A_188 = arith.constant 0 : i32
    %dma_start3A_189 = tpu.memref_slice %arg4[%add3A_187, %dma_start3A_188] : memref<18432x1024xi32, #tpu.memory_space<hbm>> -> memref<32x1024xi32, #tpu.memory_space<hbm>>
    %dma_start3A_190 = arith.constant 0 : i32
    %dma_start3A_191 = tpu.memref_slice %arg4[%add3A_187, %dma_start3A_190] : memref<18432x1024xi32, #tpu.memory_space<hbm>> -> memref<32x1024xi32, #tpu.memory_space<hbm>>
    tpu.enqueue_dma source(%arg8 : memref<32x1024xi32, #tpu.memory_space<vmem>>) target(%dma_start3A_191 : memref<32x1024xi32, #tpu.memory_space<hbm>>) target_semaphore(%arg14 : memref<!tpu.dma_semaphore, #tpu.memory_space<semaphore_mem>>)
    %add3A_192 = arith.constant 224 : i32
    %add3A_193 = arith.addi %mul3A_2, %add3A_192 : i32
    %dma_wait3A_194 = arith.constant 0 : i32
    %dma_wait3A_195 = tpu.memref_slice %arg4[%add3A_193, %dma_wait3A_194] : memref<18432x1024xi32, #tpu.memory_space<hbm>> -> memref<32x1024xi32, #tpu.memory_space<hbm>>
    %dma_wait3A_196 = arith.constant 0 : i32
    %dma_wait3A_197 = tpu.memref_slice %arg4[%add3A_193, %dma_wait3A_196] : memref<18432x1024xi32, #tpu.memory_space<hbm>> -> memref<32x1024xi32, #tpu.memory_space<hbm>>
    tpu.wait_dma2 semaphore(%arg13 : memref<!tpu.dma_semaphore, #tpu.memory_space<semaphore_mem>>) src(%arg7 : memref<32x1024xi32, #tpu.memory_space<vmem>>) dst(%dma_wait3A_197 : memref<32x1024xi32, #tpu.memory_space<hbm>>)
    %dma_start3A_198 = arith.constant 320 : i32
    %dma_start3A_199 = tpu.memref_slice %arg5[%dma_start3A_198] : memref<576xi32, #tpu.memory_space<vmem>> -> memref<32xi32, #tpu.memory_space<vmem>>
    %dma_start3A_200 = arith.constant 0 : i32
    %dma_start3A_201 = arith.constant 0 : i32
    %dma_start3A_202 = tpu.memref_slice %arg3[%dma_start3A_200, %dma_start3A_201] : memref<8192x1024xi32, #tpu.memory_space<hbm>> -> memref<8192x1024xi32, #tpu.memory_space<hbm>>
    tpu.enqueue_indirect_dma source(%dma_start3A_202 : memref<8192x1024xi32, #tpu.memory_space<hbm>>) target(%arg7 : memref<32x1024xi32, #tpu.memory_space<vmem>>) offsets(%dma_start3A_199 : memref<32xi32, #tpu.memory_space<vmem>>) semaphore(%arg10 : memref<!tpu.dma_semaphore, #tpu.memory_space<semaphore_mem>>)
    %dma_wait3A_203 = arith.constant 288 : i32
    %dma_wait3A_204 = tpu.memref_slice %arg5[%dma_wait3A_203] : memref<576xi32, #tpu.memory_space<vmem>> -> memref<32xi32, #tpu.memory_space<vmem>>
    %dma_wait3A_205 = arith.constant 0 : i32
    %dma_wait3A_206 = arith.constant 0 : i32
    %dma_wait3A_207 = tpu.memref_slice %arg3[%dma_wait3A_205, %dma_wait3A_206] : memref<8192x1024xi32, #tpu.memory_space<hbm>> -> memref<8192x1024xi32, #tpu.memory_space<hbm>>
    tpu.wait_indirect_dma semaphore(%arg9 : memref<!tpu.dma_semaphore, #tpu.memory_space<semaphore_mem>>) src(%dma_wait3A_207 : memref<8192x1024xi32, #tpu.memory_space<hbm>>) dst(%arg6 : memref<32x1024xi32, #tpu.memory_space<vmem>>)
    %add3A_208 = arith.constant 288 : i32
    %add3A_209 = arith.addi %mul3A_2, %add3A_208 : i32
    %dma_start3A_210 = arith.constant 0 : i32
    %dma_start3A_211 = tpu.memref_slice %arg4[%add3A_209, %dma_start3A_210] : memref<18432x1024xi32, #tpu.memory_space<hbm>> -> memref<32x1024xi32, #tpu.memory_space<hbm>>
    %dma_start3A_212 = arith.constant 0 : i32
    %dma_start3A_213 = tpu.memref_slice %arg4[%add3A_209, %dma_start3A_212] : memref<18432x1024xi32, #tpu.memory_space<hbm>> -> memref<32x1024xi32, #tpu.memory_space<hbm>>
    tpu.enqueue_dma source(%arg6 : memref<32x1024xi32, #tpu.memory_space<vmem>>) target(%dma_start3A_213 : memref<32x1024xi32, #tpu.memory_space<hbm>>) target_semaphore(%arg12 : memref<!tpu.dma_semaphore, #tpu.memory_space<semaphore_mem>>)
    %add3A_214 = arith.constant 256 : i32
    %add3A_215 = arith.addi %mul3A_2, %add3A_214 : i32
    %dma_wait3A_216 = arith.constant 0 : i32
    %dma_wait3A_217 = tpu.memref_slice %arg4[%add3A_215, %dma_wait3A_216] : memref<18432x1024xi32, #tpu.memory_space<hbm>> -> memref<32x1024xi32, #tpu.memory_space<hbm>>
    %dma_wait3A_218 = arith.constant 0 : i32
    %dma_wait3A_219 = tpu.memref_slice %arg4[%add3A_215, %dma_wait3A_218] : memref<18432x1024xi32, #tpu.memory_space<hbm>> -> memref<32x1024xi32, #tpu.memory_space<hbm>>
    tpu.wait_dma2 semaphore(%arg14 : memref<!tpu.dma_semaphore, #tpu.memory_space<semaphore_mem>>) src(%arg8 : memref<32x1024xi32, #tpu.memory_space<vmem>>) dst(%dma_wait3A_219 : memref<32x1024xi32, #tpu.memory_space<hbm>>)
    %dma_start3A_220 = arith.constant 352 : i32
    %dma_start3A_221 = tpu.memref_slice %arg5[%dma_start3A_220] : memref<576xi32, #tpu.memory_space<vmem>> -> memref<32xi32, #tpu.memory_space<vmem>>
    %dma_start3A_222 = arith.constant 0 : i32
    %dma_start3A_223 = arith.constant 0 : i32
    %dma_start3A_224 = tpu.memref_slice %arg3[%dma_start3A_222, %dma_start3A_223] : memref<8192x1024xi32, #tpu.memory_space<hbm>> -> memref<8192x1024xi32, #tpu.memory_space<hbm>>
    tpu.enqueue_indirect_dma source(%dma_start3A_224 : memref<8192x1024xi32, #tpu.memory_space<hbm>>) target(%arg8 : memref<32x1024xi32, #tpu.memory_space<vmem>>) offsets(%dma_start3A_221 : memref<32xi32, #tpu.memory_space<vmem>>) semaphore(%arg11 : memref<!tpu.dma_semaphore, #tpu.memory_space<semaphore_mem>>)
    %dma_wait3A_225 = arith.constant 320 : i32
    %dma_wait3A_226 = tpu.memref_slice %arg5[%dma_wait3A_225] : memref<576xi32, #tpu.memory_space<vmem>> -> memref<32xi32, #tpu.memory_space<vmem>>
    %dma_wait3A_227 = arith.constant 0 : i32
    %dma_wait3A_228 = arith.constant 0 : i32
    %dma_wait3A_229 = tpu.memref_slice %arg3[%dma_wait3A_227, %dma_wait3A_228] : memref<8192x1024xi32, #tpu.memory_space<hbm>> -> memref<8192x1024xi32, #tpu.memory_space<hbm>>
    tpu.wait_indirect_dma semaphore(%arg10 : memref<!tpu.dma_semaphore, #tpu.memory_space<semaphore_mem>>) src(%dma_wait3A_229 : memref<8192x1024xi32, #tpu.memory_space<hbm>>) dst(%arg7 : memref<32x1024xi32, #tpu.memory_space<vmem>>)
    %add3A_230 = arith.constant 320 : i32
    %add3A_231 = arith.addi %mul3A_2, %add3A_230 : i32
    %dma_start3A_232 = arith.constant 0 : i32
    %dma_start3A_233 = tpu.memref_slice %arg4[%add3A_231, %dma_start3A_232] : memref<18432x1024xi32, #tpu.memory_space<hbm>> -> memref<32x1024xi32, #tpu.memory_space<hbm>>
    %dma_start3A_234 = arith.constant 0 : i32
    %dma_start3A_235 = tpu.memref_slice %arg4[%add3A_231, %dma_start3A_234] : memref<18432x1024xi32, #tpu.memory_space<hbm>> -> memref<32x1024xi32, #tpu.memory_space<hbm>>
    tpu.enqueue_dma source(%arg7 : memref<32x1024xi32, #tpu.memory_space<vmem>>) target(%dma_start3A_235 : memref<32x1024xi32, #tpu.memory_space<hbm>>) target_semaphore(%arg13 : memref<!tpu.dma_semaphore, #tpu.memory_space<semaphore_mem>>)
    %add3A_236 = arith.constant 288 : i32
    %add3A_237 = arith.addi %mul3A_2, %add3A_236 : i32
    %dma_wait3A_238 = arith.constant 0 : i32
    %dma_wait3A_239 = tpu.memref_slice %arg4[%add3A_237, %dma_wait3A_238] : memref<18432x1024xi32, #tpu.memory_space<hbm>> -> memref<32x1024xi32, #tpu.memory_space<hbm>>
    %dma_wait3A_240 = arith.constant 0 : i32
    %dma_wait3A_241 = tpu.memref_slice %arg4[%add3A_237, %dma_wait3A_240] : memref<18432x1024xi32, #tpu.memory_space<hbm>> -> memref<32x1024xi32, #tpu.memory_space<hbm>>
    tpu.wait_dma2 semaphore(%arg12 : memref<!tpu.dma_semaphore, #tpu.memory_space<semaphore_mem>>) src(%arg6 : memref<32x1024xi32, #tpu.memory_space<vmem>>) dst(%dma_wait3A_241 : memref<32x1024xi32, #tpu.memory_space<hbm>>)
    %dma_start3A_242 = arith.constant 384 : i32
    %dma_start3A_243 = tpu.memref_slice %arg5[%dma_start3A_242] : memref<576xi32, #tpu.memory_space<vmem>> -> memref<32xi32, #tpu.memory_space<vmem>>
    %dma_start3A_244 = arith.constant 0 : i32
    %dma_start3A_245 = arith.constant 0 : i32
    %dma_start3A_246 = tpu.memref_slice %arg3[%dma_start3A_244, %dma_start3A_245] : memref<8192x1024xi32, #tpu.memory_space<hbm>> -> memref<8192x1024xi32, #tpu.memory_space<hbm>>
    tpu.enqueue_indirect_dma source(%dma_start3A_246 : memref<8192x1024xi32, #tpu.memory_space<hbm>>) target(%arg6 : memref<32x1024xi32, #tpu.memory_space<vmem>>) offsets(%dma_start3A_243 : memref<32xi32, #tpu.memory_space<vmem>>) semaphore(%arg9 : memref<!tpu.dma_semaphore, #tpu.memory_space<semaphore_mem>>)
    %dma_wait3A_247 = arith.constant 352 : i32
    %dma_wait3A_248 = tpu.memref_slice %arg5[%dma_wait3A_247] : memref<576xi32, #tpu.memory_space<vmem>> -> memref<32xi32, #tpu.memory_space<vmem>>
    %dma_wait3A_249 = arith.constant 0 : i32
    %dma_wait3A_250 = arith.constant 0 : i32
    %dma_wait3A_251 = tpu.memref_slice %arg3[%dma_wait3A_249, %dma_wait3A_250] : memref<8192x1024xi32, #tpu.memory_space<hbm>> -> memref<8192x1024xi32, #tpu.memory_space<hbm>>
    tpu.wait_indirect_dma semaphore(%arg11 : memref<!tpu.dma_semaphore, #tpu.memory_space<semaphore_mem>>) src(%dma_wait3A_251 : memref<8192x1024xi32, #tpu.memory_space<hbm>>) dst(%arg8 : memref<32x1024xi32, #tpu.memory_space<vmem>>)
    %add3A_252 = arith.constant 352 : i32
    %add3A_253 = arith.addi %mul3A_2, %add3A_252 : i32
    %dma_start3A_254 = arith.constant 0 : i32
    %dma_start3A_255 = tpu.memref_slice %arg4[%add3A_253, %dma_start3A_254] : memref<18432x1024xi32, #tpu.memory_space<hbm>> -> memref<32x1024xi32, #tpu.memory_space<hbm>>
    %dma_start3A_256 = arith.constant 0 : i32
    %dma_start3A_257 = tpu.memref_slice %arg4[%add3A_253, %dma_start3A_256] : memref<18432x1024xi32, #tpu.memory_space<hbm>> -> memref<32x1024xi32, #tpu.memory_space<hbm>>
    tpu.enqueue_dma source(%arg8 : memref<32x1024xi32, #tpu.memory_space<vmem>>) target(%dma_start3A_257 : memref<32x1024xi32, #tpu.memory_space<hbm>>) target_semaphore(%arg14 : memref<!tpu.dma_semaphore, #tpu.memory_space<semaphore_mem>>)
    %add3A_258 = arith.constant 320 : i32
    %add3A_259 = arith.addi %mul3A_2, %add3A_258 : i32
    %dma_wait3A_260 = arith.constant 0 : i32
    %dma_wait3A_261 = tpu.memref_slice %arg4[%add3A_259, %dma_wait3A_260] : memref<18432x1024xi32, #tpu.memory_space<hbm>> -> memref<32x1024xi32, #tpu.memory_space<hbm>>
    %dma_wait3A_262 = arith.constant 0 : i32
    %dma_wait3A_263 = tpu.memref_slice %arg4[%add3A_259, %dma_wait3A_262] : memref<18432x1024xi32, #tpu.memory_space<hbm>> -> memref<32x1024xi32, #tpu.memory_space<hbm>>
    tpu.wait_dma2 semaphore(%arg13 : memref<!tpu.dma_semaphore, #tpu.memory_space<semaphore_mem>>) src(%arg7 : memref<32x1024xi32, #tpu.memory_space<vmem>>) dst(%dma_wait3A_263 : memref<32x1024xi32, #tpu.memory_space<hbm>>)
    %dma_start3A_264 = arith.constant 416 : i32
    %dma_start3A_265 = tpu.memref_slice %arg5[%dma_start3A_264] : memref<576xi32, #tpu.memory_space<vmem>> -> memref<32xi32, #tpu.memory_space<vmem>>
    %dma_start3A_266 = arith.constant 0 : i32
    %dma_start3A_267 = arith.constant 0 : i32
    %dma_start3A_268 = tpu.memref_slice %arg3[%dma_start3A_266, %dma_start3A_267] : memref<8192x1024xi32, #tpu.memory_space<hbm>> -> memref<8192x1024xi32, #tpu.memory_space<hbm>>
    tpu.enqueue_indirect_dma source(%dma_start3A_268 : memref<8192x1024xi32, #tpu.memory_space<hbm>>) target(%arg7 : memref<32x1024xi32, #tpu.memory_space<vmem>>) offsets(%dma_start3A_265 : memref<32xi32, #tpu.memory_space<vmem>>) semaphore(%arg10 : memref<!tpu.dma_semaphore, #tpu.memory_space<semaphore_mem>>)
    %dma_wait3A_269 = arith.constant 384 : i32
    %dma_wait3A_270 = tpu.memref_slice %arg5[%dma_wait3A_269] : memref<576xi32, #tpu.memory_space<vmem>> -> memref<32xi32, #tpu.memory_space<vmem>>
    %dma_wait3A_271 = arith.constant 0 : i32
    %dma_wait3A_272 = arith.constant 0 : i32
    %dma_wait3A_273 = tpu.memref_slice %arg3[%dma_wait3A_271, %dma_wait3A_272] : memref<8192x1024xi32, #tpu.memory_space<hbm>> -> memref<8192x1024xi32, #tpu.memory_space<hbm>>
    tpu.wait_indirect_dma semaphore(%arg9 : memref<!tpu.dma_semaphore, #tpu.memory_space<semaphore_mem>>) src(%dma_wait3A_273 : memref<8192x1024xi32, #tpu.memory_space<hbm>>) dst(%arg6 : memref<32x1024xi32, #tpu.memory_space<vmem>>)
    %add3A_274 = arith.constant 384 : i32
    %add3A_275 = arith.addi %mul3A_2, %add3A_274 : i32
    %dma_start3A_276 = arith.constant 0 : i32
    %dma_start3A_277 = tpu.memref_slice %arg4[%add3A_275, %dma_start3A_276] : memref<18432x1024xi32, #tpu.memory_space<hbm>> -> memref<32x1024xi32, #tpu.memory_space<hbm>>
    %dma_start3A_278 = arith.constant 0 : i32
    %dma_start3A_279 = tpu.memref_slice %arg4[%add3A_275, %dma_start3A_278] : memref<18432x1024xi32, #tpu.memory_space<hbm>> -> memref<32x1024xi32, #tpu.memory_space<hbm>>
    tpu.enqueue_dma source(%arg6 : memref<32x1024xi32, #tpu.memory_space<vmem>>) target(%dma_start3A_279 : memref<32x1024xi32, #tpu.memory_space<hbm>>) target_semaphore(%arg12 : memref<!tpu.dma_semaphore, #tpu.memory_space<semaphore_mem>>)
    %add3A_280 = arith.constant 352 : i32
    %add3A_281 = arith.addi %mul3A_2, %add3A_280 : i32
    %dma_wait3A_282 = arith.constant 0 : i32
    %dma_wait3A_283 = tpu.memref_slice %arg4[%add3A_281, %dma_wait3A_282] : memref<18432x1024xi32, #tpu.memory_space<hbm>> -> memref<32x1024xi32, #tpu.memory_space<hbm>>
    %dma_wait3A_284 = arith.constant 0 : i32
    %dma_wait3A_285 = tpu.memref_slice %arg4[%add3A_281, %dma_wait3A_284] : memref<18432x1024xi32, #tpu.memory_space<hbm>> -> memref<32x1024xi32, #tpu.memory_space<hbm>>
    tpu.wait_dma2 semaphore(%arg14 : memref<!tpu.dma_semaphore, #tpu.memory_space<semaphore_mem>>) src(%arg8 : memref<32x1024xi32, #tpu.memory_space<vmem>>) dst(%dma_wait3A_285 : memref<32x1024xi32, #tpu.memory_space<hbm>>)
    %dma_start3A_286 = arith.constant 448 : i32
    %dma_start3A_287 = tpu.memref_slice %arg5[%dma_start3A_286] : memref<576xi32, #tpu.memory_space<vmem>> -> memref<32xi32, #tpu.memory_space<vmem>>
    %dma_start3A_288 = arith.constant 0 : i32
    %dma_start3A_289 = arith.constant 0 : i32
    %dma_start3A_290 = tpu.memref_slice %arg3[%dma_start3A_288, %dma_start3A_289] : memref<8192x1024xi32, #tpu.memory_space<hbm>> -> memref<8192x1024xi32, #tpu.memory_space<hbm>>
    tpu.enqueue_indirect_dma source(%dma_start3A_290 : memref<8192x1024xi32, #tpu.memory_space<hbm>>) target(%arg8 : memref<32x1024xi32, #tpu.memory_space<vmem>>) offsets(%dma_start3A_287 : memref<32xi32, #tpu.memory_space<vmem>>) semaphore(%arg11 : memref<!tpu.dma_semaphore, #tpu.memory_space<semaphore_mem>>)
    %dma_wait3A_291 = arith.constant 416 : i32
    %dma_wait3A_292 = tpu.memref_slice %arg5[%dma_wait3A_291] : memref<576xi32, #tpu.memory_space<vmem>> -> memref<32xi32, #tpu.memory_space<vmem>>
    %dma_wait3A_293 = arith.constant 0 : i32
    %dma_wait3A_294 = arith.constant 0 : i32
    %dma_wait3A_295 = tpu.memref_slice %arg3[%dma_wait3A_293, %dma_wait3A_294] : memref<8192x1024xi32, #tpu.memory_space<hbm>> -> memref<8192x1024xi32, #tpu.memory_space<hbm>>
    tpu.wait_indirect_dma semaphore(%arg10 : memref<!tpu.dma_semaphore, #tpu.memory_space<semaphore_mem>>) src(%dma_wait3A_295 : memref<8192x1024xi32, #tpu.memory_space<hbm>>) dst(%arg7 : memref<32x1024xi32, #tpu.memory_space<vmem>>)
    %add3A_296 = arith.constant 416 : i32
    %add3A_297 = arith.addi %mul3A_2, %add3A_296 : i32
    %dma_start3A_298 = arith.constant 0 : i32
    %dma_start3A_299 = tpu.memref_slice %arg4[%add3A_297, %dma_start3A_298] : memref<18432x1024xi32, #tpu.memory_space<hbm>> -> memref<32x1024xi32, #tpu.memory_space<hbm>>
    %dma_start3A_300 = arith.constant 0 : i32
    %dma_start3A_301 = tpu.memref_slice %arg4[%add3A_297, %dma_start3A_300] : memref<18432x1024xi32, #tpu.memory_space<hbm>> -> memref<32x1024xi32, #tpu.memory_space<hbm>>
    tpu.enqueue_dma source(%arg7 : memref<32x1024xi32, #tpu.memory_space<vmem>>) target(%dma_start3A_301 : memref<32x1024xi32, #tpu.memory_space<hbm>>) target_semaphore(%arg13 : memref<!tpu.dma_semaphore, #tpu.memory_space<semaphore_mem>>)
    %add3A_302 = arith.constant 384 : i32
    %add3A_303 = arith.addi %mul3A_2, %add3A_302 : i32
    %dma_wait3A_304 = arith.constant 0 : i32
    %dma_wait3A_305 = tpu.memref_slice %arg4[%add3A_303, %dma_wait3A_304] : memref<18432x1024xi32, #tpu.memory_space<hbm>> -> memref<32x1024xi32, #tpu.memory_space<hbm>>
    %dma_wait3A_306 = arith.constant 0 : i32
    %dma_wait3A_307 = tpu.memref_slice %arg4[%add3A_303, %dma_wait3A_306] : memref<18432x1024xi32, #tpu.memory_space<hbm>> -> memref<32x1024xi32, #tpu.memory_space<hbm>>
    tpu.wait_dma2 semaphore(%arg12 : memref<!tpu.dma_semaphore, #tpu.memory_space<semaphore_mem>>) src(%arg6 : memref<32x1024xi32, #tpu.memory_space<vmem>>) dst(%dma_wait3A_307 : memref<32x1024xi32, #tpu.memory_space<hbm>>)
    %dma_start3A_308 = arith.constant 480 : i32
    %dma_start3A_309 = tpu.memref_slice %arg5[%dma_start3A_308] : memref<576xi32, #tpu.memory_space<vmem>> -> memref<32xi32, #tpu.memory_space<vmem>>
    %dma_start3A_310 = arith.constant 0 : i32
    %dma_start3A_311 = arith.constant 0 : i32
    %dma_start3A_312 = tpu.memref_slice %arg3[%dma_start3A_310, %dma_start3A_311] : memref<8192x1024xi32, #tpu.memory_space<hbm>> -> memref<8192x1024xi32, #tpu.memory_space<hbm>>
    tpu.enqueue_indirect_dma source(%dma_start3A_312 : memref<8192x1024xi32, #tpu.memory_space<hbm>>) target(%arg6 : memref<32x1024xi32, #tpu.memory_space<vmem>>) offsets(%dma_start3A_309 : memref<32xi32, #tpu.memory_space<vmem>>) semaphore(%arg9 : memref<!tpu.dma_semaphore, #tpu.memory_space<semaphore_mem>>)
    %dma_wait3A_313 = arith.constant 448 : i32
    %dma_wait3A_314 = tpu.memref_slice %arg5[%dma_wait3A_313] : memref<576xi32, #tpu.memory_space<vmem>> -> memref<32xi32, #tpu.memory_space<vmem>>
    %dma_wait3A_315 = arith.constant 0 : i32
    %dma_wait3A_316 = arith.constant 0 : i32
    %dma_wait3A_317 = tpu.memref_slice %arg3[%dma_wait3A_315, %dma_wait3A_316] : memref<8192x1024xi32, #tpu.memory_space<hbm>> -> memref<8192x1024xi32, #tpu.memory_space<hbm>>
    tpu.wait_indirect_dma semaphore(%arg11 : memref<!tpu.dma_semaphore, #tpu.memory_space<semaphore_mem>>) src(%dma_wait3A_317 : memref<8192x1024xi32, #tpu.memory_space<hbm>>) dst(%arg8 : memref<32x1024xi32, #tpu.memory_space<vmem>>)
    %add3A_318 = arith.constant 448 : i32
    %add3A_319 = arith.addi %mul3A_2, %add3A_318 : i32
    %dma_start3A_320 = arith.constant 0 : i32
    %dma_start3A_321 = tpu.memref_slice %arg4[%add3A_319, %dma_start3A_320] : memref<18432x1024xi32, #tpu.memory_space<hbm>> -> memref<32x1024xi32, #tpu.memory_space<hbm>>
    %dma_start3A_322 = arith.constant 0 : i32
    %dma_start3A_323 = tpu.memref_slice %arg4[%add3A_319, %dma_start3A_322] : memref<18432x1024xi32, #tpu.memory_space<hbm>> -> memref<32x1024xi32, #tpu.memory_space<hbm>>
    tpu.enqueue_dma source(%arg8 : memref<32x1024xi32, #tpu.memory_space<vmem>>) target(%dma_start3A_323 : memref<32x1024xi32, #tpu.memory_space<hbm>>) target_semaphore(%arg14 : memref<!tpu.dma_semaphore, #tpu.memory_space<semaphore_mem>>)
    %add3A_324 = arith.constant 416 : i32
    %add3A_325 = arith.addi %mul3A_2, %add3A_324 : i32
    %dma_wait3A_326 = arith.constant 0 : i32
    %dma_wait3A_327 = tpu.memref_slice %arg4[%add3A_325, %dma_wait3A_326] : memref<18432x1024xi32, #tpu.memory_space<hbm>> -> memref<32x1024xi32, #tpu.memory_space<hbm>>
    %dma_wait3A_328 = arith.constant 0 : i32
    %dma_wait3A_329 = tpu.memref_slice %arg4[%add3A_325, %dma_wait3A_328] : memref<18432x1024xi32, #tpu.memory_space<hbm>> -> memref<32x1024xi32, #tpu.memory_space<hbm>>
    tpu.wait_dma2 semaphore(%arg13 : memref<!tpu.dma_semaphore, #tpu.memory_space<semaphore_mem>>) src(%arg7 : memref<32x1024xi32, #tpu.memory_space<vmem>>) dst(%dma_wait3A_329 : memref<32x1024xi32, #tpu.memory_space<hbm>>)
    %dma_start3A_330 = arith.constant 512 : i32
    %dma_start3A_331 = tpu.memref_slice %arg5[%dma_start3A_330] : memref<576xi32, #tpu.memory_space<vmem>> -> memref<32xi32, #tpu.memory_space<vmem>>
    %dma_start3A_332 = arith.constant 0 : i32
    %dma_start3A_333 = arith.constant 0 : i32
    %dma_start3A_334 = tpu.memref_slice %arg3[%dma_start3A_332, %dma_start3A_333] : memref<8192x1024xi32, #tpu.memory_space<hbm>> -> memref<8192x1024xi32, #tpu.memory_space<hbm>>
    tpu.enqueue_indirect_dma source(%dma_start3A_334 : memref<8192x1024xi32, #tpu.memory_space<hbm>>) target(%arg7 : memref<32x1024xi32, #tpu.memory_space<vmem>>) offsets(%dma_start3A_331 : memref<32xi32, #tpu.memory_space<vmem>>) semaphore(%arg10 : memref<!tpu.dma_semaphore, #tpu.memory_space<semaphore_mem>>)
    %dma_wait3A_335 = arith.constant 480 : i32
    %dma_wait3A_336 = tpu.memref_slice %arg5[%dma_wait3A_335] : memref<576xi32, #tpu.memory_space<vmem>> -> memref<32xi32, #tpu.memory_space<vmem>>
    %dma_wait3A_337 = arith.constant 0 : i32
    %dma_wait3A_338 = arith.constant 0 : i32
    %dma_wait3A_339 = tpu.memref_slice %arg3[%dma_wait3A_337, %dma_wait3A_338] : memref<8192x1024xi32, #tpu.memory_space<hbm>> -> memref<8192x1024xi32, #tpu.memory_space<hbm>>
    tpu.wait_indirect_dma semaphore(%arg9 : memref<!tpu.dma_semaphore, #tpu.memory_space<semaphore_mem>>) src(%dma_wait3A_339 : memref<8192x1024xi32, #tpu.memory_space<hbm>>) dst(%arg6 : memref<32x1024xi32, #tpu.memory_space<vmem>>)
    %add3A_340 = arith.constant 480 : i32
    %add3A_341 = arith.addi %mul3A_2, %add3A_340 : i32
    %dma_start3A_342 = arith.constant 0 : i32
    %dma_start3A_343 = tpu.memref_slice %arg4[%add3A_341, %dma_start3A_342] : memref<18432x1024xi32, #tpu.memory_space<hbm>> -> memref<32x1024xi32, #tpu.memory_space<hbm>>
    %dma_start3A_344 = arith.constant 0 : i32
    %dma_start3A_345 = tpu.memref_slice %arg4[%add3A_341, %dma_start3A_344] : memref<18432x1024xi32, #tpu.memory_space<hbm>> -> memref<32x1024xi32, #tpu.memory_space<hbm>>
    tpu.enqueue_dma source(%arg6 : memref<32x1024xi32, #tpu.memory_space<vmem>>) target(%dma_start3A_345 : memref<32x1024xi32, #tpu.memory_space<hbm>>) target_semaphore(%arg12 : memref<!tpu.dma_semaphore, #tpu.memory_space<semaphore_mem>>)
    %add3A_346 = arith.constant 448 : i32
    %add3A_347 = arith.addi %mul3A_2, %add3A_346 : i32
    %dma_wait3A_348 = arith.constant 0 : i32
    %dma_wait3A_349 = tpu.memref_slice %arg4[%add3A_347, %dma_wait3A_348] : memref<18432x1024xi32, #tpu.memory_space<hbm>> -> memref<32x1024xi32, #tpu.memory_space<hbm>>
    %dma_wait3A_350 = arith.constant 0 : i32
    %dma_wait3A_351 = tpu.memref_slice %arg4[%add3A_347, %dma_wait3A_350] : memref<18432x1024xi32, #tpu.memory_space<hbm>> -> memref<32x1024xi32, #tpu.memory_space<hbm>>
    tpu.wait_dma2 semaphore(%arg14 : memref<!tpu.dma_semaphore, #tpu.memory_space<semaphore_mem>>) src(%arg8 : memref<32x1024xi32, #tpu.memory_space<vmem>>) dst(%dma_wait3A_351 : memref<32x1024xi32, #tpu.memory_space<hbm>>)
    %dma_start3A_352 = arith.constant 544 : i32
    %dma_start3A_353 = tpu.memref_slice %arg5[%dma_start3A_352] : memref<576xi32, #tpu.memory_space<vmem>> -> memref<32xi32, #tpu.memory_space<vmem>>
    %dma_start3A_354 = arith.constant 0 : i32
    %dma_start3A_355 = arith.constant 0 : i32
    %dma_start3A_356 = tpu.memref_slice %arg3[%dma_start3A_354, %dma_start3A_355] : memref<8192x1024xi32, #tpu.memory_space<hbm>> -> memref<8192x1024xi32, #tpu.memory_space<hbm>>
    tpu.enqueue_indirect_dma source(%dma_start3A_356 : memref<8192x1024xi32, #tpu.memory_space<hbm>>) target(%arg8 : memref<32x1024xi32, #tpu.memory_space<vmem>>) offsets(%dma_start3A_353 : memref<32xi32, #tpu.memory_space<vmem>>) semaphore(%arg11 : memref<!tpu.dma_semaphore, #tpu.memory_space<semaphore_mem>>)
    %dma_wait3A_357 = arith.constant 512 : i32
    %dma_wait3A_358 = tpu.memref_slice %arg5[%dma_wait3A_357] : memref<576xi32, #tpu.memory_space<vmem>> -> memref<32xi32, #tpu.memory_space<vmem>>
    %dma_wait3A_359 = arith.constant 0 : i32
    %dma_wait3A_360 = arith.constant 0 : i32
    %dma_wait3A_361 = tpu.memref_slice %arg3[%dma_wait3A_359, %dma_wait3A_360] : memref<8192x1024xi32, #tpu.memory_space<hbm>> -> memref<8192x1024xi32, #tpu.memory_space<hbm>>
    tpu.wait_indirect_dma semaphore(%arg10 : memref<!tpu.dma_semaphore, #tpu.memory_space<semaphore_mem>>) src(%dma_wait3A_361 : memref<8192x1024xi32, #tpu.memory_space<hbm>>) dst(%arg7 : memref<32x1024xi32, #tpu.memory_space<vmem>>)
    %add3A_362 = arith.constant 512 : i32
    %add3A_363 = arith.addi %mul3A_2, %add3A_362 : i32
    %dma_start3A_364 = arith.constant 0 : i32
    %dma_start3A_365 = tpu.memref_slice %arg4[%add3A_363, %dma_start3A_364] : memref<18432x1024xi32, #tpu.memory_space<hbm>> -> memref<32x1024xi32, #tpu.memory_space<hbm>>
    %dma_start3A_366 = arith.constant 0 : i32
    %dma_start3A_367 = tpu.memref_slice %arg4[%add3A_363, %dma_start3A_366] : memref<18432x1024xi32, #tpu.memory_space<hbm>> -> memref<32x1024xi32, #tpu.memory_space<hbm>>
    tpu.enqueue_dma source(%arg7 : memref<32x1024xi32, #tpu.memory_space<vmem>>) target(%dma_start3A_367 : memref<32x1024xi32, #tpu.memory_space<hbm>>) target_semaphore(%arg13 : memref<!tpu.dma_semaphore, #tpu.memory_space<semaphore_mem>>)
    %dma_wait3A_368 = arith.constant 544 : i32
    %dma_wait3A_369 = tpu.memref_slice %arg5[%dma_wait3A_368] : memref<576xi32, #tpu.memory_space<vmem>> -> memref<32xi32, #tpu.memory_space<vmem>>
    %dma_wait3A_370 = arith.constant 0 : i32
    %dma_wait3A_371 = arith.constant 0 : i32
    %dma_wait3A_372 = tpu.memref_slice %arg3[%dma_wait3A_370, %dma_wait3A_371] : memref<8192x1024xi32, #tpu.memory_space<hbm>> -> memref<8192x1024xi32, #tpu.memory_space<hbm>>
    tpu.wait_indirect_dma semaphore(%arg11 : memref<!tpu.dma_semaphore, #tpu.memory_space<semaphore_mem>>) src(%dma_wait3A_372 : memref<8192x1024xi32, #tpu.memory_space<hbm>>) dst(%arg8 : memref<32x1024xi32, #tpu.memory_space<vmem>>)
    %add3A_373 = arith.constant 544 : i32
    %add3A_374 = arith.addi %mul3A_2, %add3A_373 : i32
    %dma_start3A_375 = arith.constant 0 : i32
    %dma_start3A_376 = tpu.memref_slice %arg4[%add3A_374, %dma_start3A_375] : memref<18432x1024xi32, #tpu.memory_space<hbm>> -> memref<32x1024xi32, #tpu.memory_space<hbm>>
    %dma_start3A_377 = arith.constant 0 : i32
    %dma_start3A_378 = tpu.memref_slice %arg4[%add3A_374, %dma_start3A_377] : memref<18432x1024xi32, #tpu.memory_space<hbm>> -> memref<32x1024xi32, #tpu.memory_space<hbm>>
    tpu.enqueue_dma source(%arg8 : memref<32x1024xi32, #tpu.memory_space<vmem>>) target(%dma_start3A_378 : memref<32x1024xi32, #tpu.memory_space<hbm>>) target_semaphore(%arg14 : memref<!tpu.dma_semaphore, #tpu.memory_space<semaphore_mem>>)
    %add3A_379 = arith.constant 480 : i32
    %add3A_380 = arith.addi %mul3A_2, %add3A_379 : i32
    %dma_wait3A_381 = arith.constant 0 : i32
    %dma_wait3A_382 = tpu.memref_slice %arg4[%add3A_380, %dma_wait3A_381] : memref<18432x1024xi32, #tpu.memory_space<hbm>> -> memref<32x1024xi32, #tpu.memory_space<hbm>>
    %dma_wait3A_383 = arith.constant 0 : i32
    %dma_wait3A_384 = tpu.memref_slice %arg4[%add3A_380, %dma_wait3A_383] : memref<18432x1024xi32, #tpu.memory_space<hbm>> -> memref<32x1024xi32, #tpu.memory_space<hbm>>
    tpu.wait_dma2 semaphore(%arg12 : memref<!tpu.dma_semaphore, #tpu.memory_space<semaphore_mem>>) src(%arg6 : memref<32x1024xi32, #tpu.memory_space<vmem>>) dst(%dma_wait3A_384 : memref<32x1024xi32, #tpu.memory_space<hbm>>)
    %add3A_385 = arith.constant 512 : i32
    %add3A_386 = arith.addi %mul3A_2, %add3A_385 : i32
    %dma_wait3A_387 = arith.constant 0 : i32
    %dma_wait3A_388 = tpu.memref_slice %arg4[%add3A_386, %dma_wait3A_387] : memref<18432x1024xi32, #tpu.memory_space<hbm>> -> memref<32x1024xi32, #tpu.memory_space<hbm>>
    %dma_wait3A_389 = arith.constant 0 : i32
    %dma_wait3A_390 = tpu.memref_slice %arg4[%add3A_386, %dma_wait3A_389] : memref<18432x1024xi32, #tpu.memory_space<hbm>> -> memref<32x1024xi32, #tpu.memory_space<hbm>>
    tpu.wait_dma2 semaphore(%arg13 : memref<!tpu.dma_semaphore, #tpu.memory_space<semaphore_mem>>) src(%arg7 : memref<32x1024xi32, #tpu.memory_space<vmem>>) dst(%dma_wait3A_390 : memref<32x1024xi32, #tpu.memory_space<hbm>>)
    %add3A_391 = arith.constant 544 : i32
    %add3A_392 = arith.addi %mul3A_2, %add3A_391 : i32
    %dma_wait3A_393 = arith.constant 0 : i32
    %dma_wait3A_394 = tpu.memref_slice %arg4[%add3A_392, %dma_wait3A_393] : memref<18432x1024xi32, #tpu.memory_space<hbm>> -> memref<32x1024xi32, #tpu.memory_space<hbm>>
    %dma_wait3A_395 = arith.constant 0 : i32
    %dma_wait3A_396 = tpu.memref_slice %arg4[%add3A_392, %dma_wait3A_395] : memref<18432x1024xi32, #tpu.memory_space<hbm>> -> memref<32x1024xi32, #tpu.memory_space<hbm>>
    tpu.wait_dma2 semaphore(%arg14 : memref<!tpu.dma_semaphore, #tpu.memory_space<semaphore_mem>>) src(%arg8 : memref<32x1024xi32, #tpu.memory_space<vmem>>) dst(%dma_wait3A_396 : memref<32x1024xi32, #tpu.memory_space<hbm>>)
    return
  }
}

#map = affine_map<(d0, d1) -> (0, 0)>
#map1 = affine_map<(d0, d1) -> (0)>
module attributes {stable_mosaic.version = 14 : i64} {
  func.func @k(%arg0: i32, %arg1: i32, %arg2: memref<18432x256xf32, #tpu.memory_space<hbm>>, %arg3: memref<8192xi32, #tpu.memory_space<hbm>>, %arg4: memref<8192xi32, #tpu.memory_space<hbm>>, %arg5: memref<8192x256xf32, #tpu.memory_space<hbm>>, %arg6: memref<256xi32, #tpu.memory_space<vmem>>, %arg7: memref<256xi32, #tpu.memory_space<vmem>>, %arg8: memref<64x256xf32, #tpu.memory_space<vmem>>, %arg9: memref<64x256xf32, #tpu.memory_space<vmem>>, %arg10: memref<64x256xf32, #tpu.memory_space<vmem>>, %arg11: memref<64x256xf32, #tpu.memory_space<vmem>>, %arg12: memref<!tpu.dma_semaphore, #tpu.memory_space<semaphore_mem>>, %arg13: memref<!tpu.dma_semaphore, #tpu.memory_space<semaphore_mem>>, %arg14: memref<!tpu.dma_semaphore, #tpu.memory_space<semaphore_mem>>, %arg15: memref<!tpu.dma_semaphore, #tpu.memory_space<semaphore_mem>>, %arg16: memref<!tpu.dma_semaphore, #tpu.memory_space<semaphore_mem>>, %arg17: memref<!tpu.dma_semaphore, #tpu.memory_space<semaphore_mem>>) attributes {dimension_semantics = [#tpu.dimension_semantics<core_parallel>, #tpu.dimension_semantics<subcore_parallel>], iteration_bounds = array<i64: 2, 16>, scalar_prefetch = 0 : i64, scratch_operands = 12 : i64, tpu.core_type = #tpu.core_type<sc_vector_subcore>, window_params = [{transform_indices = #map}, {transform_indices = #map1}, {transform_indices = #map1}, {transform_indices = #map}]} {
    %mul3A = arith.constant 2 : i32
    %mul3A_0 = arith.muli %arg1, %mul3A : i32
    %add3A = arith.addi %mul3A_0, %arg0 : i32
    %mul3A_1 = arith.constant 256 : i32
    %mul3A_2 = arith.muli %add3A, %mul3A_1 : i32
    "tpu.region"() ({
      %run_scoped3A = tpu.sem_alloc : memref<!tpu.dma_semaphore, #tpu.memory_space<semaphore_mem>>
      %dma_start3A_148 = tpu.memref_slice %arg3[%mul3A_2] : memref<8192xi32, #tpu.memory_space<hbm>> -> memref<256xi32, #tpu.memory_space<hbm>>
      %dma_start3A_149 = tpu.memref_slice %arg3[%mul3A_2] : memref<8192xi32, #tpu.memory_space<hbm>> -> memref<256xi32, #tpu.memory_space<hbm>>
      tpu.enqueue_dma source(%dma_start3A_149 : memref<256xi32, #tpu.memory_space<hbm>>) target(%arg6 : memref<256xi32, #tpu.memory_space<vmem>>) target_semaphore(%run_scoped3A : memref<!tpu.dma_semaphore, #tpu.memory_space<semaphore_mem>>)
      %dma_wait3A_150 = tpu.memref_slice %arg3[%mul3A_2] : memref<8192xi32, #tpu.memory_space<hbm>> -> memref<256xi32, #tpu.memory_space<hbm>>
      %dma_wait3A_151 = tpu.memref_slice %arg3[%mul3A_2] : memref<8192xi32, #tpu.memory_space<hbm>> -> memref<256xi32, #tpu.memory_space<hbm>>
      tpu.wait_dma2 semaphore(%run_scoped3A : memref<!tpu.dma_semaphore, #tpu.memory_space<semaphore_mem>>) src(%dma_wait3A_151 : memref<256xi32, #tpu.memory_space<hbm>>) dst(%arg6 : memref<256xi32, #tpu.memory_space<vmem>>)
      tpu.yield
    }) : () -> ()
    "tpu.region"() ({
      %run_scoped3A = tpu.sem_alloc : memref<!tpu.dma_semaphore, #tpu.memory_space<semaphore_mem>>
      %dma_start3A_148 = tpu.memref_slice %arg4[%mul3A_2] : memref<8192xi32, #tpu.memory_space<hbm>> -> memref<256xi32, #tpu.memory_space<hbm>>
      %dma_start3A_149 = tpu.memref_slice %arg4[%mul3A_2] : memref<8192xi32, #tpu.memory_space<hbm>> -> memref<256xi32, #tpu.memory_space<hbm>>
      tpu.enqueue_dma source(%dma_start3A_149 : memref<256xi32, #tpu.memory_space<hbm>>) target(%arg7 : memref<256xi32, #tpu.memory_space<vmem>>) target_semaphore(%run_scoped3A : memref<!tpu.dma_semaphore, #tpu.memory_space<semaphore_mem>>)
      %dma_wait3A_150 = tpu.memref_slice %arg4[%mul3A_2] : memref<8192xi32, #tpu.memory_space<hbm>> -> memref<256xi32, #tpu.memory_space<hbm>>
      %dma_wait3A_151 = tpu.memref_slice %arg4[%mul3A_2] : memref<8192xi32, #tpu.memory_space<hbm>> -> memref<256xi32, #tpu.memory_space<hbm>>
      tpu.wait_dma2 semaphore(%run_scoped3A : memref<!tpu.dma_semaphore, #tpu.memory_space<semaphore_mem>>) src(%dma_wait3A_151 : memref<256xi32, #tpu.memory_space<hbm>>) dst(%arg7 : memref<256xi32, #tpu.memory_space<vmem>>)
      tpu.yield
    }) : () -> ()
    %dma_start3A = arith.constant 0 : i32
    %dma_start3A_3 = tpu.memref_slice %arg6[%dma_start3A] : memref<256xi32, #tpu.memory_space<vmem>> -> memref<64xi32, #tpu.memory_space<vmem>>
    %dma_start3A_4 = arith.constant 0 : i32
    %dma_start3A_5 = arith.constant 0 : i32
    %dma_start3A_6 = tpu.memref_slice %arg2[%dma_start3A_4, %dma_start3A_5] : memref<18432x256xf32, #tpu.memory_space<hbm>> -> memref<18432x256xf32, #tpu.memory_space<hbm>>
    tpu.enqueue_indirect_dma source(%dma_start3A_6 : memref<18432x256xf32, #tpu.memory_space<hbm>>) target(%arg8 : memref<64x256xf32, #tpu.memory_space<vmem>>) offsets(%dma_start3A_3 : memref<64xi32, #tpu.memory_space<vmem>>) semaphore(%arg12 : memref<!tpu.dma_semaphore, #tpu.memory_space<semaphore_mem>>)
    %dma_start3A_7 = arith.constant 0 : i32
    %dma_start3A_8 = tpu.memref_slice %arg7[%dma_start3A_7] : memref<256xi32, #tpu.memory_space<vmem>> -> memref<64xi32, #tpu.memory_space<vmem>>
    %dma_start3A_9 = arith.constant 0 : i32
    %dma_start3A_10 = arith.constant 0 : i32
    %dma_start3A_11 = tpu.memref_slice %arg2[%dma_start3A_9, %dma_start3A_10] : memref<18432x256xf32, #tpu.memory_space<hbm>> -> memref<18432x256xf32, #tpu.memory_space<hbm>>
    tpu.enqueue_indirect_dma source(%dma_start3A_11 : memref<18432x256xf32, #tpu.memory_space<hbm>>) target(%arg10 : memref<64x256xf32, #tpu.memory_space<vmem>>) offsets(%dma_start3A_8 : memref<64xi32, #tpu.memory_space<vmem>>) semaphore(%arg14 : memref<!tpu.dma_semaphore, #tpu.memory_space<semaphore_mem>>)
    %dma_start3A_12 = arith.constant 64 : i32
    %dma_start3A_13 = tpu.memref_slice %arg6[%dma_start3A_12] : memref<256xi32, #tpu.memory_space<vmem>> -> memref<64xi32, #tpu.memory_space<vmem>>
    %dma_start3A_14 = arith.constant 0 : i32
    %dma_start3A_15 = arith.constant 0 : i32
    %dma_start3A_16 = tpu.memref_slice %arg2[%dma_start3A_14, %dma_start3A_15] : memref<18432x256xf32, #tpu.memory_space<hbm>> -> memref<18432x256xf32, #tpu.memory_space<hbm>>
    tpu.enqueue_indirect_dma source(%dma_start3A_16 : memref<18432x256xf32, #tpu.memory_space<hbm>>) target(%arg9 : memref<64x256xf32, #tpu.memory_space<vmem>>) offsets(%dma_start3A_13 : memref<64xi32, #tpu.memory_space<vmem>>) semaphore(%arg13 : memref<!tpu.dma_semaphore, #tpu.memory_space<semaphore_mem>>)
    %dma_start3A_17 = arith.constant 64 : i32
    %dma_start3A_18 = tpu.memref_slice %arg7[%dma_start3A_17] : memref<256xi32, #tpu.memory_space<vmem>> -> memref<64xi32, #tpu.memory_space<vmem>>
    %dma_start3A_19 = arith.constant 0 : i32
    %dma_start3A_20 = arith.constant 0 : i32
    %dma_start3A_21 = tpu.memref_slice %arg2[%dma_start3A_19, %dma_start3A_20] : memref<18432x256xf32, #tpu.memory_space<hbm>> -> memref<18432x256xf32, #tpu.memory_space<hbm>>
    tpu.enqueue_indirect_dma source(%dma_start3A_21 : memref<18432x256xf32, #tpu.memory_space<hbm>>) target(%arg11 : memref<64x256xf32, #tpu.memory_space<vmem>>) offsets(%dma_start3A_18 : memref<64xi32, #tpu.memory_space<vmem>>) semaphore(%arg15 : memref<!tpu.dma_semaphore, #tpu.memory_space<semaphore_mem>>)
    %dma_wait3A = arith.constant 0 : i32
    %dma_wait3A_22 = tpu.memref_slice %arg6[%dma_wait3A] : memref<256xi32, #tpu.memory_space<vmem>> -> memref<64xi32, #tpu.memory_space<vmem>>
    %dma_wait3A_23 = arith.constant 0 : i32
    %dma_wait3A_24 = arith.constant 0 : i32
    %dma_wait3A_25 = tpu.memref_slice %arg2[%dma_wait3A_23, %dma_wait3A_24] : memref<18432x256xf32, #tpu.memory_space<hbm>> -> memref<18432x256xf32, #tpu.memory_space<hbm>>
    tpu.wait_indirect_dma semaphore(%arg12 : memref<!tpu.dma_semaphore, #tpu.memory_space<semaphore_mem>>) src(%dma_wait3A_25 : memref<18432x256xf32, #tpu.memory_space<hbm>>) dst(%arg8 : memref<64x256xf32, #tpu.memory_space<vmem>>)
    %dma_wait3A_26 = arith.constant 0 : i32
    %dma_wait3A_27 = tpu.memref_slice %arg7[%dma_wait3A_26] : memref<256xi32, #tpu.memory_space<vmem>> -> memref<64xi32, #tpu.memory_space<vmem>>
    %dma_wait3A_28 = arith.constant 0 : i32
    %dma_wait3A_29 = arith.constant 0 : i32
    %dma_wait3A_30 = tpu.memref_slice %arg2[%dma_wait3A_28, %dma_wait3A_29] : memref<18432x256xf32, #tpu.memory_space<hbm>> -> memref<18432x256xf32, #tpu.memory_space<hbm>>
    tpu.wait_indirect_dma semaphore(%arg14 : memref<!tpu.dma_semaphore, #tpu.memory_space<semaphore_mem>>) src(%dma_wait3A_30 : memref<18432x256xf32, #tpu.memory_space<hbm>>) dst(%arg10 : memref<64x256xf32, #tpu.memory_space<vmem>>)
    %scan3A = arith.constant 0 : i32
    %scan3A_31 = arith.constant 64 : i32
    %scan3A_32 = arith.addi %scan3A, %scan3A_31 : i32
    %scan3A_33 = arith.constant 1 : i32
    scf.for %scan3A_148 = %scan3A to %scan3A_32 step %scan3A_33  : i32 {
      %mul3A_149 = arith.constant 1 : i32
      %mul3A_150 = arith.muli %scan3A_148, %mul3A_149 : i32
      %add3A_151 = arith.constant 0 : i32
      %add3A_152 = arith.addi %add3A_151, %mul3A_150 : i32
      %get3A = arith.index_cast %add3A_152 : i32 to index
      %get3A_153 = arith.constant 0 : index
      %get3A_154 = tpu.vector_load %arg8[%get3A, %get3A_153] {strides = array<i32>} : memref<64x256xf32, #tpu.memory_space<vmem>>, vector<1x16xf32>,
      %get3A_155 = vector.shape_cast %get3A_154 : vector<1x16xf32> to vector<16xf32>
      %get3A_156 = arith.index_cast %add3A_152 : i32 to index
      %get3A_157 = arith.constant 0 : index
      %get3A_158 = tpu.vector_load %arg10[%get3A_156, %get3A_157] {strides = array<i32>} : memref<64x256xf32, #tpu.memory_space<vmem>>, vector<1x16xf32>,
      %get3A_159 = vector.shape_cast %get3A_158 : vector<1x16xf32> to vector<16xf32>
      %add3A_160 = arith.addf %get3A_155, %get3A_159 : vector<16xf32>
      %swap3A = arith.index_cast %add3A_152 : i32 to index
      %swap3A_161 = arith.constant 0 : index
      %swap3A_162 = tpu.vector_load %arg8[%swap3A, %swap3A_161] {strides = array<i32>} : memref<64x256xf32, #tpu.memory_space<vmem>>, vector<1x16xf32>,
      %swap3A_163 = vector.shape_cast %swap3A_162 : vector<1x16xf32> to vector<16xf32>
      %swap3A_164 = vector.shape_cast %add3A_160 : vector<16xf32> to vector<1x16xf32>
      tpu.vector_store %arg8[%swap3A, %swap3A_161], %swap3A_164 {strides = array<i32>} : memref<64x256xf32, #tpu.memory_space<vmem>>, vector<1x16xf32>,
      %get3A_165 = arith.index_cast %add3A_152 : i32 to index
      %get3A_166 = arith.constant 16 : index
      %get3A_167 = tpu.vector_load %arg8[%get3A_165, %get3A_166] {strides = array<i32>} : memref<64x256xf32, #tpu.memory_space<vmem>>, vector<1x16xf32>,
      %get3A_168 = vector.shape_cast %get3A_167 : vector<1x16xf32> to vector<16xf32>
      %get3A_169 = arith.index_cast %add3A_152 : i32 to index
      %get3A_170 = arith.constant 16 : index
      %get3A_171 = tpu.vector_load %arg10[%get3A_169, %get3A_170] {strides = array<i32>} : memref<64x256xf32, #tpu.memory_space<vmem>>, vector<1x16xf32>,
      %get3A_172 = vector.shape_cast %get3A_171 : vector<1x16xf32> to vector<16xf32>
      %add3A_173 = arith.addf %get3A_168, %get3A_172 : vector<16xf32>
      %swap3A_174 = arith.index_cast %add3A_152 : i32 to index
      %swap3A_175 = arith.constant 16 : index
      %swap3A_176 = tpu.vector_load %arg8[%swap3A_174, %swap3A_175] {strides = array<i32>} : memref<64x256xf32, #tpu.memory_space<vmem>>, vector<1x16xf32>,
      %swap3A_177 = vector.shape_cast %swap3A_176 : vector<1x16xf32> to vector<16xf32>
      %swap3A_178 = vector.shape_cast %add3A_173 : vector<16xf32> to vector<1x16xf32>
      tpu.vector_store %arg8[%swap3A_174, %swap3A_175], %swap3A_178 {strides = array<i32>} : memref<64x256xf32, #tpu.memory_space<vmem>>, vector<1x16xf32>,
      %get3A_179 = arith.index_cast %add3A_152 : i32 to index
      %get3A_180 = arith.constant 32 : index
      %get3A_181 = tpu.vector_load %arg8[%get3A_179, %get3A_180] {strides = array<i32>} : memref<64x256xf32, #tpu.memory_space<vmem>>, vector<1x16xf32>,
      %get3A_182 = vector.shape_cast %get3A_181 : vector<1x16xf32> to vector<16xf32>
      %get3A_183 = arith.index_cast %add3A_152 : i32 to index
      %get3A_184 = arith.constant 32 : index
      %get3A_185 = tpu.vector_load %arg10[%get3A_183, %get3A_184] {strides = array<i32>} : memref<64x256xf32, #tpu.memory_space<vmem>>, vector<1x16xf32>,
      %get3A_186 = vector.shape_cast %get3A_185 : vector<1x16xf32> to vector<16xf32>
      %add3A_187 = arith.addf %get3A_182, %get3A_186 : vector<16xf32>
      %swap3A_188 = arith.index_cast %add3A_152 : i32 to index
      %swap3A_189 = arith.constant 32 : index
      %swap3A_190 = tpu.vector_load %arg8[%swap3A_188, %swap3A_189] {strides = array<i32>} : memref<64x256xf32, #tpu.memory_space<vmem>>, vector<1x16xf32>,
      %swap3A_191 = vector.shape_cast %swap3A_190 : vector<1x16xf32> to vector<16xf32>
      %swap3A_192 = vector.shape_cast %add3A_187 : vector<16xf32> to vector<1x16xf32>
      tpu.vector_store %arg8[%swap3A_188, %swap3A_189], %swap3A_192 {strides = array<i32>} : memref<64x256xf32, #tpu.memory_space<vmem>>, vector<1x16xf32>,
      %get3A_193 = arith.index_cast %add3A_152 : i32 to index
      %get3A_194 = arith.constant 48 : index
      %get3A_195 = tpu.vector_load %arg8[%get3A_193, %get3A_194] {strides = array<i32>} : memref<64x256xf32, #tpu.memory_space<vmem>>, vector<1x16xf32>,
      %get3A_196 = vector.shape_cast %get3A_195 : vector<1x16xf32> to vector<16xf32>
      %get3A_197 = arith.index_cast %add3A_152 : i32 to index
      %get3A_198 = arith.constant 48 : index
      %get3A_199 = tpu.vector_load %arg10[%get3A_197, %get3A_198] {strides = array<i32>} : memref<64x256xf32, #tpu.memory_space<vmem>>, vector<1x16xf32>,
      %get3A_200 = vector.shape_cast %get3A_199 : vector<1x16xf32> to vector<16xf32>
      %add3A_201 = arith.addf %get3A_196, %get3A_200 : vector<16xf32>
      %swap3A_202 = arith.index_cast %add3A_152 : i32 to index
      %swap3A_203 = arith.constant 48 : index
      %swap3A_204 = tpu.vector_load %arg8[%swap3A_202, %swap3A_203] {strides = array<i32>} : memref<64x256xf32, #tpu.memory_space<vmem>>, vector<1x16xf32>,
      %swap3A_205 = vector.shape_cast %swap3A_204 : vector<1x16xf32> to vector<16xf32>
      %swap3A_206 = vector.shape_cast %add3A_201 : vector<16xf32> to vector<1x16xf32>
      tpu.vector_store %arg8[%swap3A_202, %swap3A_203], %swap3A_206 {strides = array<i32>} : memref<64x256xf32, #tpu.memory_space<vmem>>, vector<1x16xf32>,
      %get3A_207 = arith.index_cast %add3A_152 : i32 to index
      %get3A_208 = arith.constant 64 : index
      %get3A_209 = tpu.vector_load %arg8[%get3A_207, %get3A_208] {strides = array<i32>} : memref<64x256xf32, #tpu.memory_space<vmem>>, vector<1x16xf32>,
      %get3A_210 = vector.shape_cast %get3A_209 : vector<1x16xf32> to vector<16xf32>
      %get3A_211 = arith.index_cast %add3A_152 : i32 to index
      %get3A_212 = arith.constant 64 : index
      %get3A_213 = tpu.vector_load %arg10[%get3A_211, %get3A_212] {strides = array<i32>} : memref<64x256xf32, #tpu.memory_space<vmem>>, vector<1x16xf32>,
      %get3A_214 = vector.shape_cast %get3A_213 : vector<1x16xf32> to vector<16xf32>
      %add3A_215 = arith.addf %get3A_210, %get3A_214 : vector<16xf32>
      %swap3A_216 = arith.index_cast %add3A_152 : i32 to index
      %swap3A_217 = arith.constant 64 : index
      %swap3A_218 = tpu.vector_load %arg8[%swap3A_216, %swap3A_217] {strides = array<i32>} : memref<64x256xf32, #tpu.memory_space<vmem>>, vector<1x16xf32>,
      %swap3A_219 = vector.shape_cast %swap3A_218 : vector<1x16xf32> to vector<16xf32>
      %swap3A_220 = vector.shape_cast %add3A_215 : vector<16xf32> to vector<1x16xf32>
      tpu.vector_store %arg8[%swap3A_216, %swap3A_217], %swap3A_220 {strides = array<i32>} : memref<64x256xf32, #tpu.memory_space<vmem>>, vector<1x16xf32>,
      %get3A_221 = arith.index_cast %add3A_152 : i32 to index
      %get3A_222 = arith.constant 80 : index
      %get3A_223 = tpu.vector_load %arg8[%get3A_221, %get3A_222] {strides = array<i32>} : memref<64x256xf32, #tpu.memory_space<vmem>>, vector<1x16xf32>,
      %get3A_224 = vector.shape_cast %get3A_223 : vector<1x16xf32> to vector<16xf32>
      %get3A_225 = arith.index_cast %add3A_152 : i32 to index
      %get3A_226 = arith.constant 80 : index
      %get3A_227 = tpu.vector_load %arg10[%get3A_225, %get3A_226] {strides = array<i32>} : memref<64x256xf32, #tpu.memory_space<vmem>>, vector<1x16xf32>,
      %get3A_228 = vector.shape_cast %get3A_227 : vector<1x16xf32> to vector<16xf32>
      %add3A_229 = arith.addf %get3A_224, %get3A_228 : vector<16xf32>
      %swap3A_230 = arith.index_cast %add3A_152 : i32 to index
      %swap3A_231 = arith.constant 80 : index
      %swap3A_232 = tpu.vector_load %arg8[%swap3A_230, %swap3A_231] {strides = array<i32>} : memref<64x256xf32, #tpu.memory_space<vmem>>, vector<1x16xf32>,
      %swap3A_233 = vector.shape_cast %swap3A_232 : vector<1x16xf32> to vector<16xf32>
      %swap3A_234 = vector.shape_cast %add3A_229 : vector<16xf32> to vector<1x16xf32>
      tpu.vector_store %arg8[%swap3A_230, %swap3A_231], %swap3A_234 {strides = array<i32>} : memref<64x256xf32, #tpu.memory_space<vmem>>, vector<1x16xf32>,
      %get3A_235 = arith.index_cast %add3A_152 : i32 to index
      %get3A_236 = arith.constant 96 : index
      %get3A_237 = tpu.vector_load %arg8[%get3A_235, %get3A_236] {strides = array<i32>} : memref<64x256xf32, #tpu.memory_space<vmem>>, vector<1x16xf32>,
      %get3A_238 = vector.shape_cast %get3A_237 : vector<1x16xf32> to vector<16xf32>
      %get3A_239 = arith.index_cast %add3A_152 : i32 to index
      %get3A_240 = arith.constant 96 : index
      %get3A_241 = tpu.vector_load %arg10[%get3A_239, %get3A_240] {strides = array<i32>} : memref<64x256xf32, #tpu.memory_space<vmem>>, vector<1x16xf32>,
      %get3A_242 = vector.shape_cast %get3A_241 : vector<1x16xf32> to vector<16xf32>
      %add3A_243 = arith.addf %get3A_238, %get3A_242 : vector<16xf32>
      %swap3A_244 = arith.index_cast %add3A_152 : i32 to index
      %swap3A_245 = arith.constant 96 : index
      %swap3A_246 = tpu.vector_load %arg8[%swap3A_244, %swap3A_245] {strides = array<i32>} : memref<64x256xf32, #tpu.memory_space<vmem>>, vector<1x16xf32>,
      %swap3A_247 = vector.shape_cast %swap3A_246 : vector<1x16xf32> to vector<16xf32>
      %swap3A_248 = vector.shape_cast %add3A_243 : vector<16xf32> to vector<1x16xf32>
      tpu.vector_store %arg8[%swap3A_244, %swap3A_245], %swap3A_248 {strides = array<i32>} : memref<64x256xf32, #tpu.memory_space<vmem>>, vector<1x16xf32>,
      %get3A_249 = arith.index_cast %add3A_152 : i32 to index
      %get3A_250 = arith.constant 112 : index
      %get3A_251 = tpu.vector_load %arg8[%get3A_249, %get3A_250] {strides = array<i32>} : memref<64x256xf32, #tpu.memory_space<vmem>>, vector<1x16xf32>,
      %get3A_252 = vector.shape_cast %get3A_251 : vector<1x16xf32> to vector<16xf32>
      %get3A_253 = arith.index_cast %add3A_152 : i32 to index
      %get3A_254 = arith.constant 112 : index
      %get3A_255 = tpu.vector_load %arg10[%get3A_253, %get3A_254] {strides = array<i32>} : memref<64x256xf32, #tpu.memory_space<vmem>>, vector<1x16xf32>,
      %get3A_256 = vector.shape_cast %get3A_255 : vector<1x16xf32> to vector<16xf32>
      %add3A_257 = arith.addf %get3A_252, %get3A_256 : vector<16xf32>
      %swap3A_258 = arith.index_cast %add3A_152 : i32 to index
      %swap3A_259 = arith.constant 112 : index
      %swap3A_260 = tpu.vector_load %arg8[%swap3A_258, %swap3A_259] {strides = array<i32>} : memref<64x256xf32, #tpu.memory_space<vmem>>, vector<1x16xf32>,
      %swap3A_261 = vector.shape_cast %swap3A_260 : vector<1x16xf32> to vector<16xf32>
      %swap3A_262 = vector.shape_cast %add3A_257 : vector<16xf32> to vector<1x16xf32>
      tpu.vector_store %arg8[%swap3A_258, %swap3A_259], %swap3A_262 {strides = array<i32>} : memref<64x256xf32, #tpu.memory_space<vmem>>, vector<1x16xf32>,
      %get3A_263 = arith.index_cast %add3A_152 : i32 to index
      %get3A_264 = arith.constant 128 : index
      %get3A_265 = tpu.vector_load %arg8[%get3A_263, %get3A_264] {strides = array<i32>} : memref<64x256xf32, #tpu.memory_space<vmem>>, vector<1x16xf32>,
      %get3A_266 = vector.shape_cast %get3A_265 : vector<1x16xf32> to vector<16xf32>
      %get3A_267 = arith.index_cast %add3A_152 : i32 to index
      %get3A_268 = arith.constant 128 : index
      %get3A_269 = tpu.vector_load %arg10[%get3A_267, %get3A_268] {strides = array<i32>} : memref<64x256xf32, #tpu.memory_space<vmem>>, vector<1x16xf32>,
      %get3A_270 = vector.shape_cast %get3A_269 : vector<1x16xf32> to vector<16xf32>
      %add3A_271 = arith.addf %get3A_266, %get3A_270 : vector<16xf32>
      %swap3A_272 = arith.index_cast %add3A_152 : i32 to index
      %swap3A_273 = arith.constant 128 : index
      %swap3A_274 = tpu.vector_load %arg8[%swap3A_272, %swap3A_273] {strides = array<i32>} : memref<64x256xf32, #tpu.memory_space<vmem>>, vector<1x16xf32>,
      %swap3A_275 = vector.shape_cast %swap3A_274 : vector<1x16xf32> to vector<16xf32>
      %swap3A_276 = vector.shape_cast %add3A_271 : vector<16xf32> to vector<1x16xf32>
      tpu.vector_store %arg8[%swap3A_272, %swap3A_273], %swap3A_276 {strides = array<i32>} : memref<64x256xf32, #tpu.memory_space<vmem>>, vector<1x16xf32>,
      %get3A_277 = arith.index_cast %add3A_152 : i32 to index
      %get3A_278 = arith.constant 144 : index
      %get3A_279 = tpu.vector_load %arg8[%get3A_277, %get3A_278] {strides = array<i32>} : memref<64x256xf32, #tpu.memory_space<vmem>>, vector<1x16xf32>,
      %get3A_280 = vector.shape_cast %get3A_279 : vector<1x16xf32> to vector<16xf32>
      %get3A_281 = arith.index_cast %add3A_152 : i32 to index
      %get3A_282 = arith.constant 144 : index
      %get3A_283 = tpu.vector_load %arg10[%get3A_281, %get3A_282] {strides = array<i32>} : memref<64x256xf32, #tpu.memory_space<vmem>>, vector<1x16xf32>,
      %get3A_284 = vector.shape_cast %get3A_283 : vector<1x16xf32> to vector<16xf32>
      %add3A_285 = arith.addf %get3A_280, %get3A_284 : vector<16xf32>
      %swap3A_286 = arith.index_cast %add3A_152 : i32 to index
      %swap3A_287 = arith.constant 144 : index
      %swap3A_288 = tpu.vector_load %arg8[%swap3A_286, %swap3A_287] {strides = array<i32>} : memref<64x256xf32, #tpu.memory_space<vmem>>, vector<1x16xf32>,
      %swap3A_289 = vector.shape_cast %swap3A_288 : vector<1x16xf32> to vector<16xf32>
      %swap3A_290 = vector.shape_cast %add3A_285 : vector<16xf32> to vector<1x16xf32>
      tpu.vector_store %arg8[%swap3A_286, %swap3A_287], %swap3A_290 {strides = array<i32>} : memref<64x256xf32, #tpu.memory_space<vmem>>, vector<1x16xf32>,
      %get3A_291 = arith.index_cast %add3A_152 : i32 to index
      %get3A_292 = arith.constant 160 : index
      %get3A_293 = tpu.vector_load %arg8[%get3A_291, %get3A_292] {strides = array<i32>} : memref<64x256xf32, #tpu.memory_space<vmem>>, vector<1x16xf32>,
      %get3A_294 = vector.shape_cast %get3A_293 : vector<1x16xf32> to vector<16xf32>
      %get3A_295 = arith.index_cast %add3A_152 : i32 to index
      %get3A_296 = arith.constant 160 : index
      %get3A_297 = tpu.vector_load %arg10[%get3A_295, %get3A_296] {strides = array<i32>} : memref<64x256xf32, #tpu.memory_space<vmem>>, vector<1x16xf32>,
      %get3A_298 = vector.shape_cast %get3A_297 : vector<1x16xf32> to vector<16xf32>
      %add3A_299 = arith.addf %get3A_294, %get3A_298 : vector<16xf32>
      %swap3A_300 = arith.index_cast %add3A_152 : i32 to index
      %swap3A_301 = arith.constant 160 : index
      %swap3A_302 = tpu.vector_load %arg8[%swap3A_300, %swap3A_301] {strides = array<i32>} : memref<64x256xf32, #tpu.memory_space<vmem>>, vector<1x16xf32>,
      %swap3A_303 = vector.shape_cast %swap3A_302 : vector<1x16xf32> to vector<16xf32>
      %swap3A_304 = vector.shape_cast %add3A_299 : vector<16xf32> to vector<1x16xf32>
      tpu.vector_store %arg8[%swap3A_300, %swap3A_301], %swap3A_304 {strides = array<i32>} : memref<64x256xf32, #tpu.memory_space<vmem>>, vector<1x16xf32>,
      %get3A_305 = arith.index_cast %add3A_152 : i32 to index
      %get3A_306 = arith.constant 176 : index
      %get3A_307 = tpu.vector_load %arg8[%get3A_305, %get3A_306] {strides = array<i32>} : memref<64x256xf32, #tpu.memory_space<vmem>>, vector<1x16xf32>,
      %get3A_308 = vector.shape_cast %get3A_307 : vector<1x16xf32> to vector<16xf32>
      %get3A_309 = arith.index_cast %add3A_152 : i32 to index
      %get3A_310 = arith.constant 176 : index
      %get3A_311 = tpu.vector_load %arg10[%get3A_309, %get3A_310] {strides = array<i32>} : memref<64x256xf32, #tpu.memory_space<vmem>>, vector<1x16xf32>,
      %get3A_312 = vector.shape_cast %get3A_311 : vector<1x16xf32> to vector<16xf32>
      %add3A_313 = arith.addf %get3A_308, %get3A_312 : vector<16xf32>
      %swap3A_314 = arith.index_cast %add3A_152 : i32 to index
      %swap3A_315 = arith.constant 176 : index
      %swap3A_316 = tpu.vector_load %arg8[%swap3A_314, %swap3A_315] {strides = array<i32>} : memref<64x256xf32, #tpu.memory_space<vmem>>, vector<1x16xf32>,
      %swap3A_317 = vector.shape_cast %swap3A_316 : vector<1x16xf32> to vector<16xf32>
      %swap3A_318 = vector.shape_cast %add3A_313 : vector<16xf32> to vector<1x16xf32>
      tpu.vector_store %arg8[%swap3A_314, %swap3A_315], %swap3A_318 {strides = array<i32>} : memref<64x256xf32, #tpu.memory_space<vmem>>, vector<1x16xf32>,
      %get3A_319 = arith.index_cast %add3A_152 : i32 to index
      %get3A_320 = arith.constant 192 : index
      %get3A_321 = tpu.vector_load %arg8[%get3A_319, %get3A_320] {strides = array<i32>} : memref<64x256xf32, #tpu.memory_space<vmem>>, vector<1x16xf32>,
      %get3A_322 = vector.shape_cast %get3A_321 : vector<1x16xf32> to vector<16xf32>
      %get3A_323 = arith.index_cast %add3A_152 : i32 to index
      %get3A_324 = arith.constant 192 : index
      %get3A_325 = tpu.vector_load %arg10[%get3A_323, %get3A_324] {strides = array<i32>} : memref<64x256xf32, #tpu.memory_space<vmem>>, vector<1x16xf32>,
      %get3A_326 = vector.shape_cast %get3A_325 : vector<1x16xf32> to vector<16xf32>
      %add3A_327 = arith.addf %get3A_322, %get3A_326 : vector<16xf32>
      %swap3A_328 = arith.index_cast %add3A_152 : i32 to index
      %swap3A_329 = arith.constant 192 : index
      %swap3A_330 = tpu.vector_load %arg8[%swap3A_328, %swap3A_329] {strides = array<i32>} : memref<64x256xf32, #tpu.memory_space<vmem>>, vector<1x16xf32>,
      %swap3A_331 = vector.shape_cast %swap3A_330 : vector<1x16xf32> to vector<16xf32>
      %swap3A_332 = vector.shape_cast %add3A_327 : vector<16xf32> to vector<1x16xf32>
      tpu.vector_store %arg8[%swap3A_328, %swap3A_329], %swap3A_332 {strides = array<i32>} : memref<64x256xf32, #tpu.memory_space<vmem>>, vector<1x16xf32>,
      %get3A_333 = arith.index_cast %add3A_152 : i32 to index
      %get3A_334 = arith.constant 208 : index
      %get3A_335 = tpu.vector_load %arg8[%get3A_333, %get3A_334] {strides = array<i32>} : memref<64x256xf32, #tpu.memory_space<vmem>>, vector<1x16xf32>,
      %get3A_336 = vector.shape_cast %get3A_335 : vector<1x16xf32> to vector<16xf32>
      %get3A_337 = arith.index_cast %add3A_152 : i32 to index
      %get3A_338 = arith.constant 208 : index
      %get3A_339 = tpu.vector_load %arg10[%get3A_337, %get3A_338] {strides = array<i32>} : memref<64x256xf32, #tpu.memory_space<vmem>>, vector<1x16xf32>,
      %get3A_340 = vector.shape_cast %get3A_339 : vector<1x16xf32> to vector<16xf32>
      %add3A_341 = arith.addf %get3A_336, %get3A_340 : vector<16xf32>
      %swap3A_342 = arith.index_cast %add3A_152 : i32 to index
      %swap3A_343 = arith.constant 208 : index
      %swap3A_344 = tpu.vector_load %arg8[%swap3A_342, %swap3A_343] {strides = array<i32>} : memref<64x256xf32, #tpu.memory_space<vmem>>, vector<1x16xf32>,
      %swap3A_345 = vector.shape_cast %swap3A_344 : vector<1x16xf32> to vector<16xf32>
      %swap3A_346 = vector.shape_cast %add3A_341 : vector<16xf32> to vector<1x16xf32>
      tpu.vector_store %arg8[%swap3A_342, %swap3A_343], %swap3A_346 {strides = array<i32>} : memref<64x256xf32, #tpu.memory_space<vmem>>, vector<1x16xf32>,
      %get3A_347 = arith.index_cast %add3A_152 : i32 to index
      %get3A_348 = arith.constant 224 : index
      %get3A_349 = tpu.vector_load %arg8[%get3A_347, %get3A_348] {strides = array<i32>} : memref<64x256xf32, #tpu.memory_space<vmem>>, vector<1x16xf32>,
      %get3A_350 = vector.shape_cast %get3A_349 : vector<1x16xf32> to vector<16xf32>
      %get3A_351 = arith.index_cast %add3A_152 : i32 to index
      %get3A_352 = arith.constant 224 : index
      %get3A_353 = tpu.vector_load %arg10[%get3A_351, %get3A_352] {strides = array<i32>} : memref<64x256xf32, #tpu.memory_space<vmem>>, vector<1x16xf32>,
      %get3A_354 = vector.shape_cast %get3A_353 : vector<1x16xf32> to vector<16xf32>
      %add3A_355 = arith.addf %get3A_350, %get3A_354 : vector<16xf32>
      %swap3A_356 = arith.index_cast %add3A_152 : i32 to index
      %swap3A_357 = arith.constant 224 : index
      %swap3A_358 = tpu.vector_load %arg8[%swap3A_356, %swap3A_357] {strides = array<i32>} : memref<64x256xf32, #tpu.memory_space<vmem>>, vector<1x16xf32>,
      %swap3A_359 = vector.shape_cast %swap3A_358 : vector<1x16xf32> to vector<16xf32>
      %swap3A_360 = vector.shape_cast %add3A_355 : vector<16xf32> to vector<1x16xf32>
      tpu.vector_store %arg8[%swap3A_356, %swap3A_357], %swap3A_360 {strides = array<i32>} : memref<64x256xf32, #tpu.memory_space<vmem>>, vector<1x16xf32>,
      %get3A_361 = arith.index_cast %add3A_152 : i32 to index
      %get3A_362 = arith.constant 240 : index
      %get3A_363 = tpu.vector_load %arg8[%get3A_361, %get3A_362] {strides = array<i32>} : memref<64x256xf32, #tpu.memory_space<vmem>>, vector<1x16xf32>,
      %get3A_364 = vector.shape_cast %get3A_363 : vector<1x16xf32> to vector<16xf32>
      %get3A_365 = arith.index_cast %add3A_152 : i32 to index
      %get3A_366 = arith.constant 240 : index
      %get3A_367 = tpu.vector_load %arg10[%get3A_365, %get3A_366] {strides = array<i32>} : memref<64x256xf32, #tpu.memory_space<vmem>>, vector<1x16xf32>,
      %get3A_368 = vector.shape_cast %get3A_367 : vector<1x16xf32> to vector<16xf32>
      %add3A_369 = arith.addf %get3A_364, %get3A_368 : vector<16xf32>
      %swap3A_370 = arith.index_cast %add3A_152 : i32 to index
      %swap3A_371 = arith.constant 240 : index
      %swap3A_372 = tpu.vector_load %arg8[%swap3A_370, %swap3A_371] {strides = array<i32>} : memref<64x256xf32, #tpu.memory_space<vmem>>, vector<1x16xf32>,
      %swap3A_373 = vector.shape_cast %swap3A_372 : vector<1x16xf32> to vector<16xf32>
      %swap3A_374 = vector.shape_cast %add3A_369 : vector<16xf32> to vector<1x16xf32>
      tpu.vector_store %arg8[%swap3A_370, %swap3A_371], %swap3A_374 {strides = array<i32>} : memref<64x256xf32, #tpu.memory_space<vmem>>, vector<1x16xf32>,
    }
    %scan3A_34 = arith.constant 64 : i32
    %add3A_35 = arith.constant 0 : i32
    %add3A_36 = arith.addi %mul3A_2, %add3A_35 : i32
    %dma_start3A_37 = arith.constant 0 : i32
    %dma_start3A_38 = tpu.memref_slice %arg5[%add3A_36, %dma_start3A_37] : memref<8192x256xf32, #tpu.memory_space<hbm>> -> memref<64x256xf32, #tpu.memory_space<hbm>>
    %dma_start3A_39 = arith.constant 0 : i32
    %dma_start3A_40 = tpu.memref_slice %arg5[%add3A_36, %dma_start3A_39] : memref<8192x256xf32, #tpu.memory_space<hbm>> -> memref<64x256xf32, #tpu.memory_space<hbm>>
    tpu.enqueue_dma source(%arg8 : memref<64x256xf32, #tpu.memory_space<vmem>>) target(%dma_start3A_40 : memref<64x256xf32, #tpu.memory_space<hbm>>) target_semaphore(%arg16 : memref<!tpu.dma_semaphore, #tpu.memory_space<semaphore_mem>>)
    %add3A_41 = arith.constant 0 : i32
    %add3A_42 = arith.addi %mul3A_2, %add3A_41 : i32
    %dma_wait3A_43 = arith.constant 0 : i32
    %dma_wait3A_44 = tpu.memref_slice %arg5[%add3A_42, %dma_wait3A_43] : memref<8192x256xf32, #tpu.memory_space<hbm>> -> memref<64x256xf32, #tpu.memory_space<hbm>>
    %dma_wait3A_45 = arith.constant 0 : i32
    %dma_wait3A_46 = tpu.memref_slice %arg5[%add3A_42, %dma_wait3A_45] : memref<8192x256xf32, #tpu.memory_space<hbm>> -> memref<64x256xf32, #tpu.memory_space<hbm>>
    tpu.wait_dma2 semaphore(%arg16 : memref<!tpu.dma_semaphore, #tpu.memory_space<semaphore_mem>>) src(%arg8 : memref<64x256xf32, #tpu.memory_space<vmem>>) dst(%dma_wait3A_46 : memref<64x256xf32, #tpu.memory_space<hbm>>)
    %dma_start3A_47 = arith.constant 128 : i32
    %dma_start3A_48 = tpu.memref_slice %arg6[%dma_start3A_47] : memref<256xi32, #tpu.memory_space<vmem>> -> memref<64xi32, #tpu.memory_space<vmem>>
    %dma_start3A_49 = arith.constant 0 : i32
    %dma_start3A_50 = arith.constant 0 : i32
    %dma_start3A_51 = tpu.memref_slice %arg2[%dma_start3A_49, %dma_start3A_50] : memref<18432x256xf32, #tpu.memory_space<hbm>> -> memref<18432x256xf32, #tpu.memory_space<hbm>>
    tpu.enqueue_indirect_dma source(%dma_start3A_51 : memref<18432x256xf32, #tpu.memory_space<hbm>>) target(%arg8 : memref<64x256xf32, #tpu.memory_space<vmem>>) offsets(%dma_start3A_48 : memref<64xi32, #tpu.memory_space<vmem>>) semaphore(%arg12 : memref<!tpu.dma_semaphore, #tpu.memory_space<semaphore_mem>>)
    %dma_start3A_52 = arith.constant 128 : i32
    %dma_start3A_53 = tpu.memref_slice %arg7[%dma_start3A_52] : memref<256xi32, #tpu.memory_space<vmem>> -> memref<64xi32, #tpu.memory_space<vmem>>
    %dma_start3A_54 = arith.constant 0 : i32
    %dma_start3A_55 = arith.constant 0 : i32
    %dma_start3A_56 = tpu.memref_slice %arg2[%dma_start3A_54, %dma_start3A_55] : memref<18432x256xf32, #tpu.memory_space<hbm>> -> memref<18432x256xf32, #tpu.memory_space<hbm>>
    tpu.enqueue_indirect_dma source(%dma_start3A_56 : memref<18432x256xf32, #tpu.memory_space<hbm>>) target(%arg10 : memref<64x256xf32, #tpu.memory_space<vmem>>) offsets(%dma_start3A_53 : memref<64xi32, #tpu.memory_space<vmem>>) semaphore(%arg14 : memref<!tpu.dma_semaphore, #tpu.memory_space<semaphore_mem>>)
    %dma_wait3A_57 = arith.constant 64 : i32
    %dma_wait3A_58 = tpu.memref_slice %arg6[%dma_wait3A_57] : memref<256xi32, #tpu.memory_space<vmem>> -> memref<64xi32, #tpu.memory_space<vmem>>
    %dma_wait3A_59 = arith.constant 0 : i32
    %dma_wait3A_60 = arith.constant 0 : i32
    %dma_wait3A_61 = tpu.memref_slice %arg2[%dma_wait3A_59, %dma_wait3A_60] : memref<18432x256xf32, #tpu.memory_space<hbm>> -> memref<18432x256xf32, #tpu.memory_space<hbm>>
    tpu.wait_indirect_dma semaphore(%arg13 : memref<!tpu.dma_semaphore, #tpu.memory_space<semaphore_mem>>) src(%dma_wait3A_61 : memref<18432x256xf32, #tpu.memory_space<hbm>>) dst(%arg9 : memref<64x256xf32, #tpu.memory_space<vmem>>)
    %dma_wait3A_62 = arith.constant 64 : i32
    %dma_wait3A_63 = tpu.memref_slice %arg7[%dma_wait3A_62] : memref<256xi32, #tpu.memory_space<vmem>> -> memref<64xi32, #tpu.memory_space<vmem>>
    %dma_wait3A_64 = arith.constant 0 : i32
    %dma_wait3A_65 = arith.constant 0 : i32
    %dma_wait3A_66 = tpu.memref_slice %arg2[%dma_wait3A_64, %dma_wait3A_65] : memref<18432x256xf32, #tpu.memory_space<hbm>> -> memref<18432x256xf32, #tpu.memory_space<hbm>>
    tpu.wait_indirect_dma semaphore(%arg15 : memref<!tpu.dma_semaphore, #tpu.memory_space<semaphore_mem>>) src(%dma_wait3A_66 : memref<18432x256xf32, #tpu.memory_space<hbm>>) dst(%arg11 : memref<64x256xf32, #tpu.memory_space<vmem>>)
    %scan3A_67 = arith.constant 0 : i32
    %scan3A_68 = arith.constant 64 : i32
    %scan3A_69 = arith.addi %scan3A_67, %scan3A_68 : i32
    %scan3A_70 = arith.constant 1 : i32
    scf.for %scan3A_148 = %scan3A_67 to %scan3A_69 step %scan3A_70  : i32 {
      %mul3A_149 = arith.constant 1 : i32
      %mul3A_150 = arith.muli %scan3A_148, %mul3A_149 : i32
      %add3A_151 = arith.constant 0 : i32
      %add3A_152 = arith.addi %add3A_151, %mul3A_150 : i32
      %get3A = arith.index_cast %add3A_152 : i32 to index
      %get3A_153 = arith.constant 0 : index
      %get3A_154 = tpu.vector_load %arg9[%get3A, %get3A_153] {strides = array<i32>} : memref<64x256xf32, #tpu.memory_space<vmem>>, vector<1x16xf32>,
      %get3A_155 = vector.shape_cast %get3A_154 : vector<1x16xf32> to vector<16xf32>
      %get3A_156 = arith.index_cast %add3A_152 : i32 to index
      %get3A_157 = arith.constant 0 : index
      %get3A_158 = tpu.vector_load %arg11[%get3A_156, %get3A_157] {strides = array<i32>} : memref<64x256xf32, #tpu.memory_space<vmem>>, vector<1x16xf32>,
      %get3A_159 = vector.shape_cast %get3A_158 : vector<1x16xf32> to vector<16xf32>
      %add3A_160 = arith.addf %get3A_155, %get3A_159 : vector<16xf32>
      %swap3A = arith.index_cast %add3A_152 : i32 to index
      %swap3A_161 = arith.constant 0 : index
      %swap3A_162 = tpu.vector_load %arg9[%swap3A, %swap3A_161] {strides = array<i32>} : memref<64x256xf32, #tpu.memory_space<vmem>>, vector<1x16xf32>,
      %swap3A_163 = vector.shape_cast %swap3A_162 : vector<1x16xf32> to vector<16xf32>
      %swap3A_164 = vector.shape_cast %add3A_160 : vector<16xf32> to vector<1x16xf32>
      tpu.vector_store %arg9[%swap3A, %swap3A_161], %swap3A_164 {strides = array<i32>} : memref<64x256xf32, #tpu.memory_space<vmem>>, vector<1x16xf32>,
      %get3A_165 = arith.index_cast %add3A_152 : i32 to index
      %get3A_166 = arith.constant 16 : index
      %get3A_167 = tpu.vector_load %arg9[%get3A_165, %get3A_166] {strides = array<i32>} : memref<64x256xf32, #tpu.memory_space<vmem>>, vector<1x16xf32>,
      %get3A_168 = vector.shape_cast %get3A_167 : vector<1x16xf32> to vector<16xf32>
      %get3A_169 = arith.index_cast %add3A_152 : i32 to index
      %get3A_170 = arith.constant 16 : index
      %get3A_171 = tpu.vector_load %arg11[%get3A_169, %get3A_170] {strides = array<i32>} : memref<64x256xf32, #tpu.memory_space<vmem>>, vector<1x16xf32>,
      %get3A_172 = vector.shape_cast %get3A_171 : vector<1x16xf32> to vector<16xf32>
      %add3A_173 = arith.addf %get3A_168, %get3A_172 : vector<16xf32>
      %swap3A_174 = arith.index_cast %add3A_152 : i32 to index
      %swap3A_175 = arith.constant 16 : index
      %swap3A_176 = tpu.vector_load %arg9[%swap3A_174, %swap3A_175] {strides = array<i32>} : memref<64x256xf32, #tpu.memory_space<vmem>>, vector<1x16xf32>,
      %swap3A_177 = vector.shape_cast %swap3A_176 : vector<1x16xf32> to vector<16xf32>
      %swap3A_178 = vector.shape_cast %add3A_173 : vector<16xf32> to vector<1x16xf32>
      tpu.vector_store %arg9[%swap3A_174, %swap3A_175], %swap3A_178 {strides = array<i32>} : memref<64x256xf32, #tpu.memory_space<vmem>>, vector<1x16xf32>,
      %get3A_179 = arith.index_cast %add3A_152 : i32 to index
      %get3A_180 = arith.constant 32 : index
      %get3A_181 = tpu.vector_load %arg9[%get3A_179, %get3A_180] {strides = array<i32>} : memref<64x256xf32, #tpu.memory_space<vmem>>, vector<1x16xf32>,
      %get3A_182 = vector.shape_cast %get3A_181 : vector<1x16xf32> to vector<16xf32>
      %get3A_183 = arith.index_cast %add3A_152 : i32 to index
      %get3A_184 = arith.constant 32 : index
      %get3A_185 = tpu.vector_load %arg11[%get3A_183, %get3A_184] {strides = array<i32>} : memref<64x256xf32, #tpu.memory_space<vmem>>, vector<1x16xf32>,
      %get3A_186 = vector.shape_cast %get3A_185 : vector<1x16xf32> to vector<16xf32>
      %add3A_187 = arith.addf %get3A_182, %get3A_186 : vector<16xf32>
      %swap3A_188 = arith.index_cast %add3A_152 : i32 to index
      %swap3A_189 = arith.constant 32 : index
      %swap3A_190 = tpu.vector_load %arg9[%swap3A_188, %swap3A_189] {strides = array<i32>} : memref<64x256xf32, #tpu.memory_space<vmem>>, vector<1x16xf32>,
      %swap3A_191 = vector.shape_cast %swap3A_190 : vector<1x16xf32> to vector<16xf32>
      %swap3A_192 = vector.shape_cast %add3A_187 : vector<16xf32> to vector<1x16xf32>
      tpu.vector_store %arg9[%swap3A_188, %swap3A_189], %swap3A_192 {strides = array<i32>} : memref<64x256xf32, #tpu.memory_space<vmem>>, vector<1x16xf32>,
      %get3A_193 = arith.index_cast %add3A_152 : i32 to index
      %get3A_194 = arith.constant 48 : index
      %get3A_195 = tpu.vector_load %arg9[%get3A_193, %get3A_194] {strides = array<i32>} : memref<64x256xf32, #tpu.memory_space<vmem>>, vector<1x16xf32>,
      %get3A_196 = vector.shape_cast %get3A_195 : vector<1x16xf32> to vector<16xf32>
      %get3A_197 = arith.index_cast %add3A_152 : i32 to index
      %get3A_198 = arith.constant 48 : index
      %get3A_199 = tpu.vector_load %arg11[%get3A_197, %get3A_198] {strides = array<i32>} : memref<64x256xf32, #tpu.memory_space<vmem>>, vector<1x16xf32>,
      %get3A_200 = vector.shape_cast %get3A_199 : vector<1x16xf32> to vector<16xf32>
      %add3A_201 = arith.addf %get3A_196, %get3A_200 : vector<16xf32>
      %swap3A_202 = arith.index_cast %add3A_152 : i32 to index
      %swap3A_203 = arith.constant 48 : index
      %swap3A_204 = tpu.vector_load %arg9[%swap3A_202, %swap3A_203] {strides = array<i32>} : memref<64x256xf32, #tpu.memory_space<vmem>>, vector<1x16xf32>,
      %swap3A_205 = vector.shape_cast %swap3A_204 : vector<1x16xf32> to vector<16xf32>
      %swap3A_206 = vector.shape_cast %add3A_201 : vector<16xf32> to vector<1x16xf32>
      tpu.vector_store %arg9[%swap3A_202, %swap3A_203], %swap3A_206 {strides = array<i32>} : memref<64x256xf32, #tpu.memory_space<vmem>>, vector<1x16xf32>,
      %get3A_207 = arith.index_cast %add3A_152 : i32 to index
      %get3A_208 = arith.constant 64 : index
      %get3A_209 = tpu.vector_load %arg9[%get3A_207, %get3A_208] {strides = array<i32>} : memref<64x256xf32, #tpu.memory_space<vmem>>, vector<1x16xf32>,
      %get3A_210 = vector.shape_cast %get3A_209 : vector<1x16xf32> to vector<16xf32>
      %get3A_211 = arith.index_cast %add3A_152 : i32 to index
      %get3A_212 = arith.constant 64 : index
      %get3A_213 = tpu.vector_load %arg11[%get3A_211, %get3A_212] {strides = array<i32>} : memref<64x256xf32, #tpu.memory_space<vmem>>, vector<1x16xf32>,
      %get3A_214 = vector.shape_cast %get3A_213 : vector<1x16xf32> to vector<16xf32>
      %add3A_215 = arith.addf %get3A_210, %get3A_214 : vector<16xf32>
      %swap3A_216 = arith.index_cast %add3A_152 : i32 to index
      %swap3A_217 = arith.constant 64 : index
      %swap3A_218 = tpu.vector_load %arg9[%swap3A_216, %swap3A_217] {strides = array<i32>} : memref<64x256xf32, #tpu.memory_space<vmem>>, vector<1x16xf32>,
      %swap3A_219 = vector.shape_cast %swap3A_218 : vector<1x16xf32> to vector<16xf32>
      %swap3A_220 = vector.shape_cast %add3A_215 : vector<16xf32> to vector<1x16xf32>
      tpu.vector_store %arg9[%swap3A_216, %swap3A_217], %swap3A_220 {strides = array<i32>} : memref<64x256xf32, #tpu.memory_space<vmem>>, vector<1x16xf32>,
      %get3A_221 = arith.index_cast %add3A_152 : i32 to index
      %get3A_222 = arith.constant 80 : index
      %get3A_223 = tpu.vector_load %arg9[%get3A_221, %get3A_222] {strides = array<i32>} : memref<64x256xf32, #tpu.memory_space<vmem>>, vector<1x16xf32>,
      %get3A_224 = vector.shape_cast %get3A_223 : vector<1x16xf32> to vector<16xf32>
      %get3A_225 = arith.index_cast %add3A_152 : i32 to index
      %get3A_226 = arith.constant 80 : index
      %get3A_227 = tpu.vector_load %arg11[%get3A_225, %get3A_226] {strides = array<i32>} : memref<64x256xf32, #tpu.memory_space<vmem>>, vector<1x16xf32>,
      %get3A_228 = vector.shape_cast %get3A_227 : vector<1x16xf32> to vector<16xf32>
      %add3A_229 = arith.addf %get3A_224, %get3A_228 : vector<16xf32>
      %swap3A_230 = arith.index_cast %add3A_152 : i32 to index
      %swap3A_231 = arith.constant 80 : index
      %swap3A_232 = tpu.vector_load %arg9[%swap3A_230, %swap3A_231] {strides = array<i32>} : memref<64x256xf32, #tpu.memory_space<vmem>>, vector<1x16xf32>,
      %swap3A_233 = vector.shape_cast %swap3A_232 : vector<1x16xf32> to vector<16xf32>
      %swap3A_234 = vector.shape_cast %add3A_229 : vector<16xf32> to vector<1x16xf32>
      tpu.vector_store %arg9[%swap3A_230, %swap3A_231], %swap3A_234 {strides = array<i32>} : memref<64x256xf32, #tpu.memory_space<vmem>>, vector<1x16xf32>,
      %get3A_235 = arith.index_cast %add3A_152 : i32 to index
      %get3A_236 = arith.constant 96 : index
      %get3A_237 = tpu.vector_load %arg9[%get3A_235, %get3A_236] {strides = array<i32>} : memref<64x256xf32, #tpu.memory_space<vmem>>, vector<1x16xf32>,
      %get3A_238 = vector.shape_cast %get3A_237 : vector<1x16xf32> to vector<16xf32>
      %get3A_239 = arith.index_cast %add3A_152 : i32 to index
      %get3A_240 = arith.constant 96 : index
      %get3A_241 = tpu.vector_load %arg11[%get3A_239, %get3A_240] {strides = array<i32>} : memref<64x256xf32, #tpu.memory_space<vmem>>, vector<1x16xf32>,
      %get3A_242 = vector.shape_cast %get3A_241 : vector<1x16xf32> to vector<16xf32>
      %add3A_243 = arith.addf %get3A_238, %get3A_242 : vector<16xf32>
      %swap3A_244 = arith.index_cast %add3A_152 : i32 to index
      %swap3A_245 = arith.constant 96 : index
      %swap3A_246 = tpu.vector_load %arg9[%swap3A_244, %swap3A_245] {strides = array<i32>} : memref<64x256xf32, #tpu.memory_space<vmem>>, vector<1x16xf32>,
      %swap3A_247 = vector.shape_cast %swap3A_246 : vector<1x16xf32> to vector<16xf32>
      %swap3A_248 = vector.shape_cast %add3A_243 : vector<16xf32> to vector<1x16xf32>
      tpu.vector_store %arg9[%swap3A_244, %swap3A_245], %swap3A_248 {strides = array<i32>} : memref<64x256xf32, #tpu.memory_space<vmem>>, vector<1x16xf32>,
      %get3A_249 = arith.index_cast %add3A_152 : i32 to index
      %get3A_250 = arith.constant 112 : index
      %get3A_251 = tpu.vector_load %arg9[%get3A_249, %get3A_250] {strides = array<i32>} : memref<64x256xf32, #tpu.memory_space<vmem>>, vector<1x16xf32>,
      %get3A_252 = vector.shape_cast %get3A_251 : vector<1x16xf32> to vector<16xf32>
      %get3A_253 = arith.index_cast %add3A_152 : i32 to index
      %get3A_254 = arith.constant 112 : index
      %get3A_255 = tpu.vector_load %arg11[%get3A_253, %get3A_254] {strides = array<i32>} : memref<64x256xf32, #tpu.memory_space<vmem>>, vector<1x16xf32>,
      %get3A_256 = vector.shape_cast %get3A_255 : vector<1x16xf32> to vector<16xf32>
      %add3A_257 = arith.addf %get3A_252, %get3A_256 : vector<16xf32>
      %swap3A_258 = arith.index_cast %add3A_152 : i32 to index
      %swap3A_259 = arith.constant 112 : index
      %swap3A_260 = tpu.vector_load %arg9[%swap3A_258, %swap3A_259] {strides = array<i32>} : memref<64x256xf32, #tpu.memory_space<vmem>>, vector<1x16xf32>,
      %swap3A_261 = vector.shape_cast %swap3A_260 : vector<1x16xf32> to vector<16xf32>
      %swap3A_262 = vector.shape_cast %add3A_257 : vector<16xf32> to vector<1x16xf32>
      tpu.vector_store %arg9[%swap3A_258, %swap3A_259], %swap3A_262 {strides = array<i32>} : memref<64x256xf32, #tpu.memory_space<vmem>>, vector<1x16xf32>,
      %get3A_263 = arith.index_cast %add3A_152 : i32 to index
      %get3A_264 = arith.constant 128 : index
      %get3A_265 = tpu.vector_load %arg9[%get3A_263, %get3A_264] {strides = array<i32>} : memref<64x256xf32, #tpu.memory_space<vmem>>, vector<1x16xf32>,
      %get3A_266 = vector.shape_cast %get3A_265 : vector<1x16xf32> to vector<16xf32>
      %get3A_267 = arith.index_cast %add3A_152 : i32 to index
      %get3A_268 = arith.constant 128 : index
      %get3A_269 = tpu.vector_load %arg11[%get3A_267, %get3A_268] {strides = array<i32>} : memref<64x256xf32, #tpu.memory_space<vmem>>, vector<1x16xf32>,
      %get3A_270 = vector.shape_cast %get3A_269 : vector<1x16xf32> to vector<16xf32>
      %add3A_271 = arith.addf %get3A_266, %get3A_270 : vector<16xf32>
      %swap3A_272 = arith.index_cast %add3A_152 : i32 to index
      %swap3A_273 = arith.constant 128 : index
      %swap3A_274 = tpu.vector_load %arg9[%swap3A_272, %swap3A_273] {strides = array<i32>} : memref<64x256xf32, #tpu.memory_space<vmem>>, vector<1x16xf32>,
      %swap3A_275 = vector.shape_cast %swap3A_274 : vector<1x16xf32> to vector<16xf32>
      %swap3A_276 = vector.shape_cast %add3A_271 : vector<16xf32> to vector<1x16xf32>
      tpu.vector_store %arg9[%swap3A_272, %swap3A_273], %swap3A_276 {strides = array<i32>} : memref<64x256xf32, #tpu.memory_space<vmem>>, vector<1x16xf32>,
      %get3A_277 = arith.index_cast %add3A_152 : i32 to index
      %get3A_278 = arith.constant 144 : index
      %get3A_279 = tpu.vector_load %arg9[%get3A_277, %get3A_278] {strides = array<i32>} : memref<64x256xf32, #tpu.memory_space<vmem>>, vector<1x16xf32>,
      %get3A_280 = vector.shape_cast %get3A_279 : vector<1x16xf32> to vector<16xf32>
      %get3A_281 = arith.index_cast %add3A_152 : i32 to index
      %get3A_282 = arith.constant 144 : index
      %get3A_283 = tpu.vector_load %arg11[%get3A_281, %get3A_282] {strides = array<i32>} : memref<64x256xf32, #tpu.memory_space<vmem>>, vector<1x16xf32>,
      %get3A_284 = vector.shape_cast %get3A_283 : vector<1x16xf32> to vector<16xf32>
      %add3A_285 = arith.addf %get3A_280, %get3A_284 : vector<16xf32>
      %swap3A_286 = arith.index_cast %add3A_152 : i32 to index
      %swap3A_287 = arith.constant 144 : index
      %swap3A_288 = tpu.vector_load %arg9[%swap3A_286, %swap3A_287] {strides = array<i32>} : memref<64x256xf32, #tpu.memory_space<vmem>>, vector<1x16xf32>,
      %swap3A_289 = vector.shape_cast %swap3A_288 : vector<1x16xf32> to vector<16xf32>
      %swap3A_290 = vector.shape_cast %add3A_285 : vector<16xf32> to vector<1x16xf32>
      tpu.vector_store %arg9[%swap3A_286, %swap3A_287], %swap3A_290 {strides = array<i32>} : memref<64x256xf32, #tpu.memory_space<vmem>>, vector<1x16xf32>,
      %get3A_291 = arith.index_cast %add3A_152 : i32 to index
      %get3A_292 = arith.constant 160 : index
      %get3A_293 = tpu.vector_load %arg9[%get3A_291, %get3A_292] {strides = array<i32>} : memref<64x256xf32, #tpu.memory_space<vmem>>, vector<1x16xf32>,
      %get3A_294 = vector.shape_cast %get3A_293 : vector<1x16xf32> to vector<16xf32>
      %get3A_295 = arith.index_cast %add3A_152 : i32 to index
      %get3A_296 = arith.constant 160 : index
      %get3A_297 = tpu.vector_load %arg11[%get3A_295, %get3A_296] {strides = array<i32>} : memref<64x256xf32, #tpu.memory_space<vmem>>, vector<1x16xf32>,
      %get3A_298 = vector.shape_cast %get3A_297 : vector<1x16xf32> to vector<16xf32>
      %add3A_299 = arith.addf %get3A_294, %get3A_298 : vector<16xf32>
      %swap3A_300 = arith.index_cast %add3A_152 : i32 to index
      %swap3A_301 = arith.constant 160 : index
      %swap3A_302 = tpu.vector_load %arg9[%swap3A_300, %swap3A_301] {strides = array<i32>} : memref<64x256xf32, #tpu.memory_space<vmem>>, vector<1x16xf32>,
      %swap3A_303 = vector.shape_cast %swap3A_302 : vector<1x16xf32> to vector<16xf32>
      %swap3A_304 = vector.shape_cast %add3A_299 : vector<16xf32> to vector<1x16xf32>
      tpu.vector_store %arg9[%swap3A_300, %swap3A_301], %swap3A_304 {strides = array<i32>} : memref<64x256xf32, #tpu.memory_space<vmem>>, vector<1x16xf32>,
      %get3A_305 = arith.index_cast %add3A_152 : i32 to index
      %get3A_306 = arith.constant 176 : index
      %get3A_307 = tpu.vector_load %arg9[%get3A_305, %get3A_306] {strides = array<i32>} : memref<64x256xf32, #tpu.memory_space<vmem>>, vector<1x16xf32>,
      %get3A_308 = vector.shape_cast %get3A_307 : vector<1x16xf32> to vector<16xf32>
      %get3A_309 = arith.index_cast %add3A_152 : i32 to index
      %get3A_310 = arith.constant 176 : index
      %get3A_311 = tpu.vector_load %arg11[%get3A_309, %get3A_310] {strides = array<i32>} : memref<64x256xf32, #tpu.memory_space<vmem>>, vector<1x16xf32>,
      %get3A_312 = vector.shape_cast %get3A_311 : vector<1x16xf32> to vector<16xf32>
      %add3A_313 = arith.addf %get3A_308, %get3A_312 : vector<16xf32>
      %swap3A_314 = arith.index_cast %add3A_152 : i32 to index
      %swap3A_315 = arith.constant 176 : index
      %swap3A_316 = tpu.vector_load %arg9[%swap3A_314, %swap3A_315] {strides = array<i32>} : memref<64x256xf32, #tpu.memory_space<vmem>>, vector<1x16xf32>,
      %swap3A_317 = vector.shape_cast %swap3A_316 : vector<1x16xf32> to vector<16xf32>
      %swap3A_318 = vector.shape_cast %add3A_313 : vector<16xf32> to vector<1x16xf32>
      tpu.vector_store %arg9[%swap3A_314, %swap3A_315], %swap3A_318 {strides = array<i32>} : memref<64x256xf32, #tpu.memory_space<vmem>>, vector<1x16xf32>,
      %get3A_319 = arith.index_cast %add3A_152 : i32 to index
      %get3A_320 = arith.constant 192 : index
      %get3A_321 = tpu.vector_load %arg9[%get3A_319, %get3A_320] {strides = array<i32>} : memref<64x256xf32, #tpu.memory_space<vmem>>, vector<1x16xf32>,
      %get3A_322 = vector.shape_cast %get3A_321 : vector<1x16xf32> to vector<16xf32>
      %get3A_323 = arith.index_cast %add3A_152 : i32 to index
      %get3A_324 = arith.constant 192 : index
      %get3A_325 = tpu.vector_load %arg11[%get3A_323, %get3A_324] {strides = array<i32>} : memref<64x256xf32, #tpu.memory_space<vmem>>, vector<1x16xf32>,
      %get3A_326 = vector.shape_cast %get3A_325 : vector<1x16xf32> to vector<16xf32>
      %add3A_327 = arith.addf %get3A_322, %get3A_326 : vector<16xf32>
      %swap3A_328 = arith.index_cast %add3A_152 : i32 to index
      %swap3A_329 = arith.constant 192 : index
      %swap3A_330 = tpu.vector_load %arg9[%swap3A_328, %swap3A_329] {strides = array<i32>} : memref<64x256xf32, #tpu.memory_space<vmem>>, vector<1x16xf32>,
      %swap3A_331 = vector.shape_cast %swap3A_330 : vector<1x16xf32> to vector<16xf32>
      %swap3A_332 = vector.shape_cast %add3A_327 : vector<16xf32> to vector<1x16xf32>
      tpu.vector_store %arg9[%swap3A_328, %swap3A_329], %swap3A_332 {strides = array<i32>} : memref<64x256xf32, #tpu.memory_space<vmem>>, vector<1x16xf32>,
      %get3A_333 = arith.index_cast %add3A_152 : i32 to index
      %get3A_334 = arith.constant 208 : index
      %get3A_335 = tpu.vector_load %arg9[%get3A_333, %get3A_334] {strides = array<i32>} : memref<64x256xf32, #tpu.memory_space<vmem>>, vector<1x16xf32>,
      %get3A_336 = vector.shape_cast %get3A_335 : vector<1x16xf32> to vector<16xf32>
      %get3A_337 = arith.index_cast %add3A_152 : i32 to index
      %get3A_338 = arith.constant 208 : index
      %get3A_339 = tpu.vector_load %arg11[%get3A_337, %get3A_338] {strides = array<i32>} : memref<64x256xf32, #tpu.memory_space<vmem>>, vector<1x16xf32>,
      %get3A_340 = vector.shape_cast %get3A_339 : vector<1x16xf32> to vector<16xf32>
      %add3A_341 = arith.addf %get3A_336, %get3A_340 : vector<16xf32>
      %swap3A_342 = arith.index_cast %add3A_152 : i32 to index
      %swap3A_343 = arith.constant 208 : index
      %swap3A_344 = tpu.vector_load %arg9[%swap3A_342, %swap3A_343] {strides = array<i32>} : memref<64x256xf32, #tpu.memory_space<vmem>>, vector<1x16xf32>,
      %swap3A_345 = vector.shape_cast %swap3A_344 : vector<1x16xf32> to vector<16xf32>
      %swap3A_346 = vector.shape_cast %add3A_341 : vector<16xf32> to vector<1x16xf32>
      tpu.vector_store %arg9[%swap3A_342, %swap3A_343], %swap3A_346 {strides = array<i32>} : memref<64x256xf32, #tpu.memory_space<vmem>>, vector<1x16xf32>,
      %get3A_347 = arith.index_cast %add3A_152 : i32 to index
      %get3A_348 = arith.constant 224 : index
      %get3A_349 = tpu.vector_load %arg9[%get3A_347, %get3A_348] {strides = array<i32>} : memref<64x256xf32, #tpu.memory_space<vmem>>, vector<1x16xf32>,
      %get3A_350 = vector.shape_cast %get3A_349 : vector<1x16xf32> to vector<16xf32>
      %get3A_351 = arith.index_cast %add3A_152 : i32 to index
      %get3A_352 = arith.constant 224 : index
      %get3A_353 = tpu.vector_load %arg11[%get3A_351, %get3A_352] {strides = array<i32>} : memref<64x256xf32, #tpu.memory_space<vmem>>, vector<1x16xf32>,
      %get3A_354 = vector.shape_cast %get3A_353 : vector<1x16xf32> to vector<16xf32>
      %add3A_355 = arith.addf %get3A_350, %get3A_354 : vector<16xf32>
      %swap3A_356 = arith.index_cast %add3A_152 : i32 to index
      %swap3A_357 = arith.constant 224 : index
      %swap3A_358 = tpu.vector_load %arg9[%swap3A_356, %swap3A_357] {strides = array<i32>} : memref<64x256xf32, #tpu.memory_space<vmem>>, vector<1x16xf32>,
      %swap3A_359 = vector.shape_cast %swap3A_358 : vector<1x16xf32> to vector<16xf32>
      %swap3A_360 = vector.shape_cast %add3A_355 : vector<16xf32> to vector<1x16xf32>
      tpu.vector_store %arg9[%swap3A_356, %swap3A_357], %swap3A_360 {strides = array<i32>} : memref<64x256xf32, #tpu.memory_space<vmem>>, vector<1x16xf32>,
      %get3A_361 = arith.index_cast %add3A_152 : i32 to index
      %get3A_362 = arith.constant 240 : index
      %get3A_363 = tpu.vector_load %arg9[%get3A_361, %get3A_362] {strides = array<i32>} : memref<64x256xf32, #tpu.memory_space<vmem>>, vector<1x16xf32>,
      %get3A_364 = vector.shape_cast %get3A_363 : vector<1x16xf32> to vector<16xf32>
      %get3A_365 = arith.index_cast %add3A_152 : i32 to index
      %get3A_366 = arith.constant 240 : index
      %get3A_367 = tpu.vector_load %arg11[%get3A_365, %get3A_366] {strides = array<i32>} : memref<64x256xf32, #tpu.memory_space<vmem>>, vector<1x16xf32>,
      %get3A_368 = vector.shape_cast %get3A_367 : vector<1x16xf32> to vector<16xf32>
      %add3A_369 = arith.addf %get3A_364, %get3A_368 : vector<16xf32>
      %swap3A_370 = arith.index_cast %add3A_152 : i32 to index
      %swap3A_371 = arith.constant 240 : index
      %swap3A_372 = tpu.vector_load %arg9[%swap3A_370, %swap3A_371] {strides = array<i32>} : memref<64x256xf32, #tpu.memory_space<vmem>>, vector<1x16xf32>,
      %swap3A_373 = vector.shape_cast %swap3A_372 : vector<1x16xf32> to vector<16xf32>
      %swap3A_374 = vector.shape_cast %add3A_369 : vector<16xf32> to vector<1x16xf32>
      tpu.vector_store %arg9[%swap3A_370, %swap3A_371], %swap3A_374 {strides = array<i32>} : memref<64x256xf32, #tpu.memory_space<vmem>>, vector<1x16xf32>,
    }
    %scan3A_71 = arith.constant 64 : i32
    %add3A_72 = arith.constant 64 : i32
    %add3A_73 = arith.addi %mul3A_2, %add3A_72 : i32
    %dma_start3A_74 = arith.constant 0 : i32
    %dma_start3A_75 = tpu.memref_slice %arg5[%add3A_73, %dma_start3A_74] : memref<8192x256xf32, #tpu.memory_space<hbm>> -> memref<64x256xf32, #tpu.memory_space<hbm>>
    %dma_start3A_76 = arith.constant 0 : i32
    %dma_start3A_77 = tpu.memref_slice %arg5[%add3A_73, %dma_start3A_76] : memref<8192x256xf32, #tpu.memory_space<hbm>> -> memref<64x256xf32, #tpu.memory_space<hbm>>
    tpu.enqueue_dma source(%arg9 : memref<64x256xf32, #tpu.memory_space<vmem>>) target(%dma_start3A_77 : memref<64x256xf32, #tpu.memory_space<hbm>>) target_semaphore(%arg17 : memref<!tpu.dma_semaphore, #tpu.memory_space<semaphore_mem>>)
    %add3A_78 = arith.constant 64 : i32
    %add3A_79 = arith.addi %mul3A_2, %add3A_78 : i32
    %dma_wait3A_80 = arith.constant 0 : i32
    %dma_wait3A_81 = tpu.memref_slice %arg5[%add3A_79, %dma_wait3A_80] : memref<8192x256xf32, #tpu.memory_space<hbm>> -> memref<64x256xf32, #tpu.memory_space<hbm>>
    %dma_wait3A_82 = arith.constant 0 : i32
    %dma_wait3A_83 = tpu.memref_slice %arg5[%add3A_79, %dma_wait3A_82] : memref<8192x256xf32, #tpu.memory_space<hbm>> -> memref<64x256xf32, #tpu.memory_space<hbm>>
    tpu.wait_dma2 semaphore(%arg17 : memref<!tpu.dma_semaphore, #tpu.memory_space<semaphore_mem>>) src(%arg9 : memref<64x256xf32, #tpu.memory_space<vmem>>) dst(%dma_wait3A_83 : memref<64x256xf32, #tpu.memory_space<hbm>>)
    %dma_start3A_84 = arith.constant 192 : i32
    %dma_start3A_85 = tpu.memref_slice %arg6[%dma_start3A_84] : memref<256xi32, #tpu.memory_space<vmem>> -> memref<64xi32, #tpu.memory_space<vmem>>
    %dma_start3A_86 = arith.constant 0 : i32
    %dma_start3A_87 = arith.constant 0 : i32
    %dma_start3A_88 = tpu.memref_slice %arg2[%dma_start3A_86, %dma_start3A_87] : memref<18432x256xf32, #tpu.memory_space<hbm>> -> memref<18432x256xf32, #tpu.memory_space<hbm>>
    tpu.enqueue_indirect_dma source(%dma_start3A_88 : memref<18432x256xf32, #tpu.memory_space<hbm>>) target(%arg9 : memref<64x256xf32, #tpu.memory_space<vmem>>) offsets(%dma_start3A_85 : memref<64xi32, #tpu.memory_space<vmem>>) semaphore(%arg13 : memref<!tpu.dma_semaphore, #tpu.memory_space<semaphore_mem>>)
    %dma_start3A_89 = arith.constant 192 : i32
    %dma_start3A_90 = tpu.memref_slice %arg7[%dma_start3A_89] : memref<256xi32, #tpu.memory_space<vmem>> -> memref<64xi32, #tpu.memory_space<vmem>>
    %dma_start3A_91 = arith.constant 0 : i32
    %dma_start3A_92 = arith.constant 0 : i32
    %dma_start3A_93 = tpu.memref_slice %arg2[%dma_start3A_91, %dma_start3A_92] : memref<18432x256xf32, #tpu.memory_space<hbm>> -> memref<18432x256xf32, #tpu.memory_space<hbm>>
    tpu.enqueue_indirect_dma source(%dma_start3A_93 : memref<18432x256xf32, #tpu.memory_space<hbm>>) target(%arg11 : memref<64x256xf32, #tpu.memory_space<vmem>>) offsets(%dma_start3A_90 : memref<64xi32, #tpu.memory_space<vmem>>) semaphore(%arg15 : memref<!tpu.dma_semaphore, #tpu.memory_space<semaphore_mem>>)
    %dma_wait3A_94 = arith.constant 128 : i32
    %dma_wait3A_95 = tpu.memref_slice %arg6[%dma_wait3A_94] : memref<256xi32, #tpu.memory_space<vmem>> -> memref<64xi32, #tpu.memory_space<vmem>>
    %dma_wait3A_96 = arith.constant 0 : i32
    %dma_wait3A_97 = arith.constant 0 : i32
    %dma_wait3A_98 = tpu.memref_slice %arg2[%dma_wait3A_96, %dma_wait3A_97] : memref<18432x256xf32, #tpu.memory_space<hbm>> -> memref<18432x256xf32, #tpu.memory_space<hbm>>
    tpu.wait_indirect_dma semaphore(%arg12 : memref<!tpu.dma_semaphore, #tpu.memory_space<semaphore_mem>>) src(%dma_wait3A_98 : memref<18432x256xf32, #tpu.memory_space<hbm>>) dst(%arg8 : memref<64x256xf32, #tpu.memory_space<vmem>>)
    %dma_wait3A_99 = arith.constant 128 : i32
    %dma_wait3A_100 = tpu.memref_slice %arg7[%dma_wait3A_99] : memref<256xi32, #tpu.memory_space<vmem>> -> memref<64xi32, #tpu.memory_space<vmem>>
    %dma_wait3A_101 = arith.constant 0 : i32
    %dma_wait3A_102 = arith.constant 0 : i32
    %dma_wait3A_103 = tpu.memref_slice %arg2[%dma_wait3A_101, %dma_wait3A_102] : memref<18432x256xf32, #tpu.memory_space<hbm>> -> memref<18432x256xf32, #tpu.memory_space<hbm>>
    tpu.wait_indirect_dma semaphore(%arg14 : memref<!tpu.dma_semaphore, #tpu.memory_space<semaphore_mem>>) src(%dma_wait3A_103 : memref<18432x256xf32, #tpu.memory_space<hbm>>) dst(%arg10 : memref<64x256xf32, #tpu.memory_space<vmem>>)
    %scan3A_104 = arith.constant 0 : i32
    %scan3A_105 = arith.constant 64 : i32
    %scan3A_106 = arith.addi %scan3A_104, %scan3A_105 : i32
    %scan3A_107 = arith.constant 1 : i32
    scf.for %scan3A_148 = %scan3A_104 to %scan3A_106 step %scan3A_107  : i32 {
      %mul3A_149 = arith.constant 1 : i32
      %mul3A_150 = arith.muli %scan3A_148, %mul3A_149 : i32
      %add3A_151 = arith.constant 0 : i32
      %add3A_152 = arith.addi %add3A_151, %mul3A_150 : i32
      %get3A = arith.index_cast %add3A_152 : i32 to index
      %get3A_153 = arith.constant 0 : index
      %get3A_154 = tpu.vector_load %arg8[%get3A, %get3A_153] {strides = array<i32>} : memref<64x256xf32, #tpu.memory_space<vmem>>, vector<1x16xf32>,
      %get3A_155 = vector.shape_cast %get3A_154 : vector<1x16xf32> to vector<16xf32>
      %get3A_156 = arith.index_cast %add3A_152 : i32 to index
      %get3A_157 = arith.constant 0 : index
      %get3A_158 = tpu.vector_load %arg10[%get3A_156, %get3A_157] {strides = array<i32>} : memref<64x256xf32, #tpu.memory_space<vmem>>, vector<1x16xf32>,
      %get3A_159 = vector.shape_cast %get3A_158 : vector<1x16xf32> to vector<16xf32>
      %add3A_160 = arith.addf %get3A_155, %get3A_159 : vector<16xf32>
      %swap3A = arith.index_cast %add3A_152 : i32 to index
      %swap3A_161 = arith.constant 0 : index
      %swap3A_162 = tpu.vector_load %arg8[%swap3A, %swap3A_161] {strides = array<i32>} : memref<64x256xf32, #tpu.memory_space<vmem>>, vector<1x16xf32>,
      %swap3A_163 = vector.shape_cast %swap3A_162 : vector<1x16xf32> to vector<16xf32>
      %swap3A_164 = vector.shape_cast %add3A_160 : vector<16xf32> to vector<1x16xf32>
      tpu.vector_store %arg8[%swap3A, %swap3A_161], %swap3A_164 {strides = array<i32>} : memref<64x256xf32, #tpu.memory_space<vmem>>, vector<1x16xf32>,
      %get3A_165 = arith.index_cast %add3A_152 : i32 to index
      %get3A_166 = arith.constant 16 : index
      %get3A_167 = tpu.vector_load %arg8[%get3A_165, %get3A_166] {strides = array<i32>} : memref<64x256xf32, #tpu.memory_space<vmem>>, vector<1x16xf32>,
      %get3A_168 = vector.shape_cast %get3A_167 : vector<1x16xf32> to vector<16xf32>
      %get3A_169 = arith.index_cast %add3A_152 : i32 to index
      %get3A_170 = arith.constant 16 : index
      %get3A_171 = tpu.vector_load %arg10[%get3A_169, %get3A_170] {strides = array<i32>} : memref<64x256xf32, #tpu.memory_space<vmem>>, vector<1x16xf32>,
      %get3A_172 = vector.shape_cast %get3A_171 : vector<1x16xf32> to vector<16xf32>
      %add3A_173 = arith.addf %get3A_168, %get3A_172 : vector<16xf32>
      %swap3A_174 = arith.index_cast %add3A_152 : i32 to index
      %swap3A_175 = arith.constant 16 : index
      %swap3A_176 = tpu.vector_load %arg8[%swap3A_174, %swap3A_175] {strides = array<i32>} : memref<64x256xf32, #tpu.memory_space<vmem>>, vector<1x16xf32>,
      %swap3A_177 = vector.shape_cast %swap3A_176 : vector<1x16xf32> to vector<16xf32>
      %swap3A_178 = vector.shape_cast %add3A_173 : vector<16xf32> to vector<1x16xf32>
      tpu.vector_store %arg8[%swap3A_174, %swap3A_175], %swap3A_178 {strides = array<i32>} : memref<64x256xf32, #tpu.memory_space<vmem>>, vector<1x16xf32>,
      %get3A_179 = arith.index_cast %add3A_152 : i32 to index
      %get3A_180 = arith.constant 32 : index
      %get3A_181 = tpu.vector_load %arg8[%get3A_179, %get3A_180] {strides = array<i32>} : memref<64x256xf32, #tpu.memory_space<vmem>>, vector<1x16xf32>,
      %get3A_182 = vector.shape_cast %get3A_181 : vector<1x16xf32> to vector<16xf32>
      %get3A_183 = arith.index_cast %add3A_152 : i32 to index
      %get3A_184 = arith.constant 32 : index
      %get3A_185 = tpu.vector_load %arg10[%get3A_183, %get3A_184] {strides = array<i32>} : memref<64x256xf32, #tpu.memory_space<vmem>>, vector<1x16xf32>,
      %get3A_186 = vector.shape_cast %get3A_185 : vector<1x16xf32> to vector<16xf32>
      %add3A_187 = arith.addf %get3A_182, %get3A_186 : vector<16xf32>
      %swap3A_188 = arith.index_cast %add3A_152 : i32 to index
      %swap3A_189 = arith.constant 32 : index
      %swap3A_190 = tpu.vector_load %arg8[%swap3A_188, %swap3A_189] {strides = array<i32>} : memref<64x256xf32, #tpu.memory_space<vmem>>, vector<1x16xf32>,
      %swap3A_191 = vector.shape_cast %swap3A_190 : vector<1x16xf32> to vector<16xf32>
      %swap3A_192 = vector.shape_cast %add3A_187 : vector<16xf32> to vector<1x16xf32>
      tpu.vector_store %arg8[%swap3A_188, %swap3A_189], %swap3A_192 {strides = array<i32>} : memref<64x256xf32, #tpu.memory_space<vmem>>, vector<1x16xf32>,
      %get3A_193 = arith.index_cast %add3A_152 : i32 to index
      %get3A_194 = arith.constant 48 : index
      %get3A_195 = tpu.vector_load %arg8[%get3A_193, %get3A_194] {strides = array<i32>} : memref<64x256xf32, #tpu.memory_space<vmem>>, vector<1x16xf32>,
      %get3A_196 = vector.shape_cast %get3A_195 : vector<1x16xf32> to vector<16xf32>
      %get3A_197 = arith.index_cast %add3A_152 : i32 to index
      %get3A_198 = arith.constant 48 : index
      %get3A_199 = tpu.vector_load %arg10[%get3A_197, %get3A_198] {strides = array<i32>} : memref<64x256xf32, #tpu.memory_space<vmem>>, vector<1x16xf32>,
      %get3A_200 = vector.shape_cast %get3A_199 : vector<1x16xf32> to vector<16xf32>
      %add3A_201 = arith.addf %get3A_196, %get3A_200 : vector<16xf32>
      %swap3A_202 = arith.index_cast %add3A_152 : i32 to index
      %swap3A_203 = arith.constant 48 : index
      %swap3A_204 = tpu.vector_load %arg8[%swap3A_202, %swap3A_203] {strides = array<i32>} : memref<64x256xf32, #tpu.memory_space<vmem>>, vector<1x16xf32>,
      %swap3A_205 = vector.shape_cast %swap3A_204 : vector<1x16xf32> to vector<16xf32>
      %swap3A_206 = vector.shape_cast %add3A_201 : vector<16xf32> to vector<1x16xf32>
      tpu.vector_store %arg8[%swap3A_202, %swap3A_203], %swap3A_206 {strides = array<i32>} : memref<64x256xf32, #tpu.memory_space<vmem>>, vector<1x16xf32>,
      %get3A_207 = arith.index_cast %add3A_152 : i32 to index
      %get3A_208 = arith.constant 64 : index
      %get3A_209 = tpu.vector_load %arg8[%get3A_207, %get3A_208] {strides = array<i32>} : memref<64x256xf32, #tpu.memory_space<vmem>>, vector<1x16xf32>,
      %get3A_210 = vector.shape_cast %get3A_209 : vector<1x16xf32> to vector<16xf32>
      %get3A_211 = arith.index_cast %add3A_152 : i32 to index
      %get3A_212 = arith.constant 64 : index
      %get3A_213 = tpu.vector_load %arg10[%get3A_211, %get3A_212] {strides = array<i32>} : memref<64x256xf32, #tpu.memory_space<vmem>>, vector<1x16xf32>,
      %get3A_214 = vector.shape_cast %get3A_213 : vector<1x16xf32> to vector<16xf32>
      %add3A_215 = arith.addf %get3A_210, %get3A_214 : vector<16xf32>
      %swap3A_216 = arith.index_cast %add3A_152 : i32 to index
      %swap3A_217 = arith.constant 64 : index
      %swap3A_218 = tpu.vector_load %arg8[%swap3A_216, %swap3A_217] {strides = array<i32>} : memref<64x256xf32, #tpu.memory_space<vmem>>, vector<1x16xf32>,
      %swap3A_219 = vector.shape_cast %swap3A_218 : vector<1x16xf32> to vector<16xf32>
      %swap3A_220 = vector.shape_cast %add3A_215 : vector<16xf32> to vector<1x16xf32>
      tpu.vector_store %arg8[%swap3A_216, %swap3A_217], %swap3A_220 {strides = array<i32>} : memref<64x256xf32, #tpu.memory_space<vmem>>, vector<1x16xf32>,
      %get3A_221 = arith.index_cast %add3A_152 : i32 to index
      %get3A_222 = arith.constant 80 : index
      %get3A_223 = tpu.vector_load %arg8[%get3A_221, %get3A_222] {strides = array<i32>} : memref<64x256xf32, #tpu.memory_space<vmem>>, vector<1x16xf32>,
      %get3A_224 = vector.shape_cast %get3A_223 : vector<1x16xf32> to vector<16xf32>
      %get3A_225 = arith.index_cast %add3A_152 : i32 to index
      %get3A_226 = arith.constant 80 : index
      %get3A_227 = tpu.vector_load %arg10[%get3A_225, %get3A_226] {strides = array<i32>} : memref<64x256xf32, #tpu.memory_space<vmem>>, vector<1x16xf32>,
      %get3A_228 = vector.shape_cast %get3A_227 : vector<1x16xf32> to vector<16xf32>
      %add3A_229 = arith.addf %get3A_224, %get3A_228 : vector<16xf32>
      %swap3A_230 = arith.index_cast %add3A_152 : i32 to index
      %swap3A_231 = arith.constant 80 : index
      %swap3A_232 = tpu.vector_load %arg8[%swap3A_230, %swap3A_231] {strides = array<i32>} : memref<64x256xf32, #tpu.memory_space<vmem>>, vector<1x16xf32>,
      %swap3A_233 = vector.shape_cast %swap3A_232 : vector<1x16xf32> to vector<16xf32>
      %swap3A_234 = vector.shape_cast %add3A_229 : vector<16xf32> to vector<1x16xf32>
      tpu.vector_store %arg8[%swap3A_230, %swap3A_231], %swap3A_234 {strides = array<i32>} : memref<64x256xf32, #tpu.memory_space<vmem>>, vector<1x16xf32>,
      %get3A_235 = arith.index_cast %add3A_152 : i32 to index
      %get3A_236 = arith.constant 96 : index
      %get3A_237 = tpu.vector_load %arg8[%get3A_235, %get3A_236] {strides = array<i32>} : memref<64x256xf32, #tpu.memory_space<vmem>>, vector<1x16xf32>,
      %get3A_238 = vector.shape_cast %get3A_237 : vector<1x16xf32> to vector<16xf32>
      %get3A_239 = arith.index_cast %add3A_152 : i32 to index
      %get3A_240 = arith.constant 96 : index
      %get3A_241 = tpu.vector_load %arg10[%get3A_239, %get3A_240] {strides = array<i32>} : memref<64x256xf32, #tpu.memory_space<vmem>>, vector<1x16xf32>,
      %get3A_242 = vector.shape_cast %get3A_241 : vector<1x16xf32> to vector<16xf32>
      %add3A_243 = arith.addf %get3A_238, %get3A_242 : vector<16xf32>
      %swap3A_244 = arith.index_cast %add3A_152 : i32 to index
      %swap3A_245 = arith.constant 96 : index
      %swap3A_246 = tpu.vector_load %arg8[%swap3A_244, %swap3A_245] {strides = array<i32>} : memref<64x256xf32, #tpu.memory_space<vmem>>, vector<1x16xf32>,
      %swap3A_247 = vector.shape_cast %swap3A_246 : vector<1x16xf32> to vector<16xf32>
      %swap3A_248 = vector.shape_cast %add3A_243 : vector<16xf32> to vector<1x16xf32>
      tpu.vector_store %arg8[%swap3A_244, %swap3A_245], %swap3A_248 {strides = array<i32>} : memref<64x256xf32, #tpu.memory_space<vmem>>, vector<1x16xf32>,
      %get3A_249 = arith.index_cast %add3A_152 : i32 to index
      %get3A_250 = arith.constant 112 : index
      %get3A_251 = tpu.vector_load %arg8[%get3A_249, %get3A_250] {strides = array<i32>} : memref<64x256xf32, #tpu.memory_space<vmem>>, vector<1x16xf32>,
      %get3A_252 = vector.shape_cast %get3A_251 : vector<1x16xf32> to vector<16xf32>
      %get3A_253 = arith.index_cast %add3A_152 : i32 to index
      %get3A_254 = arith.constant 112 : index
      %get3A_255 = tpu.vector_load %arg10[%get3A_253, %get3A_254] {strides = array<i32>} : memref<64x256xf32, #tpu.memory_space<vmem>>, vector<1x16xf32>,
      %get3A_256 = vector.shape_cast %get3A_255 : vector<1x16xf32> to vector<16xf32>
      %add3A_257 = arith.addf %get3A_252, %get3A_256 : vector<16xf32>
      %swap3A_258 = arith.index_cast %add3A_152 : i32 to index
      %swap3A_259 = arith.constant 112 : index
      %swap3A_260 = tpu.vector_load %arg8[%swap3A_258, %swap3A_259] {strides = array<i32>} : memref<64x256xf32, #tpu.memory_space<vmem>>, vector<1x16xf32>,
      %swap3A_261 = vector.shape_cast %swap3A_260 : vector<1x16xf32> to vector<16xf32>
      %swap3A_262 = vector.shape_cast %add3A_257 : vector<16xf32> to vector<1x16xf32>
      tpu.vector_store %arg8[%swap3A_258, %swap3A_259], %swap3A_262 {strides = array<i32>} : memref<64x256xf32, #tpu.memory_space<vmem>>, vector<1x16xf32>,
      %get3A_263 = arith.index_cast %add3A_152 : i32 to index
      %get3A_264 = arith.constant 128 : index
      %get3A_265 = tpu.vector_load %arg8[%get3A_263, %get3A_264] {strides = array<i32>} : memref<64x256xf32, #tpu.memory_space<vmem>>, vector<1x16xf32>,
      %get3A_266 = vector.shape_cast %get3A_265 : vector<1x16xf32> to vector<16xf32>
      %get3A_267 = arith.index_cast %add3A_152 : i32 to index
      %get3A_268 = arith.constant 128 : index
      %get3A_269 = tpu.vector_load %arg10[%get3A_267, %get3A_268] {strides = array<i32>} : memref<64x256xf32, #tpu.memory_space<vmem>>, vector<1x16xf32>,
      %get3A_270 = vector.shape_cast %get3A_269 : vector<1x16xf32> to vector<16xf32>
      %add3A_271 = arith.addf %get3A_266, %get3A_270 : vector<16xf32>
      %swap3A_272 = arith.index_cast %add3A_152 : i32 to index
      %swap3A_273 = arith.constant 128 : index
      %swap3A_274 = tpu.vector_load %arg8[%swap3A_272, %swap3A_273] {strides = array<i32>} : memref<64x256xf32, #tpu.memory_space<vmem>>, vector<1x16xf32>,
      %swap3A_275 = vector.shape_cast %swap3A_274 : vector<1x16xf32> to vector<16xf32>
      %swap3A_276 = vector.shape_cast %add3A_271 : vector<16xf32> to vector<1x16xf32>
      tpu.vector_store %arg8[%swap3A_272, %swap3A_273], %swap3A_276 {strides = array<i32>} : memref<64x256xf32, #tpu.memory_space<vmem>>, vector<1x16xf32>,
      %get3A_277 = arith.index_cast %add3A_152 : i32 to index
      %get3A_278 = arith.constant 144 : index
      %get3A_279 = tpu.vector_load %arg8[%get3A_277, %get3A_278] {strides = array<i32>} : memref<64x256xf32, #tpu.memory_space<vmem>>, vector<1x16xf32>,
      %get3A_280 = vector.shape_cast %get3A_279 : vector<1x16xf32> to vector<16xf32>
      %get3A_281 = arith.index_cast %add3A_152 : i32 to index
      %get3A_282 = arith.constant 144 : index
      %get3A_283 = tpu.vector_load %arg10[%get3A_281, %get3A_282] {strides = array<i32>} : memref<64x256xf32, #tpu.memory_space<vmem>>, vector<1x16xf32>,
      %get3A_284 = vector.shape_cast %get3A_283 : vector<1x16xf32> to vector<16xf32>
      %add3A_285 = arith.addf %get3A_280, %get3A_284 : vector<16xf32>
      %swap3A_286 = arith.index_cast %add3A_152 : i32 to index
      %swap3A_287 = arith.constant 144 : index
      %swap3A_288 = tpu.vector_load %arg8[%swap3A_286, %swap3A_287] {strides = array<i32>} : memref<64x256xf32, #tpu.memory_space<vmem>>, vector<1x16xf32>,
      %swap3A_289 = vector.shape_cast %swap3A_288 : vector<1x16xf32> to vector<16xf32>
      %swap3A_290 = vector.shape_cast %add3A_285 : vector<16xf32> to vector<1x16xf32>
      tpu.vector_store %arg8[%swap3A_286, %swap3A_287], %swap3A_290 {strides = array<i32>} : memref<64x256xf32, #tpu.memory_space<vmem>>, vector<1x16xf32>,
      %get3A_291 = arith.index_cast %add3A_152 : i32 to index
      %get3A_292 = arith.constant 160 : index
      %get3A_293 = tpu.vector_load %arg8[%get3A_291, %get3A_292] {strides = array<i32>} : memref<64x256xf32, #tpu.memory_space<vmem>>, vector<1x16xf32>,
      %get3A_294 = vector.shape_cast %get3A_293 : vector<1x16xf32> to vector<16xf32>
      %get3A_295 = arith.index_cast %add3A_152 : i32 to index
      %get3A_296 = arith.constant 160 : index
      %get3A_297 = tpu.vector_load %arg10[%get3A_295, %get3A_296] {strides = array<i32>} : memref<64x256xf32, #tpu.memory_space<vmem>>, vector<1x16xf32>,
      %get3A_298 = vector.shape_cast %get3A_297 : vector<1x16xf32> to vector<16xf32>
      %add3A_299 = arith.addf %get3A_294, %get3A_298 : vector<16xf32>
      %swap3A_300 = arith.index_cast %add3A_152 : i32 to index
      %swap3A_301 = arith.constant 160 : index
      %swap3A_302 = tpu.vector_load %arg8[%swap3A_300, %swap3A_301] {strides = array<i32>} : memref<64x256xf32, #tpu.memory_space<vmem>>, vector<1x16xf32>,
      %swap3A_303 = vector.shape_cast %swap3A_302 : vector<1x16xf32> to vector<16xf32>
      %swap3A_304 = vector.shape_cast %add3A_299 : vector<16xf32> to vector<1x16xf32>
      tpu.vector_store %arg8[%swap3A_300, %swap3A_301], %swap3A_304 {strides = array<i32>} : memref<64x256xf32, #tpu.memory_space<vmem>>, vector<1x16xf32>,
      %get3A_305 = arith.index_cast %add3A_152 : i32 to index
      %get3A_306 = arith.constant 176 : index
      %get3A_307 = tpu.vector_load %arg8[%get3A_305, %get3A_306] {strides = array<i32>} : memref<64x256xf32, #tpu.memory_space<vmem>>, vector<1x16xf32>,
      %get3A_308 = vector.shape_cast %get3A_307 : vector<1x16xf32> to vector<16xf32>
      %get3A_309 = arith.index_cast %add3A_152 : i32 to index
      %get3A_310 = arith.constant 176 : index
      %get3A_311 = tpu.vector_load %arg10[%get3A_309, %get3A_310] {strides = array<i32>} : memref<64x256xf32, #tpu.memory_space<vmem>>, vector<1x16xf32>,
      %get3A_312 = vector.shape_cast %get3A_311 : vector<1x16xf32> to vector<16xf32>
      %add3A_313 = arith.addf %get3A_308, %get3A_312 : vector<16xf32>
      %swap3A_314 = arith.index_cast %add3A_152 : i32 to index
      %swap3A_315 = arith.constant 176 : index
      %swap3A_316 = tpu.vector_load %arg8[%swap3A_314, %swap3A_315] {strides = array<i32>} : memref<64x256xf32, #tpu.memory_space<vmem>>, vector<1x16xf32>,
      %swap3A_317 = vector.shape_cast %swap3A_316 : vector<1x16xf32> to vector<16xf32>
      %swap3A_318 = vector.shape_cast %add3A_313 : vector<16xf32> to vector<1x16xf32>
      tpu.vector_store %arg8[%swap3A_314, %swap3A_315], %swap3A_318 {strides = array<i32>} : memref<64x256xf32, #tpu.memory_space<vmem>>, vector<1x16xf32>,
      %get3A_319 = arith.index_cast %add3A_152 : i32 to index
      %get3A_320 = arith.constant 192 : index
      %get3A_321 = tpu.vector_load %arg8[%get3A_319, %get3A_320] {strides = array<i32>} : memref<64x256xf32, #tpu.memory_space<vmem>>, vector<1x16xf32>,
      %get3A_322 = vector.shape_cast %get3A_321 : vector<1x16xf32> to vector<16xf32>
      %get3A_323 = arith.index_cast %add3A_152 : i32 to index
      %get3A_324 = arith.constant 192 : index
      %get3A_325 = tpu.vector_load %arg10[%get3A_323, %get3A_324] {strides = array<i32>} : memref<64x256xf32, #tpu.memory_space<vmem>>, vector<1x16xf32>,
      %get3A_326 = vector.shape_cast %get3A_325 : vector<1x16xf32> to vector<16xf32>
      %add3A_327 = arith.addf %get3A_322, %get3A_326 : vector<16xf32>
      %swap3A_328 = arith.index_cast %add3A_152 : i32 to index
      %swap3A_329 = arith.constant 192 : index
      %swap3A_330 = tpu.vector_load %arg8[%swap3A_328, %swap3A_329] {strides = array<i32>} : memref<64x256xf32, #tpu.memory_space<vmem>>, vector<1x16xf32>,
      %swap3A_331 = vector.shape_cast %swap3A_330 : vector<1x16xf32> to vector<16xf32>
      %swap3A_332 = vector.shape_cast %add3A_327 : vector<16xf32> to vector<1x16xf32>
      tpu.vector_store %arg8[%swap3A_328, %swap3A_329], %swap3A_332 {strides = array<i32>} : memref<64x256xf32, #tpu.memory_space<vmem>>, vector<1x16xf32>,
      %get3A_333 = arith.index_cast %add3A_152 : i32 to index
      %get3A_334 = arith.constant 208 : index
      %get3A_335 = tpu.vector_load %arg8[%get3A_333, %get3A_334] {strides = array<i32>} : memref<64x256xf32, #tpu.memory_space<vmem>>, vector<1x16xf32>,
      %get3A_336 = vector.shape_cast %get3A_335 : vector<1x16xf32> to vector<16xf32>
      %get3A_337 = arith.index_cast %add3A_152 : i32 to index
      %get3A_338 = arith.constant 208 : index
      %get3A_339 = tpu.vector_load %arg10[%get3A_337, %get3A_338] {strides = array<i32>} : memref<64x256xf32, #tpu.memory_space<vmem>>, vector<1x16xf32>,
      %get3A_340 = vector.shape_cast %get3A_339 : vector<1x16xf32> to vector<16xf32>
      %add3A_341 = arith.addf %get3A_336, %get3A_340 : vector<16xf32>
      %swap3A_342 = arith.index_cast %add3A_152 : i32 to index
      %swap3A_343 = arith.constant 208 : index
      %swap3A_344 = tpu.vector_load %arg8[%swap3A_342, %swap3A_343] {strides = array<i32>} : memref<64x256xf32, #tpu.memory_space<vmem>>, vector<1x16xf32>,
      %swap3A_345 = vector.shape_cast %swap3A_344 : vector<1x16xf32> to vector<16xf32>
      %swap3A_346 = vector.shape_cast %add3A_341 : vector<16xf32> to vector<1x16xf32>
      tpu.vector_store %arg8[%swap3A_342, %swap3A_343], %swap3A_346 {strides = array<i32>} : memref<64x256xf32, #tpu.memory_space<vmem>>, vector<1x16xf32>,
      %get3A_347 = arith.index_cast %add3A_152 : i32 to index
      %get3A_348 = arith.constant 224 : index
      %get3A_349 = tpu.vector_load %arg8[%get3A_347, %get3A_348] {strides = array<i32>} : memref<64x256xf32, #tpu.memory_space<vmem>>, vector<1x16xf32>,
      %get3A_350 = vector.shape_cast %get3A_349 : vector<1x16xf32> to vector<16xf32>
      %get3A_351 = arith.index_cast %add3A_152 : i32 to index
      %get3A_352 = arith.constant 224 : index
      %get3A_353 = tpu.vector_load %arg10[%get3A_351, %get3A_352] {strides = array<i32>} : memref<64x256xf32, #tpu.memory_space<vmem>>, vector<1x16xf32>,
      %get3A_354 = vector.shape_cast %get3A_353 : vector<1x16xf32> to vector<16xf32>
      %add3A_355 = arith.addf %get3A_350, %get3A_354 : vector<16xf32>
      %swap3A_356 = arith.index_cast %add3A_152 : i32 to index
      %swap3A_357 = arith.constant 224 : index
      %swap3A_358 = tpu.vector_load %arg8[%swap3A_356, %swap3A_357] {strides = array<i32>} : memref<64x256xf32, #tpu.memory_space<vmem>>, vector<1x16xf32>,
      %swap3A_359 = vector.shape_cast %swap3A_358 : vector<1x16xf32> to vector<16xf32>
      %swap3A_360 = vector.shape_cast %add3A_355 : vector<16xf32> to vector<1x16xf32>
      tpu.vector_store %arg8[%swap3A_356, %swap3A_357], %swap3A_360 {strides = array<i32>} : memref<64x256xf32, #tpu.memory_space<vmem>>, vector<1x16xf32>,
      %get3A_361 = arith.index_cast %add3A_152 : i32 to index
      %get3A_362 = arith.constant 240 : index
      %get3A_363 = tpu.vector_load %arg8[%get3A_361, %get3A_362] {strides = array<i32>} : memref<64x256xf32, #tpu.memory_space<vmem>>, vector<1x16xf32>,
      %get3A_364 = vector.shape_cast %get3A_363 : vector<1x16xf32> to vector<16xf32>
      %get3A_365 = arith.index_cast %add3A_152 : i32 to index
      %get3A_366 = arith.constant 240 : index
      %get3A_367 = tpu.vector_load %arg10[%get3A_365, %get3A_366] {strides = array<i32>} : memref<64x256xf32, #tpu.memory_space<vmem>>, vector<1x16xf32>,
      %get3A_368 = vector.shape_cast %get3A_367 : vector<1x16xf32> to vector<16xf32>
      %add3A_369 = arith.addf %get3A_364, %get3A_368 : vector<16xf32>
      %swap3A_370 = arith.index_cast %add3A_152 : i32 to index
      %swap3A_371 = arith.constant 240 : index
      %swap3A_372 = tpu.vector_load %arg8[%swap3A_370, %swap3A_371] {strides = array<i32>} : memref<64x256xf32, #tpu.memory_space<vmem>>, vector<1x16xf32>,
      %swap3A_373 = vector.shape_cast %swap3A_372 : vector<1x16xf32> to vector<16xf32>
      %swap3A_374 = vector.shape_cast %add3A_369 : vector<16xf32> to vector<1x16xf32>
      tpu.vector_store %arg8[%swap3A_370, %swap3A_371], %swap3A_374 {strides = array<i32>} : memref<64x256xf32, #tpu.memory_space<vmem>>, vector<1x16xf32>,
    }
    %scan3A_108 = arith.constant 64 : i32
    %add3A_109 = arith.constant 128 : i32
    %add3A_110 = arith.addi %mul3A_2, %add3A_109 : i32
    %dma_start3A_111 = arith.constant 0 : i32
    %dma_start3A_112 = tpu.memref_slice %arg5[%add3A_110, %dma_start3A_111] : memref<8192x256xf32, #tpu.memory_space<hbm>> -> memref<64x256xf32, #tpu.memory_space<hbm>>
    %dma_start3A_113 = arith.constant 0 : i32
    %dma_start3A_114 = tpu.memref_slice %arg5[%add3A_110, %dma_start3A_113] : memref<8192x256xf32, #tpu.memory_space<hbm>> -> memref<64x256xf32, #tpu.memory_space<hbm>>
    tpu.enqueue_dma source(%arg8 : memref<64x256xf32, #tpu.memory_space<vmem>>) target(%dma_start3A_114 : memref<64x256xf32, #tpu.memory_space<hbm>>) target_semaphore(%arg16 : memref<!tpu.dma_semaphore, #tpu.memory_space<semaphore_mem>>)
    %dma_wait3A_115 = arith.constant 192 : i32
    %dma_wait3A_116 = tpu.memref_slice %arg6[%dma_wait3A_115] : memref<256xi32, #tpu.memory_space<vmem>> -> memref<64xi32, #tpu.memory_space<vmem>>
    %dma_wait3A_117 = arith.constant 0 : i32
    %dma_wait3A_118 = arith.constant 0 : i32
    %dma_wait3A_119 = tpu.memref_slice %arg2[%dma_wait3A_117, %dma_wait3A_118] : memref<18432x256xf32, #tpu.memory_space<hbm>> -> memref<18432x256xf32, #tpu.memory_space<hbm>>
    tpu.wait_indirect_dma semaphore(%arg13 : memref<!tpu.dma_semaphore, #tpu.memory_space<semaphore_mem>>) src(%dma_wait3A_119 : memref<18432x256xf32, #tpu.memory_space<hbm>>) dst(%arg9 : memref<64x256xf32, #tpu.memory_space<vmem>>)
    %dma_wait3A_120 = arith.constant 192 : i32
    %dma_wait3A_121 = tpu.memref_slice %arg7[%dma_wait3A_120] : memref<256xi32, #tpu.memory_space<vmem>> -> memref<64xi32, #tpu.memory_space<vmem>>
    %dma_wait3A_122 = arith.constant 0 : i32
    %dma_wait3A_123 = arith.constant 0 : i32
    %dma_wait3A_124 = tpu.memref_slice %arg2[%dma_wait3A_122, %dma_wait3A_123] : memref<18432x256xf32, #tpu.memory_space<hbm>> -> memref<18432x256xf32, #tpu.memory_space<hbm>>
    tpu.wait_indirect_dma semaphore(%arg15 : memref<!tpu.dma_semaphore, #tpu.memory_space<semaphore_mem>>) src(%dma_wait3A_124 : memref<18432x256xf32, #tpu.memory_space<hbm>>) dst(%arg11 : memref<64x256xf32, #tpu.memory_space<vmem>>)
    %scan3A_125 = arith.constant 0 : i32
    %scan3A_126 = arith.constant 64 : i32
    %scan3A_127 = arith.addi %scan3A_125, %scan3A_126 : i32
    %scan3A_128 = arith.constant 1 : i32
    scf.for %scan3A_148 = %scan3A_125 to %scan3A_127 step %scan3A_128  : i32 {
      %mul3A_149 = arith.constant 1 : i32
      %mul3A_150 = arith.muli %scan3A_148, %mul3A_149 : i32
      %add3A_151 = arith.constant 0 : i32
      %add3A_152 = arith.addi %add3A_151, %mul3A_150 : i32
      %get3A = arith.index_cast %add3A_152 : i32 to index
      %get3A_153 = arith.constant 0 : index
      %get3A_154 = tpu.vector_load %arg9[%get3A, %get3A_153] {strides = array<i32>} : memref<64x256xf32, #tpu.memory_space<vmem>>, vector<1x16xf32>,
      %get3A_155 = vector.shape_cast %get3A_154 : vector<1x16xf32> to vector<16xf32>
      %get3A_156 = arith.index_cast %add3A_152 : i32 to index
      %get3A_157 = arith.constant 0 : index
      %get3A_158 = tpu.vector_load %arg11[%get3A_156, %get3A_157] {strides = array<i32>} : memref<64x256xf32, #tpu.memory_space<vmem>>, vector<1x16xf32>,
      %get3A_159 = vector.shape_cast %get3A_158 : vector<1x16xf32> to vector<16xf32>
      %add3A_160 = arith.addf %get3A_155, %get3A_159 : vector<16xf32>
      %swap3A = arith.index_cast %add3A_152 : i32 to index
      %swap3A_161 = arith.constant 0 : index
      %swap3A_162 = tpu.vector_load %arg9[%swap3A, %swap3A_161] {strides = array<i32>} : memref<64x256xf32, #tpu.memory_space<vmem>>, vector<1x16xf32>,
      %swap3A_163 = vector.shape_cast %swap3A_162 : vector<1x16xf32> to vector<16xf32>
      %swap3A_164 = vector.shape_cast %add3A_160 : vector<16xf32> to vector<1x16xf32>
      tpu.vector_store %arg9[%swap3A, %swap3A_161], %swap3A_164 {strides = array<i32>} : memref<64x256xf32, #tpu.memory_space<vmem>>, vector<1x16xf32>,
      %get3A_165 = arith.index_cast %add3A_152 : i32 to index
      %get3A_166 = arith.constant 16 : index
      %get3A_167 = tpu.vector_load %arg9[%get3A_165, %get3A_166] {strides = array<i32>} : memref<64x256xf32, #tpu.memory_space<vmem>>, vector<1x16xf32>,
      %get3A_168 = vector.shape_cast %get3A_167 : vector<1x16xf32> to vector<16xf32>
      %get3A_169 = arith.index_cast %add3A_152 : i32 to index
      %get3A_170 = arith.constant 16 : index
      %get3A_171 = tpu.vector_load %arg11[%get3A_169, %get3A_170] {strides = array<i32>} : memref<64x256xf32, #tpu.memory_space<vmem>>, vector<1x16xf32>,
      %get3A_172 = vector.shape_cast %get3A_171 : vector<1x16xf32> to vector<16xf32>
      %add3A_173 = arith.addf %get3A_168, %get3A_172 : vector<16xf32>
      %swap3A_174 = arith.index_cast %add3A_152 : i32 to index
      %swap3A_175 = arith.constant 16 : index
      %swap3A_176 = tpu.vector_load %arg9[%swap3A_174, %swap3A_175] {strides = array<i32>} : memref<64x256xf32, #tpu.memory_space<vmem>>, vector<1x16xf32>,
      %swap3A_177 = vector.shape_cast %swap3A_176 : vector<1x16xf32> to vector<16xf32>
      %swap3A_178 = vector.shape_cast %add3A_173 : vector<16xf32> to vector<1x16xf32>
      tpu.vector_store %arg9[%swap3A_174, %swap3A_175], %swap3A_178 {strides = array<i32>} : memref<64x256xf32, #tpu.memory_space<vmem>>, vector<1x16xf32>,
      %get3A_179 = arith.index_cast %add3A_152 : i32 to index
      %get3A_180 = arith.constant 32 : index
      %get3A_181 = tpu.vector_load %arg9[%get3A_179, %get3A_180] {strides = array<i32>} : memref<64x256xf32, #tpu.memory_space<vmem>>, vector<1x16xf32>,
      %get3A_182 = vector.shape_cast %get3A_181 : vector<1x16xf32> to vector<16xf32>
      %get3A_183 = arith.index_cast %add3A_152 : i32 to index
      %get3A_184 = arith.constant 32 : index
      %get3A_185 = tpu.vector_load %arg11[%get3A_183, %get3A_184] {strides = array<i32>} : memref<64x256xf32, #tpu.memory_space<vmem>>, vector<1x16xf32>,
      %get3A_186 = vector.shape_cast %get3A_185 : vector<1x16xf32> to vector<16xf32>
      %add3A_187 = arith.addf %get3A_182, %get3A_186 : vector<16xf32>
      %swap3A_188 = arith.index_cast %add3A_152 : i32 to index
      %swap3A_189 = arith.constant 32 : index
      %swap3A_190 = tpu.vector_load %arg9[%swap3A_188, %swap3A_189] {strides = array<i32>} : memref<64x256xf32, #tpu.memory_space<vmem>>, vector<1x16xf32>,
      %swap3A_191 = vector.shape_cast %swap3A_190 : vector<1x16xf32> to vector<16xf32>
      %swap3A_192 = vector.shape_cast %add3A_187 : vector<16xf32> to vector<1x16xf32>
      tpu.vector_store %arg9[%swap3A_188, %swap3A_189], %swap3A_192 {strides = array<i32>} : memref<64x256xf32, #tpu.memory_space<vmem>>, vector<1x16xf32>,
      %get3A_193 = arith.index_cast %add3A_152 : i32 to index
      %get3A_194 = arith.constant 48 : index
      %get3A_195 = tpu.vector_load %arg9[%get3A_193, %get3A_194] {strides = array<i32>} : memref<64x256xf32, #tpu.memory_space<vmem>>, vector<1x16xf32>,
      %get3A_196 = vector.shape_cast %get3A_195 : vector<1x16xf32> to vector<16xf32>
      %get3A_197 = arith.index_cast %add3A_152 : i32 to index
      %get3A_198 = arith.constant 48 : index
      %get3A_199 = tpu.vector_load %arg11[%get3A_197, %get3A_198] {strides = array<i32>} : memref<64x256xf32, #tpu.memory_space<vmem>>, vector<1x16xf32>,
      %get3A_200 = vector.shape_cast %get3A_199 : vector<1x16xf32> to vector<16xf32>
      %add3A_201 = arith.addf %get3A_196, %get3A_200 : vector<16xf32>
      %swap3A_202 = arith.index_cast %add3A_152 : i32 to index
      %swap3A_203 = arith.constant 48 : index
      %swap3A_204 = tpu.vector_load %arg9[%swap3A_202, %swap3A_203] {strides = array<i32>} : memref<64x256xf32, #tpu.memory_space<vmem>>, vector<1x16xf32>,
      %swap3A_205 = vector.shape_cast %swap3A_204 : vector<1x16xf32> to vector<16xf32>
      %swap3A_206 = vector.shape_cast %add3A_201 : vector<16xf32> to vector<1x16xf32>
      tpu.vector_store %arg9[%swap3A_202, %swap3A_203], %swap3A_206 {strides = array<i32>} : memref<64x256xf32, #tpu.memory_space<vmem>>, vector<1x16xf32>,
      %get3A_207 = arith.index_cast %add3A_152 : i32 to index
      %get3A_208 = arith.constant 64 : index
      %get3A_209 = tpu.vector_load %arg9[%get3A_207, %get3A_208] {strides = array<i32>} : memref<64x256xf32, #tpu.memory_space<vmem>>, vector<1x16xf32>,
      %get3A_210 = vector.shape_cast %get3A_209 : vector<1x16xf32> to vector<16xf32>
      %get3A_211 = arith.index_cast %add3A_152 : i32 to index
      %get3A_212 = arith.constant 64 : index
      %get3A_213 = tpu.vector_load %arg11[%get3A_211, %get3A_212] {strides = array<i32>} : memref<64x256xf32, #tpu.memory_space<vmem>>, vector<1x16xf32>,
      %get3A_214 = vector.shape_cast %get3A_213 : vector<1x16xf32> to vector<16xf32>
      %add3A_215 = arith.addf %get3A_210, %get3A_214 : vector<16xf32>
      %swap3A_216 = arith.index_cast %add3A_152 : i32 to index
      %swap3A_217 = arith.constant 64 : index
      %swap3A_218 = tpu.vector_load %arg9[%swap3A_216, %swap3A_217] {strides = array<i32>} : memref<64x256xf32, #tpu.memory_space<vmem>>, vector<1x16xf32>,
      %swap3A_219 = vector.shape_cast %swap3A_218 : vector<1x16xf32> to vector<16xf32>
      %swap3A_220 = vector.shape_cast %add3A_215 : vector<16xf32> to vector<1x16xf32>
      tpu.vector_store %arg9[%swap3A_216, %swap3A_217], %swap3A_220 {strides = array<i32>} : memref<64x256xf32, #tpu.memory_space<vmem>>, vector<1x16xf32>,
      %get3A_221 = arith.index_cast %add3A_152 : i32 to index
      %get3A_222 = arith.constant 80 : index
      %get3A_223 = tpu.vector_load %arg9[%get3A_221, %get3A_222] {strides = array<i32>} : memref<64x256xf32, #tpu.memory_space<vmem>>, vector<1x16xf32>,
      %get3A_224 = vector.shape_cast %get3A_223 : vector<1x16xf32> to vector<16xf32>
      %get3A_225 = arith.index_cast %add3A_152 : i32 to index
      %get3A_226 = arith.constant 80 : index
      %get3A_227 = tpu.vector_load %arg11[%get3A_225, %get3A_226] {strides = array<i32>} : memref<64x256xf32, #tpu.memory_space<vmem>>, vector<1x16xf32>,
      %get3A_228 = vector.shape_cast %get3A_227 : vector<1x16xf32> to vector<16xf32>
      %add3A_229 = arith.addf %get3A_224, %get3A_228 : vector<16xf32>
      %swap3A_230 = arith.index_cast %add3A_152 : i32 to index
      %swap3A_231 = arith.constant 80 : index
      %swap3A_232 = tpu.vector_load %arg9[%swap3A_230, %swap3A_231] {strides = array<i32>} : memref<64x256xf32, #tpu.memory_space<vmem>>, vector<1x16xf32>,
      %swap3A_233 = vector.shape_cast %swap3A_232 : vector<1x16xf32> to vector<16xf32>
      %swap3A_234 = vector.shape_cast %add3A_229 : vector<16xf32> to vector<1x16xf32>
      tpu.vector_store %arg9[%swap3A_230, %swap3A_231], %swap3A_234 {strides = array<i32>} : memref<64x256xf32, #tpu.memory_space<vmem>>, vector<1x16xf32>,
      %get3A_235 = arith.index_cast %add3A_152 : i32 to index
      %get3A_236 = arith.constant 96 : index
      %get3A_237 = tpu.vector_load %arg9[%get3A_235, %get3A_236] {strides = array<i32>} : memref<64x256xf32, #tpu.memory_space<vmem>>, vector<1x16xf32>,
      %get3A_238 = vector.shape_cast %get3A_237 : vector<1x16xf32> to vector<16xf32>
      %get3A_239 = arith.index_cast %add3A_152 : i32 to index
      %get3A_240 = arith.constant 96 : index
      %get3A_241 = tpu.vector_load %arg11[%get3A_239, %get3A_240] {strides = array<i32>} : memref<64x256xf32, #tpu.memory_space<vmem>>, vector<1x16xf32>,
      %get3A_242 = vector.shape_cast %get3A_241 : vector<1x16xf32> to vector<16xf32>
      %add3A_243 = arith.addf %get3A_238, %get3A_242 : vector<16xf32>
      %swap3A_244 = arith.index_cast %add3A_152 : i32 to index
      %swap3A_245 = arith.constant 96 : index
      %swap3A_246 = tpu.vector_load %arg9[%swap3A_244, %swap3A_245] {strides = array<i32>} : memref<64x256xf32, #tpu.memory_space<vmem>>, vector<1x16xf32>,
      %swap3A_247 = vector.shape_cast %swap3A_246 : vector<1x16xf32> to vector<16xf32>
      %swap3A_248 = vector.shape_cast %add3A_243 : vector<16xf32> to vector<1x16xf32>
      tpu.vector_store %arg9[%swap3A_244, %swap3A_245], %swap3A_248 {strides = array<i32>} : memref<64x256xf32, #tpu.memory_space<vmem>>, vector<1x16xf32>,
      %get3A_249 = arith.index_cast %add3A_152 : i32 to index
      %get3A_250 = arith.constant 112 : index
      %get3A_251 = tpu.vector_load %arg9[%get3A_249, %get3A_250] {strides = array<i32>} : memref<64x256xf32, #tpu.memory_space<vmem>>, vector<1x16xf32>,
      %get3A_252 = vector.shape_cast %get3A_251 : vector<1x16xf32> to vector<16xf32>
      %get3A_253 = arith.index_cast %add3A_152 : i32 to index
      %get3A_254 = arith.constant 112 : index
      %get3A_255 = tpu.vector_load %arg11[%get3A_253, %get3A_254] {strides = array<i32>} : memref<64x256xf32, #tpu.memory_space<vmem>>, vector<1x16xf32>,
      %get3A_256 = vector.shape_cast %get3A_255 : vector<1x16xf32> to vector<16xf32>
      %add3A_257 = arith.addf %get3A_252, %get3A_256 : vector<16xf32>
      %swap3A_258 = arith.index_cast %add3A_152 : i32 to index
      %swap3A_259 = arith.constant 112 : index
      %swap3A_260 = tpu.vector_load %arg9[%swap3A_258, %swap3A_259] {strides = array<i32>} : memref<64x256xf32, #tpu.memory_space<vmem>>, vector<1x16xf32>,
      %swap3A_261 = vector.shape_cast %swap3A_260 : vector<1x16xf32> to vector<16xf32>
      %swap3A_262 = vector.shape_cast %add3A_257 : vector<16xf32> to vector<1x16xf32>
      tpu.vector_store %arg9[%swap3A_258, %swap3A_259], %swap3A_262 {strides = array<i32>} : memref<64x256xf32, #tpu.memory_space<vmem>>, vector<1x16xf32>,
      %get3A_263 = arith.index_cast %add3A_152 : i32 to index
      %get3A_264 = arith.constant 128 : index
      %get3A_265 = tpu.vector_load %arg9[%get3A_263, %get3A_264] {strides = array<i32>} : memref<64x256xf32, #tpu.memory_space<vmem>>, vector<1x16xf32>,
      %get3A_266 = vector.shape_cast %get3A_265 : vector<1x16xf32> to vector<16xf32>
      %get3A_267 = arith.index_cast %add3A_152 : i32 to index
      %get3A_268 = arith.constant 128 : index
      %get3A_269 = tpu.vector_load %arg11[%get3A_267, %get3A_268] {strides = array<i32>} : memref<64x256xf32, #tpu.memory_space<vmem>>, vector<1x16xf32>,
      %get3A_270 = vector.shape_cast %get3A_269 : vector<1x16xf32> to vector<16xf32>
      %add3A_271 = arith.addf %get3A_266, %get3A_270 : vector<16xf32>
      %swap3A_272 = arith.index_cast %add3A_152 : i32 to index
      %swap3A_273 = arith.constant 128 : index
      %swap3A_274 = tpu.vector_load %arg9[%swap3A_272, %swap3A_273] {strides = array<i32>} : memref<64x256xf32, #tpu.memory_space<vmem>>, vector<1x16xf32>,
      %swap3A_275 = vector.shape_cast %swap3A_274 : vector<1x16xf32> to vector<16xf32>
      %swap3A_276 = vector.shape_cast %add3A_271 : vector<16xf32> to vector<1x16xf32>
      tpu.vector_store %arg9[%swap3A_272, %swap3A_273], %swap3A_276 {strides = array<i32>} : memref<64x256xf32, #tpu.memory_space<vmem>>, vector<1x16xf32>,
      %get3A_277 = arith.index_cast %add3A_152 : i32 to index
      %get3A_278 = arith.constant 144 : index
      %get3A_279 = tpu.vector_load %arg9[%get3A_277, %get3A_278] {strides = array<i32>} : memref<64x256xf32, #tpu.memory_space<vmem>>, vector<1x16xf32>,
      %get3A_280 = vector.shape_cast %get3A_279 : vector<1x16xf32> to vector<16xf32>
      %get3A_281 = arith.index_cast %add3A_152 : i32 to index
      %get3A_282 = arith.constant 144 : index
      %get3A_283 = tpu.vector_load %arg11[%get3A_281, %get3A_282] {strides = array<i32>} : memref<64x256xf32, #tpu.memory_space<vmem>>, vector<1x16xf32>,
      %get3A_284 = vector.shape_cast %get3A_283 : vector<1x16xf32> to vector<16xf32>
      %add3A_285 = arith.addf %get3A_280, %get3A_284 : vector<16xf32>
      %swap3A_286 = arith.index_cast %add3A_152 : i32 to index
      %swap3A_287 = arith.constant 144 : index
      %swap3A_288 = tpu.vector_load %arg9[%swap3A_286, %swap3A_287] {strides = array<i32>} : memref<64x256xf32, #tpu.memory_space<vmem>>, vector<1x16xf32>,
      %swap3A_289 = vector.shape_cast %swap3A_288 : vector<1x16xf32> to vector<16xf32>
      %swap3A_290 = vector.shape_cast %add3A_285 : vector<16xf32> to vector<1x16xf32>
      tpu.vector_store %arg9[%swap3A_286, %swap3A_287], %swap3A_290 {strides = array<i32>} : memref<64x256xf32, #tpu.memory_space<vmem>>, vector<1x16xf32>,
      %get3A_291 = arith.index_cast %add3A_152 : i32 to index
      %get3A_292 = arith.constant 160 : index
      %get3A_293 = tpu.vector_load %arg9[%get3A_291, %get3A_292] {strides = array<i32>} : memref<64x256xf32, #tpu.memory_space<vmem>>, vector<1x16xf32>,
      %get3A_294 = vector.shape_cast %get3A_293 : vector<1x16xf32> to vector<16xf32>
      %get3A_295 = arith.index_cast %add3A_152 : i32 to index
      %get3A_296 = arith.constant 160 : index
      %get3A_297 = tpu.vector_load %arg11[%get3A_295, %get3A_296] {strides = array<i32>} : memref<64x256xf32, #tpu.memory_space<vmem>>, vector<1x16xf32>,
      %get3A_298 = vector.shape_cast %get3A_297 : vector<1x16xf32> to vector<16xf32>
      %add3A_299 = arith.addf %get3A_294, %get3A_298 : vector<16xf32>
      %swap3A_300 = arith.index_cast %add3A_152 : i32 to index
      %swap3A_301 = arith.constant 160 : index
      %swap3A_302 = tpu.vector_load %arg9[%swap3A_300, %swap3A_301] {strides = array<i32>} : memref<64x256xf32, #tpu.memory_space<vmem>>, vector<1x16xf32>,
      %swap3A_303 = vector.shape_cast %swap3A_302 : vector<1x16xf32> to vector<16xf32>
      %swap3A_304 = vector.shape_cast %add3A_299 : vector<16xf32> to vector<1x16xf32>
      tpu.vector_store %arg9[%swap3A_300, %swap3A_301], %swap3A_304 {strides = array<i32>} : memref<64x256xf32, #tpu.memory_space<vmem>>, vector<1x16xf32>,
      %get3A_305 = arith.index_cast %add3A_152 : i32 to index
      %get3A_306 = arith.constant 176 : index
      %get3A_307 = tpu.vector_load %arg9[%get3A_305, %get3A_306] {strides = array<i32>} : memref<64x256xf32, #tpu.memory_space<vmem>>, vector<1x16xf32>,
      %get3A_308 = vector.shape_cast %get3A_307 : vector<1x16xf32> to vector<16xf32>
      %get3A_309 = arith.index_cast %add3A_152 : i32 to index
      %get3A_310 = arith.constant 176 : index
      %get3A_311 = tpu.vector_load %arg11[%get3A_309, %get3A_310] {strides = array<i32>} : memref<64x256xf32, #tpu.memory_space<vmem>>, vector<1x16xf32>,
      %get3A_312 = vector.shape_cast %get3A_311 : vector<1x16xf32> to vector<16xf32>
      %add3A_313 = arith.addf %get3A_308, %get3A_312 : vector<16xf32>
      %swap3A_314 = arith.index_cast %add3A_152 : i32 to index
      %swap3A_315 = arith.constant 176 : index
      %swap3A_316 = tpu.vector_load %arg9[%swap3A_314, %swap3A_315] {strides = array<i32>} : memref<64x256xf32, #tpu.memory_space<vmem>>, vector<1x16xf32>,
      %swap3A_317 = vector.shape_cast %swap3A_316 : vector<1x16xf32> to vector<16xf32>
      %swap3A_318 = vector.shape_cast %add3A_313 : vector<16xf32> to vector<1x16xf32>
      tpu.vector_store %arg9[%swap3A_314, %swap3A_315], %swap3A_318 {strides = array<i32>} : memref<64x256xf32, #tpu.memory_space<vmem>>, vector<1x16xf32>,
      %get3A_319 = arith.index_cast %add3A_152 : i32 to index
      %get3A_320 = arith.constant 192 : index
      %get3A_321 = tpu.vector_load %arg9[%get3A_319, %get3A_320] {strides = array<i32>} : memref<64x256xf32, #tpu.memory_space<vmem>>, vector<1x16xf32>,
      %get3A_322 = vector.shape_cast %get3A_321 : vector<1x16xf32> to vector<16xf32>
      %get3A_323 = arith.index_cast %add3A_152 : i32 to index
      %get3A_324 = arith.constant 192 : index
      %get3A_325 = tpu.vector_load %arg11[%get3A_323, %get3A_324] {strides = array<i32>} : memref<64x256xf32, #tpu.memory_space<vmem>>, vector<1x16xf32>,
      %get3A_326 = vector.shape_cast %get3A_325 : vector<1x16xf32> to vector<16xf32>
      %add3A_327 = arith.addf %get3A_322, %get3A_326 : vector<16xf32>
      %swap3A_328 = arith.index_cast %add3A_152 : i32 to index
      %swap3A_329 = arith.constant 192 : index
      %swap3A_330 = tpu.vector_load %arg9[%swap3A_328, %swap3A_329] {strides = array<i32>} : memref<64x256xf32, #tpu.memory_space<vmem>>, vector<1x16xf32>,
      %swap3A_331 = vector.shape_cast %swap3A_330 : vector<1x16xf32> to vector<16xf32>
      %swap3A_332 = vector.shape_cast %add3A_327 : vector<16xf32> to vector<1x16xf32>
      tpu.vector_store %arg9[%swap3A_328, %swap3A_329], %swap3A_332 {strides = array<i32>} : memref<64x256xf32, #tpu.memory_space<vmem>>, vector<1x16xf32>,
      %get3A_333 = arith.index_cast %add3A_152 : i32 to index
      %get3A_334 = arith.constant 208 : index
      %get3A_335 = tpu.vector_load %arg9[%get3A_333, %get3A_334] {strides = array<i32>} : memref<64x256xf32, #tpu.memory_space<vmem>>, vector<1x16xf32>,
      %get3A_336 = vector.shape_cast %get3A_335 : vector<1x16xf32> to vector<16xf32>
      %get3A_337 = arith.index_cast %add3A_152 : i32 to index
      %get3A_338 = arith.constant 208 : index
      %get3A_339 = tpu.vector_load %arg11[%get3A_337, %get3A_338] {strides = array<i32>} : memref<64x256xf32, #tpu.memory_space<vmem>>, vector<1x16xf32>,
      %get3A_340 = vector.shape_cast %get3A_339 : vector<1x16xf32> to vector<16xf32>
      %add3A_341 = arith.addf %get3A_336, %get3A_340 : vector<16xf32>
      %swap3A_342 = arith.index_cast %add3A_152 : i32 to index
      %swap3A_343 = arith.constant 208 : index
      %swap3A_344 = tpu.vector_load %arg9[%swap3A_342, %swap3A_343] {strides = array<i32>} : memref<64x256xf32, #tpu.memory_space<vmem>>, vector<1x16xf32>,
      %swap3A_345 = vector.shape_cast %swap3A_344 : vector<1x16xf32> to vector<16xf32>
      %swap3A_346 = vector.shape_cast %add3A_341 : vector<16xf32> to vector<1x16xf32>
      tpu.vector_store %arg9[%swap3A_342, %swap3A_343], %swap3A_346 {strides = array<i32>} : memref<64x256xf32, #tpu.memory_space<vmem>>, vector<1x16xf32>,
      %get3A_347 = arith.index_cast %add3A_152 : i32 to index
      %get3A_348 = arith.constant 224 : index
      %get3A_349 = tpu.vector_load %arg9[%get3A_347, %get3A_348] {strides = array<i32>} : memref<64x256xf32, #tpu.memory_space<vmem>>, vector<1x16xf32>,
      %get3A_350 = vector.shape_cast %get3A_349 : vector<1x16xf32> to vector<16xf32>
      %get3A_351 = arith.index_cast %add3A_152 : i32 to index
      %get3A_352 = arith.constant 224 : index
      %get3A_353 = tpu.vector_load %arg11[%get3A_351, %get3A_352] {strides = array<i32>} : memref<64x256xf32, #tpu.memory_space<vmem>>, vector<1x16xf32>,
      %get3A_354 = vector.shape_cast %get3A_353 : vector<1x16xf32> to vector<16xf32>
      %add3A_355 = arith.addf %get3A_350, %get3A_354 : vector<16xf32>
      %swap3A_356 = arith.index_cast %add3A_152 : i32 to index
      %swap3A_357 = arith.constant 224 : index
      %swap3A_358 = tpu.vector_load %arg9[%swap3A_356, %swap3A_357] {strides = array<i32>} : memref<64x256xf32, #tpu.memory_space<vmem>>, vector<1x16xf32>,
      %swap3A_359 = vector.shape_cast %swap3A_358 : vector<1x16xf32> to vector<16xf32>
      %swap3A_360 = vector.shape_cast %add3A_355 : vector<16xf32> to vector<1x16xf32>
      tpu.vector_store %arg9[%swap3A_356, %swap3A_357], %swap3A_360 {strides = array<i32>} : memref<64x256xf32, #tpu.memory_space<vmem>>, vector<1x16xf32>,
      %get3A_361 = arith.index_cast %add3A_152 : i32 to index
      %get3A_362 = arith.constant 240 : index
      %get3A_363 = tpu.vector_load %arg9[%get3A_361, %get3A_362] {strides = array<i32>} : memref<64x256xf32, #tpu.memory_space<vmem>>, vector<1x16xf32>,
      %get3A_364 = vector.shape_cast %get3A_363 : vector<1x16xf32> to vector<16xf32>
      %get3A_365 = arith.index_cast %add3A_152 : i32 to index
      %get3A_366 = arith.constant 240 : index
      %get3A_367 = tpu.vector_load %arg11[%get3A_365, %get3A_366] {strides = array<i32>} : memref<64x256xf32, #tpu.memory_space<vmem>>, vector<1x16xf32>,
      %get3A_368 = vector.shape_cast %get3A_367 : vector<1x16xf32> to vector<16xf32>
      %add3A_369 = arith.addf %get3A_364, %get3A_368 : vector<16xf32>
      %swap3A_370 = arith.index_cast %add3A_152 : i32 to index
      %swap3A_371 = arith.constant 240 : index
      %swap3A_372 = tpu.vector_load %arg9[%swap3A_370, %swap3A_371] {strides = array<i32>} : memref<64x256xf32, #tpu.memory_space<vmem>>, vector<1x16xf32>,
      %swap3A_373 = vector.shape_cast %swap3A_372 : vector<1x16xf32> to vector<16xf32>
      %swap3A_374 = vector.shape_cast %add3A_369 : vector<16xf32> to vector<1x16xf32>
      tpu.vector_store %arg9[%swap3A_370, %swap3A_371], %swap3A_374 {strides = array<i32>} : memref<64x256xf32, #tpu.memory_space<vmem>>, vector<1x16xf32>,
    }
    %scan3A_129 = arith.constant 64 : i32
    %add3A_130 = arith.constant 192 : i32
    %add3A_131 = arith.addi %mul3A_2, %add3A_130 : i32
    %dma_start3A_132 = arith.constant 0 : i32
    %dma_start3A_133 = tpu.memref_slice %arg5[%add3A_131, %dma_start3A_132] : memref<8192x256xf32, #tpu.memory_space<hbm>> -> memref<64x256xf32, #tpu.memory_space<hbm>>
    %dma_start3A_134 = arith.constant 0 : i32
    %dma_start3A_135 = tpu.memref_slice %arg5[%add3A_131, %dma_start3A_134] : memref<8192x256xf32, #tpu.memory_space<hbm>> -> memref<64x256xf32, #tpu.memory_space<hbm>>
    tpu.enqueue_dma source(%arg9 : memref<64x256xf32, #tpu.memory_space<vmem>>) target(%dma_start3A_135 : memref<64x256xf32, #tpu.memory_space<hbm>>) target_semaphore(%arg17 : memref<!tpu.dma_semaphore, #tpu.memory_space<semaphore_mem>>)
    %add3A_136 = arith.constant 128 : i32
    %add3A_137 = arith.addi %mul3A_2, %add3A_136 : i32
    %dma_wait3A_138 = arith.constant 0 : i32
    %dma_wait3A_139 = tpu.memref_slice %arg5[%add3A_137, %dma_wait3A_138] : memref<8192x256xf32, #tpu.memory_space<hbm>> -> memref<64x256xf32, #tpu.memory_space<hbm>>
    %dma_wait3A_140 = arith.constant 0 : i32
    %dma_wait3A_141 = tpu.memref_slice %arg5[%add3A_137, %dma_wait3A_140] : memref<8192x256xf32, #tpu.memory_space<hbm>> -> memref<64x256xf32, #tpu.memory_space<hbm>>
    tpu.wait_dma2 semaphore(%arg16 : memref<!tpu.dma_semaphore, #tpu.memory_space<semaphore_mem>>) src(%arg8 : memref<64x256xf32, #tpu.memory_space<vmem>>) dst(%dma_wait3A_141 : memref<64x256xf32, #tpu.memory_space<hbm>>)
    %add3A_142 = arith.constant 192 : i32
    %add3A_143 = arith.addi %mul3A_2, %add3A_142 : i32
    %dma_wait3A_144 = arith.constant 0 : i32
    %dma_wait3A_145 = tpu.memref_slice %arg5[%add3A_143, %dma_wait3A_144] : memref<8192x256xf32, #tpu.memory_space<hbm>> -> memref<64x256xf32, #tpu.memory_space<hbm>>
    %dma_wait3A_146 = arith.constant 0 : i32
    %dma_wait3A_147 = tpu.memref_slice %arg5[%add3A_143, %dma_wait3A_146] : memref<8192x256xf32, #tpu.memory_space<hbm>> -> memref<64x256xf32, #tpu.memory_space<hbm>>
    tpu.wait_dma2 semaphore(%arg17 : memref<!tpu.dma_semaphore, #tpu.memory_space<semaphore_mem>>) src(%arg9 : memref<64x256xf32, #tpu.memory_space<vmem>>) dst(%dma_wait3A_147 : memref<64x256xf32, #tpu.memory_space<hbm>>)
    return
  }
}

module attributes {stable_mosaic.version = 14 : i64} {
  func.func @_pack_kernel(%arg0: i32, %arg1: memref<512x2048xf32, #tpu.memory_space<vmem>>, %arg2: memref<512x1024xi32, #tpu.memory_space<vmem>>) attributes {dimension_semantics = [#tpu.dimension_semantics<arbitrary>], iteration_bounds = array<i64: 16>, scalar_prefetch = 0 : i64, scratch_operands = 0 : i64, tpu.core_type = #tpu.core_type<tc>, window_params = [{transform_indices = @transform_0, window_bounds = array<i64: 512, 2048>}, {transform_indices = @transform_1, window_bounds = array<i64: 512, 1024>}]} {
    %get3A = arith.constant 0 : index
    %get3A_0 = arith.constant 0 : index
    %get3A_1 = vector.load %arg1[%get3A, %get3A_0] : memref<512x2048xf32, #tpu.memory_space<vmem>>, vector<512x2048xf32>
    %bitcast_convert_type3A = tpu.bitcast %get3A_1 : vector<512x2048xf32> -> vector<512x2048xi32>
    %add3A = arith.constant 32767 : i32
    %add3A_2 = vector.broadcast %add3A : i32 to vector<512x2048xi32>
    %add3A_3 = arith.addi %bitcast_convert_type3A, %add3A_2 : vector<512x2048xi32>
    %shift_right_logical3A = arith.constant 16 : i32
    %shift_right_logical3A_4 = vector.broadcast %shift_right_logical3A : i32 to vector<512x2048xi32>
    %shift_right_logical3A_5 = arith.shrui %bitcast_convert_type3A, %shift_right_logical3A_4 : vector<512x2048xi32>
    %and3A = arith.constant 1 : i32
    %and3A_6 = vector.broadcast %and3A : i32 to vector<512x2048xi32>
    %and3A_7 = arith.andi %shift_right_logical3A_5, %and3A_6 : vector<512x2048xi32>
    %add3A_8 = arith.addi %add3A_3, %and3A_7 : vector<512x2048xi32>
    %shift_right_logical3A_9 = arith.constant 16 : i32
    %shift_right_logical3A_10 = vector.broadcast %shift_right_logical3A_9 : i32 to vector<512x2048xi32>
    %shift_right_logical3A_11 = arith.shrui %add3A_8, %shift_right_logical3A_10 : vector<512x2048xi32>
    %slice3A = vector.extract_strided_slice %shift_right_logical3A_11 {offsets = [0, 0], sizes = [512, 1024], strides = [1, 1]} : vector<512x2048xi32> to vector<512x1024xi32>
    %slice3A_12 = vector.extract_strided_slice %shift_right_logical3A_11 {offsets = [0, 1024], sizes = [512, 1024], strides = [1, 1]} : vector<512x2048xi32> to vector<512x1024xi32>
    %shift_left3A = arith.constant 16 : i32
    %shift_left3A_13 = vector.broadcast %shift_left3A : i32 to vector<512x1024xi32>
    %shift_left3A_14 = arith.shli %slice3A_12, %shift_left3A_13 : vector<512x1024xi32>
    %or3A = arith.ori %slice3A, %shift_left3A_14 : vector<512x1024xi32>
    %bitcast_convert_type3A_15 = tpu.bitcast %or3A : vector<512x1024xi32> -> vector<512x1024xi32>
    %swap3A = arith.constant 0 : index
    %swap3A_16 = arith.constant 0 : index
    %swap3A_17 = vector.load %arg2[%swap3A, %swap3A_16] : memref<512x1024xi32, #tpu.memory_space<vmem>>, vector<512x1024xi32>
    tpu.vector_store %arg2[%swap3A, %swap3A_16], %bitcast_convert_type3A_15 {strides = array<i32>} : memref<512x1024xi32, #tpu.memory_space<vmem>>, vector<512x1024xi32>,
    return
  }
  func.func @transform_0(%arg0: i32) -> (i32, i32) {
    %c0_i32 = arith.constant 0 : i32
    %c0_i32_0 = arith.constant 0 : i32
    return %arg0, %c0_i32 : i32, i32
  }
  func.func @transform_1(%arg0: i32) -> (i32, i32) {
    %c0_i32 = arith.constant 0 : i32
    %c0_i32_0 = arith.constant 0 : i32
    return %arg0, %c0_i32 : i32, i32
  }
}

module attributes {stable_mosaic.version = 14 : i64} {
  func.func @_mlp_kernel(%arg0: i32, %arg1: memref<72xi32, #tpu.memory_space<smem>>, %arg2: memref<256x1024xi32, #tpu.memory_space<vmem>>, %arg3: memref<256x1xf32, #tpu.memory_space<vmem>>, %arg4: memref<256x1xf32, #tpu.memory_space<vmem>>, %arg5: memref<1x2049x1024xf32, #tpu.memory_space<vmem>>, %arg6: memref<1x1x1024xf32, #tpu.memory_space<vmem>>, %arg7: memref<1x1024x512xf32, #tpu.memory_space<vmem>>, %arg8: memref<1x1x512xf32, #tpu.memory_space<vmem>>, %arg9: memref<1x512x256xf32, #tpu.memory_space<vmem>>, %arg10: memref<1x1x256xf32, #tpu.memory_space<vmem>>, %arg11: memref<256x256xf32, #tpu.memory_space<vmem>>) attributes {dimension_semantics = [#tpu.dimension_semantics<arbitrary>], iteration_bounds = array<i64: 72>, scalar_prefetch = 1 : i64, scratch_operands = 0 : i64, tpu.core_type = #tpu.core_type<tc>, window_params = [{transform_indices = @transform_0, window_bounds = array<i64: 256, 1024>}, {transform_indices = @transform_1, window_bounds = array<i64: 256, 1>}, {transform_indices = @transform_2, window_bounds = array<i64: 256, 1>}, {transform_indices = @transform_3, window_bounds = array<i64: 1, 2049, 1024>}, {transform_indices = @transform_4, window_bounds = array<i64: 1, 1, 1024>}, {transform_indices = @transform_5, window_bounds = array<i64: 1, 1024, 512>}, {transform_indices = @transform_6, window_bounds = array<i64: 1, 1, 512>}, {transform_indices = @transform_7, window_bounds = array<i64: 1, 512, 256>}, {transform_indices = @transform_8, window_bounds = array<i64: 1, 1, 256>}, {transform_indices = @transform_9, window_bounds = array<i64: 256, 256>}]} {
    %get3A = arith.constant 0 : index
    %get3A_0 = arith.constant 0 : index
    %get3A_1 = vector.load %arg2[%get3A, %get3A_0] : memref<256x1024xi32, #tpu.memory_space<vmem>>, vector<256x1024xi32>
    %bitcast_convert_type3A = tpu.bitcast %get3A_1 : vector<256x1024xi32> -> vector<256x1024xi32>
    %shift_left3A = arith.constant 16 : i32
    %shift_left3A_2 = vector.broadcast %shift_left3A : i32 to vector<256x1024xi32>
    %shift_left3A_3 = arith.shli %bitcast_convert_type3A, %shift_left3A_2 : vector<256x1024xi32>
    %bitcast_convert_type3A_4 = tpu.bitcast %shift_left3A_3 : vector<256x1024xi32> -> vector<256x1024xf32>
    %and3A = arith.constant -65536 : i32
    %and3A_5 = vector.broadcast %and3A : i32 to vector<256x1024xi32>
    %and3A_6 = arith.andi %bitcast_convert_type3A, %and3A_5 : vector<256x1024xi32>
    %bitcast_convert_type3A_7 = tpu.bitcast %and3A_6 : vector<256x1024xi32> -> vector<256x1024xf32>
    %get3A_8 = arith.constant 0 : index
    %get3A_9 = arith.constant 0 : index
    %get3A_10 = arith.constant 0 : index
    %get3A_11 = vector.load %arg5[%get3A_8, %get3A_9, %get3A_10] : memref<1x2049x1024xf32, #tpu.memory_space<vmem>>, vector<1x2049x1024xf32>
    %get3A_12 = vector.shape_cast %get3A_11 : vector<1x2049x1024xf32> to vector<2049x1024xf32>
    %convert_element_type3A = arith.truncf %bitcast_convert_type3A_4 : vector<256x1024xf32> to vector<256x1024xbf16>
    %slice3A = vector.extract_strided_slice %get3A_12 {offsets = [0, 0], sizes = [1024, 1024], strides = [1, 1]} : vector<2049x1024xf32> to vector<1024x1024xf32>
    %convert_element_type3A_13 = arith.truncf %slice3A : vector<1024x1024xf32> to vector<1024x1024xbf16>
    %dot_general3A = arith.constant dense<0.000000e+00> : vector<256x1024xf32>
    %dot_general3A_14 = tpu.matmul %convert_element_type3A, %convert_element_type3A_13, %dot_general3A {dimension_numbers = #tpu.dot_dimension_numbers<[1], [0], [0], [1], [0, 0, 1, 1], [], []>, transpose_lhs_hint = false} : vector<256x1024xbf16>, vector<1024x1024xbf16>, vector<256x1024xf32> -> vector<256x1024xf32>
    %convert_element_type3A_15 = arith.truncf %bitcast_convert_type3A_7 : vector<256x1024xf32> to vector<256x1024xbf16>
    %slice3A_16 = vector.extract_strided_slice %get3A_12 {offsets = [1024, 0], sizes = [1024, 1024], strides = [1, 1]} : vector<2049x1024xf32> to vector<1024x1024xf32>
    %convert_element_type3A_17 = arith.truncf %slice3A_16 : vector<1024x1024xf32> to vector<1024x1024xbf16>
    %dot_general3A_18 = arith.constant dense<0.000000e+00> : vector<256x1024xf32>
    %dot_general3A_19 = tpu.matmul %convert_element_type3A_15, %convert_element_type3A_17, %dot_general3A_18 {dimension_numbers = #tpu.dot_dimension_numbers<[1], [0], [0], [1], [0, 0, 1, 1], [], []>, transpose_lhs_hint = false} : vector<256x1024xbf16>, vector<1024x1024xbf16>, vector<256x1024xf32> -> vector<256x1024xf32>
    %add3A = arith.addf %dot_general3A_14, %dot_general3A_19 : vector<256x1024xf32>
    %get3A_20 = arith.constant 0 : index
    %get3A_21 = arith.constant 0 : index
    %get3A_22 = vector.load %arg3[%get3A_20, %get3A_21] : memref<256x1xf32, #tpu.memory_space<vmem>>, vector<256x1xf32>
    %slice3A_23 = vector.extract_strided_slice %get3A_12 {offsets = [2048, 0], sizes = [1, 1024], strides = [1, 1]} : vector<2049x1024xf32> to vector<1x1024xf32>
    %mul3A = vector.broadcast %get3A_22 : vector<256x1xf32> to vector<256x1024xf32>
    %mul3A_24 = vector.broadcast %slice3A_23 : vector<1x1024xf32> to vector<256x1024xf32>
    %mul3A_25 = arith.mulf %mul3A, %mul3A_24 : vector<256x1024xf32>
    %add3A_26 = arith.addf %add3A, %mul3A_25 : vector<256x1024xf32>
    %get3A_27 = arith.constant 0 : index
    %get3A_28 = arith.constant 0 : index
    %get3A_29 = arith.constant 0 : index
    %get3A_30 = vector.load %arg6[%get3A_27, %get3A_28, %get3A_29] : memref<1x1x1024xf32, #tpu.memory_space<vmem>>, vector<1x1x1024xf32>
    %get3A_31 = vector.shape_cast %get3A_30 : vector<1x1x1024xf32> to vector<1x1024xf32>
    %add3A_32 = vector.broadcast %get3A_31 : vector<1x1024xf32> to vector<256x1024xf32>
    %add3A_33 = arith.addf %add3A_26, %add3A_32 : vector<256x1024xf32>
    %max3A = arith.constant 0.000000e+00 : f32
    %max3A_34 = vector.broadcast %max3A : f32 to vector<256x1024xf32>
    %max3A_35 = arith.maximumf %add3A_33, %max3A_34 : vector<256x1024xf32>
    %convert_element_type3A_36 = arith.truncf %max3A_35 : vector<256x1024xf32> to vector<256x1024xbf16>
    %get3A_37 = arith.constant 0 : index
    %get3A_38 = arith.constant 0 : index
    %get3A_39 = arith.constant 0 : index
    %get3A_40 = vector.load %arg7[%get3A_37, %get3A_38, %get3A_39] : memref<1x1024x512xf32, #tpu.memory_space<vmem>>, vector<1x1024x512xf32>
    %get3A_41 = vector.shape_cast %get3A_40 : vector<1x1024x512xf32> to vector<1024x512xf32>
    %convert_element_type3A_42 = arith.truncf %get3A_41 : vector<1024x512xf32> to vector<1024x512xbf16>
    %dot_general3A_43 = arith.constant dense<0.000000e+00> : vector<256x512xf32>
    %dot_general3A_44 = tpu.matmul %convert_element_type3A_36, %convert_element_type3A_42, %dot_general3A_43 {dimension_numbers = #tpu.dot_dimension_numbers<[1], [0], [0], [1], [0, 0, 1, 1], [], []>, transpose_lhs_hint = false} : vector<256x1024xbf16>, vector<1024x512xbf16>, vector<256x512xf32> -> vector<256x512xf32>
    %get3A_45 = arith.constant 0 : index
    %get3A_46 = arith.constant 0 : index
    %get3A_47 = arith.constant 0 : index
    %get3A_48 = vector.load %arg8[%get3A_45, %get3A_46, %get3A_47] : memref<1x1x512xf32, #tpu.memory_space<vmem>>, vector<1x1x512xf32>
    %get3A_49 = vector.shape_cast %get3A_48 : vector<1x1x512xf32> to vector<1x512xf32>
    %add3A_50 = vector.broadcast %get3A_49 : vector<1x512xf32> to vector<256x512xf32>
    %add3A_51 = arith.addf %dot_general3A_44, %add3A_50 : vector<256x512xf32>
    %max3A_52 = arith.constant 0.000000e+00 : f32
    %max3A_53 = vector.broadcast %max3A_52 : f32 to vector<256x512xf32>
    %max3A_54 = arith.maximumf %add3A_51, %max3A_53 : vector<256x512xf32>
    %convert_element_type3A_55 = arith.truncf %max3A_54 : vector<256x512xf32> to vector<256x512xbf16>
    %get3A_56 = arith.constant 0 : index
    %get3A_57 = arith.constant 0 : index
    %get3A_58 = arith.constant 0 : index
    %get3A_59 = vector.load %arg9[%get3A_56, %get3A_57, %get3A_58] : memref<1x512x256xf32, #tpu.memory_space<vmem>>, vector<1x512x256xf32>
    %get3A_60 = vector.shape_cast %get3A_59 : vector<1x512x256xf32> to vector<512x256xf32>
    %convert_element_type3A_61 = arith.truncf %get3A_60 : vector<512x256xf32> to vector<512x256xbf16>
    %dot_general3A_62 = arith.constant dense<0.000000e+00> : vector<256x256xf32>
    %dot_general3A_63 = tpu.matmul %convert_element_type3A_55, %convert_element_type3A_61, %dot_general3A_62 {dimension_numbers = #tpu.dot_dimension_numbers<[1], [0], [0], [1], [0, 0, 1, 1], [], []>, transpose_lhs_hint = false} : vector<256x512xbf16>, vector<512x256xbf16>, vector<256x256xf32> -> vector<256x256xf32>
    %get3A_64 = arith.constant 0 : index
    %get3A_65 = arith.constant 0 : index
    %get3A_66 = arith.constant 0 : index
    %get3A_67 = vector.load %arg10[%get3A_64, %get3A_65, %get3A_66] : memref<1x1x256xf32, #tpu.memory_space<vmem>>, vector<1x1x256xf32>
    %get3A_68 = vector.shape_cast %get3A_67 : vector<1x1x256xf32> to vector<1x256xf32>
    %add3A_69 = vector.broadcast %get3A_68 : vector<1x256xf32> to vector<256x256xf32>
    %add3A_70 = arith.addf %dot_general3A_63, %add3A_69 : vector<256x256xf32>
    %get3A_71 = arith.constant 0 : index
    %get3A_72 = arith.constant 0 : index
    %get3A_73 = vector.load %arg4[%get3A_71, %get3A_72] : memref<256x1xf32, #tpu.memory_space<vmem>>, vector<256x1xf32>
    %mul3A_74 = vector.broadcast %get3A_73 : vector<256x1xf32> to vector<256x256xf32>
    %mul3A_75 = arith.mulf %add3A_70, %mul3A_74 : vector<256x256xf32>
    %swap3A = arith.constant 0 : index
    %swap3A_76 = arith.constant 0 : index
    %swap3A_77 = vector.load %arg11[%swap3A, %swap3A_76] : memref<256x256xf32, #tpu.memory_space<vmem>>, vector<256x256xf32>
    tpu.vector_store %arg11[%swap3A, %swap3A_76], %mul3A_75 {strides = array<i32>} : memref<256x256xf32, #tpu.memory_space<vmem>>, vector<256x256xf32>,
    return
  }
  func.func @transform_0(%arg0: i32, %arg1: memref<72xi32, #tpu.memory_space<smem>>) -> (i32, i32) {
    %c0_i32 = arith.constant 0 : i32
    %c0_i32_0 = arith.constant 0 : i32
    return %arg0, %c0_i32 : i32, i32
  }
  func.func @transform_1(%arg0: i32, %arg1: memref<72xi32, #tpu.memory_space<smem>>) -> (i32, i32) {
    %c0_i32 = arith.constant 0 : i32
    %c0_i32_0 = arith.constant 0 : i32
    return %arg0, %c0_i32 : i32, i32
  }
  func.func @transform_2(%arg0: i32, %arg1: memref<72xi32, #tpu.memory_space<smem>>) -> (i32, i32) {
    %c0_i32 = arith.constant 0 : i32
    %c0_i32_0 = arith.constant 0 : i32
    return %arg0, %c0_i32 : i32, i32
  }
  func.func @transform_3(%arg0: i32, %arg1: memref<72xi32, #tpu.memory_space<smem>>) -> (i32, i32, i32) {
    %get3A = arith.index_cast %arg0 : i32 to index
    %get3A_0 = memref.load %arg1[%get3A] : memref<72xi32, #tpu.memory_space<smem>>
    %c0_i32 = arith.constant 0 : i32
    %c0_i32_1 = arith.constant 0 : i32
    %c0_i32_2 = arith.constant 0 : i32
    return %get3A_0, %c0_i32, %c0_i32_1 : i32, i32, i32
  }
  func.func @transform_4(%arg0: i32, %arg1: memref<72xi32, #tpu.memory_space<smem>>) -> (i32, i32, i32) {
    %get3A = arith.index_cast %arg0 : i32 to index
    %get3A_0 = memref.load %arg1[%get3A] : memref<72xi32, #tpu.memory_space<smem>>
    %c0_i32 = arith.constant 0 : i32
    %c0_i32_1 = arith.constant 0 : i32
    %c0_i32_2 = arith.constant 0 : i32
    return %get3A_0, %c0_i32, %c0_i32_1 : i32, i32, i32
  }
  func.func @transform_5(%arg0: i32, %arg1: memref<72xi32, #tpu.memory_space<smem>>) -> (i32, i32, i32) {
    %get3A = arith.index_cast %arg0 : i32 to index
    %get3A_0 = memref.load %arg1[%get3A] : memref<72xi32, #tpu.memory_space<smem>>
    %c0_i32 = arith.constant 0 : i32
    %c0_i32_1 = arith.constant 0 : i32
    %c0_i32_2 = arith.constant 0 : i32
    return %get3A_0, %c0_i32, %c0_i32_1 : i32, i32, i32
  }
  func.func @transform_6(%arg0: i32, %arg1: memref<72xi32, #tpu.memory_space<smem>>) -> (i32, i32, i32) {
    %get3A = arith.index_cast %arg0 : i32 to index
    %get3A_0 = memref.load %arg1[%get3A] : memref<72xi32, #tpu.memory_space<smem>>
    %c0_i32 = arith.constant 0 : i32
    %c0_i32_1 = arith.constant 0 : i32
    %c0_i32_2 = arith.constant 0 : i32
    return %get3A_0, %c0_i32, %c0_i32_1 : i32, i32, i32
  }
  func.func @transform_7(%arg0: i32, %arg1: memref<72xi32, #tpu.memory_space<smem>>) -> (i32, i32, i32) {
    %get3A = arith.index_cast %arg0 : i32 to index
    %get3A_0 = memref.load %arg1[%get3A] : memref<72xi32, #tpu.memory_space<smem>>
    %c0_i32 = arith.constant 0 : i32
    %c0_i32_1 = arith.constant 0 : i32
    %c0_i32_2 = arith.constant 0 : i32
    return %get3A_0, %c0_i32, %c0_i32_1 : i32, i32, i32
  }
  func.func @transform_8(%arg0: i32, %arg1: memref<72xi32, #tpu.memory_space<smem>>) -> (i32, i32, i32) {
    %get3A = arith.index_cast %arg0 : i32 to index
    %get3A_0 = memref.load %arg1[%get3A] : memref<72xi32, #tpu.memory_space<smem>>
    %c0_i32 = arith.constant 0 : i32
    %c0_i32_1 = arith.constant 0 : i32
    %c0_i32_2 = arith.constant 0 : i32
    return %get3A_0, %c0_i32, %c0_i32_1 : i32, i32, i32
  }
  func.func @transform_9(%arg0: i32, %arg1: memref<72xi32, #tpu.memory_space<smem>>) -> (i32, i32) {
    %c0_i32 = arith.constant 0 : i32
    %c0_i32_0 = arith.constant 0 : i32
    return %arg0, %c0_i32 : i32, i32
  }
}

</mosaic_0001>

<sc_bundles>
// kernel: gather_offload_async_start
scs
__scs_entry_jumppad:
0x0: {  	(pc) =	sbr.rel $0x88, $3  }
0x1: {  	(tag) =	ssettag $0x0;
	lr =	simm.s32 $0x1  }
0x2: {  	[smem:$0x3F97] =	sst lr;
	_ =	strace $0xD0000000  }
0x3: {  	_ = 	snop  }
0x4: {  	_ = 	snop  }
0x5: {  	_ = 	snop  }
0x6: {  	_ = 	snop  }
0x7: {  	_ = 	snop  }
__scs_overlays_trampoline_lowered:
0x8: {  	[smem:$0x3FA6] =	sst s0  }
0x9: {  	[smem:$0x3FA7] =	sst s1  }
0xa: {  	[smem:$0x3FA8] =	sst s2  }
0xb: {  	[smem:$0x3FA9] =	sst s3  }
0xc: {  	[smem:$0x3FAA] =	sst s4  }
0xd: {  	[smem:$0x3FAB] =	sst s5  }
0xe: {  	[smem:$0x3FAC] =	sst s6  }
0xf: {  	[smem:$0x3FAD] =	sst s7  }
0x10: {  	[smem:$0x3FAE] =	sst s8  }
0x11: {  	[smem:$0x3FAF] =	sst s9;
	s0 =	simm.s32 @!p0 $0x0  }
0x12: {  	s1 =	sld [smem:$0x3F95];
	s0 =	simm.s32 @p0 $0x1  }
0x13: {  	[smem:$0x3FB0] =	sst s0;
	s0 =	simm.s32 @!p1 $0x0  }
0x14: {  	s2 =	sld [smem:$0x3F94];
	s0 =	simm.s32 @p1 $0x1  }
0x15: {  	[smem:$0x3FB1] =	sst s0;
	s0 =	simm.s32 @!p2 $0x0  }
0x16: {  	s3 =	sld [smem:$0x3FDB];
	s0 =	simm.s32 @p2 $0x1  }
0x17: {  	s4 =	simm.s32 $0x1BF5;
	[smem:$0x3FB3] =	sst s0  }
0x18: {  	s0 =	sld [smem:$0x3F96];
	_ =	swait.ge [sflag:s4], $0x0  }
0x19: {  	s7 =	sld [smem:$0x3F97]  }
0x1a: {  	s8 =	sadd.s32 $0xFFFFE003, lr  }
0x1b: {  	s9 =	sadd.s32 $0xFFFFFEF7, lr;
	s5 =	simm.s32 $0xFFFFFFFF;
	p2 =	slt.u32 s8, $0xFFFFF086  }
0x1c: {  	p1 =	slt.u32 s9, $0xF7A;
	s5 =	simm.s32 @!p2 $0x0  }
0x1d: {  	s5 =	simm.s32 @p1 $0x1;
	p0 =	seq.s32 s7, s2  }
0x1e: {  	s7 =	smul.u32 @!p0 $0xF7A, s2;
	p2 =	seq.s32 @!p0 s5, $0x0  }
0x1f: {  	s9 =	smul.u32 $0xF7A, s1;
	s8 =	simm.s32 @!p0 $0x1BF5;
	p2 =	por !p2, p0  }
0x20: {  	[sflag:s8] =	ssyncset.s32 @!p0 $0xFFFFF086;
	s6 =	sadd.s32 @!p0 s3, s7;
	s7 =	simm.s32 @!p0 $0x108  }
0x21: {  	s3 =	sadd.s32 s3, s9;
	s6 =	sadd.s32 @!p0 $0x88, s6;
	s7 =	simm.s32 @p2 $0x1082  }
0x22: {  	[simem:s7], [sflag:s8] =	dma.local @!p0 [hbm:s6], $0xF7A  }
0x23: {  	s9 =	sor.u32 $0xD0000000, s2;
	s6 =	simm.s32 $0x108;
	_ =	swait.ge @!p0 [sflag:s8], $0x0  }
0x24: {  	s3 =	sadd.s32 $0x88, s3;
	s6 =	simm.s32 @!p1 $0x1082;
	[sflag:s4] =	ssyncset.s32 $0xFFFFF086  }
0x25: {  	[simem:s6], [sflag:s4] =	dma.local [hbm:s3], $0xF7A  }
0x26: {  	[smem:$0x3F97] =	sst s1;
	(tag) =	ssettag s2;
	_ =	strace s9  }
0x27: {  	s1 =	sld [smem:$0x3FA7]  }
0x28: {  	s2 =	sld [smem:$0x3FA8]  }
0x29: {  	s4 =	sld [smem:$0x3FAA]  }
0x2a: {  	p0 =	seq.s32 s5, $0x0;
	s5 =	sld [smem:$0x3FAB]  }
0x2b: {  	s6 =	sld [smem:$0x3FAC]  }
0x2c: {  	s7 =	sld [smem:$0x3FAD]  }
0x2d: {  	s3 =	simm.s32 $0x108;
	s8 =	sld [smem:$0x3FAE]  }
0x2e: {  	s3 =	simm.s32 @!p0 $0x1082;
	s9 =	sld [smem:$0x3FAF]  }
0x2f: {  	lr =	sadd.s32 s0, s3;
	s0 =	sld [smem:$0x3FA6]  }
0x30: {  	s3 =	sld [smem:$0x3FA9]  }
0x31: {  	[smem:$0x3FB2] =	sst s10  }
0x32: {  	s10 =	sld [smem:$0x3FB0];
	_ =	sdelay $0x3  }
0x33: {  	p0 =	seq.s32 s10, $0x1;
	s10 =	sld [smem:$0x3FB2];
	_ =	sdelay $0x3  }
0x34: {  	[smem:$0x3FB2] =	sst s10  }
0x35: {  	s10 =	sld [smem:$0x3FB1];
	_ =	sdelay $0x3  }
0x36: {  	p1 =	seq.s32 s10, $0x1;
	s10 =	sld [smem:$0x3FB2];
	_ =	sdelay $0x3  }
0x37: {  	[smem:$0x3FB2] =	sst s10  }
0x38: {  	s10 =	sld [smem:$0x3FB3]  }
0x39: {  	_ = 	snop;
	(pc) =	sbr.ind lr, $3  }
0x3a: {  	_ = 	snop  }
0x3b: {  	_ = 	snop  }
0x3c: {  	p2 =	seq.s32 s10, $0x1;
	s10 =	sld [smem:$0x3FB2]  }
0x3d: {  	_ =	shalt  }
0x3e: {  	_ =	shalt  }
0x3f: {  	_ =	shalt  }
0x40: {  	_ =	shalt  }
0x41: {  	_ =	shalt  }
0x42: {  	_ =	shalt  }
0x43: {  	_ =	shalt  }
0x44: {  	_ =	shalt  }
0x45: {  	_ =	shalt  }
0x46: {  	_ =	shalt  }
0x47: {  	_ =	shalt  }
0x48: {  	_ =	shalt  }
0x49: {  	_ =	shalt  }
0x4a: {  	_ =	shalt  }
0x4b: {  	_ =	shalt  }
0x4c: {  	_ =	shalt  }
0x4d: {  	_ =	shalt  }
0x4e: {  	_ =	shalt  }
0x4f: {  	_ =	shalt  }
0x50: {  	_ =	shalt  }
0x51: {  	_ =	shalt  }
0x52: {  	_ =	shalt  }
0x53: {  	_ =	shalt  }
0x54: {  	_ =	shalt  }
0x55: {  	_ =	shalt  }
0x56: {  	_ =	shalt  }
0x57: {  	_ =	shalt  }
0x58: {  	_ =	shalt  }
0x59: {  	_ =	shalt  }
0x5a: {  	_ =	shalt  }
0x5b: {  	_ =	shalt  }
0x5c: {  	_ =	shalt  }
0x5d: {  	_ =	shalt  }
0x5e: {  	_ =	shalt  }
0x5f: {  	_ =	shalt  }
0x60: {  	_ =	shalt  }
0x61: {  	_ =	shalt  }
0x62: {  	_ =	shalt  }
0x63: {  	_ =	shalt  }
0x64: {  	_ =	shalt  }
0x65: {  	_ =	shalt  }
0x66: {  	_ =	shalt  }
0x67: {  	_ =	shalt  }
0x68: {  	_ =	shalt  }
0x69: {  	_ =	shalt  }
0x6a: {  	_ =	shalt  }
0x6b: {  	_ =	shalt  }
0x6c: {  	_ =	shalt  }
0x6d: {  	_ =	shalt  }
0x6e: {  	_ =	shalt  }
0x6f: {  	_ =	shalt  }
0x70: {  	_ =	shalt  }
0x71: {  	_ =	shalt  }
0x72: {  	_ =	shalt  }
0x73: {  	_ =	shalt  }
0x74: {  	_ =	shalt  }
0x75: {  	_ =	shalt  }
0x76: {  	_ =	shalt  }
0x77: {  	_ =	shalt  }
0x78: {  	_ =	shalt  }
0x79: {  	_ =	shalt  }
0x7a: {  	_ =	shalt  }
0x7b: {  	_ =	shalt  }
0x7c: {  	_ =	shalt  }
0x7d: {  	_ =	shalt  }
0x7e: {  	_ =	shalt  }
0x7f: {  	_ =	shalt  }
0x80: {  	_ =	shalt  }
0x81: {  	_ =	shalt  }
0x82: {  	_ =	shalt  }
0x83: {  	_ =	shalt  }
0x84: {  	_ =	shalt  }
0x85: {  	_ =	shalt  }
0x86: {  	_ =	shalt  }
0x87: {  	_ =	shalt  }
.Lfunc_end0:
.L_simem_size_0:
called_computation_lowered:
.L_overlay_start_0:
0x88: {  	s2 =	sld [smem:$0x3FD9]  }
0x89: {  	s3 =	sld [smem:$0x3FFE];
	_ =	sdelay $0x1  }
0x8a: {  	s1 =	srdreg.scid  }
0x8b: {  	s0 =	sand.u32 $0x1, s1  }
0x8c: {  	s17 =	sshll.u32 s0, $0xA;
	s2 =	sadd.s32 s3, s2  }
0x8d: {  	s2 =	sadd.s32 s2, s17  }
0x8e: {  	[smem:$0x3FBE] =	sst s2  }
0x8f: {  	_ = 	snop  }
0x90: {  	s2 =	sld [smem:$0x3FD0];
	(tm) =	ssettm $0x1  }
0x91: {  	s18 =	sld [smem:$0x3FFB];
	_ =	sdelay $0x3  }
0x92: {  	_ =	strace s18  }
0x93: {  	s3 =	sld [smem:$0x3FFC];
	_ =	sdelay $0x3  }
0x94: {  	_ =	strace s3  }
0x95: {  	s3 =	sld [smem:$0x3FFD];
	_ =	sdelay $0x3  }
0x96: {  	_ =	strace s3  }
0x97: {  	_ =	strace $0x8FFFFFFF  }
0x98: {  	s19 =	sld [smem:$0x3FDB];
	_ =	sdelay $0x1  }
0x99: {  	s4 =	simm.s32 $_scs_section_size  }
0x9a: {  	s5 =	simm.s32 $_size__tile_overlayer_lowered;
	s6 =	simm.s32 $_tile_overlayer_lowered  }
0x9b: {  	s22 =	simm.s32 $0x1BFF;
	s21 =	sshll.u32 s6, $0x1;
	s3 =	sadd.s32 s4, s19  }
0x9c: {  	s7 =	simm.s32 $0x0;
	s20 =	sshll.u32 s5, $0x1;
	s5 =	sadd.s32 s21, s3  }
0x9d: {  	[timem:s7], [sflag:s22] =	dma.local [hbm:s5], s20  }
0x9e: {  	_ =	swait.ge [sflag:s22], s20  }
0x9f: {  	s4 =	ssub.s32 $0x0, s20;
	[sflag:s22] =	ssyncset.done $0x0  }
0xa0: {  	[sflag:s22] =	ssyncadd.s32 s4;
	_ =	sdelay $0x1  }
0xa1: {  	s23 =	simm.s32 $0x1B8B  }
0xa2: {  	_ =	swait.ge [sflag:s23], $0x1  }
0xa3: {  	[sflag:s23] =	ssyncset.done $0x0  }
0xa4: {  	s25 =	simm.s32 $0x1B8E;
	s24 =	sld [smem:$0x3FFE];
	[sflag:s23] =	ssyncadd.s32 $0xFFFFFFFF  }
0xa5: {  	s26 =	simm.s32 $execute0_lowered;
	[smem:$0x3FD2] =	sst s25  }
0xa6: {  	s5 =	sshll.u32 s26, $0x1;
	_ =	strace $0x80000046;
	[dreg:$0x1] =	wrdreg $0xFFFFFFFF  }
0xa7: {  	s28 =	simm.s32 $_size_execute0_lowered;
	s3 =	sadd.s32 s3, s5;
	[dreg:$0x0] =	wrdreg $0x0  }
0xa8: {  	s5 =	sshll.u32 s28, $0x1;
	[dreg:$0x2] =	wrdreg s3  }
0xa9: {  	[dreg:$0x3] =	wrdreg s5  }
0xaa: {  	[dreg:$0x4] =	wrdreg $0xC0  }
0xab: {  	_ =	task [dreg:s7], $0x5FFFF  }
0xac: {  	[dreg:$0x1] =	wrdreg $0xFFFFFFFF  }
0xad: {  	[dreg:$0x0] =	wrdreg $0x60  }
0xae: {  	[dreg:$0x2] =	wrdreg s2  }
0xaf: {  	[dreg:$0x3] =	wrdreg s24  }
0xb0: {  	[dreg:$0x4] =	wrdreg $0x9  }
0xb1: {  	_ =	task.clear_ibuf [dreg:s7], $0x5FFFF;
	_ =	strace $0x90000046  }
0xb2: {  	s29 =	simm.s32 $0x9;
	_ =	strace $0x80000048  }
0xb3: {  	_ =	swait.ge [sflag:s29], $0x1  }
0xb4: {  	[sflag:s29] =	ssyncadd.s32 $0xFFFFFFFF  }
0xb5: {  	_ =	strace $0x90000048  }
0xb6: {  	_ =	sfence  }
0xb7: {  	s30 =	sld [smem:$0x0];
	_ =	sdelay $0x2  }
0xb8: {  	s31 =	sshll.u32 s1, $0xD;
	s1 =	sshrl.u32 s1, $0x2  }
0xb9: {  	s3 =	sand.u32 $0x4000, s31;
	s1 =	sadd.s32 s1, s30  }
0xba: {  	s0 =	sor.u32 s3, s0;
	s1 =	sshll.u32 s1, $0x11  }
0xbb: {  	s0 =	sor.u32 s1, s0  }
0xbc: {  	s0 =	sadd.s32 $0x8F2B, s0  }
0xbd: {  	[sflag:s0] =	ssyncadd.remote.s32 $0x1  }
0xbe: {  	_ =	sfence.sel $0xFFFF  }
0xbf: {  	[dreg:$0x0] =	wrdreg $0xFFFFFFFF;
	(pc) =	sbr.abs _section_cstart, $3  }
0xc0: {  	[dreg:$0x1] =	wrdreg $0xFFFFFFFF  }
0xc1: {  	_ =	task.clear_ibuf [dreg:s7], $0x2FFFF;
	_ =	strace $0x9FFFFFFF  }
0xc2: {  	(tm) =	ssettm $0x7FFFFFFF  }
0xc3: {  	_ =	shalt  }
tec
execute0_lowered:
.L_overlay_start_1:
0x0: {  	(tag) =	ssettag $0x1  }
0x1: {  	s2 =	rddreg [dreg:$0x0];
	s0 =	srdreg.scid  }
0x2: {  	s5 =	rddreg [dreg:$0x1];
	s1 =	stileid.u32;
	s6 =	simm.s32 $0x1  }
0x3: {  	s9 =	simm.s32 $0x1;
	s10 =	simm.s32 $0x3;
	s3 =	sshll.u32 s0, $0x8  }
0x4: {  	s13 =	simm.s32 $0x0;
	s4 =	sshll.u32 s1, $0x9;
	s3 =	sand.u32 $0x100, s3  }
0x5: {  	s0 =	rddreg [dreg:$0x2];
	_ =	strace $0x80000047;
	s3 =	sor.u32 s4, s3  }
0x6: {  	s12 =	simm.s32 $0x0;
	[sflag:s6] =	ssyncpa.u1 $0x0;
	s8 =	ssub.s32 $0x4000, s3  }
.Ltmp0:
0x7: {  	s4 =	sadd.s32 $0x105200, s5;
	s7 =	sand.u32 $0x1F00, s8;
	(pc) =	sbr.rel .LBB2_1-.Ltmp0, $4  }
0x8: {  	s5 =	sadd.s32 $0x104200, s5;
	s11 =	smov.u32 s3;
	p0 =	sne.s32 s7, $0x0  }
0x9: {  	s8 =	sshrl.u32 s8, $0xD;
	s7 =	simm.s32 $0x2;
	s9 =	simm.s32 @!p0 $0x0  }
0xa: {  	[sflag:s7] =	ssyncpa.u1 $0x0;
	p0 =	por $0x0, $0x0;
	s8 =	sadd.s32 s9, s8  }
0xb: {  	vm0 =	vmmov $0xffff;
	[sflag:s10] =	ssyncpa.u1 $0x0;
	s10 =	simm.s32 $0x0;
	s9 =	sadd.s32 $0x1, s8  }
.LBB2_4:
0xc: {  	v5 =	vshrl.u32 v1, $0xE;
	v6 =	vshll.u32 v1, $0x7  }
0xd: {  	vm1 =	veq.s32 v1, $0x80000000;
	v58 =	vand.u32 $0x7, v5;
	v59 =	vand.u32 $0x1FFF80, v6  }
0xe: {  	v1 =	vsel vm1, $0xFFFFFFFF, v58;
	v5 =	vsel vm1, $0xFFFFFF80, v59  }
0xf: {  	v3 =	vor.u32 v4, v3;
	v60 =	vand.u32 $0xFFFFFC00, v5;
	v61 =	vand.u32 $0xFFFFFC00, v1  }
0x10: {  	v2 =	vor.u32 v2, v3;
	v63 =	vand.u32 $0x380, v5;
	v62 =	vadd.s32 v61, v60  }
0x11: {  	v1 =	vand.u32 $0x7F, v1;
	v3 =	vor.u32 v63, v62  }
0x12: {  	v1 =	vor.u32 v1, v3  }
0x13: {  	[tilespmem:s15], [sflag:$0x1] =	stream.indirect_vreg.gather [hbm4b:s2+s10], $0x1, v0, vm0, $0x4038;
	[tilespmem:$0x400] =	vst v63  }
0x14: {  	(ifvalue) =	ssetifvalue $0x7FFFFFFF  }
0x15: {  	[tilespmem:s16], [sflag:$0x1] =	stream.indirect_vreg.gather [hbm4b:s2+s10], $0x1, v2, vm0, $0x4038;
	[tilespmem:$0x400] =	vst v63  }
0x16: {  	s29 =	sadd.s32 $0x10, s16;
	(ifvalue) =	ssetifvalue $0x7FFFFFFF  }
0x17: {  	[tilespmem:s29], [sflag:$0x1] =	stream.indirect_vreg.gather [hbm4b:s2+s10], $0x1, v1, vm0, $0x4038;
	[tilespmem:$0x400] =	vst v63  }
0x18: {  	_ =	swait.ge [sflag:s6], $0x100  }
0x19: {  	s30 =	sshrl.u32 s13, $0x3;
	[sflag:s6] =	ssyncset.done $0x0  }
0x1a: {  	s31 =	sand.u32 $0x7, s13;
	s15 =	sadd.s32 s5, s30;
	[sflag:s6] =	ssyncadd.s32 $0xFFFFFF00  }
0x1b: {  	[hbm4b:s15+s31] =	stream.linear.scatter [tilespmem:s14], [sflag:$0x3], $0x100, $0x38;
	[tilespmem:$0x400] =	vst v63  }
.LBB2_5:
0x1c: {  	s15 =	sadd.s32 $0x2000, s11  }
0x1d: {  	p2 =	sgt.s32 s15, $0x3FFF  }
0x1e: {  	s15 =	smov.u32 @p2 s3;
	p2 =	sne.s32 s12, s9  }
.Ltmp1:
0x1f: {  	p1 =	slt.u32 s12, $0x2;
	(pc) =	sbr.rel @!p2 .LBB2_6-.Ltmp1, $4  }
0x20: {  	s14 =	simm.s32 @!p1 $0x3  }
0x21: {  	s16 =	sadd.s32 $0x1, s12;
	_ =	swait.ge @!p1 [sflag:s14], $0x100  }
0x22: {  	s13 =	smov.u32 s11;
	p0 =	por !p0, !p0;
	[sflag:s14] =	ssyncset.done @!p1 $0x0  }
0x23: {  	s12 =	smov.u32 s16;
	s11 =	smov.u32 s15;
	[sflag:s14] =	ssyncadd.s32 @!p1 $0xFFFFFF00  }
.LBB2_1:
0x24: {  	p1 =	sge.u32 s12, s8  }
0x25: {  	s14 =	sxor.u32 @!p1 $0xFFFFFFFF, s12  }
0x26: {  	s31 =	sadd.s32 $0xFFFFFFFF, s12;
	s15 =	sshrl.u32 @!p1 s11, $0x3;
	s14 =	sshll.u32 @!p1 s14, $0x8  }
0x27: {  	s16 =	sand.u32 @!p1 $0x7, s11;
	s15 =	sadd.s32 @!p1 s4, s15;
	s14 =	sand.u32 @!p1 $0x100, s14  }
0x28: {  	[tilespmem:s14], [sflag:$0x2] =	stream.linear.gather @!p1 [hbm4b:s15+s16], $0x100, $0x38;
	[tilespmem:$0x400] =	vst v63  }
0x29: {  	p1 =	sge.u32 s31, s8  }
.Ltmp2:
0x2a: {  	_ = 	snop;
	(pc) =	sbr.rel @p1 .LBB2_5-.Ltmp2, $1  }
0x2b: {  	_ =	sdelay $0x3  }
0x2c: {  	s14 =	simm.s32 $0x1  }
0x2d: {  	_ =	swait.ge [sflag:s7], $0x100;
	s14 =	simm.s32 @!p0 $0x0  }
0x2e: {  	[sflag:s7] =	ssyncset.done $0x0;
	s14 =	sshll.u32 s14, $0x8  }
0x2f: {  	[sflag:s7] =	ssyncadd.s32 $0xFFFFFF00;
	(ifvalue) =	ssetifvalue $0x7FFFFFFF;
	v0 =	vld.msk [tilespmem:s14+$0x0 ss:$0x1], $0xffff;
	_ =	sdelay $0x4  }
0x30: {  	s15 =	sadd.s32 $0x10, s14;
	v2 =	vshrl.u32 v0, $0xE;
	v3 =	vshll.u32 v0, $0x7  }
0x31: {  	v1 =	vld.msk [tilespmem:s15+$0x0 ss:$0x1], $0xffff;
	vm1 =	veq.s32 v0, $0x80000000;
	v0 =	vand.u32 $0x7, v2;
	v2 =	vand.u32 $0x1FFF80, v3  }
0x32: {  	v0 =	vsel vm1, $0xFFFFFFFF, v0;
	v2 =	vsel vm1, $0xFFFFFF80, v2  }
0x33: {  	v3 =	vand.u32 $0xFFFFFC00, v2;
	v4 =	vand.u32 $0xFFFFFC00, v0  }
0x34: {  	v2 =	vand.u32 $0x380, v2;
	v3 =	vadd.s32 v4, v3  }
0x35: {  	v0 =	vand.u32 $0x7F, v0;
	v2 =	vor.u32 v2, v3  }
0x36: {  	v5 =	vshll.u32 v1, $0x7;
	v4 =	vshrl.u32 v1, $0xE;
	v0 =	vor.u32 v0, v2  }
0x37: {  	s16 =	sshll.u32 s12, $0x8;
	vm1 =	veq.s32 v1, $0x80000000;
	v1 =	vand.u32 $0x7, v4;
	v4 =	vand.u32 $0x1FFF80, v5  }
0x38: {  	s16 =	sand.u32 $0x100, s16;
	s18 =	sadd.s32 $0x10, s15;
	v3 =	vsel vm1, $0xFFFFFFFF, v1;
	v4 =	vsel vm1, $0xFFFFFF80, v4  }
0x39: {  	s17 =	simm.s32 $0x20;
	s15 =	sor.u32 $0x200, s14;
	s14 =	sor.u32 $0x200, s16;
	v1 =	vld.msk [tilespmem:s18+$0x0 ss:$0x1], $0xffff;
	v5 =	vand.u32 $0xFFFFFC00, v4;
	v6 =	vand.u32 $0xFFFFFC00, v3  }
0x3a: {  	s16 =	sadd.s32 $0x10, s15;
	s18 =	sadd.s32 $0x10, s18;
	(ifvalue) =	ssetifvalue $0x7FFFFFFF;
	v2 =	vand.u32 $0x7F, v3;
	v4 =	vand.u32 $0x380, v4;
	v3 =	vadd.s32 v6, v5  }
.LBB2_3:
0x3b: {  	[tilespmem:s15], [sflag:$0x1] =	stream.indirect_vreg.gather [hbm4b:s2+s10], $0x1, v0, vm0, $0x4038;
	[tilespmem:$0x400] =	vst v63  }
0x3c: {  	s17 =	sadd.s32 $0x10, s17  }
0x3d: {  	v3 =	vor.u32 v4, v3;
	p1 =	slt.u32 s17, $0xF0  }
.Ltmp3:
0x3e: {  	v4 =	vshrl.u32 v1, $0xE;
	v5 =	vshll.u32 v1, $0x7;
	s15 =	smov.u32 s16;
	v0 =	vor.u32 v2, v3;
	v2 =	vmovc v1;
	v1 =	vld.msk [tilespmem:s18+$0x0 ss:$0x1], $0xffff;
	(pc) =	sbr.rel @p1 .LBB2_3-.Ltmp3, $4  }
0x3f: {  	v3 =	vand.u32 $0x1FFF80, v5;
	vm1 =	veq.s32 v2, $0x80000000;
	v2 =	vand.u32 $0x7, v4  }
0x40: {  	v4 =	vsel vm1, $0xFFFFFFFF, v2;
	v5 =	vsel vm1, $0xFFFFFF80, v3  }
0x41: {  	v2 =	vand.u32 $0x7F, v4;
	v3 =	vand.u32 $0xFFFFFC00, v5;
	v4 =	vand.u32 $0xFFFFFC00, v4  }
0x42: {  	s16 =	sadd.s32 $0x10, s16;
	s18 =	sadd.s32 $0x10, s18;
	v3 =	vadd.s32 v4, v3;
	v4 =	vand.u32 $0x380, v5;
	(ifvalue) =	ssetifvalue $0x7FFFFFFF  }
.Ltmp4:
0x43: {  	_ = 	snop;
	(pc) =	sbr.rel .LBB2_4-.Ltmp4, $1  }
0x44: {  	_ =	sdelay $0x3  }
.LBB2_6:
0x45: {  	_ =	sfence.sel $0x180000  }
0x46: {  	s2 =	simm.s32 $0x2;
	[bflag:$0x0] =	sbarrier.arrive $0xFFFF  }
0x47: {  	s30 =	simm.s32 $0x3;
	[sflag:s2] =	ssyncpa.u1 $0x1  }
0x48: {  	s31 =	simm.s32 $0x1;
	[sflag:s30] =	ssyncpa.u1 $0x1  }
0x49: {  	[sflag:s31] =	ssyncpa.u1 $0x1  }
0x4a: {  	p0 =	sne.s32 s1, $0x0;
	_ =	strace $0x90000047  }
0x4b: {  	s0 =	sadd.s32 @!p0 $0x100000, s0;
	[bflag:$0x2] =	sbarrier.arrive $0xFFFF  }
0x4c: {  	[sflag:s0] =	ssyncadd.tile.s32 @!p0 $0x1;
	_ =	shalt  }
.Lfunc_end2:
_tile_overlayer_lowered:
.L_overlay_start_2:
0x4d: {  	(tag) =	ssettag $0x2  }
0x4e: {  	s0 =	rddreg [dreg:$0x0];
	s2 =	stileid.u32  }
0x4f: {  	s1 =	rddreg [dreg:$0x1];
	p0 =	sne.s32 s2, $0x0  }
0x50: {  	s3 =	rddreg [dreg:$0x2];
	[bflag:$0x3] =	sbarrier.arrive $0xFFFF;
	s2 =	simm.s32 @!p0 $0x1C01  }
0x51: {  	[timem:s3], [sflag:s2] =	dma.local @!p0 [hbm:s0], s1  }
0x52: {  	s0 =	simm.s32 @!p0 $0x1  }
0x53: {  	_ =	swait.ge @!p0 [sflag:s0], s1  }
0x54: {  	s1 =	ssub.s32 @!p0 $0x0, s1;
	[sflag:s0] =	ssyncset.done @!p0 $0x0  }
0x55: {  	[sflag:s0] =	ssyncadd.s32 @!p0 s1  }
0x56: {  	[bflag:$0x3] =	sbarrier.arrive $0xFFFF  }
0x57: {  	_ =	shalt  }

// kernel: kernel.6.cloned.1.call-start
scs
__scs_entry_jumppad:
0x0: {  	(pc) =	sbr.rel $0x88, $3  }
0x1: {  	(tag) =	ssettag $0x0;
	lr =	simm.s32 $0x1  }
0x2: {  	[smem:$0x3F97] =	sst lr;
	_ =	strace $0xD0000000  }
0x3: {  	_ = 	snop  }
0x4: {  	_ = 	snop  }
0x5: {  	_ = 	snop  }
0x6: {  	_ = 	snop  }
0x7: {  	_ = 	snop  }
__scs_overlays_trampoline_lowered:
0x8: {  	[smem:$0x3FA6] =	sst s0  }
0x9: {  	[smem:$0x3FA7] =	sst s1  }
0xa: {  	[smem:$0x3FA8] =	sst s2  }
0xb: {  	[smem:$0x3FA9] =	sst s3  }
0xc: {  	[smem:$0x3FAA] =	sst s4  }
0xd: {  	[smem:$0x3FAB] =	sst s5  }
0xe: {  	[smem:$0x3FAC] =	sst s6  }
0xf: {  	[smem:$0x3FAD] =	sst s7  }
0x10: {  	[smem:$0x3FAE] =	sst s8  }
0x11: {  	[smem:$0x3FAF] =	sst s9;
	s0 =	simm.s32 @!p0 $0x0  }
0x12: {  	s1 =	sld [smem:$0x3F95];
	s0 =	simm.s32 @p0 $0x1  }
0x13: {  	[smem:$0x3FB0] =	sst s0;
	s0 =	simm.s32 @!p1 $0x0  }
0x14: {  	s2 =	sld [smem:$0x3F94];
	s0 =	simm.s32 @p1 $0x1  }
0x15: {  	[smem:$0x3FB1] =	sst s0;
	s0 =	simm.s32 @!p2 $0x0  }
0x16: {  	s3 =	sld [smem:$0x3FDB];
	s0 =	simm.s32 @p2 $0x1  }
0x17: {  	s4 =	simm.s32 $0x1BF5;
	[smem:$0x3FB3] =	sst s0  }
0x18: {  	s0 =	sld [smem:$0x3F96];
	_ =	swait.ge [sflag:s4], $0x0  }
0x19: {  	s7 =	sld [smem:$0x3F97]  }
0x1a: {  	s8 =	sadd.s32 $0xFFFFE003, lr  }
0x1b: {  	s9 =	sadd.s32 $0xFFFFFEF7, lr;
	s5 =	simm.s32 $0xFFFFFFFF;
	p2 =	slt.u32 s8, $0xFFFFF086  }
0x1c: {  	p1 =	slt.u32 s9, $0xF7A;
	s5 =	simm.s32 @!p2 $0x0  }
0x1d: {  	s5 =	simm.s32 @p1 $0x1;
	p0 =	seq.s32 s7, s2  }
0x1e: {  	s7 =	smul.u32 @!p0 $0xF7A, s2;
	p2 =	seq.s32 @!p0 s5, $0x0  }
0x1f: {  	s9 =	smul.u32 $0xF7A, s1;
	s8 =	simm.s32 @!p0 $0x1BF5;
	p2 =	por !p2, p0  }
0x20: {  	[sflag:s8] =	ssyncset.s32 @!p0 $0xFFFFF086;
	s6 =	sadd.s32 @!p0 s3, s7;
	s7 =	simm.s32 @!p0 $0x108  }
0x21: {  	s3 =	sadd.s32 s3, s9;
	s6 =	sadd.s32 @!p0 $0x88, s6;
	s7 =	simm.s32 @p2 $0x1082  }
0x22: {  	[simem:s7], [sflag:s8] =	dma.local @!p0 [hbm:s6], $0xF7A  }
0x23: {  	s9 =	sor.u32 $0xD0000000, s2;
	s6 =	simm.s32 $0x108;
	_ =	swait.ge @!p0 [sflag:s8], $0x0  }
0x24: {  	s3 =	sadd.s32 $0x88, s3;
	s6 =	simm.s32 @!p1 $0x1082;
	[sflag:s4] =	ssyncset.s32 $0xFFFFF086  }
0x25: {  	[simem:s6], [sflag:s4] =	dma.local [hbm:s3], $0xF7A  }
0x26: {  	[smem:$0x3F97] =	sst s1;
	(tag) =	ssettag s2;
	_ =	strace s9  }
0x27: {  	s1 =	sld [smem:$0x3FA7]  }
0x28: {  	s2 =	sld [smem:$0x3FA8]  }
0x29: {  	s4 =	sld [smem:$0x3FAA]  }
0x2a: {  	p0 =	seq.s32 s5, $0x0;
	s5 =	sld [smem:$0x3FAB]  }
0x2b: {  	s6 =	sld [smem:$0x3FAC]  }
0x2c: {  	s7 =	sld [smem:$0x3FAD]  }
0x2d: {  	s3 =	simm.s32 $0x108;
	s8 =	sld [smem:$0x3FAE]  }
0x2e: {  	s3 =	simm.s32 @!p0 $0x1082;
	s9 =	sld [smem:$0x3FAF]  }
0x2f: {  	lr =	sadd.s32 s0, s3;
	s0 =	sld [smem:$0x3FA6]  }
0x30: {  	s3 =	sld [smem:$0x3FA9]  }
0x31: {  	[smem:$0x3FB2] =	sst s10  }
0x32: {  	s10 =	sld [smem:$0x3FB0];
	_ =	sdelay $0x3  }
0x33: {  	p0 =	seq.s32 s10, $0x1;
	s10 =	sld [smem:$0x3FB2];
	_ =	sdelay $0x3  }
0x34: {  	[smem:$0x3FB2] =	sst s10  }
0x35: {  	s10 =	sld [smem:$0x3FB1];
	_ =	sdelay $0x3  }
0x36: {  	p1 =	seq.s32 s10, $0x1;
	s10 =	sld [smem:$0x3FB2];
	_ =	sdelay $0x3  }
0x37: {  	[smem:$0x3FB2] =	sst s10  }
0x38: {  	s10 =	sld [smem:$0x3FB3]  }
0x39: {  	_ = 	snop;
	(pc) =	sbr.ind lr, $3  }
0x3a: {  	_ = 	snop  }
0x3b: {  	_ = 	snop  }
0x3c: {  	p2 =	seq.s32 s10, $0x1;
	s10 =	sld [smem:$0x3FB2]  }
0x3d: {  	_ =	shalt  }
0x3e: {  	_ =	shalt  }
0x3f: {  	_ =	shalt  }
0x40: {  	_ =	shalt  }
0x41: {  	_ =	shalt  }
0x42: {  	_ =	shalt  }
0x43: {  	_ =	shalt  }
0x44: {  	_ =	shalt  }
0x45: {  	_ =	shalt  }
0x46: {  	_ =	shalt  }
0x47: {  	_ =	shalt  }
0x48: {  	_ =	shalt  }
0x49: {  	_ =	shalt  }
0x4a: {  	_ =	shalt  }
0x4b: {  	_ =	shalt  }
0x4c: {  	_ =	shalt  }
0x4d: {  	_ =	shalt  }
0x4e: {  	_ =	shalt  }
0x4f: {  	_ =	shalt  }
0x50: {  	_ =	shalt  }
0x51: {  	_ =	shalt  }
0x52: {  	_ =	shalt  }
0x53: {  	_ =	shalt  }
0x54: {  	_ =	shalt  }
0x55: {  	_ =	shalt  }
0x56: {  	_ =	shalt  }
0x57: {  	_ =	shalt  }
0x58: {  	_ =	shalt  }
0x59: {  	_ =	shalt  }
0x5a: {  	_ =	shalt  }
0x5b: {  	_ =	shalt  }
0x5c: {  	_ =	shalt  }
0x5d: {  	_ =	shalt  }
0x5e: {  	_ =	shalt  }
0x5f: {  	_ =	shalt  }
0x60: {  	_ =	shalt  }
0x61: {  	_ =	shalt  }
0x62: {  	_ =	shalt  }
0x63: {  	_ =	shalt  }
0x64: {  	_ =	shalt  }
0x65: {  	_ =	shalt  }
0x66: {  	_ =	shalt  }
0x67: {  	_ =	shalt  }
0x68: {  	_ =	shalt  }
0x69: {  	_ =	shalt  }
0x6a: {  	_ =	shalt  }
0x6b: {  	_ =	shalt  }
0x6c: {  	_ =	shalt  }
0x6d: {  	_ =	shalt  }
0x6e: {  	_ =	shalt  }
0x6f: {  	_ =	shalt  }
0x70: {  	_ =	shalt  }
0x71: {  	_ =	shalt  }
0x72: {  	_ =	shalt  }
0x73: {  	_ =	shalt  }
0x74: {  	_ =	shalt  }
0x75: {  	_ =	shalt  }
0x76: {  	_ =	shalt  }
0x77: {  	_ =	shalt  }
0x78: {  	_ =	shalt  }
0x79: {  	_ =	shalt  }
0x7a: {  	_ =	shalt  }
0x7b: {  	_ =	shalt  }
0x7c: {  	_ =	shalt  }
0x7d: {  	_ =	shalt  }
0x7e: {  	_ =	shalt  }
0x7f: {  	_ =	shalt  }
0x80: {  	_ =	shalt  }
0x81: {  	_ =	shalt  }
0x82: {  	_ =	shalt  }
0x83: {  	_ =	shalt  }
0x84: {  	_ =	shalt  }
0x85: {  	_ =	shalt  }
0x86: {  	_ =	shalt  }
0x87: {  	_ =	shalt  }
.Lfunc_end0:
.L_simem_size_0:
called_computation.1_lowered:
.L_overlay_start_0:
0x88: {  	s2 =	sld [smem:$0x3FD9]  }
0x89: {  	s3 =	sld [smem:$0x3FFE];
	_ =	sdelay $0x1  }
0x8a: {  	s1 =	srdreg.scid  }
0x8b: {  	s0 =	sand.u32 $0x1, s1  }
0x8c: {  	s17 =	sshll.u32 s0, $0xA;
	s2 =	sadd.s32 s3, s2  }
0x8d: {  	s2 =	sadd.s32 s2, s17  }
0x8e: {  	[smem:$0x3FBE] =	sst s2  }
0x8f: {  	_ = 	snop  }
0x90: {  	s2 =	sld [smem:$0x3FD0];
	(tm) =	ssettm $0x1  }
0x91: {  	s18 =	sld [smem:$0x3FFB];
	_ =	sdelay $0x3  }
0x92: {  	_ =	strace s18  }
0x93: {  	s3 =	sld [smem:$0x3FFC];
	_ =	sdelay $0x3  }
0x94: {  	_ =	strace s3  }
0x95: {  	s3 =	sld [smem:$0x3FFD];
	_ =	sdelay $0x3  }
0x96: {  	_ =	strace s3  }
0x97: {  	_ =	strace $0x8FFFFFFF  }
0x98: {  	s19 =	sld [smem:$0x3FDB];
	_ =	sdelay $0x1  }
0x99: {  	s4 =	simm.s32 $_scs_section_size  }
0x9a: {  	s5 =	simm.s32 $_size__tile_overlayer_lowered;
	s6 =	simm.s32 $_tile_overlayer_lowered  }
0x9b: {  	s22 =	simm.s32 $0x1BFF;
	s21 =	sshll.u32 s6, $0x1;
	s3 =	sadd.s32 s4, s19  }
0x9c: {  	s7 =	simm.s32 $0x0;
	s20 =	sshll.u32 s5, $0x1;
	s5 =	sadd.s32 s21, s3  }
0x9d: {  	[timem:s7], [sflag:s22] =	dma.local [hbm:s5], s20  }
0x9e: {  	_ =	swait.ge [sflag:s22], s20  }
0x9f: {  	s4 =	ssub.s32 $0x0, s20;
	[sflag:s22] =	ssyncset.done $0x0  }
0xa0: {  	[sflag:s22] =	ssyncadd.s32 s4;
	_ =	sdelay $0x1  }
0xa1: {  	s23 =	simm.s32 $0x1B8B  }
0xa2: {  	_ =	swait.ge [sflag:s23], $0x1  }
0xa3: {  	[sflag:s23] =	ssyncset.done $0x0  }
0xa4: {  	s25 =	simm.s32 $0x1B8E;
	s24 =	sld [smem:$0x3FFE];
	[sflag:s23] =	ssyncadd.s32 $0xFFFFFFFF  }
0xa5: {  	s26 =	simm.s32 $execute0_lowered;
	[smem:$0x3FD2] =	sst s25  }
0xa6: {  	s5 =	sshll.u32 s26, $0x1;
	_ =	strace $0x80000049;
	[dreg:$0x1] =	wrdreg $0xFFFFFFFF  }
0xa7: {  	s28 =	simm.s32 $_size_execute0_lowered;
	s3 =	sadd.s32 s3, s5;
	[dreg:$0x0] =	wrdreg $0x0  }
0xa8: {  	s5 =	sshll.u32 s28, $0x1;
	[dreg:$0x2] =	wrdreg s3  }
0xa9: {  	[dreg:$0x3] =	wrdreg s5  }
0xaa: {  	[dreg:$0x4] =	wrdreg $0xC0  }
0xab: {  	_ =	task [dreg:s7], $0x5FFFF  }
0xac: {  	[dreg:$0x1] =	wrdreg $0xFFFFFFFF  }
0xad: {  	[dreg:$0x0] =	wrdreg $0x60  }
0xae: {  	[dreg:$0x2] =	wrdreg s2  }
0xaf: {  	[dreg:$0x3] =	wrdreg s24  }
0xb0: {  	[dreg:$0x4] =	wrdreg $0x9  }
0xb1: {  	_ =	task.clear_ibuf [dreg:s7], $0x5FFFF;
	_ =	strace $0x90000049  }
0xb2: {  	s29 =	simm.s32 $0x9;
	_ =	strace $0x8000004B  }
0xb3: {  	_ =	swait.ge [sflag:s29], $0x1  }
0xb4: {  	[sflag:s29] =	ssyncadd.s32 $0xFFFFFFFF  }
0xb5: {  	_ =	strace $0x9000004B  }
0xb6: {  	_ =	sfence  }
0xb7: {  	s30 =	sld [smem:$0x0];
	_ =	sdelay $0x2  }
0xb8: {  	s31 =	sshll.u32 s1, $0xD;
	s1 =	sshrl.u32 s1, $0x2  }
0xb9: {  	s3 =	sand.u32 $0x4000, s31;
	s1 =	sadd.s32 s1, s30  }
0xba: {  	s0 =	sor.u32 s3, s0;
	s1 =	sshll.u32 s1, $0x11  }
0xbb: {  	s0 =	sor.u32 s1, s0  }
0xbc: {  	s0 =	sadd.s32 $0x8F2B, s0  }
0xbd: {  	[sflag:s0] =	ssyncadd.remote.s32 $0x1  }
0xbe: {  	_ =	sfence.sel $0xFFFF  }
0xbf: {  	[dreg:$0x0] =	wrdreg $0xFFFFFFFF;
	(pc) =	sbr.abs _section_cstart, $3  }
0xc0: {  	[dreg:$0x1] =	wrdreg $0xFFFFFFFF  }
0xc1: {  	_ =	task.clear_ibuf [dreg:s7], $0x2FFFF;
	_ =	strace $0x9FFFFFFF  }
0xc2: {  	(tm) =	ssettm $0x7FFFFFFF  }
0xc3: {  	_ =	shalt  }
tec
execute0_lowered:
.L_overlay_start_1:
0x0: {  	(tag) =	ssettag $0x1  }
0x1: {  	s0 =	srdreg.scid;
	s1 =	stileid.u32  }
0x2: {  	s0 =	sand.u32 $0x1, s0;
	s1 =	sshll.u32 s1, $0x1  }
0x3: {  	s1 =	sor.u32 s0, s1  }
0x4: {  	s3 =	rddreg [dreg:$0x0];
	s4 =	smul.u32 $0x48, s1  }
0x5: {  	s7 =	rddreg [dreg:$0x1];
	s2 =	simm.s32 $0x0;
	s5 =	smul.u32 $0x12000, s1  }
0x6: {  	[smem:$0x7FF] =	sst s2;
	s1 =	smul.u32 $0x90000, s1  }
0x7: {  	s6 =	sadd.s32 $0x105200, s7;
	_ =	strace $0x8000004A;
	s3 =	sadd.s32 s3, s4  }
0x8: {  	s13 =	sadd.s32 s6, s5;
	s1 =	sshrl.u32 s1, $0x3;
	[dreg:$0x3] =	wrdreg s3  }
0x9: {  	[dreg:$0x15] =	wrdreg s13;
	s14 =	sadd.s32 $0x1000, s13;
	s1 =	sadd.s32 s6, s1  }
0xa: {  	[dreg:$0x4] =	wrdreg s14;
	s15 =	sadd.s32 $0x2000, s1  }
0xb: {  	s16 =	sadd.s32 $0x3000, s1;
	[dreg:$0x5] =	wrdreg s15  }
0xc: {  	s17 =	sadd.s32 $0x4000, s1;
	[dreg:$0x6] =	wrdreg s16  }
0xd: {  	s18 =	sadd.s32 $0x5000, s1;
	[dreg:$0x7] =	wrdreg s17  }
0xe: {  	s12 =	simm.s32 $0x2;
	s19 =	sadd.s32 $0x6000, s1;
	[dreg:$0x8] =	wrdreg s18  }
0xf: {  	s8 =	simm.s32 $0x10280;
	s20 =	sadd.s32 $0x7000, s1;
	[dreg:$0x9] =	wrdreg s19  }
0x10: {  	s0 =	ssub.s32 $0x2, s0;
	s21 =	sadd.s32 $0x8000, s1;
	[dreg:$0xa] =	wrdreg s20  }
0x11: {  	s26 =	sshrl.u32 s0, $0x1;
	s22 =	sadd.s32 $0x9000, s1;
	[dreg:$0xb] =	wrdreg s21  }
0x12: {  	s0 =	ssub.s32 s0, s26;
	s23 =	sadd.s32 $0xA000, s1;
	[dreg:$0xc] =	wrdreg s22  }
0x13: {  	s26 =	simm.s32 $0x280;
	s24 =	sadd.s32 $0xB000, s1;
	[dreg:$0xd] =	wrdreg s23  }
0x14: {  	s4 =	sadd.s32 $0x4000, s7;
	s25 =	sadd.s32 $0xC000, s1;
	[dreg:$0xe] =	wrdreg s24  }
0x15: {  	s5 =	sadd.s32 $0x4100, s7;
	s28 =	sadd.s32 $0xD000, s1;
	[dreg:$0xf] =	wrdreg s25  }
0x16: {  	s0 =	smax.u32 s0, $0x1;
	s29 =	sadd.s32 $0xE000, s1;
	[dreg:$0x10] =	wrdreg s28  }
0x17: {  	s6 =	sadd.s32 $0x4200, s7;
	s30 =	sadd.s32 $0xF000, s1;
	[dreg:$0x11] =	wrdreg s29  }
0x18: {  	s7 =	sadd.s32 $0x4300, s7;
	s31 =	sadd.s32 $0x10000, s1;
	[dreg:$0x12] =	wrdreg s30  }
0x19: {  	v2 =	vlaneseq.u32;
	s13 =	simm.s32 $0x4;
	s1 =	sadd.s32 $0x11000, s1;
	[dreg:$0x13] =	wrdreg s31  }
0x1a: {  	vm0 =	vmmov $0xffff;
	v1 =	vshrl.u32 v2, $0x3;
	s14 =	simm.s32 $0x3;
	[dreg:$0x14] =	wrdreg s1;
	s18 =	simm.s32 $0x1  }
0x1b: {  	v0 =	vand.u32 $0x7, v2;
	v2 =	vor.u32 $0x8, v2;
	v1 =	vmul.u32 $0x8, v1;
	s15 =	simm.s32 $0x5;
	s16 =	simm.s32 $0x6;
	s19 =	simm.s32 $0x8280  }
.LBB2_1:
0x1c: {  	[dreg:$0x16] =	wrdreg s0  }
0x1d: {  	s17 =	rddreg [dreg:$0x3];
	s29 =	simm.s32 $0x7  }
0x1e: {  	[tilespmem:s2], [sflag:$0x7] =	stream.linear.gather [hbm4b:s17+s2], $0x240, $0x38;
	[tilespmem:$0x18280] =	vst v63  }
0x1f: {  	_ =	swait.ge [sflag:s29], $0x240  }
0x20: {  	[sflag:s29] =	ssyncset.done $0x0  }
0x21: {  	[sflag:s29] =	ssyncadd.s32 $0xFFFFFDC0  }
0x22: {  	v3 =	vld [tilespmem:$0x0];
	_ =	sdelay $0x4  }
0x23: {  	v4 =	vshll.u32 v3, $0x3  }
0x24: {  	v3 =	vand.u32 $0x7, v3;
	v4 =	vand.u32 $0xFFFFFFC0, v4  }
0x25: {  	v3 =	vor.u32 v3, v4  }
0x26: {  	v4 =	vperm.xlane v3, v0;
	_ =	sdelay $0x1  }
0x27: {  	v4 =	vadd.s32 v1, v4;
	_ =	sdelay $0x4  }
0x28: {  	[tilespmem:s26], [sflag:$0x1] =	stream.indirect_vreg.gather [hbm4b:s4+s2], $0x80, v4, vm0, $0xb8;
	[tilespmem:$0x18280] =	vst v63  }
0x29: {  	s30 =	simm.s32 $0xA80;
	v3 =	vperm.xlane v3, v2  }
0x2a: {  	[tilespmem:s30], [sflag:$0x1] =	stream.indirect_vreg.gather [hbm4b:s5+s2], $0x80, v4, vm0, $0xb8;
	[tilespmem:$0x18280] =	vst v63  }
0x2b: {  	s31 =	simm.s32 $0x1280;
	v3 =	vadd.s32 v1, v3  }
0x2c: {  	[tilespmem:s31], [sflag:$0x1] =	stream.indirect_vreg.gather [hbm4b:s6+s2], $0x80, v4, vm0, $0xb8;
	[tilespmem:$0x18280] =	vst v63  }
0x2d: {  	s1 =	simm.s32 $0x1A80  }
0x2e: {  	[tilespmem:s1], [sflag:$0x1] =	stream.indirect_vreg.gather [hbm4b:s7+s2], $0x80, v4, vm0, $0xb8;
	[tilespmem:$0x18280] =	vst v63  }
0x2f: {  	s9 =	simm.s32 $0x2280  }
0x30: {  	[tilespmem:s9], [sflag:$0x1] =	stream.indirect_vreg.gather [hbm4b:s4+s2], $0x80, v3, vm0, $0xb8;
	[tilespmem:$0x18280] =	vst v63  }
0x31: {  	s17 =	simm.s32 $0x2A80  }
0x32: {  	[tilespmem:s17], [sflag:$0x1] =	stream.indirect_vreg.gather [hbm4b:s5+s2], $0x80, v3, vm0, $0xb8;
	[tilespmem:$0x18280] =	vst v63  }
0x33: {  	s20 =	simm.s32 $0x3280  }
0x34: {  	[tilespmem:s20], [sflag:$0x1] =	stream.indirect_vreg.gather [hbm4b:s6+s2], $0x80, v3, vm0, $0xb8;
	[tilespmem:$0x18280] =	vst v63  }
0x35: {  	s21 =	simm.s32 $0x3A80  }
0x36: {  	[tilespmem:s21], [sflag:$0x1] =	stream.indirect_vreg.gather [hbm4b:s7+s2], $0x80, v3, vm0, $0xb8;
	[tilespmem:$0x18280] =	vst v63  }
0x37: {  	v3 =	vld [tilespmem:$0x10];
	_ =	sdelay $0x4  }
0x38: {  	v29 =	vshll.u32 v3, $0x3  }
0x39: {  	v3 =	vand.u32 $0x7, v3;
	v4 =	vand.u32 $0xFFFFFFC0, v29  }
0x3a: {  	v3 =	vor.u32 v3, v4  }
0x3b: {  	v4 =	vperm.xlane v3, v0;
	_ =	sdelay $0x1  }
0x3c: {  	v4 =	vadd.s32 v1, v4;
	_ =	sdelay $0x3  }
0x3d: {  	s22 =	simm.s32 $0x4280  }
0x3e: {  	[tilespmem:s22], [sflag:$0x1] =	stream.indirect_vreg.gather [hbm4b:s4+s2], $0x80, v4, vm0, $0xb8;
	[tilespmem:$0x18280] =	vst v63  }
0x3f: {  	s24 =	simm.s32 $0x4A80;
	v3 =	vperm.xlane v3, v2  }
0x40: {  	[tilespmem:s24], [sflag:$0x1] =	stream.indirect_vreg.gather [hbm4b:s5+s2], $0x80, v4, vm0, $0xb8;
	[tilespmem:$0x18280] =	vst v63  }
0x41: {  	s25 =	simm.s32 $0x5280;
	v3 =	vadd.s32 v1, v3  }
0x42: {  	[tilespmem:s25], [sflag:$0x1] =	stream.indirect_vreg.gather [hbm4b:s6+s2], $0x80, v4, vm0, $0xb8;
	[tilespmem:$0x18280] =	vst v63  }
0x43: {  	s28 =	simm.s32 $0x5A80  }
0x44: {  	[tilespmem:s28], [sflag:$0x1] =	stream.indirect_vreg.gather [hbm4b:s7+s2], $0x80, v4, vm0, $0xb8;
	[tilespmem:$0x18280] =	vst v63  }
0x45: {  	s31 =	simm.s32 $0x6280  }
0x46: {  	[tilespmem:s31], [sflag:$0x1] =	stream.indirect_vreg.gather [hbm4b:s4+s2], $0x80, v3, vm0, $0xb8;
	[tilespmem:$0x18280] =	vst v63  }
0x47: {  	s1 =	simm.s32 $0x6A80  }
0x48: {  	[tilespmem:s1], [sflag:$0x1] =	stream.indirect_vreg.gather [hbm4b:s5+s2], $0x80, v3, vm0, $0xb8;
	[tilespmem:$0x18280] =	vst v63  }
0x49: {  	s9 =	simm.s32 $0x7280  }
0x4a: {  	[tilespmem:s9], [sflag:$0x1] =	stream.indirect_vreg.gather [hbm4b:s6+s2], $0x80, v3, vm0, $0xb8;
	[tilespmem:$0x18280] =	vst v63  }
0x4b: {  	s17 =	simm.s32 $0x7A80  }
0x4c: {  	[tilespmem:s17], [sflag:$0x1] =	stream.indirect_vreg.gather [hbm4b:s7+s2], $0x80, v3, vm0, $0xb8;
	[tilespmem:$0x18280] =	vst v63  }
0x4d: {  	v3 =	vld [tilespmem:$0x20];
	_ =	sdelay $0x4  }
0x4e: {  	v30 =	vshll.u32 v3, $0x3  }
0x4f: {  	v3 =	vand.u32 $0x7, v3;
	v4 =	vand.u32 $0xFFFFFFC0, v30  }
0x50: {  	v3 =	vor.u32 v3, v4  }
0x51: {  	v4 =	vperm.xlane v3, v0;
	_ =	sdelay $0x1  }
0x52: {  	v4 =	vadd.s32 v1, v4;
	_ =	sdelay $0x4  }
0x53: {  	[tilespmem:s19], [sflag:$0x2] =	stream.indirect_vreg.gather [hbm4b:s4+s2], $0x80, v4, vm0, $0xb8;
	[tilespmem:$0x18280] =	vst v63  }
0x54: {  	s24 =	simm.s32 $0x8A80;
	v3 =	vperm.xlane v3, v2  }
0x55: {  	[tilespmem:s24], [sflag:$0x2] =	stream.indirect_vreg.gather [hbm4b:s5+s2], $0x80, v4, vm0, $0xb8;
	[tilespmem:$0x18280] =	vst v63  }
0x56: {  	s25 =	simm.s32 $0x9280;
	v3 =	vadd.s32 v1, v3  }
0x57: {  	[tilespmem:s25], [sflag:$0x2] =	stream.indirect_vreg.gather [hbm4b:s6+s2], $0x80, v4, vm0, $0xb8;
	[tilespmem:$0x18280] =	vst v63  }
0x58: {  	s28 =	simm.s32 $0x9A80  }
0x59: {  	[tilespmem:s28], [sflag:$0x2] =	stream.indirect_vreg.gather [hbm4b:s7+s2], $0x80, v4, vm0, $0xb8;
	[tilespmem:$0x18280] =	vst v63  }
0x5a: {  	s31 =	simm.s32 $0xA280  }
0x5b: {  	[tilespmem:s31], [sflag:$0x2] =	stream.indirect_vreg.gather [hbm4b:s4+s2], $0x80, v3, vm0, $0xb8;
	[tilespmem:$0x18280] =	vst v63  }
0x5c: {  	s9 =	simm.s32 $0xAA80  }
0x5d: {  	[tilespmem:s9], [sflag:$0x2] =	stream.indirect_vreg.gather [hbm4b:s5+s2], $0x80, v3, vm0, $0xb8;
	[tilespmem:$0x18280] =	vst v63  }
0x5e: {  	s17 =	simm.s32 $0xB280  }
0x5f: {  	[tilespmem:s17], [sflag:$0x2] =	stream.indirect_vreg.gather [hbm4b:s6+s2], $0x80, v3, vm0, $0xb8;
	[tilespmem:$0x18280] =	vst v63  }
0x60: {  	s24 =	simm.s32 $0xBA80  }
0x61: {  	[tilespmem:s24], [sflag:$0x2] =	stream.indirect_vreg.gather [hbm4b:s7+s2], $0x80, v3, vm0, $0xb8;
	[tilespmem:$0x18280] =	vst v63  }
0x62: {  	v3 =	vld [tilespmem:$0x30];
	_ =	sdelay $0x4  }
0x63: {  	v31 =	vshll.u32 v3, $0x3  }
0x64: {  	v3 =	vand.u32 $0x7, v3;
	v4 =	vand.u32 $0xFFFFFFC0, v31  }
0x65: {  	v3 =	vor.u32 v3, v4  }
0x66: {  	v4 =	vperm.xlane v3, v0;
	_ =	sdelay $0x1  }
0x67: {  	v4 =	vadd.s32 v1, v4;
	_ =	sdelay $0x3  }
0x68: {  	s25 =	simm.s32 $0xC280  }
0x69: {  	[tilespmem:s25], [sflag:$0x2] =	stream.indirect_vreg.gather [hbm4b:s4+s2], $0x80, v4, vm0, $0xb8;
	[tilespmem:$0x18280] =	vst v63  }
0x6a: {  	s28 =	simm.s32 $0xCA80;
	v3 =	vperm.xlane v3, v2  }
0x6b: {  	[tilespmem:s28], [sflag:$0x2] =	stream.indirect_vreg.gather [hbm4b:s5+s2], $0x80, v4, vm0, $0xb8;
	[tilespmem:$0x18280] =	vst v63  }
0x6c: {  	s31 =	simm.s32 $0xD280;
	v3 =	vadd.s32 v1, v3  }
0x6d: {  	[tilespmem:s31], [sflag:$0x2] =	stream.indirect_vreg.gather [hbm4b:s6+s2], $0x80, v4, vm0, $0xb8;
	[tilespmem:$0x18280] =	vst v63  }
0x6e: {  	s9 =	simm.s32 $0xDA80  }
0x6f: {  	[tilespmem:s9], [sflag:$0x2] =	stream.indirect_vreg.gather [hbm4b:s7+s2], $0x80, v4, vm0, $0xb8;
	[tilespmem:$0x18280] =	vst v63  }
0x70: {  	s17 =	simm.s32 $0xE280  }
0x71: {  	[tilespmem:s17], [sflag:$0x2] =	stream.indirect_vreg.gather [hbm4b:s4+s2], $0x80, v3, vm0, $0xb8;
	[tilespmem:$0x18280] =	vst v63  }
0x72: {  	s31 =	simm.s32 $0xEA80  }
0x73: {  	[tilespmem:s31], [sflag:$0x2] =	stream.indirect_vreg.gather [hbm4b:s5+s2], $0x80, v3, vm0, $0xb8;
	[tilespmem:$0x18280] =	vst v63  }
0x74: {  	s9 =	simm.s32 $0xF280  }
0x75: {  	[tilespmem:s9], [sflag:$0x2] =	stream.indirect_vreg.gather [hbm4b:s6+s2], $0x80, v3, vm0, $0xb8;
	[tilespmem:$0x18280] =	vst v63  }
0x76: {  	s17 =	simm.s32 $0xFA80  }
0x77: {  	[tilespmem:s17], [sflag:$0x2] =	stream.indirect_vreg.gather [hbm4b:s7+s2], $0x80, v3, vm0, $0xb8;
	[tilespmem:$0x18280] =	vst v63  }
0x78: {  	_ =	swait.ge [sflag:s18], $0x8000  }
0x79: {  	[sflag:s18] =	ssyncset.done $0x0  }
0x7a: {  	s31 =	rddreg [dreg:$0x15];
	[sflag:s18] =	ssyncadd.s32 $0xFFFF8000  }
0x7b: {  	[hbm4b:s31+s2] =	stream.linear.scatter [tilespmem:s26], [sflag:$0x4], $0x8000, $0x38;
	[tilespmem:$0x18280] =	vst v63  }
0x7c: {  	v3 =	vld [tilespmem:$0x40];
	_ =	sdelay $0x4  }
0x7d: {  	v32 =	vshll.u32 v3, $0x3  }
0x7e: {  	v3 =	vand.u32 $0x7, v3;
	v4 =	vand.u32 $0xFFFFFFC0, v32  }
0x7f: {  	v3 =	vor.u32 v3, v4  }
0x80: {  	v4 =	vperm.xlane v3, v0;
	_ =	sdelay $0x1  }
0x81: {  	v4 =	vadd.s32 v1, v4;
	_ =	sdelay $0x4  }
0x82: {  	[tilespmem:s8], [sflag:$0x3] =	stream.indirect_vreg.gather [hbm4b:s4+s2], $0x80, v4, vm0, $0xb8;
	[tilespmem:$0x18280] =	vst v63  }
0x83: {  	s0 =	simm.s32 $0x10A80;
	v3 =	vperm.xlane v3, v2  }
0x84: {  	[tilespmem:s0], [sflag:$0x3] =	stream.indirect_vreg.gather [hbm4b:s5+s2], $0x80, v4, vm0, $0xb8;
	[tilespmem:$0x18280] =	vst v63  }
0x85: {  	s9 =	simm.s32 $0x11280;
	v3 =	vadd.s32 v1, v3  }
0x86: {  	[tilespmem:s9], [sflag:$0x3] =	stream.indirect_vreg.gather [hbm4b:s6+s2], $0x80, v4, vm0, $0xb8;
	[tilespmem:$0x18280] =	vst v63  }
0x87: {  	s31 =	simm.s32 $0x11A80  }
0x88: {  	[tilespmem:s31], [sflag:$0x3] =	stream.indirect_vreg.gather [hbm4b:s7+s2], $0x80, v4, vm0, $0xb8;
	[tilespmem:$0x18280] =	vst v63  }
0x89: {  	s0 =	simm.s32 $0x12280  }
0x8a: {  	[tilespmem:s0], [sflag:$0x3] =	stream.indirect_vreg.gather [hbm4b:s4+s2], $0x80, v3, vm0, $0xb8;
	[tilespmem:$0x18280] =	vst v63  }
0x8b: {  	s9 =	simm.s32 $0x12A80  }
0x8c: {  	[tilespmem:s9], [sflag:$0x3] =	stream.indirect_vreg.gather [hbm4b:s5+s2], $0x80, v3, vm0, $0xb8;
	[tilespmem:$0x18280] =	vst v63  }
0x8d: {  	s31 =	simm.s32 $0x13280  }
0x8e: {  	[tilespmem:s31], [sflag:$0x3] =	stream.indirect_vreg.gather [hbm4b:s6+s2], $0x80, v3, vm0, $0xb8;
	[tilespmem:$0x18280] =	vst v63  }
0x8f: {  	s0 =	simm.s32 $0x13A80  }
0x90: {  	[tilespmem:s0], [sflag:$0x3] =	stream.indirect_vreg.gather [hbm4b:s7+s2], $0x80, v3, vm0, $0xb8;
	[tilespmem:$0x18280] =	vst v63  }
0x91: {  	v3 =	vld [tilespmem:$0x50];
	_ =	sdelay $0x4  }
0x92: {  	v33 =	vshll.u32 v3, $0x3  }
0x93: {  	v3 =	vand.u32 $0x7, v3;
	v4 =	vand.u32 $0xFFFFFFC0, v33  }
0x94: {  	v3 =	vor.u32 v3, v4  }
0x95: {  	v4 =	vperm.xlane v3, v0;
	_ =	sdelay $0x1  }
0x96: {  	v4 =	vadd.s32 v1, v4;
	_ =	sdelay $0x3  }
0x97: {  	s9 =	simm.s32 $0x14280  }
0x98: {  	[tilespmem:s9], [sflag:$0x3] =	stream.indirect_vreg.gather [hbm4b:s4+s2], $0x80, v4, vm0, $0xb8;
	[tilespmem:$0x18280] =	vst v63  }
0x99: {  	s31 =	simm.s32 $0x14A80;
	v3 =	vperm.xlane v3, v2  }
0x9a: {  	[tilespmem:s31], [sflag:$0x3] =	stream.indirect_vreg.gather [hbm4b:s5+s2], $0x80, v4, vm0, $0xb8;
	[tilespmem:$0x18280] =	vst v63  }
0x9b: {  	s0 =	simm.s32 $0x15280;
	v3 =	vadd.s32 v1, v3  }
0x9c: {  	[tilespmem:s0], [sflag:$0x3] =	stream.indirect_vreg.gather [hbm4b:s6+s2], $0x80, v4, vm0, $0xb8;
	[tilespmem:$0x18280] =	vst v63  }
0x9d: {  	s9 =	simm.s32 $0x15A80  }
0x9e: {  	[tilespmem:s9], [sflag:$0x3] =	stream.indirect_vreg.gather [hbm4b:s7+s2], $0x80, v4, vm0, $0xb8;
	[tilespmem:$0x18280] =	vst v63  }
0x9f: {  	s31 =	simm.s32 $0x16280  }
0xa0: {  	[tilespmem:s31], [sflag:$0x3] =	stream.indirect_vreg.gather [hbm4b:s4+s2], $0x80, v3, vm0, $0xb8;
	[tilespmem:$0x18280] =	vst v63  }
0xa1: {  	s0 =	simm.s32 $0x16A80  }
0xa2: {  	[tilespmem:s0], [sflag:$0x3] =	stream.indirect_vreg.gather [hbm4b:s5+s2], $0x80, v3, vm0, $0xb8;
	[tilespmem:$0x18280] =	vst v63  }
0xa3: {  	s9 =	simm.s32 $0x17280  }
0xa4: {  	[tilespmem:s9], [sflag:$0x3] =	stream.indirect_vreg.gather [hbm4b:s6+s2], $0x80, v3, vm0, $0xb8;
	[tilespmem:$0x18280] =	vst v63  }
0xa5: {  	s31 =	simm.s32 $0x17A80  }
0xa6: {  	[tilespmem:s31], [sflag:$0x3] =	stream.indirect_vreg.gather [hbm4b:s7+s2], $0x80, v3, vm0, $0xb8;
	[tilespmem:$0x18280] =	vst v63  }
0xa7: {  	_ =	swait.ge [sflag:s12], $0x8000  }
0xa8: {  	[sflag:s12] =	ssyncset.done $0x0  }
0xa9: {  	s0 =	rddreg [dreg:$0x4];
	[sflag:s12] =	ssyncadd.s32 $0xFFFF8000  }
0xaa: {  	[hbm4b:s0+s2] =	stream.linear.scatter [tilespmem:s19], [sflag:$0x5], $0x8000, $0x38;
	[tilespmem:$0x18280] =	vst v63  }
0xab: {  	_ =	swait.ge [sflag:s13], $0x8000  }
0xac: {  	[sflag:s13] =	ssyncset.done $0x0  }
0xad: {  	[sflag:s13] =	ssyncadd.s32 $0xFFFF8000  }
0xae: {  	v3 =	vld [tilespmem:$0x60];
	_ =	sdelay $0x4  }
0xaf: {  	v34 =	vshll.u32 v3, $0x3  }
0xb0: {  	v3 =	vand.u32 $0x7, v3;
	v4 =	vand.u32 $0xFFFFFFC0, v34  }
0xb1: {  	v3 =	vor.u32 v3, v4  }
0xb2: {  	v4 =	vperm.xlane v3, v0;
	_ =	sdelay $0x1  }
0xb3: {  	v4 =	vadd.s32 v1, v4;
	_ =	sdelay $0x4  }
0xb4: {  	[tilespmem:s26], [sflag:$0x1] =	stream.indirect_vreg.gather [hbm4b:s4+s2], $0x80, v4, vm0, $0xb8;
	[tilespmem:$0x18280] =	vst v63  }
0xb5: {  	s11 =	simm.s32 $0xA80;
	v3 =	vperm.xlane v3, v2  }
0xb6: {  	[tilespmem:s11], [sflag:$0x1] =	stream.indirect_vreg.gather [hbm4b:s5+s2], $0x80, v4, vm0, $0xb8;
	[tilespmem:$0x18280] =	vst v63  }
0xb7: {  	s3 =	simm.s32 $0x1280;
	v3 =	vadd.s32 v1, v3  }
0xb8: {  	[tilespmem:s3], [sflag:$0x1] =	stream.indirect_vreg.gather [hbm4b:s6+s2], $0x80, v4, vm0, $0xb8;
	[tilespmem:$0x18280] =	vst v63  }
0xb9: {  	s10 =	simm.s32 $0x1A80  }
0xba: {  	[tilespmem:s10], [sflag:$0x1] =	stream.indirect_vreg.gather [hbm4b:s7+s2], $0x80, v4, vm0, $0xb8;
	[tilespmem:$0x18280] =	vst v63  }
0xbb: {  	s23 =	simm.s32 $0x2280  }
0xbc: {  	[tilespmem:s23], [sflag:$0x1] =	stream.indirect_vreg.gather [hbm4b:s4+s2], $0x80, v3, vm0, $0xb8;
	[tilespmem:$0x18280] =	vst v63  }
0xbd: {  	s29 =	simm.s32 $0x2A80  }
0xbe: {  	[tilespmem:s29], [sflag:$0x1] =	stream.indirect_vreg.gather [hbm4b:s5+s2], $0x80, v3, vm0, $0xb8;
	[tilespmem:$0x18280] =	vst v63  }
0xbf: {  	s30 =	simm.s32 $0x3280  }
0xc0: {  	[tilespmem:s30], [sflag:$0x1] =	stream.indirect_vreg.gather [hbm4b:s6+s2], $0x80, v3, vm0, $0xb8;
	[tilespmem:$0x18280] =	vst v63  }
0xc1: {  	s20 =	simm.s32 $0x3A80  }
0xc2: {  	[tilespmem:s20], [sflag:$0x1] =	stream.indirect_vreg.gather [hbm4b:s7+s2], $0x80, v3, vm0, $0xb8;
	[tilespmem:$0x18280] =	vst v63  }
0xc3: {  	v3 =	vld [tilespmem:$0x70];
	_ =	sdelay $0x4  }
0xc4: {  	v35 =	vshll.u32 v3, $0x3  }
0xc5: {  	v3 =	vand.u32 $0x7, v3;
	v4 =	vand.u32 $0xFFFFFFC0, v35  }
0xc6: {  	v3 =	vor.u32 v3, v4  }
0xc7: {  	v4 =	vperm.xlane v3, v0;
	_ =	sdelay $0x1  }
0xc8: {  	v4 =	vadd.s32 v1, v4;
	_ =	sdelay $0x3  }
0xc9: {  	s21 =	simm.s32 $0x4280  }
0xca: {  	[tilespmem:s21], [sflag:$0x1] =	stream.indirect_vreg.gather [hbm4b:s4+s2], $0x80, v4, vm0, $0xb8;
	[tilespmem:$0x18280] =	vst v63  }
0xcb: {  	s22 =	simm.s32 $0x4A80;
	v3 =	vperm.xlane v3, v2  }
0xcc: {  	[tilespmem:s22], [sflag:$0x1] =	stream.indirect_vreg.gather [hbm4b:s5+s2], $0x80, v4, vm0, $0xb8;
	[tilespmem:$0x18280] =	vst v63  }
0xcd: {  	s31 =	simm.s32 $0x5280;
	v3 =	vadd.s32 v1, v3  }
0xce: {  	[tilespmem:s31], [sflag:$0x1] =	stream.indirect_vreg.gather [hbm4b:s6+s2], $0x80, v4, vm0, $0xb8;
	[tilespmem:$0x18280] =	vst v63  }
0xcf: {  	s11 =	simm.s32 $0x5A80  }
0xd0: {  	[tilespmem:s11], [sflag:$0x1] =	stream.indirect_vreg.gather [hbm4b:s7+s2], $0x80, v4, vm0, $0xb8;
	[tilespmem:$0x18280] =	vst v63  }
0xd1: {  	s20 =	simm.s32 $0x6280  }
0xd2: {  	[tilespmem:s20], [sflag:$0x1] =	stream.indirect_vreg.gather [hbm4b:s4+s2], $0x80, v3, vm0, $0xb8;
	[tilespmem:$0x18280] =	vst v63  }
0xd3: {  	s21 =	simm.s32 $0x6A80  }
0xd4: {  	[tilespmem:s21], [sflag:$0x1] =	stream.indirect_vreg.gather [hbm4b:s5+s2], $0x80, v3, vm0, $0xb8;
	[tilespmem:$0x18280] =	vst v63  }
0xd5: {  	s22 =	simm.s32 $0x7280  }
0xd6: {  	[tilespmem:s22], [sflag:$0x1] =	stream.indirect_vreg.gather [hbm4b:s6+s2], $0x80, v3, vm0, $0xb8;
	[tilespmem:$0x18280] =	vst v63  }
0xd7: {  	s9 =	simm.s32 $0x7A80  }
0xd8: {  	[tilespmem:s9], [sflag:$0x1] =	stream.indirect_vreg.gather [hbm4b:s7+s2], $0x80, v3, vm0, $0xb8;
	[tilespmem:$0x18280] =	vst v63  }
0xd9: {  	_ =	swait.ge [sflag:s14], $0x8000  }
0xda: {  	[sflag:s14] =	ssyncset.done $0x0  }
0xdb: {  	s3 =	rddreg [dreg:$0x5];
	[sflag:s14] =	ssyncadd.s32 $0xFFFF8000  }
0xdc: {  	[hbm4b:s3+s2] =	stream.linear.scatter [tilespmem:s8], [sflag:$0x6], $0x8000, $0x38;
	[tilespmem:$0x18280] =	vst v63  }
0xdd: {  	_ =	swait.ge [sflag:s15], $0x8000  }
0xde: {  	[sflag:s15] =	ssyncset.done $0x0  }
0xdf: {  	[sflag:s15] =	ssyncadd.s32 $0xFFFF8000  }
0xe0: {  	v3 =	vld [tilespmem:$0x80];
	_ =	sdelay $0x4  }
0xe1: {  	v36 =	vshll.u32 v3, $0x3  }
0xe2: {  	v3 =	vand.u32 $0x7, v3;
	v4 =	vand.u32 $0xFFFFFFC0, v36  }
0xe3: {  	v3 =	vor.u32 v3, v4  }
0xe4: {  	v4 =	vperm.xlane v3, v0;
	_ =	sdelay $0x1  }
0xe5: {  	v4 =	vadd.s32 v1, v4;
	_ =	sdelay $0x4  }
0xe6: {  	[tilespmem:s19], [sflag:$0x2] =	stream.indirect_vreg.gather [hbm4b:s4+s2], $0x80, v4, vm0, $0xb8;
	[tilespmem:$0x18280] =	vst v63  }
0xe7: {  	s1 =	simm.s32 $0x8A80;
	v3 =	vperm.xlane v3, v2  }
0xe8: {  	[tilespmem:s1], [sflag:$0x2] =	stream.indirect_vreg.gather [hbm4b:s5+s2], $0x80, v4, vm0, $0xb8;
	[tilespmem:$0x18280] =	vst v63  }
0xe9: {  	s0 =	simm.s32 $0x9280;
	v3 =	vadd.s32 v1, v3  }
0xea: {  	[tilespmem:s0], [sflag:$0x2] =	stream.indirect_vreg.gather [hbm4b:s6+s2], $0x80, v4, vm0, $0xb8;
	[tilespmem:$0x18280] =	vst v63  }
0xeb: {  	s1 =	simm.s32 $0x9A80  }
0xec: {  	[tilespmem:s1], [sflag:$0x2] =	stream.indirect_vreg.gather [hbm4b:s7+s2], $0x80, v4, vm0, $0xb8;
	[tilespmem:$0x18280] =	vst v63  }
0xed: {  	s3 =	simm.s32 $0xA280  }
0xee: {  	[tilespmem:s3], [sflag:$0x2] =	stream.indirect_vreg.gather [hbm4b:s4+s2], $0x80, v3, vm0, $0xb8;
	[tilespmem:$0x18280] =	vst v63  }
0xef: {  	s10 =	simm.s32 $0xAA80  }
0xf0: {  	[tilespmem:s10], [sflag:$0x2] =	stream.indirect_vreg.gather [hbm4b:s5+s2], $0x80, v3, vm0, $0xb8;
	[tilespmem:$0x18280] =	vst v63  }
0xf1: {  	s23 =	simm.s32 $0xB280  }
0xf2: {  	[tilespmem:s23], [sflag:$0x2] =	stream.indirect_vreg.gather [hbm4b:s6+s2], $0x80, v3, vm0, $0xb8;
	[tilespmem:$0x18280] =	vst v63  }
0xf3: {  	s24 =	simm.s32 $0xBA80  }
0xf4: {  	[tilespmem:s24], [sflag:$0x2] =	stream.indirect_vreg.gather [hbm4b:s7+s2], $0x80, v3, vm0, $0xb8;
	[tilespmem:$0x18280] =	vst v63  }
0xf5: {  	v3 =	vld [tilespmem:$0x90];
	_ =	sdelay $0x4  }
0xf6: {  	v37 =	vshll.u32 v3, $0x3  }
0xf7: {  	v3 =	vand.u32 $0x7, v3;
	v4 =	vand.u32 $0xFFFFFFC0, v37  }
0xf8: {  	v3 =	vor.u32 v3, v4  }
0xf9: {  	v4 =	vperm.xlane v3, v0;
	_ =	sdelay $0x1  }
0xfa: {  	v4 =	vadd.s32 v1, v4;
	_ =	sdelay $0x3  }
0xfb: {  	s25 =	simm.s32 $0xC280  }
0xfc: {  	[tilespmem:s25], [sflag:$0x2] =	stream.indirect_vreg.gather [hbm4b:s4+s2], $0x80, v4, vm0, $0xb8;
	[tilespmem:$0x18280] =	vst v63  }
0xfd: {  	s28 =	simm.s32 $0xCA80;
	v3 =	vperm.xlane v3, v2  }
0xfe: {  	[tilespmem:s28], [sflag:$0x2] =	stream.indirect_vreg.gather [hbm4b:s5+s2], $0x80, v4, vm0, $0xb8;
	[tilespmem:$0x18280] =	vst v63  }
0xff: {  	s24 =	simm.s32 $0xD280;
	v3 =	vadd.s32 v1, v3  }
0x100: {  	[tilespmem:s24], [sflag:$0x2] =	stream.indirect_vreg.gather [hbm4b:s6+s2], $0x80, v4, vm0, $0xb8;
	[tilespmem:$0x18280] =	vst v63  }
0x101: {  	s25 =	simm.s32 $0xDA80  }
0x102: {  	[tilespmem:s25], [sflag:$0x2] =	stream.indirect_vreg.gather [hbm4b:s7+s2], $0x80, v4, vm0, $0xb8;
	[tilespmem:$0x18280] =	vst v63  }
0x103: {  	s28 =	simm.s32 $0xE280  }
0x104: {  	[tilespmem:s28], [sflag:$0x2] =	stream.indirect_vreg.gather [hbm4b:s4+s2], $0x80, v3, vm0, $0xb8;
	[tilespmem:$0x18280] =	vst v63  }
0x105: {  	s29 =	simm.s32 $0xEA80  }
0x106: {  	[tilespmem:s29], [sflag:$0x2] =	stream.indirect_vreg.gather [hbm4b:s5+s2], $0x80, v3, vm0, $0xb8;
	[tilespmem:$0x18280] =	vst v63  }
0x107: {  	s30 =	simm.s32 $0xF280  }
0x108: {  	[tilespmem:s30], [sflag:$0x2] =	stream.indirect_vreg.gather [hbm4b:s6+s2], $0x80, v3, vm0, $0xb8;
	[tilespmem:$0x18280] =	vst v63  }
0x109: {  	s17 =	simm.s32 $0xFA80  }
0x10a: {  	[tilespmem:s17], [sflag:$0x2] =	stream.indirect_vreg.gather [hbm4b:s7+s2], $0x80, v3, vm0, $0xb8;
	[tilespmem:$0x18280] =	vst v63  }
0x10b: {  	_ =	swait.ge [sflag:s18], $0x8000  }
0x10c: {  	[sflag:s18] =	ssyncset.done $0x0  }
0x10d: {  	s17 =	rddreg [dreg:$0x6];
	[sflag:s18] =	ssyncadd.s32 $0xFFFF8000  }
0x10e: {  	[hbm4b:s17+s2] =	stream.linear.scatter [tilespmem:s26], [sflag:$0x4], $0x8000, $0x38;
	[tilespmem:$0x18280] =	vst v63  }
0x10f: {  	_ =	swait.ge [sflag:s16], $0x8000  }
0x110: {  	[sflag:s16] =	ssyncset.done $0x0  }
0x111: {  	[sflag:s16] =	ssyncadd.s32 $0xFFFF8000  }
0x112: {  	v3 =	vld [tilespmem:$0xA0];
	_ =	sdelay $0x4  }
0x113: {  	v38 =	vshll.u32 v3, $0x3  }
0x114: {  	v3 =	vand.u32 $0x7, v3;
	v4 =	vand.u32 $0xFFFFFFC0, v38  }
0x115: {  	v3 =	vor.u32 v3, v4  }
0x116: {  	v4 =	vperm.xlane v3, v0;
	_ =	sdelay $0x1  }
0x117: {  	v4 =	vadd.s32 v1, v4;
	_ =	sdelay $0x4  }
0x118: {  	[tilespmem:s8], [sflag:$0x3] =	stream.indirect_vreg.gather [hbm4b:s4+s2], $0x80, v4, vm0, $0xb8;
	[tilespmem:$0x18280] =	vst v63  }
0x119: {  	s17 =	simm.s32 $0x10A80;
	v3 =	vperm.xlane v3, v2  }
0x11a: {  	[tilespmem:s17], [sflag:$0x3] =	stream.indirect_vreg.gather [hbm4b:s5+s2], $0x80, v4, vm0, $0xb8;
	[tilespmem:$0x18280] =	vst v63  }
0x11b: {  	v3 =	vadd.s32 v1, v3;
	s17 =	simm.s32 $0x11280  }
0x11c: {  	[tilespmem:s17], [sflag:$0x3] =	stream.indirect_vreg.gather [hbm4b:s6+s2], $0x80, v4, vm0, $0xb8;
	[tilespmem:$0x18280] =	vst v63  }
0x11d: {  	s17 =	simm.s32 $0x11A80  }
0x11e: {  	[tilespmem:s17], [sflag:$0x3] =	stream.indirect_vreg.gather [hbm4b:s7+s2], $0x80, v4, vm0, $0xb8;
	[tilespmem:$0x18280] =	vst v63  }
0x11f: {  	s17 =	simm.s32 $0x12280  }
0x120: {  	[tilespmem:s17], [sflag:$0x3] =	stream.indirect_vreg.gather [hbm4b:s4+s2], $0x80, v3, vm0, $0xb8;
	[tilespmem:$0x18280] =	vst v63  }
0x121: {  	s17 =	simm.s32 $0x12A80  }
0x122: {  	[tilespmem:s17], [sflag:$0x3] =	stream.indirect_vreg.gather [hbm4b:s5+s2], $0x80, v3, vm0, $0xb8;
	[tilespmem:$0x18280] =	vst v63  }
0x123: {  	s17 =	simm.s32 $0x13280  }
0x124: {  	[tilespmem:s17], [sflag:$0x3] =	stream.indirect_vreg.gather [hbm4b:s6+s2], $0x80, v3, vm0, $0xb8;
	[tilespmem:$0x18280] =	vst v63  }
0x125: {  	s17 =	simm.s32 $0x13A80  }
0x126: {  	[tilespmem:s17], [sflag:$0x3] =	stream.indirect_vreg.gather [hbm4b:s7+s2], $0x80, v3, vm0, $0xb8;
	[tilespmem:$0x18280] =	vst v63  }
0x127: {  	v3 =	vld [tilespmem:$0xB0];
	_ =	sdelay $0x4  }
0x128: {  	v39 =	vshll.u32 v3, $0x3  }
0x129: {  	v3 =	vand.u32 $0x7, v3;
	v4 =	vand.u32 $0xFFFFFFC0, v39  }
0x12a: {  	v3 =	vor.u32 v3, v4  }
0x12b: {  	v4 =	vperm.xlane v3, v0;
	_ =	sdelay $0x1  }
0x12c: {  	v4 =	vadd.s32 v1, v4;
	_ =	sdelay $0x3  }
0x12d: {  	s17 =	simm.s32 $0x14280  }
0x12e: {  	[tilespmem:s17], [sflag:$0x3] =	stream.indirect_vreg.gather [hbm4b:s4+s2], $0x80, v4, vm0, $0xb8;
	[tilespmem:$0x18280] =	vst v63  }
0x12f: {  	v3 =	vperm.xlane v3, v2;
	s17 =	simm.s32 $0x14A80  }
0x130: {  	[tilespmem:s17], [sflag:$0x3] =	stream.indirect_vreg.gather [hbm4b:s5+s2], $0x80, v4, vm0, $0xb8;
	[tilespmem:$0x18280] =	vst v63  }
0x131: {  	v3 =	vadd.s32 v1, v3;
	s17 =	simm.s32 $0x15280  }
0x132: {  	[tilespmem:s17], [sflag:$0x3] =	stream.indirect_vreg.gather [hbm4b:s6+s2], $0x80, v4, vm0, $0xb8;
	[tilespmem:$0x18280] =	vst v63  }
0x133: {  	s17 =	simm.s32 $0x15A80  }
0x134: {  	[tilespmem:s17], [sflag:$0x3] =	stream.indirect_vreg.gather [hbm4b:s7+s2], $0x80, v4, vm0, $0xb8;
	[tilespmem:$0x18280] =	vst v63  }
0x135: {  	s17 =	simm.s32 $0x16280  }
0x136: {  	[tilespmem:s17], [sflag:$0x3] =	stream.indirect_vreg.gather [hbm4b:s4+s2], $0x80, v3, vm0, $0xb8;
	[tilespmem:$0x18280] =	vst v63  }
0x137: {  	s17 =	simm.s32 $0x16A80  }
0x138: {  	[tilespmem:s17], [sflag:$0x3] =	stream.indirect_vreg.gather [hbm4b:s5+s2], $0x80, v3, vm0, $0xb8;
	[tilespmem:$0x18280] =	vst v63  }
0x139: {  	s17 =	simm.s32 $0x17280  }
0x13a: {  	[tilespmem:s17], [sflag:$0x3] =	stream.indirect_vreg.gather [hbm4b:s6+s2], $0x80, v3, vm0, $0xb8;
	[tilespmem:$0x18280] =	vst v63  }
0x13b: {  	s17 =	simm.s32 $0x17A80  }
0x13c: {  	[tilespmem:s17], [sflag:$0x3] =	stream.indirect_vreg.gather [hbm4b:s7+s2], $0x80, v3, vm0, $0xb8;
	[tilespmem:$0x18280] =	vst v63  }
0x13d: {  	_ =	swait.ge [sflag:s12], $0x8000  }
0x13e: {  	[sflag:s12] =	ssyncset.done $0x0  }
0x13f: {  	s17 =	rddreg [dreg:$0x7];
	[sflag:s12] =	ssyncadd.s32 $0xFFFF8000  }
0x140: {  	[hbm4b:s17+s2] =	stream.linear.scatter [tilespmem:s19], [sflag:$0x5], $0x8000, $0x38;
	[tilespmem:$0x18280] =	vst v63  }
0x141: {  	_ =	swait.ge [sflag:s13], $0x8000  }
0x142: {  	[sflag:s13] =	ssyncset.done $0x0  }
0x143: {  	[sflag:s13] =	ssyncadd.s32 $0xFFFF8000  }
0x144: {  	v3 =	vld [tilespmem:$0xC0];
	_ =	sdelay $0x4  }
0x145: {  	v40 =	vshll.u32 v3, $0x3  }
0x146: {  	v3 =	vand.u32 $0x7, v3;
	v4 =	vand.u32 $0xFFFFFFC0, v40  }
0x147: {  	v3 =	vor.u32 v3, v4  }
0x148: {  	v4 =	vperm.xlane v3, v0;
	_ =	sdelay $0x1  }
0x149: {  	v4 =	vadd.s32 v1, v4;
	_ =	sdelay $0x4  }
0x14a: {  	[tilespmem:s26], [sflag:$0x1] =	stream.indirect_vreg.gather [hbm4b:s4+s2], $0x80, v4, vm0, $0xb8;
	[tilespmem:$0x18280] =	vst v63  }
0x14b: {  	s17 =	simm.s32 $0xA80;
	v3 =	vperm.xlane v3, v2  }
0x14c: {  	[tilespmem:s17], [sflag:$0x1] =	stream.indirect_vreg.gather [hbm4b:s5+s2], $0x80, v4, vm0, $0xb8;
	[tilespmem:$0x18280] =	vst v63  }
0x14d: {  	v3 =	vadd.s32 v1, v3;
	s17 =	simm.s32 $0x1280  }
0x14e: {  	[tilespmem:s17], [sflag:$0x1] =	stream.indirect_vreg.gather [hbm4b:s6+s2], $0x80, v4, vm0, $0xb8;
	[tilespmem:$0x18280] =	vst v63  }
0x14f: {  	s17 =	simm.s32 $0x1A80  }
0x150: {  	[tilespmem:s17], [sflag:$0x1] =	stream.indirect_vreg.gather [hbm4b:s7+s2], $0x80, v4, vm0, $0xb8;
	[tilespmem:$0x18280] =	vst v63  }
0x151: {  	s17 =	simm.s32 $0x2280  }
0x152: {  	[tilespmem:s17], [sflag:$0x1] =	stream.indirect_vreg.gather [hbm4b:s4+s2], $0x80, v3, vm0, $0xb8;
	[tilespmem:$0x18280] =	vst v63  }
0x153: {  	s17 =	simm.s32 $0x2A80  }
0x154: {  	[tilespmem:s17], [sflag:$0x1] =	stream.indirect_vreg.gather [hbm4b:s5+s2], $0x80, v3, vm0, $0xb8;
	[tilespmem:$0x18280] =	vst v63  }
0x155: {  	s17 =	simm.s32 $0x3280  }
0x156: {  	[tilespmem:s17], [sflag:$0x1] =	stream.indirect_vreg.gather [hbm4b:s6+s2], $0x80, v3, vm0, $0xb8;
	[tilespmem:$0x18280] =	vst v63  }
0x157: {  	s17 =	simm.s32 $0x3A80  }
0x158: {  	[tilespmem:s17], [sflag:$0x1] =	stream.indirect_vreg.gather [hbm4b:s7+s2], $0x80, v3, vm0, $0xb8;
	[tilespmem:$0x18280] =	vst v63  }
0x159: {  	v3 =	vld [tilespmem:$0xD0];
	_ =	sdelay $0x4  }
0x15a: {  	v41 =	vshll.u32 v3, $0x3  }
0x15b: {  	v3 =	vand.u32 $0x7, v3;
	v4 =	vand.u32 $0xFFFFFFC0, v41  }
0x15c: {  	v3 =	vor.u32 v3, v4  }
0x15d: {  	v4 =	vperm.xlane v3, v0;
	_ =	sdelay $0x1  }
0x15e: {  	v4 =	vadd.s32 v1, v4;
	_ =	sdelay $0x3  }
0x15f: {  	s17 =	simm.s32 $0x4280  }
0x160: {  	[tilespmem:s17], [sflag:$0x1] =	stream.indirect_vreg.gather [hbm4b:s4+s2], $0x80, v4, vm0, $0xb8;
	[tilespmem:$0x18280] =	vst v63  }
0x161: {  	v3 =	vperm.xlane v3, v2;
	s17 =	simm.s32 $0x4A80  }
0x162: {  	[tilespmem:s17], [sflag:$0x1] =	stream.indirect_vreg.gather [hbm4b:s5+s2], $0x80, v4, vm0, $0xb8;
	[tilespmem:$0x18280] =	vst v63  }
0x163: {  	v3 =	vadd.s32 v1, v3  }
0x164: {  	[tilespmem:s31], [sflag:$0x1] =	stream.indirect_vreg.gather [hbm4b:s6+s2], $0x80, v4, vm0, $0xb8;
	[tilespmem:$0x18280] =	vst v63  }
0x165: {  	_ = 	snop  }
0x166: {  	[tilespmem:s11], [sflag:$0x1] =	stream.indirect_vreg.gather [hbm4b:s7+s2], $0x80, v4, vm0, $0xb8;
	[tilespmem:$0x18280] =	vst v63  }
0x167: {  	_ = 	snop  }
0x168: {  	[tilespmem:s20], [sflag:$0x1] =	stream.indirect_vreg.gather [hbm4b:s4+s2], $0x80, v3, vm0, $0xb8;
	[tilespmem:$0x18280] =	vst v63  }
0x169: {  	_ = 	snop  }
0x16a: {  	[tilespmem:s21], [sflag:$0x1] =	stream.indirect_vreg.gather [hbm4b:s5+s2], $0x80, v3, vm0, $0xb8;
	[tilespmem:$0x18280] =	vst v63  }
0x16b: {  	_ = 	snop  }
0x16c: {  	[tilespmem:s22], [sflag:$0x1] =	stream.indirect_vreg.gather [hbm4b:s6+s2], $0x80, v3, vm0, $0xb8;
	[tilespmem:$0x18280] =	vst v63  }
0x16d: {  	_ = 	snop  }
0x16e: {  	[tilespmem:s9], [sflag:$0x1] =	stream.indirect_vreg.gather [hbm4b:s7+s2], $0x80, v3, vm0, $0xb8;
	[tilespmem:$0x18280] =	vst v63  }
0x16f: {  	_ =	swait.ge [sflag:s14], $0x8000  }
0x170: {  	[sflag:s14] =	ssyncset.done $0x0  }
0x171: {  	s9 =	rddreg [dreg:$0x8];
	[sflag:s14] =	ssyncadd.s32 $0xFFFF8000  }
0x172: {  	[hbm4b:s9+s2] =	stream.linear.scatter [tilespmem:s8], [sflag:$0x6], $0x8000, $0x38;
	[tilespmem:$0x18280] =	vst v63  }
0x173: {  	_ =	swait.ge [sflag:s15], $0x8000  }
0x174: {  	[sflag:s15] =	ssyncset.done $0x0  }
0x175: {  	[sflag:s15] =	ssyncadd.s32 $0xFFFF8000  }
0x176: {  	v3 =	vld [tilespmem:$0xE0];
	_ =	sdelay $0x4  }
0x177: {  	v42 =	vshll.u32 v3, $0x3  }
0x178: {  	v3 =	vand.u32 $0x7, v3;
	v4 =	vand.u32 $0xFFFFFFC0, v42  }
0x179: {  	v3 =	vor.u32 v3, v4  }
0x17a: {  	v4 =	vperm.xlane v3, v0;
	_ =	sdelay $0x1  }
0x17b: {  	v4 =	vadd.s32 v1, v4;
	_ =	sdelay $0x4  }
0x17c: {  	[tilespmem:s19], [sflag:$0x2] =	stream.indirect_vreg.gather [hbm4b:s4+s2], $0x80, v4, vm0, $0xb8;
	[tilespmem:$0x18280] =	vst v63  }
0x17d: {  	s22 =	simm.s32 $0x8A80;
	v3 =	vperm.xlane v3, v2  }
0x17e: {  	[tilespmem:s22], [sflag:$0x2] =	stream.indirect_vreg.gather [hbm4b:s5+s2], $0x80, v4, vm0, $0xb8;
	[tilespmem:$0x18280] =	vst v63  }
0x17f: {  	v3 =	vadd.s32 v1, v3  }
0x180: {  	[tilespmem:s0], [sflag:$0x2] =	stream.indirect_vreg.gather [hbm4b:s6+s2], $0x80, v4, vm0, $0xb8;
	[tilespmem:$0x18280] =	vst v63  }
0x181: {  	_ = 	snop  }
0x182: {  	[tilespmem:s1], [sflag:$0x2] =	stream.indirect_vreg.gather [hbm4b:s7+s2], $0x80, v4, vm0, $0xb8;
	[tilespmem:$0x18280] =	vst v63  }
0x183: {  	_ = 	snop  }
0x184: {  	[tilespmem:s3], [sflag:$0x2] =	stream.indirect_vreg.gather [hbm4b:s4+s2], $0x80, v3, vm0, $0xb8;
	[tilespmem:$0x18280] =	vst v63  }
0x185: {  	_ = 	snop  }
0x186: {  	[tilespmem:s10], [sflag:$0x2] =	stream.indirect_vreg.gather [hbm4b:s5+s2], $0x80, v3, vm0, $0xb8;
	[tilespmem:$0x18280] =	vst v63  }
0x187: {  	_ = 	snop  }
0x188: {  	[tilespmem:s23], [sflag:$0x2] =	stream.indirect_vreg.gather [hbm4b:s6+s2], $0x80, v3, vm0, $0xb8;
	[tilespmem:$0x18280] =	vst v63  }
0x189: {  	s23 =	simm.s32 $0xBA80  }
0x18a: {  	[tilespmem:s23], [sflag:$0x2] =	stream.indirect_vreg.gather [hbm4b:s7+s2], $0x80, v3, vm0, $0xb8;
	[tilespmem:$0x18280] =	vst v63  }
0x18b: {  	v3 =	vld [tilespmem:$0xF0];
	_ =	sdelay $0x4  }
0x18c: {  	v43 =	vshll.u32 v3, $0x3  }
0x18d: {  	v3 =	vand.u32 $0x7, v3;
	v4 =	vand.u32 $0xFFFFFFC0, v43  }
0x18e: {  	v3 =	vor.u32 v3, v4  }
0x18f: {  	v4 =	vperm.xlane v3, v0;
	_ =	sdelay $0x1  }
0x190: {  	v4 =	vadd.s32 v1, v4;
	_ =	sdelay $0x3  }
0x191: {  	s22 =	simm.s32 $0xC280  }
0x192: {  	[tilespmem:s22], [sflag:$0x2] =	stream.indirect_vreg.gather [hbm4b:s4+s2], $0x80, v4, vm0, $0xb8;
	[tilespmem:$0x18280] =	vst v63  }
0x193: {  	s23 =	simm.s32 $0xCA80;
	v3 =	vperm.xlane v3, v2  }
0x194: {  	[tilespmem:s23], [sflag:$0x2] =	stream.indirect_vreg.gather [hbm4b:s5+s2], $0x80, v4, vm0, $0xb8;
	[tilespmem:$0x18280] =	vst v63  }
0x195: {  	v3 =	vadd.s32 v1, v3  }
0x196: {  	[tilespmem:s24], [sflag:$0x2] =	stream.indirect_vreg.gather [hbm4b:s6+s2], $0x80, v4, vm0, $0xb8;
	[tilespmem:$0x18280] =	vst v63  }
0x197: {  	_ = 	snop  }
0x198: {  	[tilespmem:s25], [sflag:$0x2] =	stream.indirect_vreg.gather [hbm4b:s7+s2], $0x80, v4, vm0, $0xb8;
	[tilespmem:$0x18280] =	vst v63  }
0x199: {  	_ = 	snop  }
0x19a: {  	[tilespmem:s28], [sflag:$0x2] =	stream.indirect_vreg.gather [hbm4b:s4+s2], $0x80, v3, vm0, $0xb8;
	[tilespmem:$0x18280] =	vst v63  }
0x19b: {  	_ = 	snop  }
0x19c: {  	[tilespmem:s29], [sflag:$0x2] =	stream.indirect_vreg.gather [hbm4b:s5+s2], $0x80, v3, vm0, $0xb8;
	[tilespmem:$0x18280] =	vst v63  }
0x19d: {  	_ = 	snop  }
0x19e: {  	[tilespmem:s30], [sflag:$0x2] =	stream.indirect_vreg.gather [hbm4b:s6+s2], $0x80, v3, vm0, $0xb8;
	[tilespmem:$0x18280] =	vst v63  }
0x19f: {  	s30 =	simm.s32 $0xFA80  }
0x1a0: {  	[tilespmem:s30], [sflag:$0x2] =	stream.indirect_vreg.gather [hbm4b:s7+s2], $0x80, v3, vm0, $0xb8;
	[tilespmem:$0x18280] =	vst v63  }
0x1a1: {  	_ =	swait.ge [sflag:s18], $0x8000  }
0x1a2: {  	[sflag:s18] =	ssyncset.done $0x0  }
0x1a3: {  	s29 =	rddreg [dreg:$0x9];
	[sflag:s18] =	ssyncadd.s32 $0xFFFF8000  }
0x1a4: {  	[hbm4b:s29+s2] =	stream.linear.scatter [tilespmem:s26], [sflag:$0x4], $0x8000, $0x38;
	[tilespmem:$0x18280] =	vst v63  }
0x1a5: {  	_ =	swait.ge [sflag:s16], $0x8000  }
0x1a6: {  	[sflag:s16] =	ssyncset.done $0x0  }
0x1a7: {  	[sflag:s16] =	ssyncadd.s32 $0xFFFF8000  }
0x1a8: {  	v3 =	vld [tilespmem:$0x100];
	_ =	sdelay $0x4  }
0x1a9: {  	v44 =	vshll.u32 v3, $0x3  }
0x1aa: {  	v3 =	vand.u32 $0x7, v3;
	v4 =	vand.u32 $0xFFFFFFC0, v44  }
0x1ab: {  	v3 =	vor.u32 v3, v4  }
0x1ac: {  	v4 =	vperm.xlane v3, v0;
	_ =	sdelay $0x1  }
0x1ad: {  	v4 =	vadd.s32 v1, v4;
	_ =	sdelay $0x4  }
0x1ae: {  	[tilespmem:s8], [sflag:$0x3] =	stream.indirect_vreg.gather [hbm4b:s4+s2], $0x80, v4, vm0, $0xb8;
	[tilespmem:$0x18280] =	vst v63  }
0x1af: {  	s30 =	simm.s32 $0x10A80;
	v3 =	vperm.xlane v3, v2  }
0x1b0: {  	[tilespmem:s30], [sflag:$0x3] =	stream.indirect_vreg.gather [hbm4b:s5+s2], $0x80, v4, vm0, $0xb8;
	[tilespmem:$0x18280] =	vst v63  }
0x1b1: {  	s29 =	simm.s32 $0x11280;
	v3 =	vadd.s32 v1, v3  }
0x1b2: {  	[tilespmem:s29], [sflag:$0x3] =	stream.indirect_vreg.gather [hbm4b:s6+s2], $0x80, v4, vm0, $0xb8;
	[tilespmem:$0x18280] =	vst v63  }
0x1b3: {  	s30 =	simm.s32 $0x11A80  }
0x1b4: {  	[tilespmem:s30], [sflag:$0x3] =	stream.indirect_vreg.gather [hbm4b:s7+s2], $0x80, v4, vm0, $0xb8;
	[tilespmem:$0x18280] =	vst v63  }
0x1b5: {  	s17 =	simm.s32 $0x12280  }
0x1b6: {  	[tilespmem:s17], [sflag:$0x3] =	stream.indirect_vreg.gather [hbm4b:s4+s2], $0x80, v3, vm0, $0xb8;
	[tilespmem:$0x18280] =	vst v63  }
0x1b7: {  	s17 =	simm.s32 $0x12A80  }
0x1b8: {  	[tilespmem:s17], [sflag:$0x3] =	stream.indirect_vreg.gather [hbm4b:s5+s2], $0x80, v3, vm0, $0xb8;
	[tilespmem:$0x18280] =	vst v63  }
0x1b9: {  	s17 =	simm.s32 $0x13280  }
0x1ba: {  	[tilespmem:s17], [sflag:$0x3] =	stream.indirect_vreg.gather [hbm4b:s6+s2], $0x80, v3, vm0, $0xb8;
	[tilespmem:$0x18280] =	vst v63  }
0x1bb: {  	s17 =	simm.s32 $0x13A80  }
0x1bc: {  	[tilespmem:s17], [sflag:$0x3] =	stream.indirect_vreg.gather [hbm4b:s7+s2], $0x80, v3, vm0, $0xb8;
	[tilespmem:$0x18280] =	vst v63  }
0x1bd: {  	v3 =	vld [tilespmem:$0x110];
	_ =	sdelay $0x4  }
0x1be: {  	v45 =	vshll.u32 v3, $0x3  }
0x1bf: {  	v3 =	vand.u32 $0x7, v3;
	v4 =	vand.u32 $0xFFFFFFC0, v45  }
0x1c0: {  	v3 =	vor.u32 v3, v4  }
0x1c1: {  	v4 =	vperm.xlane v3, v0;
	_ =	sdelay $0x1  }
0x1c2: {  	v4 =	vadd.s32 v1, v4;
	_ =	sdelay $0x3  }
0x1c3: {  	s17 =	simm.s32 $0x14280  }
0x1c4: {  	[tilespmem:s17], [sflag:$0x3] =	stream.indirect_vreg.gather [hbm4b:s4+s2], $0x80, v4, vm0, $0xb8;
	[tilespmem:$0x18280] =	vst v63  }
0x1c5: {  	v3 =	vperm.xlane v3, v2;
	s17 =	simm.s32 $0x14A80  }
0x1c6: {  	[tilespmem:s17], [sflag:$0x3] =	stream.indirect_vreg.gather [hbm4b:s5+s2], $0x80, v4, vm0, $0xb8;
	[tilespmem:$0x18280] =	vst v63  }
0x1c7: {  	v3 =	vadd.s32 v1, v3;
	s17 =	simm.s32 $0x15280  }
0x1c8: {  	[tilespmem:s17], [sflag:$0x3] =	stream.indirect_vreg.gather [hbm4b:s6+s2], $0x80, v4, vm0, $0xb8;
	[tilespmem:$0x18280] =	vst v63  }
0x1c9: {  	s17 =	simm.s32 $0x15A80  }
0x1ca: {  	[tilespmem:s17], [sflag:$0x3] =	stream.indirect_vreg.gather [hbm4b:s7+s2], $0x80, v4, vm0, $0xb8;
	[tilespmem:$0x18280] =	vst v63  }
0x1cb: {  	s17 =	simm.s32 $0x16280  }
0x1cc: {  	[tilespmem:s17], [sflag:$0x3] =	stream.indirect_vreg.gather [hbm4b:s4+s2], $0x80, v3, vm0, $0xb8;
	[tilespmem:$0x18280] =	vst v63  }
0x1cd: {  	s17 =	simm.s32 $0x16A80  }
0x1ce: {  	[tilespmem:s17], [sflag:$0x3] =	stream.indirect_vreg.gather [hbm4b:s5+s2], $0x80, v3, vm0, $0xb8;
	[tilespmem:$0x18280] =	vst v63  }
0x1cf: {  	s17 =	simm.s32 $0x17280  }
0x1d0: {  	[tilespmem:s17], [sflag:$0x3] =	stream.indirect_vreg.gather [hbm4b:s6+s2], $0x80, v3, vm0, $0xb8;
	[tilespmem:$0x18280] =	vst v63  }
0x1d1: {  	s17 =	simm.s32 $0x17A80  }
0x1d2: {  	[tilespmem:s17], [sflag:$0x3] =	stream.indirect_vreg.gather [hbm4b:s7+s2], $0x80, v3, vm0, $0xb8;
	[tilespmem:$0x18280] =	vst v63  }
0x1d3: {  	_ =	swait.ge [sflag:s12], $0x8000  }
0x1d4: {  	[sflag:s12] =	ssyncset.done $0x0  }
0x1d5: {  	s17 =	rddreg [dreg:$0xa];
	[sflag:s12] =	ssyncadd.s32 $0xFFFF8000  }
0x1d6: {  	[hbm4b:s17+s2] =	stream.linear.scatter [tilespmem:s19], [sflag:$0x5], $0x8000, $0x38;
	[tilespmem:$0x18280] =	vst v63  }
0x1d7: {  	_ =	swait.ge [sflag:s13], $0x8000  }
0x1d8: {  	[sflag:s13] =	ssyncset.done $0x0  }
0x1d9: {  	[sflag:s13] =	ssyncadd.s32 $0xFFFF8000  }
0x1da: {  	v3 =	vld [tilespmem:$0x120];
	_ =	sdelay $0x4  }
0x1db: {  	v46 =	vshll.u32 v3, $0x3  }
0x1dc: {  	v3 =	vand.u32 $0x7, v3;
	v4 =	vand.u32 $0xFFFFFFC0, v46  }
0x1dd: {  	v3 =	vor.u32 v3, v4  }
0x1de: {  	v4 =	vperm.xlane v3, v0;
	_ =	sdelay $0x1  }
0x1df: {  	v4 =	vadd.s32 v1, v4;
	_ =	sdelay $0x4  }
0x1e0: {  	[tilespmem:s26], [sflag:$0x1] =	stream.indirect_vreg.gather [hbm4b:s4+s2], $0x80, v4, vm0, $0xb8;
	[tilespmem:$0x18280] =	vst v63  }
0x1e1: {  	s17 =	simm.s32 $0xA80;
	v3 =	vperm.xlane v3, v2  }
0x1e2: {  	[tilespmem:s17], [sflag:$0x1] =	stream.indirect_vreg.gather [hbm4b:s5+s2], $0x80, v4, vm0, $0xb8;
	[tilespmem:$0x18280] =	vst v63  }
0x1e3: {  	v3 =	vadd.s32 v1, v3;
	s17 =	simm.s32 $0x1280  }
0x1e4: {  	[tilespmem:s17], [sflag:$0x1] =	stream.indirect_vreg.gather [hbm4b:s6+s2], $0x80, v4, vm0, $0xb8;
	[tilespmem:$0x18280] =	vst v63  }
0x1e5: {  	s17 =	simm.s32 $0x1A80  }
0x1e6: {  	[tilespmem:s17], [sflag:$0x1] =	stream.indirect_vreg.gather [hbm4b:s7+s2], $0x80, v4, vm0, $0xb8;
	[tilespmem:$0x18280] =	vst v63  }
0x1e7: {  	s17 =	simm.s32 $0x2280  }
0x1e8: {  	[tilespmem:s17], [sflag:$0x1] =	stream.indirect_vreg.gather [hbm4b:s4+s2], $0x80, v3, vm0, $0xb8;
	[tilespmem:$0x18280] =	vst v63  }
0x1e9: {  	s17 =	simm.s32 $0x2A80  }
0x1ea: {  	[tilespmem:s17], [sflag:$0x1] =	stream.indirect_vreg.gather [hbm4b:s5+s2], $0x80, v3, vm0, $0xb8;
	[tilespmem:$0x18280] =	vst v63  }
0x1eb: {  	s17 =	simm.s32 $0x3280  }
0x1ec: {  	[tilespmem:s17], [sflag:$0x1] =	stream.indirect_vreg.gather [hbm4b:s6+s2], $0x80, v3, vm0, $0xb8;
	[tilespmem:$0x18280] =	vst v63  }
0x1ed: {  	s17 =	simm.s32 $0x3A80  }
0x1ee: {  	[tilespmem:s17], [sflag:$0x1] =	stream.indirect_vreg.gather [hbm4b:s7+s2], $0x80, v3, vm0, $0xb8;
	[tilespmem:$0x18280] =	vst v63  }
0x1ef: {  	v3 =	vld [tilespmem:$0x130];
	_ =	sdelay $0x4  }
0x1f0: {  	v47 =	vshll.u32 v3, $0x3  }
0x1f1: {  	v3 =	vand.u32 $0x7, v3;
	v4 =	vand.u32 $0xFFFFFFC0, v47  }
0x1f2: {  	v3 =	vor.u32 v3, v4  }
0x1f3: {  	v4 =	vperm.xlane v3, v0;
	_ =	sdelay $0x1  }
0x1f4: {  	v4 =	vadd.s32 v1, v4;
	_ =	sdelay $0x3  }
0x1f5: {  	s17 =	simm.s32 $0x4280  }
0x1f6: {  	[tilespmem:s17], [sflag:$0x1] =	stream.indirect_vreg.gather [hbm4b:s4+s2], $0x80, v4, vm0, $0xb8;
	[tilespmem:$0x18280] =	vst v63  }
0x1f7: {  	v3 =	vperm.xlane v3, v2;
	s17 =	simm.s32 $0x4A80  }
0x1f8: {  	[tilespmem:s17], [sflag:$0x1] =	stream.indirect_vreg.gather [hbm4b:s5+s2], $0x80, v4, vm0, $0xb8;
	[tilespmem:$0x18280] =	vst v63  }
0x1f9: {  	s31 =	simm.s32 $0x5280;
	v3 =	vadd.s32 v1, v3  }
0x1fa: {  	[tilespmem:s31], [sflag:$0x1] =	stream.indirect_vreg.gather [hbm4b:s6+s2], $0x80, v4, vm0, $0xb8;
	[tilespmem:$0x18280] =	vst v63  }
0x1fb: {  	s11 =	simm.s32 $0x5A80  }
0x1fc: {  	[tilespmem:s11], [sflag:$0x1] =	stream.indirect_vreg.gather [hbm4b:s7+s2], $0x80, v4, vm0, $0xb8;
	[tilespmem:$0x18280] =	vst v63  }
0x1fd: {  	s20 =	simm.s32 $0x6280  }
0x1fe: {  	[tilespmem:s20], [sflag:$0x1] =	stream.indirect_vreg.gather [hbm4b:s4+s2], $0x80, v3, vm0, $0xb8;
	[tilespmem:$0x18280] =	vst v63  }
0x1ff: {  	s21 =	simm.s32 $0x6A80  }
0x200: {  	[tilespmem:s21], [sflag:$0x1] =	stream.indirect_vreg.gather [hbm4b:s5+s2], $0x80, v3, vm0, $0xb8;
	[tilespmem:$0x18280] =	vst v63  }
0x201: {  	s21 =	simm.s32 $0x7280  }
0x202: {  	[tilespmem:s21], [sflag:$0x1] =	stream.indirect_vreg.gather [hbm4b:s6+s2], $0x80, v3, vm0, $0xb8;
	[tilespmem:$0x18280] =	vst v63  }
0x203: {  	s17 =	simm.s32 $0x7A80  }
0x204: {  	[tilespmem:s17], [sflag:$0x1] =	stream.indirect_vreg.gather [hbm4b:s7+s2], $0x80, v3, vm0, $0xb8;
	[tilespmem:$0x18280] =	vst v63  }
0x205: {  	_ =	swait.ge [sflag:s14], $0x8000  }
0x206: {  	[sflag:s14] =	ssyncset.done $0x0  }
0x207: {  	s20 =	rddreg [dreg:$0xb];
	[sflag:s14] =	ssyncadd.s32 $0xFFFF8000  }
0x208: {  	[hbm4b:s20+s2] =	stream.linear.scatter [tilespmem:s8], [sflag:$0x6], $0x8000, $0x38;
	[tilespmem:$0x18280] =	vst v63  }
0x209: {  	_ =	swait.ge [sflag:s15], $0x8000  }
0x20a: {  	[sflag:s15] =	ssyncset.done $0x0  }
0x20b: {  	[sflag:s15] =	ssyncadd.s32 $0xFFFF8000  }
0x20c: {  	v3 =	vld [tilespmem:$0x140];
	_ =	sdelay $0x4  }
0x20d: {  	v48 =	vshll.u32 v3, $0x3  }
0x20e: {  	v3 =	vand.u32 $0x7, v3;
	v4 =	vand.u32 $0xFFFFFFC0, v48  }
0x20f: {  	v3 =	vor.u32 v3, v4  }
0x210: {  	v4 =	vperm.xlane v3, v0;
	_ =	sdelay $0x1  }
0x211: {  	v4 =	vadd.s32 v1, v4;
	_ =	sdelay $0x4  }
0x212: {  	[tilespmem:s19], [sflag:$0x2] =	stream.indirect_vreg.gather [hbm4b:s4+s2], $0x80, v4, vm0, $0xb8;
	[tilespmem:$0x18280] =	vst v63  }
0x213: {  	s21 =	simm.s32 $0x8A80;
	v3 =	vperm.xlane v3, v2  }
0x214: {  	[tilespmem:s21], [sflag:$0x2] =	stream.indirect_vreg.gather [hbm4b:s5+s2], $0x80, v4, vm0, $0xb8;
	[tilespmem:$0x18280] =	vst v63  }
0x215: {  	s0 =	simm.s32 $0x9280;
	v3 =	vadd.s32 v1, v3  }
0x216: {  	[tilespmem:s0], [sflag:$0x2] =	stream.indirect_vreg.gather [hbm4b:s6+s2], $0x80, v4, vm0, $0xb8;
	[tilespmem:$0x18280] =	vst v63  }
0x217: {  	s1 =	simm.s32 $0x9A80  }
0x218: {  	[tilespmem:s1], [sflag:$0x2] =	stream.indirect_vreg.gather [hbm4b:s7+s2], $0x80, v4, vm0, $0xb8;
	[tilespmem:$0x18280] =	vst v63  }
0x219: {  	s3 =	simm.s32 $0xA280  }
0x21a: {  	[tilespmem:s3], [sflag:$0x2] =	stream.indirect_vreg.gather [hbm4b:s4+s2], $0x80, v3, vm0, $0xb8;
	[tilespmem:$0x18280] =	vst v63  }
0x21b: {  	s9 =	simm.s32 $0xAA80  }
0x21c: {  	[tilespmem:s9], [sflag:$0x2] =	stream.indirect_vreg.gather [hbm4b:s5+s2], $0x80, v3, vm0, $0xb8;
	[tilespmem:$0x18280] =	vst v63  }
0x21d: {  	s10 =	simm.s32 $0xB280  }
0x21e: {  	[tilespmem:s10], [sflag:$0x2] =	stream.indirect_vreg.gather [hbm4b:s6+s2], $0x80, v3, vm0, $0xb8;
	[tilespmem:$0x18280] =	vst v63  }
0x21f: {  	s17 =	simm.s32 $0xBA80  }
0x220: {  	[tilespmem:s17], [sflag:$0x2] =	stream.indirect_vreg.gather [hbm4b:s7+s2], $0x80, v3, vm0, $0xb8;
	[tilespmem:$0x18280] =	vst v63  }
0x221: {  	v3 =	vld [tilespmem:$0x150];
	_ =	sdelay $0x4  }
0x222: {  	v49 =	vshll.u32 v3, $0x3  }
0x223: {  	v3 =	vand.u32 $0x7, v3;
	v4 =	vand.u32 $0xFFFFFFC0, v49  }
0x224: {  	v3 =	vor.u32 v3, v4  }
0x225: {  	v4 =	vperm.xlane v3, v0;
	_ =	sdelay $0x1  }
0x226: {  	v4 =	vadd.s32 v1, v4;
	_ =	sdelay $0x3  }
0x227: {  	s20 =	simm.s32 $0xC280  }
0x228: {  	[tilespmem:s20], [sflag:$0x2] =	stream.indirect_vreg.gather [hbm4b:s4+s2], $0x80, v4, vm0, $0xb8;
	[tilespmem:$0x18280] =	vst v63  }
0x229: {  	s21 =	simm.s32 $0xCA80;
	v3 =	vperm.xlane v3, v2  }
0x22a: {  	[tilespmem:s21], [sflag:$0x2] =	stream.indirect_vreg.gather [hbm4b:s5+s2], $0x80, v4, vm0, $0xb8;
	[tilespmem:$0x18280] =	vst v63  }
0x22b: {  	s22 =	simm.s32 $0xD280;
	v3 =	vadd.s32 v1, v3  }
0x22c: {  	[tilespmem:s22], [sflag:$0x2] =	stream.indirect_vreg.gather [hbm4b:s6+s2], $0x80, v4, vm0, $0xb8;
	[tilespmem:$0x18280] =	vst v63  }
0x22d: {  	s23 =	simm.s32 $0xDA80  }
0x22e: {  	[tilespmem:s23], [sflag:$0x2] =	stream.indirect_vreg.gather [hbm4b:s7+s2], $0x80, v4, vm0, $0xb8;
	[tilespmem:$0x18280] =	vst v63  }
0x22f: {  	s24 =	simm.s32 $0xE280  }
0x230: {  	[tilespmem:s24], [sflag:$0x2] =	stream.indirect_vreg.gather [hbm4b:s4+s2], $0x80, v3, vm0, $0xb8;
	[tilespmem:$0x18280] =	vst v63  }
0x231: {  	s25 =	simm.s32 $0xEA80  }
0x232: {  	[tilespmem:s25], [sflag:$0x2] =	stream.indirect_vreg.gather [hbm4b:s5+s2], $0x80, v3, vm0, $0xb8;
	[tilespmem:$0x18280] =	vst v63  }
0x233: {  	s28 =	simm.s32 $0xF280  }
0x234: {  	[tilespmem:s28], [sflag:$0x2] =	stream.indirect_vreg.gather [hbm4b:s6+s2], $0x80, v3, vm0, $0xb8;
	[tilespmem:$0x18280] =	vst v63  }
0x235: {  	s17 =	simm.s32 $0xFA80  }
0x236: {  	[tilespmem:s17], [sflag:$0x2] =	stream.indirect_vreg.gather [hbm4b:s7+s2], $0x80, v3, vm0, $0xb8;
	[tilespmem:$0x18280] =	vst v63  }
0x237: {  	_ =	swait.ge [sflag:s18], $0x8000  }
0x238: {  	[sflag:s18] =	ssyncset.done $0x0  }
0x239: {  	s20 =	rddreg [dreg:$0xc];
	[sflag:s18] =	ssyncadd.s32 $0xFFFF8000  }
0x23a: {  	[hbm4b:s20+s2] =	stream.linear.scatter [tilespmem:s26], [sflag:$0x4], $0x8000, $0x38;
	[tilespmem:$0x18280] =	vst v63  }
0x23b: {  	_ =	swait.ge [sflag:s16], $0x8000  }
0x23c: {  	[sflag:s16] =	ssyncset.done $0x0  }
0x23d: {  	[sflag:s16] =	ssyncadd.s32 $0xFFFF8000  }
0x23e: {  	v3 =	vld [tilespmem:$0x160];
	_ =	sdelay $0x4  }
0x23f: {  	v50 =	vshll.u32 v3, $0x3  }
0x240: {  	v3 =	vand.u32 $0x7, v3;
	v4 =	vand.u32 $0xFFFFFFC0, v50  }
0x241: {  	v3 =	vor.u32 v3, v4  }
0x242: {  	v4 =	vperm.xlane v3, v0;
	_ =	sdelay $0x1  }
0x243: {  	v4 =	vadd.s32 v1, v4;
	_ =	sdelay $0x4  }
0x244: {  	[tilespmem:s8], [sflag:$0x3] =	stream.indirect_vreg.gather [hbm4b:s4+s2], $0x80, v4, vm0, $0xb8;
	[tilespmem:$0x18280] =	vst v63  }
0x245: {  	s21 =	simm.s32 $0x10A80;
	v3 =	vperm.xlane v3, v2  }
0x246: {  	[tilespmem:s21], [sflag:$0x3] =	stream.indirect_vreg.gather [hbm4b:s5+s2], $0x80, v4, vm0, $0xb8;
	[tilespmem:$0x18280] =	vst v63  }
0x247: {  	s29 =	simm.s32 $0x11280;
	v3 =	vadd.s32 v1, v3  }
0x248: {  	[tilespmem:s29], [sflag:$0x3] =	stream.indirect_vreg.gather [hbm4b:s6+s2], $0x80, v4, vm0, $0xb8;
	[tilespmem:$0x18280] =	vst v63  }
0x249: {  	s30 =	simm.s32 $0x11A80  }
0x24a: {  	[tilespmem:s30], [sflag:$0x3] =	stream.indirect_vreg.gather [hbm4b:s7+s2], $0x80, v4, vm0, $0xb8;
	[tilespmem:$0x18280] =	vst v63  }
0x24b: {  	s22 =	simm.s32 $0x12280  }
0x24c: {  	[tilespmem:s22], [sflag:$0x3] =	stream.indirect_vreg.gather [hbm4b:s4+s2], $0x80, v3, vm0, $0xb8;
	[tilespmem:$0x18280] =	vst v63  }
0x24d: {  	s29 =	simm.s32 $0x12A80  }
0x24e: {  	[tilespmem:s29], [sflag:$0x3] =	stream.indirect_vreg.gather [hbm4b:s5+s2], $0x80, v3, vm0, $0xb8;
	[tilespmem:$0x18280] =	vst v63  }
0x24f: {  	s30 =	simm.s32 $0x13280  }
0x250: {  	[tilespmem:s30], [sflag:$0x3] =	stream.indirect_vreg.gather [hbm4b:s6+s2], $0x80, v3, vm0, $0xb8;
	[tilespmem:$0x18280] =	vst v63  }
0x251: {  	s17 =	simm.s32 $0x13A80  }
0x252: {  	[tilespmem:s17], [sflag:$0x3] =	stream.indirect_vreg.gather [hbm4b:s7+s2], $0x80, v3, vm0, $0xb8;
	[tilespmem:$0x18280] =	vst v63  }
0x253: {  	v3 =	vld [tilespmem:$0x170];
	_ =	sdelay $0x4  }
0x254: {  	v51 =	vshll.u32 v3, $0x3  }
0x255: {  	v3 =	vand.u32 $0x7, v3;
	v4 =	vand.u32 $0xFFFFFFC0, v51  }
0x256: {  	v3 =	vor.u32 v3, v4  }
0x257: {  	v4 =	vperm.xlane v3, v0;
	_ =	sdelay $0x1  }
0x258: {  	v4 =	vadd.s32 v1, v4;
	_ =	sdelay $0x3  }
0x259: {  	s20 =	simm.s32 $0x14280  }
0x25a: {  	[tilespmem:s20], [sflag:$0x3] =	stream.indirect_vreg.gather [hbm4b:s4+s2], $0x80, v4, vm0, $0xb8;
	[tilespmem:$0x18280] =	vst v63  }
0x25b: {  	s21 =	simm.s32 $0x14A80;
	v3 =	vperm.xlane v3, v2  }
0x25c: {  	[tilespmem:s21], [sflag:$0x3] =	stream.indirect_vreg.gather [hbm4b:s5+s2], $0x80, v4, vm0, $0xb8;
	[tilespmem:$0x18280] =	vst v63  }
0x25d: {  	s22 =	simm.s32 $0x15280;
	v3 =	vadd.s32 v1, v3  }
0x25e: {  	[tilespmem:s22], [sflag:$0x3] =	stream.indirect_vreg.gather [hbm4b:s6+s2], $0x80, v4, vm0, $0xb8;
	[tilespmem:$0x18280] =	vst v63  }
0x25f: {  	s29 =	simm.s32 $0x15A80  }
0x260: {  	[tilespmem:s29], [sflag:$0x3] =	stream.indirect_vreg.gather [hbm4b:s7+s2], $0x80, v4, vm0, $0xb8;
	[tilespmem:$0x18280] =	vst v63  }
0x261: {  	s30 =	simm.s32 $0x16280  }
0x262: {  	[tilespmem:s30], [sflag:$0x3] =	stream.indirect_vreg.gather [hbm4b:s4+s2], $0x80, v3, vm0, $0xb8;
	[tilespmem:$0x18280] =	vst v63  }
0x263: {  	s17 =	simm.s32 $0x16A80  }
0x264: {  	[tilespmem:s17], [sflag:$0x3] =	stream.indirect_vreg.gather [hbm4b:s5+s2], $0x80, v3, vm0, $0xb8;
	[tilespmem:$0x18280] =	vst v63  }
0x265: {  	s20 =	simm.s32 $0x17280  }
0x266: {  	[tilespmem:s20], [sflag:$0x3] =	stream.indirect_vreg.gather [hbm4b:s6+s2], $0x80, v3, vm0, $0xb8;
	[tilespmem:$0x18280] =	vst v63  }
0x267: {  	s21 =	simm.s32 $0x17A80  }
0x268: {  	[tilespmem:s21], [sflag:$0x3] =	stream.indirect_vreg.gather [hbm4b:s7+s2], $0x80, v3, vm0, $0xb8;
	[tilespmem:$0x18280] =	vst v63  }
0x269: {  	_ =	swait.ge [sflag:s12], $0x8000  }
0x26a: {  	[sflag:s12] =	ssyncset.done $0x0  }
0x26b: {  	s22 =	rddreg [dreg:$0xd];
	[sflag:s12] =	ssyncadd.s32 $0xFFFF8000  }
0x26c: {  	[hbm4b:s22+s2] =	stream.linear.scatter [tilespmem:s19], [sflag:$0x5], $0x8000, $0x38;
	[tilespmem:$0x18280] =	vst v63  }
0x26d: {  	_ =	swait.ge [sflag:s13], $0x8000  }
0x26e: {  	[sflag:s13] =	ssyncset.done $0x0  }
0x26f: {  	[sflag:s13] =	ssyncadd.s32 $0xFFFF8000  }
0x270: {  	v3 =	vld [tilespmem:$0x180];
	_ =	sdelay $0x4  }
0x271: {  	v52 =	vshll.u32 v3, $0x3  }
0x272: {  	v3 =	vand.u32 $0x7, v3;
	v4 =	vand.u32 $0xFFFFFFC0, v52  }
0x273: {  	v3 =	vor.u32 v3, v4  }
0x274: {  	v4 =	vperm.xlane v3, v0;
	_ =	sdelay $0x1  }
0x275: {  	v4 =	vadd.s32 v1, v4;
	_ =	sdelay $0x4  }
0x276: {  	[tilespmem:s26], [sflag:$0x1] =	stream.indirect_vreg.gather [hbm4b:s4+s2], $0x80, v4, vm0, $0xb8;
	[tilespmem:$0x18280] =	vst v63  }
0x277: {  	s29 =	simm.s32 $0xA80;
	v3 =	vperm.xlane v3, v2  }
0x278: {  	[tilespmem:s29], [sflag:$0x1] =	stream.indirect_vreg.gather [hbm4b:s5+s2], $0x80, v4, vm0, $0xb8;
	[tilespmem:$0x18280] =	vst v63  }
0x279: {  	s30 =	simm.s32 $0x1280;
	v3 =	vadd.s32 v1, v3  }
0x27a: {  	[tilespmem:s30], [sflag:$0x1] =	stream.indirect_vreg.gather [hbm4b:s6+s2], $0x80, v4, vm0, $0xb8;
	[tilespmem:$0x18280] =	vst v63  }
0x27b: {  	s17 =	simm.s32 $0x1A80  }
0x27c: {  	[tilespmem:s17], [sflag:$0x1] =	stream.indirect_vreg.gather [hbm4b:s7+s2], $0x80, v4, vm0, $0xb8;
	[tilespmem:$0x18280] =	vst v63  }
0x27d: {  	s20 =	simm.s32 $0x2280  }
0x27e: {  	[tilespmem:s20], [sflag:$0x1] =	stream.indirect_vreg.gather [hbm4b:s4+s2], $0x80, v3, vm0, $0xb8;
	[tilespmem:$0x18280] =	vst v63  }
0x27f: {  	s21 =	simm.s32 $0x2A80  }
0x280: {  	[tilespmem:s21], [sflag:$0x1] =	stream.indirect_vreg.gather [hbm4b:s5+s2], $0x80, v3, vm0, $0xb8;
	[tilespmem:$0x18280] =	vst v63  }
0x281: {  	s22 =	simm.s32 $0x3280  }
0x282: {  	[tilespmem:s22], [sflag:$0x1] =	stream.indirect_vreg.gather [hbm4b:s6+s2], $0x80, v3, vm0, $0xb8;
	[tilespmem:$0x18280] =	vst v63  }
0x283: {  	s29 =	simm.s32 $0x3A80  }
0x284: {  	[tilespmem:s29], [sflag:$0x1] =	stream.indirect_vreg.gather [hbm4b:s7+s2], $0x80, v3, vm0, $0xb8;
	[tilespmem:$0x18280] =	vst v63  }
0x285: {  	v3 =	vld [tilespmem:$0x190];
	_ =	sdelay $0x4  }
0x286: {  	v53 =	vshll.u32 v3, $0x3  }
0x287: {  	v3 =	vand.u32 $0x7, v3;
	v4 =	vand.u32 $0xFFFFFFC0, v53  }
0x288: {  	v3 =	vor.u32 v3, v4  }
0x289: {  	v4 =	vperm.xlane v3, v0;
	_ =	sdelay $0x1  }
0x28a: {  	v4 =	vadd.s32 v1, v4;
	_ =	sdelay $0x3  }
0x28b: {  	s30 =	simm.s32 $0x4280  }
0x28c: {  	[tilespmem:s30], [sflag:$0x1] =	stream.indirect_vreg.gather [hbm4b:s4+s2], $0x80, v4, vm0, $0xb8;
	[tilespmem:$0x18280] =	vst v63  }
0x28d: {  	s17 =	simm.s32 $0x4A80;
	v3 =	vperm.xlane v3, v2  }
0x28e: {  	[tilespmem:s17], [sflag:$0x1] =	stream.indirect_vreg.gather [hbm4b:s5+s2], $0x80, v4, vm0, $0xb8;
	[tilespmem:$0x18280] =	vst v63  }
0x28f: {  	s31 =	simm.s32 $0x5280;
	v3 =	vadd.s32 v1, v3  }
0x290: {  	[tilespmem:s31], [sflag:$0x1] =	stream.indirect_vreg.gather [hbm4b:s6+s2], $0x80, v4, vm0, $0xb8;
	[tilespmem:$0x18280] =	vst v63  }
0x291: {  	s20 =	simm.s32 $0x5A80  }
0x292: {  	[tilespmem:s20], [sflag:$0x1] =	stream.indirect_vreg.gather [hbm4b:s7+s2], $0x80, v4, vm0, $0xb8;
	[tilespmem:$0x18280] =	vst v63  }
0x293: {  	s21 =	simm.s32 $0x6280  }
0x294: {  	[tilespmem:s21], [sflag:$0x1] =	stream.indirect_vreg.gather [hbm4b:s4+s2], $0x80, v3, vm0, $0xb8;
	[tilespmem:$0x18280] =	vst v63  }
0x295: {  	s22 =	simm.s32 $0x6A80  }
0x296: {  	[tilespmem:s22], [sflag:$0x1] =	stream.indirect_vreg.gather [hbm4b:s5+s2], $0x80, v3, vm0, $0xb8;
	[tilespmem:$0x18280] =	vst v63  }
0x297: {  	s29 =	simm.s32 $0x7280  }
0x298: {  	[tilespmem:s29], [sflag:$0x1] =	stream.indirect_vreg.gather [hbm4b:s6+s2], $0x80, v3, vm0, $0xb8;
	[tilespmem:$0x18280] =	vst v63  }
0x299: {  	s30 =	simm.s32 $0x7A80  }
0x29a: {  	[tilespmem:s30], [sflag:$0x1] =	stream.indirect_vreg.gather [hbm4b:s7+s2], $0x80, v3, vm0, $0xb8;
	[tilespmem:$0x18280] =	vst v63  }
0x29b: {  	_ =	swait.ge [sflag:s14], $0x8000  }
0x29c: {  	[sflag:s14] =	ssyncset.done $0x0  }
0x29d: {  	s31 =	rddreg [dreg:$0xe];
	[sflag:s14] =	ssyncadd.s32 $0xFFFF8000  }
0x29e: {  	[hbm4b:s31+s2] =	stream.linear.scatter [tilespmem:s8], [sflag:$0x6], $0x8000, $0x38;
	[tilespmem:$0x18280] =	vst v63  }
0x29f: {  	_ =	swait.ge [sflag:s15], $0x8000  }
0x2a0: {  	[sflag:s15] =	ssyncset.done $0x0  }
0x2a1: {  	[sflag:s15] =	ssyncadd.s32 $0xFFFF8000  }
0x2a2: {  	v3 =	vld [tilespmem:$0x1A0];
	_ =	sdelay $0x4  }
0x2a3: {  	v54 =	vshll.u32 v3, $0x3  }
0x2a4: {  	v3 =	vand.u32 $0x7, v3;
	v4 =	vand.u32 $0xFFFFFFC0, v54  }
0x2a5: {  	v3 =	vor.u32 v3, v4  }
0x2a6: {  	v4 =	vperm.xlane v3, v0;
	_ =	sdelay $0x1  }
0x2a7: {  	v4 =	vadd.s32 v1, v4;
	_ =	sdelay $0x4  }
0x2a8: {  	[tilespmem:s19], [sflag:$0x2] =	stream.indirect_vreg.gather [hbm4b:s4+s2], $0x80, v4, vm0, $0xb8;
	[tilespmem:$0x18280] =	vst v63  }
0x2a9: {  	s31 =	simm.s32 $0x8A80;
	v3 =	vperm.xlane v3, v2  }
0x2aa: {  	[tilespmem:s31], [sflag:$0x2] =	stream.indirect_vreg.gather [hbm4b:s5+s2], $0x80, v4, vm0, $0xb8;
	[tilespmem:$0x18280] =	vst v63  }
0x2ab: {  	s11 =	simm.s32 $0x9280;
	v3 =	vadd.s32 v1, v3  }
0x2ac: {  	[tilespmem:s11], [sflag:$0x2] =	stream.indirect_vreg.gather [hbm4b:s6+s2], $0x80, v4, vm0, $0xb8;
	[tilespmem:$0x18280] =	vst v63  }
0x2ad: {  	s1 =	simm.s32 $0x9A80  }
0x2ae: {  	[tilespmem:s1], [sflag:$0x2] =	stream.indirect_vreg.gather [hbm4b:s7+s2], $0x80, v4, vm0, $0xb8;
	[tilespmem:$0x18280] =	vst v63  }
0x2af: {  	s3 =	simm.s32 $0xA280  }
0x2b0: {  	[tilespmem:s3], [sflag:$0x2] =	stream.indirect_vreg.gather [hbm4b:s4+s2], $0x80, v3, vm0, $0xb8;
	[tilespmem:$0x18280] =	vst v63  }
0x2b1: {  	s9 =	simm.s32 $0xAA80  }
0x2b2: {  	[tilespmem:s9], [sflag:$0x2] =	stream.indirect_vreg.gather [hbm4b:s5+s2], $0x80, v3, vm0, $0xb8;
	[tilespmem:$0x18280] =	vst v63  }
0x2b3: {  	s10 =	simm.s32 $0xB280  }
0x2b4: {  	[tilespmem:s10], [sflag:$0x2] =	stream.indirect_vreg.gather [hbm4b:s6+s2], $0x80, v3, vm0, $0xb8;
	[tilespmem:$0x18280] =	vst v63  }
0x2b5: {  	s17 =	simm.s32 $0xBA80  }
0x2b6: {  	[tilespmem:s17], [sflag:$0x2] =	stream.indirect_vreg.gather [hbm4b:s7+s2], $0x80, v3, vm0, $0xb8;
	[tilespmem:$0x18280] =	vst v63  }
0x2b7: {  	v3 =	vld [tilespmem:$0x1B0];
	_ =	sdelay $0x4  }
0x2b8: {  	v55 =	vshll.u32 v3, $0x3  }
0x2b9: {  	v3 =	vand.u32 $0x7, v3;
	v4 =	vand.u32 $0xFFFFFFC0, v55  }
0x2ba: {  	v3 =	vor.u32 v3, v4  }
0x2bb: {  	v4 =	vperm.xlane v3, v0;
	_ =	sdelay $0x1  }
0x2bc: {  	v4 =	vadd.s32 v1, v4;
	_ =	sdelay $0x3  }
0x2bd: {  	s17 =	simm.s32 $0xC280  }
0x2be: {  	[tilespmem:s17], [sflag:$0x2] =	stream.indirect_vreg.gather [hbm4b:s4+s2], $0x80, v4, vm0, $0xb8;
	[tilespmem:$0x18280] =	vst v63  }
0x2bf: {  	v3 =	vperm.xlane v3, v2;
	s17 =	simm.s32 $0xCA80  }
0x2c0: {  	[tilespmem:s17], [sflag:$0x2] =	stream.indirect_vreg.gather [hbm4b:s5+s2], $0x80, v4, vm0, $0xb8;
	[tilespmem:$0x18280] =	vst v63  }
0x2c1: {  	v3 =	vadd.s32 v1, v3;
	s17 =	simm.s32 $0xD280  }
0x2c2: {  	[tilespmem:s17], [sflag:$0x2] =	stream.indirect_vreg.gather [hbm4b:s6+s2], $0x80, v4, vm0, $0xb8;
	[tilespmem:$0x18280] =	vst v63  }
0x2c3: {  	s23 =	simm.s32 $0xDA80  }
0x2c4: {  	[tilespmem:s23], [sflag:$0x2] =	stream.indirect_vreg.gather [hbm4b:s7+s2], $0x80, v4, vm0, $0xb8;
	[tilespmem:$0x18280] =	vst v63  }
0x2c5: {  	s24 =	simm.s32 $0xE280  }
0x2c6: {  	[tilespmem:s24], [sflag:$0x2] =	stream.indirect_vreg.gather [hbm4b:s4+s2], $0x80, v3, vm0, $0xb8;
	[tilespmem:$0x18280] =	vst v63  }
0x2c7: {  	s25 =	simm.s32 $0xEA80  }
0x2c8: {  	[tilespmem:s25], [sflag:$0x2] =	stream.indirect_vreg.gather [hbm4b:s5+s2], $0x80, v3, vm0, $0xb8;
	[tilespmem:$0x18280] =	vst v63  }
0x2c9: {  	s28 =	simm.s32 $0xF280  }
0x2ca: {  	[tilespmem:s28], [sflag:$0x2] =	stream.indirect_vreg.gather [hbm4b:s6+s2], $0x80, v3, vm0, $0xb8;
	[tilespmem:$0x18280] =	vst v63  }
0x2cb: {  	s17 =	simm.s32 $0xFA80  }
0x2cc: {  	[tilespmem:s17], [sflag:$0x2] =	stream.indirect_vreg.gather [hbm4b:s7+s2], $0x80, v3, vm0, $0xb8;
	[tilespmem:$0x18280] =	vst v63  }
0x2cd: {  	_ =	swait.ge [sflag:s18], $0x8000  }
0x2ce: {  	[sflag:s18] =	ssyncset.done $0x0  }
0x2cf: {  	s17 =	rddreg [dreg:$0xf];
	[sflag:s18] =	ssyncadd.s32 $0xFFFF8000  }
0x2d0: {  	[hbm4b:s17+s2] =	stream.linear.scatter [tilespmem:s26], [sflag:$0x4], $0x8000, $0x38;
	[tilespmem:$0x18280] =	vst v63  }
0x2d1: {  	_ =	swait.ge [sflag:s16], $0x8000  }
0x2d2: {  	[sflag:s16] =	ssyncset.done $0x0  }
0x2d3: {  	[sflag:s16] =	ssyncadd.s32 $0xFFFF8000  }
0x2d4: {  	v3 =	vld [tilespmem:$0x1C0];
	_ =	sdelay $0x4  }
0x2d5: {  	v56 =	vshll.u32 v3, $0x3  }
0x2d6: {  	v3 =	vand.u32 $0x7, v3;
	v4 =	vand.u32 $0xFFFFFFC0, v56  }
0x2d7: {  	v3 =	vor.u32 v3, v4  }
0x2d8: {  	v4 =	vperm.xlane v3, v0;
	_ =	sdelay $0x1  }
0x2d9: {  	v4 =	vadd.s32 v1, v4;
	_ =	sdelay $0x4  }
0x2da: {  	[tilespmem:s8], [sflag:$0x3] =	stream.indirect_vreg.gather [hbm4b:s4+s2], $0x80, v4, vm0, $0xb8;
	[tilespmem:$0x18280] =	vst v63  }
0x2db: {  	s17 =	simm.s32 $0x10A80;
	v3 =	vperm.xlane v3, v2  }
0x2dc: {  	[tilespmem:s17], [sflag:$0x3] =	stream.indirect_vreg.gather [hbm4b:s5+s2], $0x80, v4, vm0, $0xb8;
	[tilespmem:$0x18280] =	vst v63  }
0x2dd: {  	v3 =	vadd.s32 v1, v3;
	s17 =	simm.s32 $0x11280  }
0x2de: {  	[tilespmem:s17], [sflag:$0x3] =	stream.indirect_vreg.gather [hbm4b:s6+s2], $0x80, v4, vm0, $0xb8;
	[tilespmem:$0x18280] =	vst v63  }
0x2df: {  	s17 =	simm.s32 $0x11A80  }
0x2e0: {  	[tilespmem:s17], [sflag:$0x3] =	stream.indirect_vreg.gather [hbm4b:s7+s2], $0x80, v4, vm0, $0xb8;
	[tilespmem:$0x18280] =	vst v63  }
0x2e1: {  	s17 =	simm.s32 $0x12280  }
0x2e2: {  	[tilespmem:s17], [sflag:$0x3] =	stream.indirect_vreg.gather [hbm4b:s4+s2], $0x80, v3, vm0, $0xb8;
	[tilespmem:$0x18280] =	vst v63  }
0x2e3: {  	s17 =	simm.s32 $0x12A80  }
0x2e4: {  	[tilespmem:s17], [sflag:$0x3] =	stream.indirect_vreg.gather [hbm4b:s5+s2], $0x80, v3, vm0, $0xb8;
	[tilespmem:$0x18280] =	vst v63  }
0x2e5: {  	s17 =	simm.s32 $0x13280  }
0x2e6: {  	[tilespmem:s17], [sflag:$0x3] =	stream.indirect_vreg.gather [hbm4b:s6+s2], $0x80, v3, vm0, $0xb8;
	[tilespmem:$0x18280] =	vst v63  }
0x2e7: {  	s17 =	simm.s32 $0x13A80  }
0x2e8: {  	[tilespmem:s17], [sflag:$0x3] =	stream.indirect_vreg.gather [hbm4b:s7+s2], $0x80, v3, vm0, $0xb8;
	[tilespmem:$0x18280] =	vst v63  }
0x2e9: {  	v3 =	vld [tilespmem:$0x1D0];
	_ =	sdelay $0x4  }
0x2ea: {  	v57 =	vshll.u32 v3, $0x3  }
0x2eb: {  	v3 =	vand.u32 $0x7, v3;
	v4 =	vand.u32 $0xFFFFFFC0, v57  }
0x2ec: {  	v3 =	vor.u32 v3, v4  }
0x2ed: {  	v4 =	vperm.xlane v3, v0;
	_ =	sdelay $0x1  }
0x2ee: {  	v4 =	vadd.s32 v1, v4;
	_ =	sdelay $0x3  }
0x2ef: {  	s17 =	simm.s32 $0x14280  }
0x2f0: {  	[tilespmem:s17], [sflag:$0x3] =	stream.indirect_vreg.gather [hbm4b:s4+s2], $0x80, v4, vm0, $0xb8;
	[tilespmem:$0x18280] =	vst v63  }
0x2f1: {  	v3 =	vperm.xlane v3, v2;
	s17 =	simm.s32 $0x14A80  }
0x2f2: {  	[tilespmem:s17], [sflag:$0x3] =	stream.indirect_vreg.gather [hbm4b:s5+s2], $0x80, v4, vm0, $0xb8;
	[tilespmem:$0x18280] =	vst v63  }
0x2f3: {  	v3 =	vadd.s32 v1, v3;
	s17 =	simm.s32 $0x15280  }
0x2f4: {  	[tilespmem:s17], [sflag:$0x3] =	stream.indirect_vreg.gather [hbm4b:s6+s2], $0x80, v4, vm0, $0xb8;
	[tilespmem:$0x18280] =	vst v63  }
0x2f5: {  	s17 =	simm.s32 $0x15A80  }
0x2f6: {  	[tilespmem:s17], [sflag:$0x3] =	stream.indirect_vreg.gather [hbm4b:s7+s2], $0x80, v4, vm0, $0xb8;
	[tilespmem:$0x18280] =	vst v63  }
0x2f7: {  	s17 =	simm.s32 $0x16280  }
0x2f8: {  	[tilespmem:s17], [sflag:$0x3] =	stream.indirect_vreg.gather [hbm4b:s4+s2], $0x80, v3, vm0, $0xb8;
	[tilespmem:$0x18280] =	vst v63  }
0x2f9: {  	s17 =	simm.s32 $0x16A80  }
0x2fa: {  	[tilespmem:s17], [sflag:$0x3] =	stream.indirect_vreg.gather [hbm4b:s5+s2], $0x80, v3, vm0, $0xb8;
	[tilespmem:$0x18280] =	vst v63  }
0x2fb: {  	s17 =	simm.s32 $0x17280  }
0x2fc: {  	[tilespmem:s17], [sflag:$0x3] =	stream.indirect_vreg.gather [hbm4b:s6+s2], $0x80, v3, vm0, $0xb8;
	[tilespmem:$0x18280] =	vst v63  }
0x2fd: {  	s17 =	simm.s32 $0x17A80  }
0x2fe: {  	[tilespmem:s17], [sflag:$0x3] =	stream.indirect_vreg.gather [hbm4b:s7+s2], $0x80, v3, vm0, $0xb8;
	[tilespmem:$0x18280] =	vst v63  }
0x2ff: {  	_ =	swait.ge [sflag:s12], $0x8000  }
0x300: {  	[sflag:s12] =	ssyncset.done $0x0  }
0x301: {  	s17 =	rddreg [dreg:$0x10];
	[sflag:s12] =	ssyncadd.s32 $0xFFFF8000  }
0x302: {  	[hbm4b:s17+s2] =	stream.linear.scatter [tilespmem:s19], [sflag:$0x5], $0x8000, $0x38;
	[tilespmem:$0x18280] =	vst v63  }
0x303: {  	_ =	swait.ge [sflag:s13], $0x8000  }
0x304: {  	[sflag:s13] =	ssyncset.done $0x0  }
0x305: {  	[sflag:s13] =	ssyncadd.s32 $0xFFFF8000  }
0x306: {  	v3 =	vld [tilespmem:$0x1E0];
	_ =	sdelay $0x4  }
0x307: {  	v58 =	vshll.u32 v3, $0x3  }
0x308: {  	v3 =	vand.u32 $0x7, v3;
	v4 =	vand.u32 $0xFFFFFFC0, v58  }
0x309: {  	v3 =	vor.u32 v3, v4  }
0x30a: {  	v4 =	vperm.xlane v3, v0;
	_ =	sdelay $0x1  }
0x30b: {  	v4 =	vadd.s32 v1, v4;
	_ =	sdelay $0x4  }
0x30c: {  	[tilespmem:s26], [sflag:$0x1] =	stream.indirect_vreg.gather [hbm4b:s4+s2], $0x80, v4, vm0, $0xb8;
	[tilespmem:$0x18280] =	vst v63  }
0x30d: {  	s17 =	simm.s32 $0xA80;
	v3 =	vperm.xlane v3, v2  }
0x30e: {  	[tilespmem:s17], [sflag:$0x1] =	stream.indirect_vreg.gather [hbm4b:s5+s2], $0x80, v4, vm0, $0xb8;
	[tilespmem:$0x18280] =	vst v63  }
0x30f: {  	v3 =	vadd.s32 v1, v3;
	s17 =	simm.s32 $0x1280  }
0x310: {  	[tilespmem:s17], [sflag:$0x1] =	stream.indirect_vreg.gather [hbm4b:s6+s2], $0x80, v4, vm0, $0xb8;
	[tilespmem:$0x18280] =	vst v63  }
0x311: {  	s17 =	simm.s32 $0x1A80  }
0x312: {  	[tilespmem:s17], [sflag:$0x1] =	stream.indirect_vreg.gather [hbm4b:s7+s2], $0x80, v4, vm0, $0xb8;
	[tilespmem:$0x18280] =	vst v63  }
0x313: {  	s17 =	simm.s32 $0x2280  }
0x314: {  	[tilespmem:s17], [sflag:$0x1] =	stream.indirect_vreg.gather [hbm4b:s4+s2], $0x80, v3, vm0, $0xb8;
	[tilespmem:$0x18280] =	vst v63  }
0x315: {  	s17 =	simm.s32 $0x2A80  }
0x316: {  	[tilespmem:s17], [sflag:$0x1] =	stream.indirect_vreg.gather [hbm4b:s5+s2], $0x80, v3, vm0, $0xb8;
	[tilespmem:$0x18280] =	vst v63  }
0x317: {  	s17 =	simm.s32 $0x3280  }
0x318: {  	[tilespmem:s17], [sflag:$0x1] =	stream.indirect_vreg.gather [hbm4b:s6+s2], $0x80, v3, vm0, $0xb8;
	[tilespmem:$0x18280] =	vst v63  }
0x319: {  	s17 =	simm.s32 $0x3A80  }
0x31a: {  	[tilespmem:s17], [sflag:$0x1] =	stream.indirect_vreg.gather [hbm4b:s7+s2], $0x80, v3, vm0, $0xb8;
	[tilespmem:$0x18280] =	vst v63  }
0x31b: {  	v3 =	vld [tilespmem:$0x1F0];
	_ =	sdelay $0x4  }
0x31c: {  	v59 =	vshll.u32 v3, $0x3  }
0x31d: {  	v3 =	vand.u32 $0x7, v3;
	v4 =	vand.u32 $0xFFFFFFC0, v59  }
0x31e: {  	v3 =	vor.u32 v3, v4  }
0x31f: {  	v4 =	vperm.xlane v3, v0;
	_ =	sdelay $0x1  }
0x320: {  	v4 =	vadd.s32 v1, v4;
	_ =	sdelay $0x3  }
0x321: {  	s17 =	simm.s32 $0x4280  }
0x322: {  	[tilespmem:s17], [sflag:$0x1] =	stream.indirect_vreg.gather [hbm4b:s4+s2], $0x80, v4, vm0, $0xb8;
	[tilespmem:$0x18280] =	vst v63  }
0x323: {  	v3 =	vperm.xlane v3, v2;
	s17 =	simm.s32 $0x4A80  }
0x324: {  	[tilespmem:s17], [sflag:$0x1] =	stream.indirect_vreg.gather [hbm4b:s5+s2], $0x80, v4, vm0, $0xb8;
	[tilespmem:$0x18280] =	vst v63  }
0x325: {  	s0 =	simm.s32 $0x5280;
	v3 =	vadd.s32 v1, v3  }
0x326: {  	[tilespmem:s0], [sflag:$0x1] =	stream.indirect_vreg.gather [hbm4b:s6+s2], $0x80, v4, vm0, $0xb8;
	[tilespmem:$0x18280] =	vst v63  }
0x327: {  	s20 =	simm.s32 $0x5A80  }
0x328: {  	[tilespmem:s20], [sflag:$0x1] =	stream.indirect_vreg.gather [hbm4b:s7+s2], $0x80, v4, vm0, $0xb8;
	[tilespmem:$0x18280] =	vst v63  }
0x329: {  	s21 =	simm.s32 $0x6280  }
0x32a: {  	[tilespmem:s21], [sflag:$0x1] =	stream.indirect_vreg.gather [hbm4b:s4+s2], $0x80, v3, vm0, $0xb8;
	[tilespmem:$0x18280] =	vst v63  }
0x32b: {  	s22 =	simm.s32 $0x6A80  }
0x32c: {  	[tilespmem:s22], [sflag:$0x1] =	stream.indirect_vreg.gather [hbm4b:s5+s2], $0x80, v3, vm0, $0xb8;
	[tilespmem:$0x18280] =	vst v63  }
0x32d: {  	s29 =	simm.s32 $0x7280  }
0x32e: {  	[tilespmem:s29], [sflag:$0x1] =	stream.indirect_vreg.gather [hbm4b:s6+s2], $0x80, v3, vm0, $0xb8;
	[tilespmem:$0x18280] =	vst v63  }
0x32f: {  	s30 =	simm.s32 $0x7A80  }
0x330: {  	[tilespmem:s30], [sflag:$0x1] =	stream.indirect_vreg.gather [hbm4b:s7+s2], $0x80, v3, vm0, $0xb8;
	[tilespmem:$0x18280] =	vst v63  }
0x331: {  	_ =	swait.ge [sflag:s14], $0x8000  }
0x332: {  	[sflag:s14] =	ssyncset.done $0x0  }
0x333: {  	s0 =	rddreg [dreg:$0x11];
	[sflag:s14] =	ssyncadd.s32 $0xFFFF8000  }
0x334: {  	[hbm4b:s0+s2] =	stream.linear.scatter [tilespmem:s8], [sflag:$0x6], $0x8000, $0x38;
	[tilespmem:$0x18280] =	vst v63  }
0x335: {  	_ =	swait.ge [sflag:s15], $0x8000  }
0x336: {  	[sflag:s15] =	ssyncset.done $0x0  }
0x337: {  	[sflag:s15] =	ssyncadd.s32 $0xFFFF8000  }
0x338: {  	v3 =	vld [tilespmem:$0x200];
	_ =	sdelay $0x4  }
0x339: {  	v60 =	vshll.u32 v3, $0x3  }
0x33a: {  	v3 =	vand.u32 $0x7, v3;
	v4 =	vand.u32 $0xFFFFFFC0, v60  }
0x33b: {  	v3 =	vor.u32 v3, v4  }
0x33c: {  	v4 =	vperm.xlane v3, v0;
	_ =	sdelay $0x1  }
0x33d: {  	v4 =	vadd.s32 v1, v4;
	_ =	sdelay $0x4  }
0x33e: {  	[tilespmem:s19], [sflag:$0x2] =	stream.indirect_vreg.gather [hbm4b:s4+s2], $0x80, v4, vm0, $0xb8;
	[tilespmem:$0x18280] =	vst v63  }
0x33f: {  	s17 =	simm.s32 $0x8A80;
	v3 =	vperm.xlane v3, v2  }
0x340: {  	[tilespmem:s17], [sflag:$0x2] =	stream.indirect_vreg.gather [hbm4b:s5+s2], $0x80, v4, vm0, $0xb8;
	[tilespmem:$0x18280] =	vst v63  }
0x341: {  	s31 =	simm.s32 $0x9280;
	v3 =	vadd.s32 v1, v3  }
0x342: {  	[tilespmem:s31], [sflag:$0x2] =	stream.indirect_vreg.gather [hbm4b:s6+s2], $0x80, v4, vm0, $0xb8;
	[tilespmem:$0x18280] =	vst v63  }
0x343: {  	s11 =	simm.s32 $0x9A80  }
0x344: {  	[tilespmem:s11], [sflag:$0x2] =	stream.indirect_vreg.gather [hbm4b:s7+s2], $0x80, v4, vm0, $0xb8;
	[tilespmem:$0x18280] =	vst v63  }
0x345: {  	s1 =	simm.s32 $0xA280  }
0x346: {  	[tilespmem:s1], [sflag:$0x2] =	stream.indirect_vreg.gather [hbm4b:s4+s2], $0x80, v3, vm0, $0xb8;
	[tilespmem:$0x18280] =	vst v63  }
0x347: {  	s3 =	simm.s32 $0xAA80  }
0x348: {  	[tilespmem:s3], [sflag:$0x2] =	stream.indirect_vreg.gather [hbm4b:s5+s2], $0x80, v3, vm0, $0xb8;
	[tilespmem:$0x18280] =	vst v63  }
0x349: {  	s9 =	simm.s32 $0xB280  }
0x34a: {  	[tilespmem:s9], [sflag:$0x2] =	stream.indirect_vreg.gather [hbm4b:s6+s2], $0x80, v3, vm0, $0xb8;
	[tilespmem:$0x18280] =	vst v63  }
0x34b: {  	s20 =	simm.s32 $0xBA80  }
0x34c: {  	[tilespmem:s20], [sflag:$0x2] =	stream.indirect_vreg.gather [hbm4b:s7+s2], $0x80, v3, vm0, $0xb8;
	[tilespmem:$0x18280] =	vst v63  }
0x34d: {  	v3 =	vld [tilespmem:$0x210];
	_ =	sdelay $0x4  }
0x34e: {  	v61 =	vshll.u32 v3, $0x3  }
0x34f: {  	v3 =	vand.u32 $0x7, v3;
	v4 =	vand.u32 $0xFFFFFFC0, v61  }
0x350: {  	v3 =	vor.u32 v3, v4  }
0x351: {  	v4 =	vperm.xlane v3, v0;
	_ =	sdelay $0x1  }
0x352: {  	v4 =	vadd.s32 v1, v4;
	_ =	sdelay $0x3  }
0x353: {  	s21 =	simm.s32 $0xC280  }
0x354: {  	[tilespmem:s21], [sflag:$0x2] =	stream.indirect_vreg.gather [hbm4b:s4+s2], $0x80, v4, vm0, $0xb8;
	[tilespmem:$0x18280] =	vst v63  }
0x355: {  	s22 =	simm.s32 $0xCA80;
	v3 =	vperm.xlane v3, v2  }
0x356: {  	[tilespmem:s22], [sflag:$0x2] =	stream.indirect_vreg.gather [hbm4b:s5+s2], $0x80, v4, vm0, $0xb8;
	[tilespmem:$0x18280] =	vst v63  }
0x357: {  	s10 =	simm.s32 $0xD280;
	v3 =	vadd.s32 v1, v3  }
0x358: {  	[tilespmem:s10], [sflag:$0x2] =	stream.indirect_vreg.gather [hbm4b:s6+s2], $0x80, v4, vm0, $0xb8;
	[tilespmem:$0x18280] =	vst v63  }
0x359: {  	s23 =	simm.s32 $0xDA80  }
0x35a: {  	[tilespmem:s23], [sflag:$0x2] =	stream.indirect_vreg.gather [hbm4b:s7+s2], $0x80, v4, vm0, $0xb8;
	[tilespmem:$0x18280] =	vst v63  }
0x35b: {  	s24 =	simm.s32 $0xE280  }
0x35c: {  	[tilespmem:s24], [sflag:$0x2] =	stream.indirect_vreg.gather [hbm4b:s4+s2], $0x80, v3, vm0, $0xb8;
	[tilespmem:$0x18280] =	vst v63  }
0x35d: {  	s25 =	simm.s32 $0xEA80  }
0x35e: {  	[tilespmem:s25], [sflag:$0x2] =	stream.indirect_vreg.gather [hbm4b:s5+s2], $0x80, v3, vm0, $0xb8;
	[tilespmem:$0x18280] =	vst v63  }
0x35f: {  	s28 =	simm.s32 $0xF280  }
0x360: {  	[tilespmem:s28], [sflag:$0x2] =	stream.indirect_vreg.gather [hbm4b:s6+s2], $0x80, v3, vm0, $0xb8;
	[tilespmem:$0x18280] =	vst v63  }
0x361: {  	s28 =	simm.s32 $0xFA80  }
0x362: {  	[tilespmem:s28], [sflag:$0x2] =	stream.indirect_vreg.gather [hbm4b:s7+s2], $0x80, v3, vm0, $0xb8;
	[tilespmem:$0x18280] =	vst v63  }
0x363: {  	s0 =	rddreg [dreg:$0x16];
	_ =	swait.ge [sflag:s18], $0x8000  }
0x364: {  	[sflag:s18] =	ssyncset.done $0x0  }
0x365: {  	s29 =	rddreg [dreg:$0x12];
	[sflag:s18] =	ssyncadd.s32 $0xFFFF8000  }
0x366: {  	[hbm4b:s29+s2] =	stream.linear.scatter [tilespmem:s26], [sflag:$0x4], $0x8000, $0x38;
	[tilespmem:$0x18280] =	vst v63  }
0x367: {  	_ =	swait.ge [sflag:s16], $0x8000  }
0x368: {  	[sflag:s16] =	ssyncset.done $0x0  }
0x369: {  	[sflag:s16] =	ssyncadd.s32 $0xFFFF8000  }
0x36a: {  	v3 =	vld [tilespmem:$0x220];
	_ =	sdelay $0x4  }
0x36b: {  	v62 =	vshll.u32 v3, $0x3  }
0x36c: {  	v3 =	vand.u32 $0x7, v3;
	v4 =	vand.u32 $0xFFFFFFC0, v62  }
0x36d: {  	v3 =	vor.u32 v3, v4  }
0x36e: {  	v4 =	vperm.xlane v3, v0;
	_ =	sdelay $0x1  }
0x36f: {  	v4 =	vadd.s32 v1, v4;
	_ =	sdelay $0x4  }
0x370: {  	[tilespmem:s8], [sflag:$0x3] =	stream.indirect_vreg.gather [hbm4b:s4+s2], $0x80, v4, vm0, $0xb8;
	[tilespmem:$0x18280] =	vst v63  }
0x371: {  	s30 =	simm.s32 $0x10A80;
	v3 =	vperm.xlane v3, v2  }
0x372: {  	[tilespmem:s30], [sflag:$0x3] =	stream.indirect_vreg.gather [hbm4b:s5+s2], $0x80, v4, vm0, $0xb8;
	[tilespmem:$0x18280] =	vst v63  }
0x373: {  	s31 =	simm.s32 $0x11280;
	v3 =	vadd.s32 v1, v3  }
0x374: {  	[tilespmem:s31], [sflag:$0x3] =	stream.indirect_vreg.gather [hbm4b:s6+s2], $0x80, v4, vm0, $0xb8;
	[tilespmem:$0x18280] =	vst v63  }
0x375: {  	s3 =	simm.s32 $0x11A80  }
0x376: {  	[tilespmem:s3], [sflag:$0x3] =	stream.indirect_vreg.gather [hbm4b:s7+s2], $0x80, v4, vm0, $0xb8;
	[tilespmem:$0x18280] =	vst v63  }
0x377: {  	s9 =	simm.s32 $0x12280  }
0x378: {  	[tilespmem:s9], [sflag:$0x3] =	stream.indirect_vreg.gather [hbm4b:s4+s2], $0x80, v3, vm0, $0xb8;
	[tilespmem:$0x18280] =	vst v63  }
0x379: {  	s10 =	simm.s32 $0x12A80  }
0x37a: {  	[tilespmem:s10], [sflag:$0x3] =	stream.indirect_vreg.gather [hbm4b:s5+s2], $0x80, v3, vm0, $0xb8;
	[tilespmem:$0x18280] =	vst v63  }
0x37b: {  	s11 =	simm.s32 $0x13280  }
0x37c: {  	[tilespmem:s11], [sflag:$0x3] =	stream.indirect_vreg.gather [hbm4b:s6+s2], $0x80, v3, vm0, $0xb8;
	[tilespmem:$0x18280] =	vst v63  }
0x37d: {  	s17 =	simm.s32 $0x13A80  }
0x37e: {  	[tilespmem:s17], [sflag:$0x3] =	stream.indirect_vreg.gather [hbm4b:s7+s2], $0x80, v3, vm0, $0xb8;
	[tilespmem:$0x18280] =	vst v63  }
0x37f: {  	v3 =	vld [tilespmem:$0x230];
	_ =	sdelay $0x4  }
0x380: {  	v63 =	vshll.u32 v3, $0x3  }
0x381: {  	v3 =	vand.u32 $0x7, v3;
	v4 =	vand.u32 $0xFFFFFFC0, v63  }
0x382: {  	v3 =	vor.u32 v3, v4  }
0x383: {  	v4 =	vperm.xlane v3, v0;
	_ =	sdelay $0x1  }
0x384: {  	v4 =	vadd.s32 v1, v4;
	_ =	sdelay $0x3  }
0x385: {  	s20 =	simm.s32 $0x14280  }
0x386: {  	[tilespmem:s20], [sflag:$0x3] =	stream.indirect_vreg.gather [hbm4b:s4+s2], $0x80, v4, vm0, $0xb8;
	[tilespmem:$0x18280] =	vst v63  }
0x387: {  	s21 =	simm.s32 $0x14A80;
	v3 =	vperm.xlane v3, v2  }
0x388: {  	[tilespmem:s21], [sflag:$0x3] =	stream.indirect_vreg.gather [hbm4b:s5+s2], $0x80, v4, vm0, $0xb8;
	[tilespmem:$0x18280] =	vst v63  }
0x389: {  	s22 =	simm.s32 $0x15280;
	v3 =	vadd.s32 v1, v3  }
0x38a: {  	[tilespmem:s22], [sflag:$0x3] =	stream.indirect_vreg.gather [hbm4b:s6+s2], $0x80, v4, vm0, $0xb8;
	[tilespmem:$0x18280] =	vst v63  }
0x38b: {  	s23 =	simm.s32 $0x15A80  }
0x38c: {  	[tilespmem:s23], [sflag:$0x3] =	stream.indirect_vreg.gather [hbm4b:s7+s2], $0x80, v4, vm0, $0xb8;
	[tilespmem:$0x18280] =	vst v63  }
0x38d: {  	s24 =	simm.s32 $0x16280  }
0x38e: {  	[tilespmem:s24], [sflag:$0x3] =	stream.indirect_vreg.gather [hbm4b:s4+s2], $0x80, v3, vm0, $0xb8;
	[tilespmem:$0x18280] =	vst v63  }
0x38f: {  	s25 =	simm.s32 $0x16A80  }
0x390: {  	[tilespmem:s25], [sflag:$0x3] =	stream.indirect_vreg.gather [hbm4b:s5+s2], $0x80, v3, vm0, $0xb8;
	[tilespmem:$0x18280] =	vst v63  }
0x391: {  	s28 =	simm.s32 $0x17280  }
0x392: {  	[tilespmem:s28], [sflag:$0x3] =	stream.indirect_vreg.gather [hbm4b:s6+s2], $0x80, v3, vm0, $0xb8;
	[tilespmem:$0x18280] =	vst v63  }
0x393: {  	s29 =	simm.s32 $0x17A80  }
0x394: {  	[tilespmem:s29], [sflag:$0x3] =	stream.indirect_vreg.gather [hbm4b:s7+s2], $0x80, v3, vm0, $0xb8;
	[tilespmem:$0x18280] =	vst v63  }
0x395: {  	_ =	swait.ge [sflag:s12], $0x8000  }
0x396: {  	[sflag:s12] =	ssyncset.done $0x0  }
0x397: {  	s30 =	rddreg [dreg:$0x13];
	[sflag:s12] =	ssyncadd.s32 $0xFFFF8000  }
0x398: {  	[hbm4b:s30+s2] =	stream.linear.scatter [tilespmem:s19], [sflag:$0x5], $0x8000, $0x38;
	[tilespmem:$0x18280] =	vst v63  }
0x399: {  	_ =	swait.ge [sflag:s14], $0x8000  }
0x39a: {  	[sflag:s14] =	ssyncset.done $0x0  }
0x39b: {  	s31 =	rddreg [dreg:$0x14];
	[sflag:s14] =	ssyncadd.s32 $0xFFFF8000  }
0x39c: {  	[hbm4b:s31+s2] =	stream.linear.scatter [tilespmem:s8], [sflag:$0x6], $0x8000, $0x38;
	[tilespmem:$0x18280] =	vst v63  }
0x39d: {  	_ =	swait.ge [sflag:s13], $0x8000  }
0x39e: {  	[sflag:s13] =	ssyncset.done $0x0  }
0x39f: {  	[sflag:s13] =	ssyncadd.s32 $0xFFFF8000  }
0x3a0: {  	p0 =	sne.s32 s0, $0x1;
	_ =	swait.ge [sflag:s15], $0x8000  }
.Ltmp0:
0x3a1: {  	[sflag:s15] =	ssyncset.done $0x0;
	(pc) =	sbr.rel @p0 .LBB2_1-.Ltmp0, $4  }
0x3a2: {  	[sflag:s15] =	ssyncadd.s32 $0xFFFF8000  }
0x3a3: {  	_ =	swait.ge [sflag:s16], $0x8000  }
0x3a4: {  	[sflag:s16] =	ssyncset.done $0x0  }
0x3a5: {  	s0 =	sadd.s32 $0xFFFFFFFF, s0;
	[sflag:s16] =	ssyncadd.s32 $0xFFFF8000  }
0x3a6: {  	_ =	sfence.sel $0x180000  }
0x3a7: {  	[bflag:$0x0] =	sbarrier.arrive $0xFFFF  }
0x3a8: {  	_ =	strace $0x9000004A  }
0x3a9: {  	s0 =	stileid.u32;
	[bflag:$0x2] =	sbarrier.arrive $0xFFFF  }
0x3aa: {  	p0 =	sne.s32 s0, $0x0;
	s0 =	rddreg [dreg:$0x2]  }
0x3ab: {  	s0 =	sadd.s32 @!p0 $0x100000, s0  }
0x3ac: {  	[sflag:s0] =	ssyncadd.tile.s32 @!p0 $0x1;
	_ =	shalt  }
.Lfunc_end2:
_tile_overlayer_lowered:
.L_overlay_start_2:
0x3ad: {  	(tag) =	ssettag $0x2  }
0x3ae: {  	s0 =	rddreg [dreg:$0x0];
	s2 =	stileid.u32  }
0x3af: {  	s1 =	rddreg [dreg:$0x1];
	p0 =	sne.s32 s2, $0x0  }
0x3b0: {  	s3 =	rddreg [dreg:$0x2];
	[bflag:$0x3] =	sbarrier.arrive $0xFFFF;
	s2 =	simm.s32 @!p0 $0x1C07  }
0x3b1: {  	[timem:s3], [sflag:s2] =	dma.local @!p0 [hbm:s0], s1  }
0x3b2: {  	s0 =	simm.s32 @!p0 $0x7  }
0x3b3: {  	_ =	swait.ge @!p0 [sflag:s0], s1  }
0x3b4: {  	s1 =	ssub.s32 @!p0 $0x0, s1;
	[sflag:s0] =	ssyncset.done @!p0 $0x0  }
0x3b5: {  	[sflag:s0] =	ssyncadd.s32 @!p0 s1  }
0x3b6: {  	[bflag:$0x3] =	sbarrier.arrive $0xFFFF  }
0x3b7: {  	_ =	shalt  }

// kernel: kernel.9.cloned.1.call-start
scs
__scs_entry_jumppad:
0x0: {  	(pc) =	sbr.rel $0x88, $3  }
0x1: {  	(tag) =	ssettag $0x0;
	lr =	simm.s32 $0x1  }
0x2: {  	[smem:$0x3F97] =	sst lr;
	_ =	strace $0xD0000000  }
0x3: {  	_ = 	snop  }
0x4: {  	_ = 	snop  }
0x5: {  	_ = 	snop  }
0x6: {  	_ = 	snop  }
0x7: {  	_ = 	snop  }
__scs_overlays_trampoline_lowered:
0x8: {  	[smem:$0x3FA6] =	sst s0  }
0x9: {  	[smem:$0x3FA7] =	sst s1  }
0xa: {  	[smem:$0x3FA8] =	sst s2  }
0xb: {  	[smem:$0x3FA9] =	sst s3  }
0xc: {  	[smem:$0x3FAA] =	sst s4  }
0xd: {  	[smem:$0x3FAB] =	sst s5  }
0xe: {  	[smem:$0x3FAC] =	sst s6  }
0xf: {  	[smem:$0x3FAD] =	sst s7  }
0x10: {  	[smem:$0x3FAE] =	sst s8  }
0x11: {  	[smem:$0x3FAF] =	sst s9;
	s0 =	simm.s32 @!p0 $0x0  }
0x12: {  	s1 =	sld [smem:$0x3F95];
	s0 =	simm.s32 @p0 $0x1  }
0x13: {  	[smem:$0x3FB0] =	sst s0;
	s0 =	simm.s32 @!p1 $0x0  }
0x14: {  	s2 =	sld [smem:$0x3F94];
	s0 =	simm.s32 @p1 $0x1  }
0x15: {  	[smem:$0x3FB1] =	sst s0;
	s0 =	simm.s32 @!p2 $0x0  }
0x16: {  	s3 =	sld [smem:$0x3FDB];
	s0 =	simm.s32 @p2 $0x1  }
0x17: {  	s4 =	simm.s32 $0x1BF5;
	[smem:$0x3FB3] =	sst s0  }
0x18: {  	s0 =	sld [smem:$0x3F96];
	_ =	swait.ge [sflag:s4], $0x0  }
0x19: {  	s7 =	sld [smem:$0x3F97]  }
0x1a: {  	s8 =	sadd.s32 $0xFFFFE003, lr  }
0x1b: {  	s9 =	sadd.s32 $0xFFFFFEF7, lr;
	s5 =	simm.s32 $0xFFFFFFFF;
	p2 =	slt.u32 s8, $0xFFFFF086  }
0x1c: {  	p1 =	slt.u32 s9, $0xF7A;
	s5 =	simm.s32 @!p2 $0x0  }
0x1d: {  	s5 =	simm.s32 @p1 $0x1;
	p0 =	seq.s32 s7, s2  }
0x1e: {  	s7 =	smul.u32 @!p0 $0xF7A, s2;
	p2 =	seq.s32 @!p0 s5, $0x0  }
0x1f: {  	s9 =	smul.u32 $0xF7A, s1;
	s8 =	simm.s32 @!p0 $0x1BF5;
	p2 =	por !p2, p0  }
0x20: {  	[sflag:s8] =	ssyncset.s32 @!p0 $0xFFFFF086;
	s6 =	sadd.s32 @!p0 s3, s7;
	s7 =	simm.s32 @!p0 $0x108  }
0x21: {  	s3 =	sadd.s32 s3, s9;
	s6 =	sadd.s32 @!p0 $0x88, s6;
	s7 =	simm.s32 @p2 $0x1082  }
0x22: {  	[simem:s7], [sflag:s8] =	dma.local @!p0 [hbm:s6], $0xF7A  }
0x23: {  	s9 =	sor.u32 $0xD0000000, s2;
	s6 =	simm.s32 $0x108;
	_ =	swait.ge @!p0 [sflag:s8], $0x0  }
0x24: {  	s3 =	sadd.s32 $0x88, s3;
	s6 =	simm.s32 @!p1 $0x1082;
	[sflag:s4] =	ssyncset.s32 $0xFFFFF086  }
0x25: {  	[simem:s6], [sflag:s4] =	dma.local [hbm:s3], $0xF7A  }
0x26: {  	[smem:$0x3F97] =	sst s1;
	(tag) =	ssettag s2;
	_ =	strace s9  }
0x27: {  	s1 =	sld [smem:$0x3FA7]  }
0x28: {  	s2 =	sld [smem:$0x3FA8]  }
0x29: {  	s4 =	sld [smem:$0x3FAA]  }
0x2a: {  	p0 =	seq.s32 s5, $0x0;
	s5 =	sld [smem:$0x3FAB]  }
0x2b: {  	s6 =	sld [smem:$0x3FAC]  }
0x2c: {  	s7 =	sld [smem:$0x3FAD]  }
0x2d: {  	s3 =	simm.s32 $0x108;
	s8 =	sld [smem:$0x3FAE]  }
0x2e: {  	s3 =	simm.s32 @!p0 $0x1082;
	s9 =	sld [smem:$0x3FAF]  }
0x2f: {  	lr =	sadd.s32 s0, s3;
	s0 =	sld [smem:$0x3FA6]  }
0x30: {  	s3 =	sld [smem:$0x3FA9]  }
0x31: {  	[smem:$0x3FB2] =	sst s10  }
0x32: {  	s10 =	sld [smem:$0x3FB0];
	_ =	sdelay $0x3  }
0x33: {  	p0 =	seq.s32 s10, $0x1;
	s10 =	sld [smem:$0x3FB2];
	_ =	sdelay $0x3  }
0x34: {  	[smem:$0x3FB2] =	sst s10  }
0x35: {  	s10 =	sld [smem:$0x3FB1];
	_ =	sdelay $0x3  }
0x36: {  	p1 =	seq.s32 s10, $0x1;
	s10 =	sld [smem:$0x3FB2];
	_ =	sdelay $0x3  }
0x37: {  	[smem:$0x3FB2] =	sst s10  }
0x38: {  	s10 =	sld [smem:$0x3FB3]  }
0x39: {  	_ = 	snop;
	(pc) =	sbr.ind lr, $3  }
0x3a: {  	_ = 	snop  }
0x3b: {  	_ = 	snop  }
0x3c: {  	p2 =	seq.s32 s10, $0x1;
	s10 =	sld [smem:$0x3FB2]  }
0x3d: {  	_ =	shalt  }
0x3e: {  	_ =	shalt  }
0x3f: {  	_ =	shalt  }
0x40: {  	_ =	shalt  }
0x41: {  	_ =	shalt  }
0x42: {  	_ =	shalt  }
0x43: {  	_ =	shalt  }
0x44: {  	_ =	shalt  }
0x45: {  	_ =	shalt  }
0x46: {  	_ =	shalt  }
0x47: {  	_ =	shalt  }
0x48: {  	_ =	shalt  }
0x49: {  	_ =	shalt  }
0x4a: {  	_ =	shalt  }
0x4b: {  	_ =	shalt  }
0x4c: {  	_ =	shalt  }
0x4d: {  	_ =	shalt  }
0x4e: {  	_ =	shalt  }
0x4f: {  	_ =	shalt  }
0x50: {  	_ =	shalt  }
0x51: {  	_ =	shalt  }
0x52: {  	_ =	shalt  }
0x53: {  	_ =	shalt  }
0x54: {  	_ =	shalt  }
0x55: {  	_ =	shalt  }
0x56: {  	_ =	shalt  }
0x57: {  	_ =	shalt  }
0x58: {  	_ =	shalt  }
0x59: {  	_ =	shalt  }
0x5a: {  	_ =	shalt  }
0x5b: {  	_ =	shalt  }
0x5c: {  	_ =	shalt  }
0x5d: {  	_ =	shalt  }
0x5e: {  	_ =	shalt  }
0x5f: {  	_ =	shalt  }
0x60: {  	_ =	shalt  }
0x61: {  	_ =	shalt  }
0x62: {  	_ =	shalt  }
0x63: {  	_ =	shalt  }
0x64: {  	_ =	shalt  }
0x65: {  	_ =	shalt  }
0x66: {  	_ =	shalt  }
0x67: {  	_ =	shalt  }
0x68: {  	_ =	shalt  }
0x69: {  	_ =	shalt  }
0x6a: {  	_ =	shalt  }
0x6b: {  	_ =	shalt  }
0x6c: {  	_ =	shalt  }
0x6d: {  	_ =	shalt  }
0x6e: {  	_ =	shalt  }
0x6f: {  	_ =	shalt  }
0x70: {  	_ =	shalt  }
0x71: {  	_ =	shalt  }
0x72: {  	_ =	shalt  }
0x73: {  	_ =	shalt  }
0x74: {  	_ =	shalt  }
0x75: {  	_ =	shalt  }
0x76: {  	_ =	shalt  }
0x77: {  	_ =	shalt  }
0x78: {  	_ =	shalt  }
0x79: {  	_ =	shalt  }
0x7a: {  	_ =	shalt  }
0x7b: {  	_ =	shalt  }
0x7c: {  	_ =	shalt  }
0x7d: {  	_ =	shalt  }
0x7e: {  	_ =	shalt  }
0x7f: {  	_ =	shalt  }
0x80: {  	_ =	shalt  }
0x81: {  	_ =	shalt  }
0x82: {  	_ =	shalt  }
0x83: {  	_ =	shalt  }
0x84: {  	_ =	shalt  }
0x85: {  	_ =	shalt  }
0x86: {  	_ =	shalt  }
0x87: {  	_ =	shalt  }
.Lfunc_end0:
.L_simem_size_0:
called_computation.2_lowered:
.L_overlay_start_0:
0x88: {  	s2 =	sld [smem:$0x3FD9]  }
0x89: {  	s3 =	sld [smem:$0x3FFE];
	_ =	sdelay $0x1  }
0x8a: {  	s1 =	srdreg.scid  }
0x8b: {  	s0 =	sand.u32 $0x1, s1  }
0x8c: {  	s17 =	sshll.u32 s0, $0xA;
	s2 =	sadd.s32 s3, s2  }
0x8d: {  	s2 =	sadd.s32 s2, s17  }
0x8e: {  	[smem:$0x3FBE] =	sst s2  }
0x8f: {  	_ = 	snop  }
0x90: {  	s2 =	sld [smem:$0x3FD0];
	(tm) =	ssettm $0x1  }
0x91: {  	s18 =	sld [smem:$0x3FFB];
	_ =	sdelay $0x3  }
0x92: {  	_ =	strace s18  }
0x93: {  	s3 =	sld [smem:$0x3FFC];
	_ =	sdelay $0x3  }
0x94: {  	_ =	strace s3  }
0x95: {  	s3 =	sld [smem:$0x3FFD];
	_ =	sdelay $0x3  }
0x96: {  	_ =	strace s3  }
0x97: {  	_ =	strace $0x8FFFFFFF  }
0x98: {  	s19 =	sld [smem:$0x3FDB];
	_ =	sdelay $0x1  }
0x99: {  	s4 =	simm.s32 $_scs_section_size  }
0x9a: {  	s5 =	simm.s32 $_size__tile_overlayer_lowered;
	s6 =	simm.s32 $_tile_overlayer_lowered  }
0x9b: {  	s22 =	simm.s32 $0x1BFF;
	s21 =	sshll.u32 s6, $0x1;
	s3 =	sadd.s32 s4, s19  }
0x9c: {  	s7 =	simm.s32 $0x0;
	s20 =	sshll.u32 s5, $0x1;
	s5 =	sadd.s32 s21, s3  }
0x9d: {  	[timem:s7], [sflag:s22] =	dma.local [hbm:s5], s20  }
0x9e: {  	_ =	swait.ge [sflag:s22], s20  }
0x9f: {  	s4 =	ssub.s32 $0x0, s20;
	[sflag:s22] =	ssyncset.done $0x0  }
0xa0: {  	[sflag:s22] =	ssyncadd.s32 s4;
	_ =	sdelay $0x1  }
0xa1: {  	s23 =	simm.s32 $0x1B8B  }
0xa2: {  	_ =	swait.ge [sflag:s23], $0x1  }
0xa3: {  	[sflag:s23] =	ssyncset.done $0x0  }
0xa4: {  	s25 =	simm.s32 $0x1B8E;
	s24 =	sld [smem:$0x3FFE];
	[sflag:s23] =	ssyncadd.s32 $0xFFFFFFFF  }
0xa5: {  	s26 =	simm.s32 $execute0_lowered;
	[smem:$0x3FD2] =	sst s25  }
0xa6: {  	s5 =	sshll.u32 s26, $0x1;
	_ =	strace $0x8000004C;
	[dreg:$0x1] =	wrdreg $0xFFFFFFFF  }
0xa7: {  	s28 =	simm.s32 $_size_execute0_lowered;
	s3 =	sadd.s32 s3, s5;
	[dreg:$0x0] =	wrdreg $0x0  }
0xa8: {  	s5 =	sshll.u32 s28, $0x1;
	[dreg:$0x2] =	wrdreg s3  }
0xa9: {  	[dreg:$0x3] =	wrdreg s5  }
0xaa: {  	[dreg:$0x4] =	wrdreg $0xC0  }
0xab: {  	_ =	task [dreg:s7], $0x5FFFF  }
0xac: {  	[dreg:$0x1] =	wrdreg $0xFFFFFFFF  }
0xad: {  	[dreg:$0x0] =	wrdreg $0x60  }
0xae: {  	[dreg:$0x2] =	wrdreg s24  }
0xaf: {  	[dreg:$0x3] =	wrdreg s2  }
0xb0: {  	[dreg:$0x4] =	wrdreg $0x9  }
0xb1: {  	_ =	task.clear_ibuf [dreg:s7], $0x5FFFF;
	_ =	strace $0x9000004C  }
0xb2: {  	s29 =	simm.s32 $0x9;
	_ =	strace $0x8000004E  }
0xb3: {  	_ =	swait.ge [sflag:s29], $0x1  }
0xb4: {  	[sflag:s29] =	ssyncadd.s32 $0xFFFFFFFF  }
0xb5: {  	_ =	strace $0x9000004E  }
0xb6: {  	_ =	sfence  }
0xb7: {  	s30 =	sld [smem:$0x0];
	_ =	sdelay $0x2  }
0xb8: {  	s31 =	sshll.u32 s1, $0xD;
	s1 =	sshrl.u32 s1, $0x2  }
0xb9: {  	s3 =	sand.u32 $0x4000, s31;
	s1 =	sadd.s32 s1, s30  }
0xba: {  	s0 =	sor.u32 s3, s0;
	s1 =	sshll.u32 s1, $0x11  }
0xbb: {  	s0 =	sor.u32 s1, s0  }
0xbc: {  	s0 =	sadd.s32 $0x8F2B, s0  }
0xbd: {  	[sflag:s0] =	ssyncadd.remote.s32 $0x1  }
0xbe: {  	_ =	sfence.sel $0xFFFF  }
0xbf: {  	[dreg:$0x0] =	wrdreg $0xFFFFFFFF;
	(pc) =	sbr.abs _section_cstart, $3  }
0xc0: {  	[dreg:$0x1] =	wrdreg $0xFFFFFFFF  }
0xc1: {  	_ =	task.clear_ibuf [dreg:s7], $0x2FFFF;
	_ =	strace $0x9FFFFFFF  }
0xc2: {  	(tm) =	ssettm $0x7FFFFFFF  }
0xc3: {  	_ =	shalt  }
tec
execute0_lowered:
.L_overlay_start_1:
0x0: {  	(tag) =	ssettag $0x1  }
0x1: {  	s2 =	rddreg [dreg:$0x0]  }
0x2: {  	s0 =	rddreg [dreg:$0x1]  }
0x3: {  	s1 =	srdreg.scid;
	s4 =	stileid.u32;
	s3 =	simm.s32 $0x0  }
0x4: {  	s11 =	simm.s32 $0x7;
	s13 =	simm.s32 $0x200;
	s30 =	simm.s32 $0x4200  }
0x5: {  	s12 =	simm.s32 $0x6200;
	s14 =	simm.s32 $0x6A00;
	s15 =	simm.s32 $0x7200  }
0x6: {  	s16 =	simm.s32 $0x7A00;
	s17 =	simm.s32 $0xC200;
	s18 =	simm.s32 $0xCA00  }
0x7: {  	s19 =	simm.s32 $0xD200;
	s20 =	simm.s32 $0xDA00;
	s21 =	simm.s32 $0xE200  }
0x8: {  	s22 =	simm.s32 $0xEA00;
	s23 =	simm.s32 $0xFA00;
	s24 =	simm.s32 $0x3  }
0x9: {  	s7 =	simm.s32 $0x5;
	s25 =	simm.s32 $0x2;
	s1 =	sand.u32 $0x1, s1  }
0xa: {  	s4 =	sshll.u32 s4, $0x9;
	s5 =	sshll.u32 s1, $0x8;
	s1 =	ssub.s32 $0x2, s1  }
0xb: {  	s8 =	simm.s32 $0x4;
	s4 =	sor.u32 s5, s4;
	s6 =	sshrl.u32 s1, $0x1  }
0xc: {  	[smem:$0x7FF] =	sst s3;
	s5 =	sshrl.u32 s4, $0x3;
	s1 =	ssub.s32 s1, s6  }
0xd: {  	_ =	strace $0x8000004D;
	s5 =	sadd.s32 s5, s2;
	s31 =	smax.u32 s1, $0x1  }
0xe: {  	s4 =	sshll.u32 s4, $0x5;
	s26 =	sadd.s32 $0x104400, s5;
	[dreg:$0x8] =	wrdreg s31  }
0xf: {  	s6 =	sadd.s32 s0, s4;
	s5 =	sadd.s32 $0x104000, s5;
	[dreg:$0x3] =	wrdreg s26  }
0x10: {  	s9 =	simm.s32 $0x0;
	s0 =	sadd.s32 $0x800, s6;
	[dreg:$0x4] =	wrdreg s5  }
0x11: {  	v2 =	vlaneseq.u32;
	s1 =	simm.s32 $0x5A00;
	s28 =	sadd.s32 $0x1000, s6;
	[dreg:$0x5] =	wrdreg s0  }
0x12: {  	vm0 =	vmmov $0xffff;
	v1 =	vshrl.u32 v2, $0x3;
	s4 =	simm.s32 $0xF200;
	s29 =	sadd.s32 $0x1800, s6;
	[dreg:$0x6] =	wrdreg s28  }
0x13: {  	v0 =	vand.u32 $0x7, v2;
	v2 =	vor.u32 $0x8, v2;
	v1 =	vmul.u32 $0x8, v1;
	[dreg:$0x7] =	wrdreg s29;
	s5 =	simm.s32 $0x1;
	s26 =	simm.s32 $0x6  }
.LBB2_1:
0x14: {  	s0 =	rddreg [dreg:$0x3]  }
0x15: {  	[tilespmem:s3], [sflag:$0x7] =	stream.linear.gather [hbm4b:s0+s3], $0x100, $0x38;
	[tilespmem:$0x10200] =	vst v63  }
0x16: {  	_ =	swait.ge [sflag:s11], $0x100  }
0x17: {  	[sflag:s11] =	ssyncset.done $0x0  }
0x18: {  	s10 =	simm.s32 $0x100;
	s31 =	rddreg [dreg:$0x4];
	[sflag:s11] =	ssyncadd.s32 $0xFFFFFF00  }
0x19: {  	[tilespmem:s10], [sflag:$0x7] =	stream.linear.gather [hbm4b:s31+s3], $0x100, $0x38;
	[tilespmem:$0x10200] =	vst v63  }
0x1a: {  	_ =	swait.ge [sflag:s11], $0x100  }
0x1b: {  	[sflag:s11] =	ssyncset.done $0x0  }
0x1c: {  	[sflag:s11] =	ssyncadd.s32 $0xFFFFFF00  }
0x1d: {  	v3 =	vld [tilespmem:$0x0];
	_ =	sdelay $0x4  }
0x1e: {  	v4 =	vshll.u32 v3, $0x1  }
0x1f: {  	v3 =	vand.u32 $0x7, v3;
	v4 =	vand.u32 $0xFFFFFFF0, v4  }
0x20: {  	v3 =	vor.u32 v3, v4  }
0x21: {  	v4 =	vperm.xlane v3, v0;
	_ =	sdelay $0x1  }
0x22: {  	v3 =	vperm.xlane v3, v2;
	v4 =	vadd.s32 v1, v4;
	_ =	sdelay $0x1  }
0x23: {  	v3 =	vadd.s32 v1, v3;
	_ =	sdelay $0x2  }
0x24: {  	[tilespmem:s13], [sflag:$0x1] =	stream.indirect_vreg.gather [hbm4b:s2+s3], $0x80, v4, vm0, $0xb8;
	[tilespmem:$0x10200] =	vst v63  }
0x25: {  	s10 =	simm.s32 $0xA00  }
0x26: {  	[tilespmem:s10], [sflag:$0x1] =	stream.indirect_vreg.gather [hbm4b:s2+s3], $0x80, v3, vm0, $0xb8;
	[tilespmem:$0x10200] =	vst v63  }
0x27: {  	v3 =	vld [tilespmem:$0x10];
	_ =	sdelay $0x4  }
0x28: {  	v4 =	vshll.u32 v3, $0x1  }
0x29: {  	v3 =	vand.u32 $0x7, v3;
	v4 =	vand.u32 $0xFFFFFFF0, v4  }
0x2a: {  	v3 =	vor.u32 v3, v4  }
0x2b: {  	v4 =	vperm.xlane v3, v0;
	_ =	sdelay $0x1  }
0x2c: {  	v3 =	vperm.xlane v3, v2;
	v4 =	vadd.s32 v1, v4;
	_ =	sdelay $0x1  }
0x2d: {  	v3 =	vadd.s32 v1, v3;
	_ =	sdelay $0x1  }
0x2e: {  	s31 =	simm.s32 $0x1200  }
0x2f: {  	[tilespmem:s31], [sflag:$0x1] =	stream.indirect_vreg.gather [hbm4b:s2+s3], $0x80, v4, vm0, $0xb8;
	[tilespmem:$0x10200] =	vst v63  }
0x30: {  	s10 =	simm.s32 $0x1A00  }
0x31: {  	[tilespmem:s10], [sflag:$0x1] =	stream.indirect_vreg.gather [hbm4b:s2+s3], $0x80, v3, vm0, $0xb8;
	[tilespmem:$0x10200] =	vst v63  }
0x32: {  	v3 =	vld [tilespmem:$0x20];
	_ =	sdelay $0x4  }
0x33: {  	v4 =	vshll.u32 v3, $0x1  }
0x34: {  	v3 =	vand.u32 $0x7, v3;
	v4 =	vand.u32 $0xFFFFFFF0, v4  }
0x35: {  	v3 =	vor.u32 v3, v4  }
0x36: {  	v4 =	vperm.xlane v3, v0;
	_ =	sdelay $0x1  }
0x37: {  	v3 =	vperm.xlane v3, v2;
	v4 =	vadd.s32 v1, v4;
	_ =	sdelay $0x1  }
0x38: {  	v3 =	vadd.s32 v1, v3;
	_ =	sdelay $0x1  }
0x39: {  	s31 =	simm.s32 $0x2200  }
0x3a: {  	[tilespmem:s31], [sflag:$0x1] =	stream.indirect_vreg.gather [hbm4b:s2+s3], $0x80, v4, vm0, $0xb8;
	[tilespmem:$0x10200] =	vst v63  }
0x3b: {  	s10 =	simm.s32 $0x2A00  }
0x3c: {  	[tilespmem:s10], [sflag:$0x1] =	stream.indirect_vreg.gather [hbm4b:s2+s3], $0x80, v3, vm0, $0xb8;
	[tilespmem:$0x10200] =	vst v63  }
0x3d: {  	v3 =	vld [tilespmem:$0x30];
	_ =	sdelay $0x4  }
0x3e: {  	v4 =	vshll.u32 v3, $0x1  }
0x3f: {  	v3 =	vand.u32 $0x7, v3;
	v4 =	vand.u32 $0xFFFFFFF0, v4  }
0x40: {  	v3 =	vor.u32 v3, v4  }
0x41: {  	v4 =	vperm.xlane v3, v0;
	_ =	sdelay $0x1  }
0x42: {  	v3 =	vperm.xlane v3, v2;
	v4 =	vadd.s32 v1, v4;
	_ =	sdelay $0x1  }
0x43: {  	v3 =	vadd.s32 v1, v3;
	_ =	sdelay $0x1  }
0x44: {  	s31 =	simm.s32 $0x3200  }
0x45: {  	[tilespmem:s31], [sflag:$0x1] =	stream.indirect_vreg.gather [hbm4b:s2+s3], $0x80, v4, vm0, $0xb8;
	[tilespmem:$0x10200] =	vst v63  }
0x46: {  	s10 =	simm.s32 $0x3A00  }
0x47: {  	[tilespmem:s10], [sflag:$0x1] =	stream.indirect_vreg.gather [hbm4b:s2+s3], $0x80, v3, vm0, $0xb8;
	[tilespmem:$0x10200] =	vst v63  }
0x48: {  	v3 =	vld [tilespmem:$0x100];
	_ =	sdelay $0x4  }
0x49: {  	v4 =	vshll.u32 v3, $0x1  }
0x4a: {  	v3 =	vand.u32 $0x7, v3;
	v4 =	vand.u32 $0xFFFFFFF0, v4  }
0x4b: {  	v3 =	vor.u32 v3, v4  }
0x4c: {  	v4 =	vperm.xlane v3, v0;
	_ =	sdelay $0x1  }
0x4d: {  	v3 =	vperm.xlane v3, v2;
	v4 =	vadd.s32 v1, v4;
	_ =	sdelay $0x1  }
0x4e: {  	v3 =	vadd.s32 v1, v3;
	_ =	sdelay $0x1  }
0x4f: {  	s31 =	simm.s32 $0x8200  }
0x50: {  	[tilespmem:s31], [sflag:$0x3] =	stream.indirect_vreg.gather [hbm4b:s2+s3], $0x80, v4, vm0, $0xb8;
	[tilespmem:$0x10200] =	vst v63  }
0x51: {  	s10 =	simm.s32 $0x8A00  }
0x52: {  	[tilespmem:s10], [sflag:$0x3] =	stream.indirect_vreg.gather [hbm4b:s2+s3], $0x80, v3, vm0, $0xb8;
	[tilespmem:$0x10200] =	vst v63  }
0x53: {  	v3 =	vld [tilespmem:$0x110];
	_ =	sdelay $0x4  }
0x54: {  	v4 =	vshll.u32 v3, $0x1  }
0x55: {  	v3 =	vand.u32 $0x7, v3;
	v4 =	vand.u32 $0xFFFFFFF0, v4  }
0x56: {  	v3 =	vor.u32 v3, v4  }
0x57: {  	v4 =	vperm.xlane v3, v0;
	_ =	sdelay $0x1  }
0x58: {  	v3 =	vperm.xlane v3, v2;
	v4 =	vadd.s32 v1, v4;
	_ =	sdelay $0x1  }
0x59: {  	v3 =	vadd.s32 v1, v3;
	_ =	sdelay $0x1  }
0x5a: {  	s31 =	simm.s32 $0x9200  }
0x5b: {  	[tilespmem:s31], [sflag:$0x3] =	stream.indirect_vreg.gather [hbm4b:s2+s3], $0x80, v4, vm0, $0xb8;
	[tilespmem:$0x10200] =	vst v63  }
0x5c: {  	s10 =	simm.s32 $0x9A00  }
0x5d: {  	[tilespmem:s10], [sflag:$0x3] =	stream.indirect_vreg.gather [hbm4b:s2+s3], $0x80, v3, vm0, $0xb8;
	[tilespmem:$0x10200] =	vst v63  }
0x5e: {  	v3 =	vld [tilespmem:$0x120];
	_ =	sdelay $0x4  }
0x5f: {  	v4 =	vshll.u32 v3, $0x1  }
0x60: {  	v3 =	vand.u32 $0x7, v3;
	v4 =	vand.u32 $0xFFFFFFF0, v4  }
0x61: {  	v3 =	vor.u32 v3, v4  }
0x62: {  	v4 =	vperm.xlane v3, v0;
	_ =	sdelay $0x1  }
0x63: {  	v3 =	vperm.xlane v3, v2;
	v4 =	vadd.s32 v1, v4;
	_ =	sdelay $0x1  }
0x64: {  	v3 =	vadd.s32 v1, v3;
	_ =	sdelay $0x1  }
0x65: {  	s31 =	simm.s32 $0xA200  }
0x66: {  	[tilespmem:s31], [sflag:$0x3] =	stream.indirect_vreg.gather [hbm4b:s2+s3], $0x80, v4, vm0, $0xb8;
	[tilespmem:$0x10200] =	vst v63  }
0x67: {  	s10 =	simm.s32 $0xAA00  }
0x68: {  	[tilespmem:s10], [sflag:$0x3] =	stream.indirect_vreg.gather [hbm4b:s2+s3], $0x80, v3, vm0, $0xb8;
	[tilespmem:$0x10200] =	vst v63  }
0x69: {  	v3 =	vld [tilespmem:$0x130];
	_ =	sdelay $0x4  }
0x6a: {  	v4 =	vshll.u32 v3, $0x1  }
0x6b: {  	v3 =	vand.u32 $0x7, v3;
	v4 =	vand.u32 $0xFFFFFFF0, v4  }
0x6c: {  	v3 =	vor.u32 v3, v4  }
0x6d: {  	v4 =	vperm.xlane v3, v0;
	_ =	sdelay $0x1  }
0x6e: {  	v3 =	vperm.xlane v3, v2;
	v4 =	vadd.s32 v1, v4;
	_ =	sdelay $0x1  }
0x6f: {  	v3 =	vadd.s32 v1, v3;
	_ =	sdelay $0x1  }
0x70: {  	s31 =	simm.s32 $0xB200  }
0x71: {  	[tilespmem:s31], [sflag:$0x3] =	stream.indirect_vreg.gather [hbm4b:s2+s3], $0x80, v4, vm0, $0xb8;
	[tilespmem:$0x10200] =	vst v63  }
0x72: {  	s10 =	simm.s32 $0xBA00  }
0x73: {  	[tilespmem:s10], [sflag:$0x3] =	stream.indirect_vreg.gather [hbm4b:s2+s3], $0x80, v3, vm0, $0xb8;
	[tilespmem:$0x10200] =	vst v63  }
0x74: {  	v3 =	vld [tilespmem:$0x40];
	_ =	sdelay $0x4  }
0x75: {  	v4 =	vshll.u32 v3, $0x1  }
0x76: {  	v3 =	vand.u32 $0x7, v3;
	v4 =	vand.u32 $0xFFFFFFF0, v4  }
0x77: {  	v3 =	vor.u32 v3, v4  }
0x78: {  	v4 =	vperm.xlane v3, v0;
	_ =	sdelay $0x1  }
0x79: {  	v3 =	vperm.xlane v3, v2;
	v4 =	vadd.s32 v1, v4;
	_ =	sdelay $0x1  }
0x7a: {  	v3 =	vadd.s32 v1, v3;
	_ =	sdelay $0x2  }
0x7b: {  	[tilespmem:s30], [sflag:$0x2] =	stream.indirect_vreg.gather [hbm4b:s2+s3], $0x80, v4, vm0, $0xb8;
	[tilespmem:$0x10200] =	vst v63  }
0x7c: {  	s31 =	simm.s32 $0x4A00  }
0x7d: {  	[tilespmem:s31], [sflag:$0x2] =	stream.indirect_vreg.gather [hbm4b:s2+s3], $0x80, v3, vm0, $0xb8;
	[tilespmem:$0x10200] =	vst v63  }
0x7e: {  	v3 =	vld [tilespmem:$0x50];
	_ =	sdelay $0x4  }
0x7f: {  	v4 =	vshll.u32 v3, $0x1  }
0x80: {  	v3 =	vand.u32 $0x7, v3;
	v4 =	vand.u32 $0xFFFFFFF0, v4  }
0x81: {  	v3 =	vor.u32 v3, v4  }
0x82: {  	v4 =	vperm.xlane v3, v0;
	_ =	sdelay $0x1  }
0x83: {  	v3 =	vperm.xlane v3, v2;
	v4 =	vadd.s32 v1, v4;
	_ =	sdelay $0x1  }
0x84: {  	v3 =	vadd.s32 v1, v3;
	_ =	sdelay $0x1  }
0x85: {  	s10 =	simm.s32 $0x5200  }
0x86: {  	[tilespmem:s10], [sflag:$0x2] =	stream.indirect_vreg.gather [hbm4b:s2+s3], $0x80, v4, vm0, $0xb8;
	[tilespmem:$0x10200] =	vst v63  }
0x87: {  	_ = 	snop  }
0x88: {  	[tilespmem:s1], [sflag:$0x2] =	stream.indirect_vreg.gather [hbm4b:s2+s3], $0x80, v3, vm0, $0xb8;
	[tilespmem:$0x10200] =	vst v63  }
0x89: {  	v3 =	vld [tilespmem:$0x60];
	_ =	sdelay $0x4  }
0x8a: {  	v4 =	vshll.u32 v3, $0x1  }
0x8b: {  	v3 =	vand.u32 $0x7, v3;
	v4 =	vand.u32 $0xFFFFFFF0, v4  }
0x8c: {  	v3 =	vor.u32 v3, v4  }
0x8d: {  	v4 =	vperm.xlane v3, v0;
	_ =	sdelay $0x1  }
0x8e: {  	v3 =	vperm.xlane v3, v2;
	v4 =	vadd.s32 v1, v4;
	_ =	sdelay $0x1  }
0x8f: {  	v3 =	vadd.s32 v1, v3;
	_ =	sdelay $0x2  }
0x90: {  	[tilespmem:s12], [sflag:$0x2] =	stream.indirect_vreg.gather [hbm4b:s2+s3], $0x80, v4, vm0, $0xb8;
	[tilespmem:$0x10200] =	vst v63  }
0x91: {  	_ = 	snop  }
0x92: {  	[tilespmem:s14], [sflag:$0x2] =	stream.indirect_vreg.gather [hbm4b:s2+s3], $0x80, v3, vm0, $0xb8;
	[tilespmem:$0x10200] =	vst v63  }
0x93: {  	v3 =	vld [tilespmem:$0x70];
	_ =	sdelay $0x4  }
0x94: {  	v4 =	vshll.u32 v3, $0x1  }
0x95: {  	v3 =	vand.u32 $0x7, v3;
	v4 =	vand.u32 $0xFFFFFFF0, v4  }
0x96: {  	v3 =	vor.u32 v3, v4  }
0x97: {  	v4 =	vperm.xlane v3, v0;
	_ =	sdelay $0x1  }
0x98: {  	v3 =	vperm.xlane v3, v2;
	v4 =	vadd.s32 v1, v4;
	_ =	sdelay $0x1  }
0x99: {  	v3 =	vadd.s32 v1, v3;
	_ =	sdelay $0x2  }
0x9a: {  	[tilespmem:s15], [sflag:$0x2] =	stream.indirect_vreg.gather [hbm4b:s2+s3], $0x80, v4, vm0, $0xb8;
	[tilespmem:$0x10200] =	vst v63  }
0x9b: {  	_ = 	snop  }
0x9c: {  	[tilespmem:s16], [sflag:$0x2] =	stream.indirect_vreg.gather [hbm4b:s2+s3], $0x80, v3, vm0, $0xb8;
	[tilespmem:$0x10200] =	vst v63  }
0x9d: {  	v3 =	vld [tilespmem:$0x140];
	_ =	sdelay $0x4  }
0x9e: {  	v4 =	vshll.u32 v3, $0x1  }
0x9f: {  	v3 =	vand.u32 $0x7, v3;
	v4 =	vand.u32 $0xFFFFFFF0, v4  }
0xa0: {  	v3 =	vor.u32 v3, v4  }
0xa1: {  	v4 =	vperm.xlane v3, v0;
	_ =	sdelay $0x1  }
0xa2: {  	v3 =	vperm.xlane v3, v2;
	v4 =	vadd.s32 v1, v4;
	_ =	sdelay $0x1  }
0xa3: {  	v3 =	vadd.s32 v1, v3;
	_ =	sdelay $0x2  }
0xa4: {  	[tilespmem:s17], [sflag:$0x4] =	stream.indirect_vreg.gather [hbm4b:s2+s3], $0x80, v4, vm0, $0xb8;
	[tilespmem:$0x10200] =	vst v63  }
0xa5: {  	_ = 	snop  }
0xa6: {  	[tilespmem:s18], [sflag:$0x4] =	stream.indirect_vreg.gather [hbm4b:s2+s3], $0x80, v3, vm0, $0xb8;
	[tilespmem:$0x10200] =	vst v63  }
0xa7: {  	v3 =	vld [tilespmem:$0x150];
	_ =	sdelay $0x4  }
0xa8: {  	v4 =	vshll.u32 v3, $0x1  }
0xa9: {  	v3 =	vand.u32 $0x7, v3;
	v4 =	vand.u32 $0xFFFFFFF0, v4  }
0xaa: {  	v3 =	vor.u32 v3, v4  }
0xab: {  	v4 =	vperm.xlane v3, v0;
	_ =	sdelay $0x1  }
0xac: {  	v3 =	vperm.xlane v3, v2;
	v4 =	vadd.s32 v1, v4;
	_ =	sdelay $0x1  }
0xad: {  	v3 =	vadd.s32 v1, v3;
	_ =	sdelay $0x2  }
0xae: {  	[tilespmem:s19], [sflag:$0x4] =	stream.indirect_vreg.gather [hbm4b:s2+s3], $0x80, v4, vm0, $0xb8;
	[tilespmem:$0x10200] =	vst v63  }
0xaf: {  	_ = 	snop  }
0xb0: {  	[tilespmem:s20], [sflag:$0x4] =	stream.indirect_vreg.gather [hbm4b:s2+s3], $0x80, v3, vm0, $0xb8;
	[tilespmem:$0x10200] =	vst v63  }
0xb1: {  	v3 =	vld [tilespmem:$0x160];
	_ =	sdelay $0x4  }
0xb2: {  	v4 =	vshll.u32 v3, $0x1  }
0xb3: {  	v3 =	vand.u32 $0x7, v3;
	v4 =	vand.u32 $0xFFFFFFF0, v4  }
0xb4: {  	v3 =	vor.u32 v3, v4  }
0xb5: {  	v4 =	vperm.xlane v3, v0;
	_ =	sdelay $0x1  }
0xb6: {  	v3 =	vperm.xlane v3, v2;
	v4 =	vadd.s32 v1, v4;
	_ =	sdelay $0x1  }
0xb7: {  	v3 =	vadd.s32 v1, v3;
	_ =	sdelay $0x2  }
0xb8: {  	[tilespmem:s21], [sflag:$0x4] =	stream.indirect_vreg.gather [hbm4b:s2+s3], $0x80, v4, vm0, $0xb8;
	[tilespmem:$0x10200] =	vst v63  }
0xb9: {  	_ = 	snop  }
0xba: {  	[tilespmem:s22], [sflag:$0x4] =	stream.indirect_vreg.gather [hbm4b:s2+s3], $0x80, v3, vm0, $0xb8;
	[tilespmem:$0x10200] =	vst v63  }
0xbb: {  	v3 =	vld [tilespmem:$0x170];
	_ =	sdelay $0x4  }
0xbc: {  	v4 =	vshll.u32 v3, $0x1  }
0xbd: {  	v3 =	vand.u32 $0x7, v3;
	v4 =	vand.u32 $0xFFFFFFF0, v4  }
0xbe: {  	v3 =	vor.u32 v3, v4  }
0xbf: {  	v4 =	vperm.xlane v3, v0;
	_ =	sdelay $0x1  }
0xc0: {  	v3 =	vperm.xlane v3, v2;
	v4 =	vadd.s32 v1, v4;
	_ =	sdelay $0x1  }
0xc1: {  	v3 =	vadd.s32 v1, v3;
	_ =	sdelay $0x2  }
0xc2: {  	[tilespmem:s4], [sflag:$0x4] =	stream.indirect_vreg.gather [hbm4b:s2+s3], $0x80, v4, vm0, $0xb8;
	[tilespmem:$0x10200] =	vst v63  }
0xc3: {  	_ = 	snop  }
0xc4: {  	[tilespmem:s23], [sflag:$0x4] =	stream.indirect_vreg.gather [hbm4b:s2+s3], $0x80, v3, vm0, $0xb8;
	[tilespmem:$0x10200] =	vst v63  }
0xc5: {  	_ =	swait.ge [sflag:s5], $0x4000  }
0xc6: {  	[sflag:s5] =	ssyncset.done $0x0  }
0xc7: {  	[sflag:s5] =	ssyncadd.s32 $0xFFFFC000  }
0xc8: {  	_ =	swait.ge [sflag:s24], $0x4000  }
0xc9: {  	s28 =	sand.u32 $0x380, s3;
	s31 =	sand.u32 $0x3800, s3;
	[sflag:s24] =	ssyncset.done $0x0  }
0xca: {  	s28 =	sor.u32 s28, s31;
	[sflag:s24] =	ssyncadd.s32 $0xFFFFC000  }
0xcb: {  	v10 =	vld [tilespmem:s28+$0x8200]  }
0xcc: {  	v11 =	vld [tilespmem:s28+$0x8210]  }
0xcd: {  	v12 =	vld [tilespmem:s28+$0x8220]  }
0xce: {  	v13 =	vld [tilespmem:s28+$0x8230]  }
0xcf: {  	v14 =	vld [tilespmem:s28+$0x8240]  }
0xd0: {  	v15 =	vld [tilespmem:s28+$0x8250]  }
0xd1: {  	v16 =	vld [tilespmem:s28+$0x8260]  }
0xd2: {  	v17 =	vld [tilespmem:s28+$0x8270]  }
0xd3: {  	v18 =	vld [tilespmem:s28+$0x8600]  }
0xd4: {  	v9 =	vld [tilespmem:s28+$0x8610]  }
0xd5: {  	v8 =	vld [tilespmem:s28+$0x8620]  }
0xd6: {  	v7 =	vld [tilespmem:s28+$0x8630]  }
0xd7: {  	v6 =	vld [tilespmem:s28+$0x8640]  }
0xd8: {  	v5 =	vld [tilespmem:s28+$0x8650]  }
0xd9: {  	v4 =	vld [tilespmem:s28+$0x8660]  }
0xda: {  	v3 =	vld [tilespmem:s28+$0x8670]  }
0xdb: {  	v19 =	vld [tilespmem:s28+$0x200]  }
0xdc: {  	v20 =	vld [tilespmem:s28+$0x210]  }
0xdd: {  	v21 =	vld [tilespmem:s28+$0x220]  }
0xde: {  	v22 =	vld [tilespmem:s28+$0x230]  }
0xdf: {  	v23 =	vld [tilespmem:s28+$0x240]  }
0xe0: {  	v10 =	vadd.f32 v10, v19;
	v19 =	vld [tilespmem:s28+$0x250]  }
0xe1: {  	v61 =	vld [tilespmem:s28+$0x260];
	v11 =	vadd.f32 v11, v20  }
0xe2: {  	v62 =	vld [tilespmem:s28+$0x270];
	[tilespmem:s28+$0x200] =	vst v10;
	v10 =	vadd.f32 v12, v21  }
0xe3: {  	v63 =	vld [tilespmem:s28+$0x600];
	[tilespmem:s28+$0x210] =	vst v11;
	v11 =	vadd.f32 v13, v22  }
0xe4: {  	v13 =	vld [tilespmem:s28+$0x610];
	[tilespmem:s28+$0x220] =	vst v10;
	v10 =	vadd.f32 v14, v23  }
0xe5: {  	v12 =	vld [tilespmem:s28+$0x620];
	[tilespmem:s28+$0x230] =	vst v11;
	v11 =	vadd.f32 v15, v19  }
0xe6: {  	v14 =	vadd.f32 v16, v61;
	[tilespmem:s28+$0x240] =	vst v10;
	v10 =	vld [tilespmem:s28+$0x630]  }
0xe7: {  	v16 =	vadd.f32 v17, v62;
	[tilespmem:s28+$0x250] =	vst v11;
	v11 =	vld [tilespmem:s28+$0x640]  }
0xe8: {  	s29 =	simm.s32 $0x100;
	s10 =	simm.s32 $0x80;
	v15 =	vadd.f32 v18, v63;
	[tilespmem:s28+$0x260] =	vst v14;
	v14 =	vld [tilespmem:s28+$0x650]  }
.LBB2_2:
0xe9: {  	s31 =	sand.u32 $0x3800, s29;
	s0 =	sand.u32 $0x380, s10;
	p0 =	sne.s32 s29, $0x3F00;
	[tilespmem:s28+$0x270] =	vst v16;
	v9 =	vadd.f32 v9, v13;
	v13 =	vld [tilespmem:s28+$0x660]  }
0xea: {  	s0 =	sor.u32 s0, s31;
	[tilespmem:s28+$0x600] =	vst v15;
	v8 =	vadd.f32 v8, v12;
	v12 =	vld [tilespmem:s28+$0x670]  }
0xeb: {  	v15 =	vld [tilespmem:s0+$0x8200];
	[tilespmem:s28+$0x610] =	vst v9;
	v7 =	vadd.f32 v7, v10  }
0xec: {  	v10 =	vld [tilespmem:s0+$0x8210];
	[tilespmem:s28+$0x620] =	vst v8;
	v6 =	vadd.f32 v6, v11  }
0xed: {  	v11 =	vld [tilespmem:s0+$0x8220];
	[tilespmem:s28+$0x630] =	vst v7;
	v5 =	vadd.f32 v5, v14  }
0xee: {  	v14 =	vld [tilespmem:s0+$0x8230];
	[tilespmem:s28+$0x640] =	vst v6;
	v4 =	vadd.f32 v4, v13  }
0xef: {  	v13 =	vld [tilespmem:s0+$0x8240];
	[tilespmem:s28+$0x650] =	vst v5;
	v3 =	vadd.f32 v3, v12  }
0xf0: {  	v12 =	vld [tilespmem:s0+$0x8250];
	[tilespmem:s28+$0x660] =	vst v4  }
0xf1: {  	v16 =	vld [tilespmem:s0+$0x8260];
	[tilespmem:s28+$0x670] =	vst v3;
	s28 =	smov.u32 s0  }
0xf2: {  	v17 =	vld [tilespmem:s28+$0x8270]  }
0xf3: {  	v18 =	vld [tilespmem:s28+$0x8600]  }
0xf4: {  	v9 =	vld [tilespmem:s28+$0x8610]  }
0xf5: {  	v8 =	vld [tilespmem:s28+$0x8620]  }
0xf6: {  	v7 =	vld [tilespmem:s28+$0x8630]  }
0xf7: {  	v6 =	vld [tilespmem:s28+$0x8640]  }
0xf8: {  	v5 =	vld [tilespmem:s28+$0x8650]  }
0xf9: {  	v4 =	vld [tilespmem:s28+$0x8660]  }
0xfa: {  	v3 =	vld [tilespmem:s28+$0x8670]  }
0xfb: {  	v19 =	vld [tilespmem:s28+$0x200]  }
0xfc: {  	v20 =	vld [tilespmem:s28+$0x210]  }
0xfd: {  	v21 =	vld [tilespmem:s28+$0x220]  }
0xfe: {  	v22 =	vld [tilespmem:s28+$0x230]  }
0xff: {  	v23 =	vld [tilespmem:s28+$0x240]  }
0x100: {  	v15 =	vadd.f32 v15, v19;
	v19 =	vld [tilespmem:s28+$0x250]  }
0x101: {  	v10 =	vadd.f32 v10, v20;
	v20 =	vld [tilespmem:s28+$0x260]  }
0x102: {  	[tilespmem:s28+$0x200] =	vst v15;
	v11 =	vadd.f32 v11, v21;
	v15 =	vld [tilespmem:s28+$0x270]  }
0x103: {  	[tilespmem:s28+$0x210] =	vst v10;
	v10 =	vadd.f32 v14, v22;
	v14 =	vld [tilespmem:s28+$0x600]  }
.Ltmp0:
0x104: {  	[tilespmem:s28+$0x220] =	vst v11;
	v11 =	vadd.f32 v13, v23;
	v13 =	vld [tilespmem:s28+$0x610];
	(pc) =	sbr.rel @p0 .LBB2_2-.Ltmp0, $4  }
0x105: {  	[tilespmem:s28+$0x230] =	vst v10;
	v19 =	vadd.f32 v12, v19;
	v12 =	vld [tilespmem:s28+$0x620]  }
0x106: {  	[tilespmem:s28+$0x240] =	vst v11;
	v20 =	vadd.f32 v16, v20;
	v10 =	vld [tilespmem:s28+$0x630]  }
0x107: {  	[tilespmem:s28+$0x250] =	vst v19;
	v16 =	vadd.f32 v17, v15;
	v11 =	vld [tilespmem:s28+$0x640]  }
0x108: {  	s10 =	sadd.s32 $0x80, s10;
	s29 =	sadd.s32 $0x100, s29;
	[tilespmem:s28+$0x260] =	vst v20;
	v15 =	vadd.f32 v18, v14;
	v14 =	vld [tilespmem:s28+$0x650]  }
0x109: {  	[tilespmem:s28+$0x270] =	vst v16;
	v9 =	vadd.f32 v9, v13;
	v13 =	vld [tilespmem:s28+$0x660]  }
0x10a: {  	[tilespmem:s28+$0x600] =	vst v15;
	v8 =	vadd.f32 v8, v12;
	v12 =	vld [tilespmem:s28+$0x670]  }
0x10b: {  	[tilespmem:s28+$0x610] =	vst v9;
	v7 =	vadd.f32 v7, v10  }
0x10c: {  	[tilespmem:s28+$0x620] =	vst v8;
	v6 =	vadd.f32 v6, v11  }
0x10d: {  	[tilespmem:s28+$0x630] =	vst v7;
	v5 =	vadd.f32 v5, v14  }
0x10e: {  	[tilespmem:s28+$0x640] =	vst v6;
	v4 =	vadd.f32 v4, v13  }
0x10f: {  	[tilespmem:s28+$0x650] =	vst v5;
	v3 =	vadd.f32 v3, v12  }
0x110: {  	[tilespmem:s28+$0x660] =	vst v4  }
0x111: {  	s10 =	simm.s32 $0x0;
	[tilespmem:s28+$0x670] =	vst v3  }
0x112: {  	[hbm4b:s6+s10] =	stream.linear.scatter [tilespmem:s13], [sflag:$0x5], $0x4000, $0x38;
	[tilespmem:$0x10200] =	vst v63  }
0x113: {  	_ =	swait.ge [sflag:s7], $0x4000  }
0x114: {  	[sflag:s7] =	ssyncset.done $0x0  }
0x115: {  	[sflag:s7] =	ssyncadd.s32 $0xFFFFC000  }
0x116: {  	v3 =	vld [tilespmem:$0x80];
	_ =	sdelay $0x4  }
0x117: {  	v4 =	vshll.u32 v3, $0x1  }
0x118: {  	v3 =	vand.u32 $0x7, v3;
	v4 =	vand.u32 $0xFFFFFFF0, v4  }
0x119: {  	v3 =	vor.u32 v3, v4  }
0x11a: {  	v4 =	vperm.xlane v3, v0;
	_ =	sdelay $0x1  }
0x11b: {  	v3 =	vperm.xlane v3, v2;
	v4 =	vadd.s32 v1, v4;
	_ =	sdelay $0x1  }
0x11c: {  	v3 =	vadd.s32 v1, v3;
	_ =	sdelay $0x2  }
0x11d: {  	[tilespmem:s13], [sflag:$0x1] =	stream.indirect_vreg.gather [hbm4b:s2+s10], $0x80, v4, vm0, $0xb8;
	[tilespmem:$0x10200] =	vst v63  }
0x11e: {  	s0 =	simm.s32 $0xA00  }
0x11f: {  	[tilespmem:s0], [sflag:$0x1] =	stream.indirect_vreg.gather [hbm4b:s2+s10], $0x80, v3, vm0, $0xb8;
	[tilespmem:$0x10200] =	vst v63  }
0x120: {  	v3 =	vld [tilespmem:$0x90];
	_ =	sdelay $0x4  }
0x121: {  	v4 =	vshll.u32 v3, $0x1  }
0x122: {  	v3 =	vand.u32 $0x7, v3;
	v4 =	vand.u32 $0xFFFFFFF0, v4  }
0x123: {  	v3 =	vor.u32 v3, v4  }
0x124: {  	v4 =	vperm.xlane v3, v0;
	_ =	sdelay $0x1  }
0x125: {  	v3 =	vperm.xlane v3, v2;
	v4 =	vadd.s32 v1, v4;
	_ =	sdelay $0x1  }
0x126: {  	v3 =	vadd.s32 v1, v3;
	_ =	sdelay $0x1  }
0x127: {  	s31 =	simm.s32 $0x1200  }
0x128: {  	[tilespmem:s31], [sflag:$0x1] =	stream.indirect_vreg.gather [hbm4b:s2+s10], $0x80, v4, vm0, $0xb8;
	[tilespmem:$0x10200] =	vst v63  }
0x129: {  	s31 =	simm.s32 $0x1A00  }
0x12a: {  	[tilespmem:s31], [sflag:$0x1] =	stream.indirect_vreg.gather [hbm4b:s2+s10], $0x80, v3, vm0, $0xb8;
	[tilespmem:$0x10200] =	vst v63  }
0x12b: {  	v3 =	vld [tilespmem:$0xA0];
	_ =	sdelay $0x4  }
0x12c: {  	v4 =	vshll.u32 v3, $0x1  }
0x12d: {  	v3 =	vand.u32 $0x7, v3;
	v4 =	vand.u32 $0xFFFFFFF0, v4  }
0x12e: {  	v3 =	vor.u32 v3, v4  }
0x12f: {  	v4 =	vperm.xlane v3, v0;
	_ =	sdelay $0x1  }
0x130: {  	v3 =	vperm.xlane v3, v2;
	v4 =	vadd.s32 v1, v4;
	_ =	sdelay $0x1  }
0x131: {  	v3 =	vadd.s32 v1, v3;
	_ =	sdelay $0x1  }
0x132: {  	s31 =	simm.s32 $0x2200  }
0x133: {  	[tilespmem:s31], [sflag:$0x1] =	stream.indirect_vreg.gather [hbm4b:s2+s10], $0x80, v4, vm0, $0xb8;
	[tilespmem:$0x10200] =	vst v63  }
0x134: {  	s31 =	simm.s32 $0x2A00  }
0x135: {  	[tilespmem:s31], [sflag:$0x1] =	stream.indirect_vreg.gather [hbm4b:s2+s10], $0x80, v3, vm0, $0xb8;
	[tilespmem:$0x10200] =	vst v63  }
0x136: {  	v3 =	vld [tilespmem:$0xB0];
	_ =	sdelay $0x4  }
0x137: {  	v4 =	vshll.u32 v3, $0x1  }
0x138: {  	v3 =	vand.u32 $0x7, v3;
	v4 =	vand.u32 $0xFFFFFFF0, v4  }
0x139: {  	v3 =	vor.u32 v3, v4  }
0x13a: {  	v4 =	vperm.xlane v3, v0;
	_ =	sdelay $0x1  }
0x13b: {  	v3 =	vperm.xlane v3, v2;
	v4 =	vadd.s32 v1, v4;
	_ =	sdelay $0x1  }
0x13c: {  	v3 =	vadd.s32 v1, v3;
	_ =	sdelay $0x1  }
0x13d: {  	s31 =	simm.s32 $0x3200  }
0x13e: {  	[tilespmem:s31], [sflag:$0x1] =	stream.indirect_vreg.gather [hbm4b:s2+s10], $0x80, v4, vm0, $0xb8;
	[tilespmem:$0x10200] =	vst v63  }
0x13f: {  	s31 =	simm.s32 $0x3A00  }
0x140: {  	[tilespmem:s31], [sflag:$0x1] =	stream.indirect_vreg.gather [hbm4b:s2+s10], $0x80, v3, vm0, $0xb8;
	[tilespmem:$0x10200] =	vst v63  }
0x141: {  	v3 =	vld [tilespmem:$0x180];
	_ =	sdelay $0x4  }
0x142: {  	v4 =	vshll.u32 v3, $0x1  }
0x143: {  	v3 =	vand.u32 $0x7, v3;
	v4 =	vand.u32 $0xFFFFFFF0, v4  }
0x144: {  	v3 =	vor.u32 v3, v4  }
0x145: {  	v4 =	vperm.xlane v3, v0;
	_ =	sdelay $0x1  }
0x146: {  	v3 =	vperm.xlane v3, v2;
	v4 =	vadd.s32 v1, v4;
	_ =	sdelay $0x1  }
0x147: {  	v3 =	vadd.s32 v1, v3;
	_ =	sdelay $0x1  }
0x148: {  	s31 =	simm.s32 $0x8200  }
0x149: {  	[tilespmem:s31], [sflag:$0x3] =	stream.indirect_vreg.gather [hbm4b:s2+s10], $0x80, v4, vm0, $0xb8;
	[tilespmem:$0x10200] =	vst v63  }
0x14a: {  	s31 =	simm.s32 $0x8A00  }
0x14b: {  	[tilespmem:s31], [sflag:$0x3] =	stream.indirect_vreg.gather [hbm4b:s2+s10], $0x80, v3, vm0, $0xb8;
	[tilespmem:$0x10200] =	vst v63  }
0x14c: {  	v3 =	vld [tilespmem:$0x190];
	_ =	sdelay $0x4  }
0x14d: {  	v4 =	vshll.u32 v3, $0x1  }
0x14e: {  	v3 =	vand.u32 $0x7, v3;
	v4 =	vand.u32 $0xFFFFFFF0, v4  }
0x14f: {  	v3 =	vor.u32 v3, v4  }
0x150: {  	v4 =	vperm.xlane v3, v0;
	_ =	sdelay $0x1  }
0x151: {  	v3 =	vperm.xlane v3, v2;
	v4 =	vadd.s32 v1, v4;
	_ =	sdelay $0x1  }
0x152: {  	v3 =	vadd.s32 v1, v3;
	_ =	sdelay $0x1  }
0x153: {  	s31 =	simm.s32 $0x9200  }
0x154: {  	[tilespmem:s31], [sflag:$0x3] =	stream.indirect_vreg.gather [hbm4b:s2+s10], $0x80, v4, vm0, $0xb8;
	[tilespmem:$0x10200] =	vst v63  }
0x155: {  	s31 =	simm.s32 $0x9A00  }
0x156: {  	[tilespmem:s31], [sflag:$0x3] =	stream.indirect_vreg.gather [hbm4b:s2+s10], $0x80, v3, vm0, $0xb8;
	[tilespmem:$0x10200] =	vst v63  }
0x157: {  	v3 =	vld [tilespmem:$0x1A0];
	_ =	sdelay $0x4  }
0x158: {  	v4 =	vshll.u32 v3, $0x1  }
0x159: {  	v3 =	vand.u32 $0x7, v3;
	v4 =	vand.u32 $0xFFFFFFF0, v4  }
0x15a: {  	v3 =	vor.u32 v3, v4  }
0x15b: {  	v4 =	vperm.xlane v3, v0;
	_ =	sdelay $0x1  }
0x15c: {  	v3 =	vperm.xlane v3, v2;
	v4 =	vadd.s32 v1, v4;
	_ =	sdelay $0x1  }
0x15d: {  	v3 =	vadd.s32 v1, v3;
	_ =	sdelay $0x1  }
0x15e: {  	s31 =	simm.s32 $0xA200  }
0x15f: {  	[tilespmem:s31], [sflag:$0x3] =	stream.indirect_vreg.gather [hbm4b:s2+s10], $0x80, v4, vm0, $0xb8;
	[tilespmem:$0x10200] =	vst v63  }
0x160: {  	s31 =	simm.s32 $0xAA00  }
0x161: {  	[tilespmem:s31], [sflag:$0x3] =	stream.indirect_vreg.gather [hbm4b:s2+s10], $0x80, v3, vm0, $0xb8;
	[tilespmem:$0x10200] =	vst v63  }
0x162: {  	v3 =	vld [tilespmem:$0x1B0];
	_ =	sdelay $0x4  }
0x163: {  	v4 =	vshll.u32 v3, $0x1  }
0x164: {  	v3 =	vand.u32 $0x7, v3;
	v4 =	vand.u32 $0xFFFFFFF0, v4  }
0x165: {  	v3 =	vor.u32 v3, v4  }
0x166: {  	v4 =	vperm.xlane v3, v0;
	_ =	sdelay $0x1  }
0x167: {  	v3 =	vperm.xlane v3, v2;
	v4 =	vadd.s32 v1, v4;
	_ =	sdelay $0x1  }
0x168: {  	v3 =	vadd.s32 v1, v3;
	_ =	sdelay $0x1  }
0x169: {  	s31 =	simm.s32 $0xB200  }
0x16a: {  	[tilespmem:s31], [sflag:$0x3] =	stream.indirect_vreg.gather [hbm4b:s2+s10], $0x80, v4, vm0, $0xb8;
	[tilespmem:$0x10200] =	vst v63  }
0x16b: {  	s31 =	simm.s32 $0xBA00  }
0x16c: {  	[tilespmem:s31], [sflag:$0x3] =	stream.indirect_vreg.gather [hbm4b:s2+s10], $0x80, v3, vm0, $0xb8;
	[tilespmem:$0x10200] =	vst v63  }
0x16d: {  	_ =	swait.ge [sflag:s25], $0x4000  }
0x16e: {  	[sflag:s25] =	ssyncset.done $0x0  }
0x16f: {  	[sflag:s25] =	ssyncadd.s32 $0xFFFFC000  }
0x170: {  	_ =	swait.ge [sflag:s8], $0x4000  }
0x171: {  	s31 =	sand.u32 $0x3800, s10;
	s10 =	sand.u32 $0x380, s10;
	[sflag:s8] =	ssyncset.done $0x0  }
0x172: {  	s28 =	sor.u32 s10, s31;
	[sflag:s8] =	ssyncadd.s32 $0xFFFFC000  }
0x173: {  	v10 =	vld [tilespmem:s28+$0xC200]  }
0x174: {  	v11 =	vld [tilespmem:s28+$0xC210]  }
0x175: {  	v12 =	vld [tilespmem:s28+$0xC220]  }
0x176: {  	v13 =	vld [tilespmem:s28+$0xC230]  }
0x177: {  	v14 =	vld [tilespmem:s28+$0xC240]  }
0x178: {  	v15 =	vld [tilespmem:s28+$0xC250]  }
0x179: {  	v16 =	vld [tilespmem:s28+$0xC260]  }
0x17a: {  	v17 =	vld [tilespmem:s28+$0xC270]  }
0x17b: {  	v18 =	vld [tilespmem:s28+$0xC600]  }
0x17c: {  	v9 =	vld [tilespmem:s28+$0xC610]  }
0x17d: {  	v8 =	vld [tilespmem:s28+$0xC620]  }
0x17e: {  	v7 =	vld [tilespmem:s28+$0xC630]  }
0x17f: {  	v6 =	vld [tilespmem:s28+$0xC640]  }
0x180: {  	v5 =	vld [tilespmem:s28+$0xC650]  }
0x181: {  	v4 =	vld [tilespmem:s28+$0xC660]  }
0x182: {  	v3 =	vld [tilespmem:s28+$0xC670]  }
0x183: {  	v19 =	vld [tilespmem:s28+$0x4200]  }
0x184: {  	v20 =	vld [tilespmem:s28+$0x4210]  }
0x185: {  	v21 =	vld [tilespmem:s28+$0x4220]  }
0x186: {  	v22 =	vld [tilespmem:s28+$0x4230]  }
0x187: {  	v23 =	vld [tilespmem:s28+$0x4240]  }
0x188: {  	v10 =	vadd.f32 v10, v19;
	v19 =	vld [tilespmem:s28+$0x4250]  }
0x189: {  	v61 =	vld [tilespmem:s28+$0x4260];
	v11 =	vadd.f32 v11, v20  }
0x18a: {  	v62 =	vld [tilespmem:s28+$0x4270];
	[tilespmem:s28+$0x4200] =	vst v10;
	v10 =	vadd.f32 v12, v21  }
0x18b: {  	v63 =	vld [tilespmem:s28+$0x4600];
	[tilespmem:s28+$0x4210] =	vst v11;
	v11 =	vadd.f32 v13, v22  }
0x18c: {  	v13 =	vld [tilespmem:s28+$0x4610];
	[tilespmem:s28+$0x4220] =	vst v10;
	v10 =	vadd.f32 v14, v23  }
0x18d: {  	v12 =	vld [tilespmem:s28+$0x4620];
	[tilespmem:s28+$0x4230] =	vst v11;
	v11 =	vadd.f32 v15, v19  }
0x18e: {  	v14 =	vadd.f32 v16, v61;
	[tilespmem:s28+$0x4240] =	vst v10;
	v10 =	vld [tilespmem:s28+$0x4630]  }
0x18f: {  	v16 =	vadd.f32 v17, v62;
	[tilespmem:s28+$0x4250] =	vst v11;
	v11 =	vld [tilespmem:s28+$0x4640]  }
0x190: {  	s29 =	simm.s32 $0x100;
	s10 =	simm.s32 $0x80;
	v15 =	vadd.f32 v18, v63;
	[tilespmem:s28+$0x4260] =	vst v14;
	v14 =	vld [tilespmem:s28+$0x4650]  }
.LBB2_4:
0x191: {  	s0 =	sand.u32 $0x3800, s29;
	s31 =	sand.u32 $0x380, s10;
	p0 =	sne.s32 s29, $0x3F00;
	[tilespmem:s28+$0x4270] =	vst v16;
	v9 =	vadd.f32 v9, v13;
	v13 =	vld [tilespmem:s28+$0x4660]  }
0x192: {  	s0 =	sor.u32 s31, s0;
	[tilespmem:s28+$0x4600] =	vst v15;
	v8 =	vadd.f32 v8, v12;
	v12 =	vld [tilespmem:s28+$0x4670]  }
0x193: {  	v15 =	vld [tilespmem:s0+$0xC200];
	[tilespmem:s28+$0x4610] =	vst v9;
	v7 =	vadd.f32 v7, v10  }
0x194: {  	v10 =	vld [tilespmem:s0+$0xC210];
	[tilespmem:s28+$0x4620] =	vst v8;
	v6 =	vadd.f32 v6, v11  }
0x195: {  	v11 =	vld [tilespmem:s0+$0xC220];
	[tilespmem:s28+$0x4630] =	vst v7;
	v5 =	vadd.f32 v5, v14  }
0x196: {  	v14 =	vld [tilespmem:s0+$0xC230];
	[tilespmem:s28+$0x4640] =	vst v6;
	v4 =	vadd.f32 v4, v13  }
0x197: {  	v13 =	vld [tilespmem:s0+$0xC240];
	[tilespmem:s28+$0x4650] =	vst v5;
	v3 =	vadd.f32 v3, v12  }
0x198: {  	v12 =	vld [tilespmem:s0+$0xC250];
	[tilespmem:s28+$0x4660] =	vst v4  }
0x199: {  	v16 =	vld [tilespmem:s0+$0xC260];
	[tilespmem:s28+$0x4670] =	vst v3;
	s28 =	smov.u32 s0  }
0x19a: {  	v17 =	vld [tilespmem:s28+$0xC270]  }
0x19b: {  	v18 =	vld [tilespmem:s28+$0xC600]  }
0x19c: {  	v9 =	vld [tilespmem:s28+$0xC610]  }
0x19d: {  	v8 =	vld [tilespmem:s28+$0xC620]  }
0x19e: {  	v7 =	vld [tilespmem:s28+$0xC630]  }
0x19f: {  	v6 =	vld [tilespmem:s28+$0xC640]  }
0x1a0: {  	v5 =	vld [tilespmem:s28+$0xC650]  }
0x1a1: {  	v4 =	vld [tilespmem:s28+$0xC660]  }
0x1a2: {  	v3 =	vld [tilespmem:s28+$0xC670]  }
0x1a3: {  	v19 =	vld [tilespmem:s28+$0x4200]  }
0x1a4: {  	v20 =	vld [tilespmem:s28+$0x4210]  }
0x1a5: {  	v21 =	vld [tilespmem:s28+$0x4220]  }
0x1a6: {  	v22 =	vld [tilespmem:s28+$0x4230]  }
0x1a7: {  	v23 =	vld [tilespmem:s28+$0x4240]  }
0x1a8: {  	v15 =	vadd.f32 v15, v19;
	v19 =	vld [tilespmem:s28+$0x4250]  }
0x1a9: {  	v10 =	vadd.f32 v10, v20;
	v20 =	vld [tilespmem:s28+$0x4260]  }
0x1aa: {  	[tilespmem:s28+$0x4200] =	vst v15;
	v11 =	vadd.f32 v11, v21;
	v15 =	vld [tilespmem:s28+$0x4270]  }
0x1ab: {  	[tilespmem:s28+$0x4210] =	vst v10;
	v10 =	vadd.f32 v14, v22;
	v14 =	vld [tilespmem:s28+$0x4600]  }
.Ltmp1:
0x1ac: {  	[tilespmem:s28+$0x4220] =	vst v11;
	v11 =	vadd.f32 v13, v23;
	v13 =	vld [tilespmem:s28+$0x4610];
	(pc) =	sbr.rel @p0 .LBB2_4-.Ltmp1, $4  }
0x1ad: {  	[tilespmem:s28+$0x4230] =	vst v10;
	v19 =	vadd.f32 v12, v19;
	v12 =	vld [tilespmem:s28+$0x4620]  }
0x1ae: {  	[tilespmem:s28+$0x4240] =	vst v11;
	v20 =	vadd.f32 v16, v20;
	v10 =	vld [tilespmem:s28+$0x4630]  }
0x1af: {  	[tilespmem:s28+$0x4250] =	vst v19;
	v16 =	vadd.f32 v17, v15;
	v11 =	vld [tilespmem:s28+$0x4640]  }
0x1b0: {  	s10 =	sadd.s32 $0x80, s10;
	s29 =	sadd.s32 $0x100, s29;
	[tilespmem:s28+$0x4260] =	vst v20;
	v15 =	vadd.f32 v18, v14;
	v14 =	vld [tilespmem:s28+$0x4650]  }
0x1b1: {  	[tilespmem:s28+$0x4270] =	vst v16;
	v9 =	vadd.f32 v9, v13;
	v13 =	vld [tilespmem:s28+$0x4660]  }
0x1b2: {  	[tilespmem:s28+$0x4600] =	vst v15;
	v8 =	vadd.f32 v8, v12;
	v12 =	vld [tilespmem:s28+$0x4670]  }
0x1b3: {  	[tilespmem:s28+$0x4610] =	vst v9;
	v7 =	vadd.f32 v7, v10  }
0x1b4: {  	[tilespmem:s28+$0x4620] =	vst v8;
	v6 =	vadd.f32 v6, v11  }
0x1b5: {  	[tilespmem:s28+$0x4630] =	vst v7;
	v5 =	vadd.f32 v5, v14  }
0x1b6: {  	[tilespmem:s28+$0x4640] =	vst v6;
	v4 =	vadd.f32 v4, v13  }
0x1b7: {  	[tilespmem:s28+$0x4650] =	vst v5;
	v3 =	vadd.f32 v3, v12  }
0x1b8: {  	[tilespmem:s28+$0x4660] =	vst v4  }
0x1b9: {  	s10 =	simm.s32 $0x0;
	s0 =	rddreg [dreg:$0x5];
	[tilespmem:s28+$0x4670] =	vst v3  }
0x1ba: {  	[hbm4b:s0+s10] =	stream.linear.scatter [tilespmem:s30], [sflag:$0x6], $0x4000, $0x38;
	[tilespmem:$0x10200] =	vst v63  }
0x1bb: {  	_ =	swait.ge [sflag:s26], $0x4000  }
0x1bc: {  	[sflag:s26] =	ssyncset.done $0x0  }
0x1bd: {  	[sflag:s26] =	ssyncadd.s32 $0xFFFFC000  }
0x1be: {  	v3 =	vld [tilespmem:$0xC0];
	_ =	sdelay $0x4  }
0x1bf: {  	v4 =	vshll.u32 v3, $0x1  }
0x1c0: {  	v3 =	vand.u32 $0x7, v3;
	v4 =	vand.u32 $0xFFFFFFF0, v4  }
0x1c1: {  	v3 =	vor.u32 v3, v4  }
0x1c2: {  	v4 =	vperm.xlane v3, v0;
	_ =	sdelay $0x1  }
0x1c3: {  	v3 =	vperm.xlane v3, v2;
	v4 =	vadd.s32 v1, v4;
	_ =	sdelay $0x1  }
0x1c4: {  	v3 =	vadd.s32 v1, v3;
	_ =	sdelay $0x2  }
0x1c5: {  	[tilespmem:s30], [sflag:$0x2] =	stream.indirect_vreg.gather [hbm4b:s2+s10], $0x80, v4, vm0, $0xb8;
	[tilespmem:$0x10200] =	vst v63  }
0x1c6: {  	s31 =	simm.s32 $0x4A00  }
0x1c7: {  	[tilespmem:s31], [sflag:$0x2] =	stream.indirect_vreg.gather [hbm4b:s2+s10], $0x80, v3, vm0, $0xb8;
	[tilespmem:$0x10200] =	vst v63  }
0x1c8: {  	v3 =	vld [tilespmem:$0xD0];
	_ =	sdelay $0x4  }
0x1c9: {  	v4 =	vshll.u32 v3, $0x1  }
0x1ca: {  	v3 =	vand.u32 $0x7, v3;
	v4 =	vand.u32 $0xFFFFFFF0, v4  }
0x1cb: {  	v3 =	vor.u32 v3, v4  }
0x1cc: {  	v4 =	vperm.xlane v3, v0;
	_ =	sdelay $0x1  }
0x1cd: {  	v3 =	vperm.xlane v3, v2;
	v4 =	vadd.s32 v1, v4;
	_ =	sdelay $0x1  }
0x1ce: {  	v3 =	vadd.s32 v1, v3;
	_ =	sdelay $0x1  }
0x1cf: {  	s31 =	simm.s32 $0x5200  }
0x1d0: {  	[tilespmem:s31], [sflag:$0x2] =	stream.indirect_vreg.gather [hbm4b:s2+s10], $0x80, v4, vm0, $0xb8;
	[tilespmem:$0x10200] =	vst v63  }
0x1d1: {  	_ = 	snop  }
0x1d2: {  	[tilespmem:s1], [sflag:$0x2] =	stream.indirect_vreg.gather [hbm4b:s2+s10], $0x80, v3, vm0, $0xb8;
	[tilespmem:$0x10200] =	vst v63  }
0x1d3: {  	v3 =	vld [tilespmem:$0xE0];
	_ =	sdelay $0x4  }
0x1d4: {  	v4 =	vshll.u32 v3, $0x1  }
0x1d5: {  	v3 =	vand.u32 $0x7, v3;
	v4 =	vand.u32 $0xFFFFFFF0, v4  }
0x1d6: {  	v3 =	vor.u32 v3, v4  }
0x1d7: {  	v4 =	vperm.xlane v3, v0;
	_ =	sdelay $0x1  }
0x1d8: {  	v3 =	vperm.xlane v3, v2;
	v4 =	vadd.s32 v1, v4;
	_ =	sdelay $0x1  }
0x1d9: {  	v3 =	vadd.s32 v1, v3;
	_ =	sdelay $0x2  }
0x1da: {  	[tilespmem:s12], [sflag:$0x2] =	stream.indirect_vreg.gather [hbm4b:s2+s10], $0x80, v4, vm0, $0xb8;
	[tilespmem:$0x10200] =	vst v63  }
0x1db: {  	_ = 	snop  }
0x1dc: {  	[tilespmem:s14], [sflag:$0x2] =	stream.indirect_vreg.gather [hbm4b:s2+s10], $0x80, v3, vm0, $0xb8;
	[tilespmem:$0x10200] =	vst v63  }
0x1dd: {  	v3 =	vld [tilespmem:$0xF0];
	_ =	sdelay $0x4  }
0x1de: {  	v4 =	vshll.u32 v3, $0x1  }
0x1df: {  	v3 =	vand.u32 $0x7, v3;
	v4 =	vand.u32 $0xFFFFFFF0, v4  }
0x1e0: {  	v3 =	vor.u32 v3, v4  }
0x1e1: {  	v4 =	vperm.xlane v3, v0;
	_ =	sdelay $0x1  }
0x1e2: {  	v3 =	vperm.xlane v3, v2;
	v4 =	vadd.s32 v1, v4;
	_ =	sdelay $0x1  }
0x1e3: {  	v3 =	vadd.s32 v1, v3;
	_ =	sdelay $0x2  }
0x1e4: {  	[tilespmem:s15], [sflag:$0x2] =	stream.indirect_vreg.gather [hbm4b:s2+s10], $0x80, v4, vm0, $0xb8;
	[tilespmem:$0x10200] =	vst v63  }
0x1e5: {  	_ = 	snop  }
0x1e6: {  	[tilespmem:s16], [sflag:$0x2] =	stream.indirect_vreg.gather [hbm4b:s2+s10], $0x80, v3, vm0, $0xb8;
	[tilespmem:$0x10200] =	vst v63  }
0x1e7: {  	v3 =	vld [tilespmem:$0x1C0];
	_ =	sdelay $0x4  }
0x1e8: {  	v4 =	vshll.u32 v3, $0x1  }
0x1e9: {  	v3 =	vand.u32 $0x7, v3;
	v4 =	vand.u32 $0xFFFFFFF0, v4  }
0x1ea: {  	v3 =	vor.u32 v3, v4  }
0x1eb: {  	v4 =	vperm.xlane v3, v0;
	_ =	sdelay $0x1  }
0x1ec: {  	v3 =	vperm.xlane v3, v2;
	v4 =	vadd.s32 v1, v4;
	_ =	sdelay $0x1  }
0x1ed: {  	v3 =	vadd.s32 v1, v3;
	_ =	sdelay $0x2  }
0x1ee: {  	[tilespmem:s17], [sflag:$0x4] =	stream.indirect_vreg.gather [hbm4b:s2+s10], $0x80, v4, vm0, $0xb8;
	[tilespmem:$0x10200] =	vst v63  }
0x1ef: {  	_ = 	snop  }
0x1f0: {  	[tilespmem:s18], [sflag:$0x4] =	stream.indirect_vreg.gather [hbm4b:s2+s10], $0x80, v3, vm0, $0xb8;
	[tilespmem:$0x10200] =	vst v63  }
0x1f1: {  	v3 =	vld [tilespmem:$0x1D0];
	_ =	sdelay $0x4  }
0x1f2: {  	v4 =	vshll.u32 v3, $0x1  }
0x1f3: {  	v3 =	vand.u32 $0x7, v3;
	v4 =	vand.u32 $0xFFFFFFF0, v4  }
0x1f4: {  	v3 =	vor.u32 v3, v4  }
0x1f5: {  	v4 =	vperm.xlane v3, v0;
	_ =	sdelay $0x1  }
0x1f6: {  	v3 =	vperm.xlane v3, v2;
	v4 =	vadd.s32 v1, v4;
	_ =	sdelay $0x1  }
0x1f7: {  	v3 =	vadd.s32 v1, v3;
	_ =	sdelay $0x2  }
0x1f8: {  	[tilespmem:s19], [sflag:$0x4] =	stream.indirect_vreg.gather [hbm4b:s2+s10], $0x80, v4, vm0, $0xb8;
	[tilespmem:$0x10200] =	vst v63  }
0x1f9: {  	_ = 	snop  }
0x1fa: {  	[tilespmem:s20], [sflag:$0x4] =	stream.indirect_vreg.gather [hbm4b:s2+s10], $0x80, v3, vm0, $0xb8;
	[tilespmem:$0x10200] =	vst v63  }
0x1fb: {  	v3 =	vld [tilespmem:$0x1E0];
	_ =	sdelay $0x4  }
0x1fc: {  	v4 =	vshll.u32 v3, $0x1  }
0x1fd: {  	v3 =	vand.u32 $0x7, v3;
	v4 =	vand.u32 $0xFFFFFFF0, v4  }
0x1fe: {  	v3 =	vor.u32 v3, v4  }
0x1ff: {  	v4 =	vperm.xlane v3, v0;
	_ =	sdelay $0x1  }
0x200: {  	v3 =	vperm.xlane v3, v2;
	v4 =	vadd.s32 v1, v4;
	_ =	sdelay $0x1  }
0x201: {  	v3 =	vadd.s32 v1, v3;
	_ =	sdelay $0x2  }
0x202: {  	[tilespmem:s21], [sflag:$0x4] =	stream.indirect_vreg.gather [hbm4b:s2+s10], $0x80, v4, vm0, $0xb8;
	[tilespmem:$0x10200] =	vst v63  }
0x203: {  	_ = 	snop  }
0x204: {  	[tilespmem:s22], [sflag:$0x4] =	stream.indirect_vreg.gather [hbm4b:s2+s10], $0x80, v3, vm0, $0xb8;
	[tilespmem:$0x10200] =	vst v63  }
0x205: {  	v3 =	vld [tilespmem:$0x1F0];
	_ =	sdelay $0x4  }
0x206: {  	v4 =	vshll.u32 v3, $0x1  }
0x207: {  	v3 =	vand.u32 $0x7, v3;
	v4 =	vand.u32 $0xFFFFFFF0, v4  }
0x208: {  	v3 =	vor.u32 v3, v4  }
0x209: {  	v4 =	vperm.xlane v3, v0;
	_ =	sdelay $0x1  }
0x20a: {  	v3 =	vperm.xlane v3, v2;
	v4 =	vadd.s32 v1, v4;
	_ =	sdelay $0x1  }
0x20b: {  	v3 =	vadd.s32 v1, v3;
	_ =	sdelay $0x2  }
0x20c: {  	[tilespmem:s4], [sflag:$0x4] =	stream.indirect_vreg.gather [hbm4b:s2+s10], $0x80, v4, vm0, $0xb8;
	[tilespmem:$0x10200] =	vst v63  }
0x20d: {  	_ = 	snop  }
0x20e: {  	[tilespmem:s23], [sflag:$0x4] =	stream.indirect_vreg.gather [hbm4b:s2+s10], $0x80, v3, vm0, $0xb8;
	[tilespmem:$0x10200] =	vst v63  }
0x20f: {  	_ =	swait.ge [sflag:s5], $0x4000  }
0x210: {  	[sflag:s5] =	ssyncset.done $0x0  }
0x211: {  	[sflag:s5] =	ssyncadd.s32 $0xFFFFC000  }
0x212: {  	_ =	swait.ge [sflag:s24], $0x4000  }
0x213: {  	s31 =	sand.u32 $0x3800, s10;
	s10 =	sand.u32 $0x380, s10;
	[sflag:s24] =	ssyncset.done $0x0  }
0x214: {  	s28 =	sor.u32 s10, s31;
	[sflag:s24] =	ssyncadd.s32 $0xFFFFC000  }
0x215: {  	v10 =	vld [tilespmem:s28+$0x8200]  }
0x216: {  	v11 =	vld [tilespmem:s28+$0x8210]  }
0x217: {  	v12 =	vld [tilespmem:s28+$0x8220]  }
0x218: {  	v13 =	vld [tilespmem:s28+$0x8230]  }
0x219: {  	v14 =	vld [tilespmem:s28+$0x8240]  }
0x21a: {  	v15 =	vld [tilespmem:s28+$0x8250]  }
0x21b: {  	v16 =	vld [tilespmem:s28+$0x8260]  }
0x21c: {  	v17 =	vld [tilespmem:s28+$0x8270]  }
0x21d: {  	v18 =	vld [tilespmem:s28+$0x8600]  }
0x21e: {  	v9 =	vld [tilespmem:s28+$0x8610]  }
0x21f: {  	v8 =	vld [tilespmem:s28+$0x8620]  }
0x220: {  	v7 =	vld [tilespmem:s28+$0x8630]  }
0x221: {  	v6 =	vld [tilespmem:s28+$0x8640]  }
0x222: {  	v5 =	vld [tilespmem:s28+$0x8650]  }
0x223: {  	v4 =	vld [tilespmem:s28+$0x8660]  }
0x224: {  	v3 =	vld [tilespmem:s28+$0x8670]  }
0x225: {  	v19 =	vld [tilespmem:s28+$0x200]  }
0x226: {  	v20 =	vld [tilespmem:s28+$0x210]  }
0x227: {  	v21 =	vld [tilespmem:s28+$0x220]  }
0x228: {  	v22 =	vld [tilespmem:s28+$0x230]  }
0x229: {  	v23 =	vld [tilespmem:s28+$0x240]  }
0x22a: {  	v10 =	vadd.f32 v10, v19;
	v19 =	vld [tilespmem:s28+$0x250]  }
0x22b: {  	v61 =	vld [tilespmem:s28+$0x260];
	v11 =	vadd.f32 v11, v20  }
0x22c: {  	v62 =	vld [tilespmem:s28+$0x270];
	[tilespmem:s28+$0x200] =	vst v10;
	v10 =	vadd.f32 v12, v21  }
0x22d: {  	v63 =	vld [tilespmem:s28+$0x600];
	[tilespmem:s28+$0x210] =	vst v11;
	v11 =	vadd.f32 v13, v22  }
0x22e: {  	v13 =	vld [tilespmem:s28+$0x610];
	[tilespmem:s28+$0x220] =	vst v10;
	v10 =	vadd.f32 v14, v23  }
0x22f: {  	v12 =	vld [tilespmem:s28+$0x620];
	[tilespmem:s28+$0x230] =	vst v11;
	v11 =	vadd.f32 v15, v19  }
0x230: {  	v14 =	vadd.f32 v16, v61;
	[tilespmem:s28+$0x240] =	vst v10;
	v10 =	vld [tilespmem:s28+$0x630]  }
0x231: {  	v16 =	vadd.f32 v17, v62;
	[tilespmem:s28+$0x250] =	vst v11;
	v11 =	vld [tilespmem:s28+$0x640]  }
0x232: {  	s29 =	simm.s32 $0x100;
	s10 =	simm.s32 $0x80;
	v15 =	vadd.f32 v18, v63;
	[tilespmem:s28+$0x260] =	vst v14;
	v14 =	vld [tilespmem:s28+$0x650]  }
.LBB2_6:
0x233: {  	s0 =	sand.u32 $0x3800, s29;
	s31 =	sand.u32 $0x380, s10;
	p0 =	sne.s32 s29, $0x3F00;
	[tilespmem:s28+$0x270] =	vst v16;
	v9 =	vadd.f32 v9, v13;
	v13 =	vld [tilespmem:s28+$0x660]  }
0x234: {  	s0 =	sor.u32 s31, s0;
	[tilespmem:s28+$0x600] =	vst v15;
	v8 =	vadd.f32 v8, v12;
	v12 =	vld [tilespmem:s28+$0x670]  }
0x235: {  	v15 =	vld [tilespmem:s0+$0x8200];
	[tilespmem:s28+$0x610] =	vst v9;
	v7 =	vadd.f32 v7, v10  }
0x236: {  	v10 =	vld [tilespmem:s0+$0x8210];
	[tilespmem:s28+$0x620] =	vst v8;
	v6 =	vadd.f32 v6, v11  }
0x237: {  	v11 =	vld [tilespmem:s0+$0x8220];
	[tilespmem:s28+$0x630] =	vst v7;
	v5 =	vadd.f32 v5, v14  }
0x238: {  	v14 =	vld [tilespmem:s0+$0x8230];
	[tilespmem:s28+$0x640] =	vst v6;
	v4 =	vadd.f32 v4, v13  }
0x239: {  	v13 =	vld [tilespmem:s0+$0x8240];
	[tilespmem:s28+$0x650] =	vst v5;
	v3 =	vadd.f32 v3, v12  }
0x23a: {  	v12 =	vld [tilespmem:s0+$0x8250];
	[tilespmem:s28+$0x660] =	vst v4  }
0x23b: {  	v16 =	vld [tilespmem:s0+$0x8260];
	[tilespmem:s28+$0x670] =	vst v3;
	s28 =	smov.u32 s0  }
0x23c: {  	v17 =	vld [tilespmem:s28+$0x8270]  }
0x23d: {  	v18 =	vld [tilespmem:s28+$0x8600]  }
0x23e: {  	v9 =	vld [tilespmem:s28+$0x8610]  }
0x23f: {  	v8 =	vld [tilespmem:s28+$0x8620]  }
0x240: {  	v7 =	vld [tilespmem:s28+$0x8630]  }
0x241: {  	v6 =	vld [tilespmem:s28+$0x8640]  }
0x242: {  	v5 =	vld [tilespmem:s28+$0x8650]  }
0x243: {  	v4 =	vld [tilespmem:s28+$0x8660]  }
0x244: {  	v3 =	vld [tilespmem:s28+$0x8670]  }
0x245: {  	v19 =	vld [tilespmem:s28+$0x200]  }
0x246: {  	v20 =	vld [tilespmem:s28+$0x210]  }
0x247: {  	v21 =	vld [tilespmem:s28+$0x220]  }
0x248: {  	v22 =	vld [tilespmem:s28+$0x230]  }
0x249: {  	v23 =	vld [tilespmem:s28+$0x240]  }
0x24a: {  	v15 =	vadd.f32 v15, v19;
	v19 =	vld [tilespmem:s28+$0x250]  }
0x24b: {  	v10 =	vadd.f32 v10, v20;
	v20 =	vld [tilespmem:s28+$0x260]  }
0x24c: {  	[tilespmem:s28+$0x200] =	vst v15;
	v11 =	vadd.f32 v11, v21;
	v15 =	vld [tilespmem:s28+$0x270]  }
0x24d: {  	[tilespmem:s28+$0x210] =	vst v10;
	v10 =	vadd.f32 v14, v22;
	v14 =	vld [tilespmem:s28+$0x600]  }
.Ltmp2:
0x24e: {  	[tilespmem:s28+$0x220] =	vst v11;
	v11 =	vadd.f32 v13, v23;
	v13 =	vld [tilespmem:s28+$0x610];
	(pc) =	sbr.rel @p0 .LBB2_6-.Ltmp2, $4  }
0x24f: {  	[tilespmem:s28+$0x230] =	vst v10;
	v19 =	vadd.f32 v12, v19;
	v12 =	vld [tilespmem:s28+$0x620]  }
0x250: {  	[tilespmem:s28+$0x240] =	vst v11;
	v20 =	vadd.f32 v16, v20;
	v10 =	vld [tilespmem:s28+$0x630]  }
0x251: {  	[tilespmem:s28+$0x250] =	vst v19;
	v16 =	vadd.f32 v17, v15;
	v11 =	vld [tilespmem:s28+$0x640]  }
0x252: {  	s10 =	sadd.s32 $0x80, s10;
	s29 =	sadd.s32 $0x100, s29;
	[tilespmem:s28+$0x260] =	vst v20;
	v15 =	vadd.f32 v18, v14;
	v14 =	vld [tilespmem:s28+$0x650]  }
0x253: {  	[tilespmem:s28+$0x270] =	vst v16;
	v9 =	vadd.f32 v9, v13;
	v13 =	vld [tilespmem:s28+$0x660]  }
0x254: {  	[tilespmem:s28+$0x600] =	vst v15;
	v8 =	vadd.f32 v8, v12;
	v12 =	vld [tilespmem:s28+$0x670]  }
0x255: {  	[tilespmem:s28+$0x610] =	vst v9;
	v7 =	vadd.f32 v7, v10  }
0x256: {  	[tilespmem:s28+$0x620] =	vst v8;
	v6 =	vadd.f32 v6, v11  }
0x257: {  	[tilespmem:s28+$0x630] =	vst v7;
	v5 =	vadd.f32 v5, v14  }
0x258: {  	[tilespmem:s28+$0x640] =	vst v6;
	v4 =	vadd.f32 v4, v13  }
0x259: {  	[tilespmem:s28+$0x650] =	vst v5;
	v3 =	vadd.f32 v3, v12  }
0x25a: {  	[tilespmem:s28+$0x660] =	vst v4  }
0x25b: {  	s0 =	simm.s32 $0x0;
	s10 =	rddreg [dreg:$0x6];
	[tilespmem:s28+$0x670] =	vst v3  }
0x25c: {  	[hbm4b:s10+s0] =	stream.linear.scatter [tilespmem:s13], [sflag:$0x5], $0x4000, $0x38;
	[tilespmem:$0x10200] =	vst v63  }
0x25d: {  	_ =	swait.ge [sflag:s25], $0x4000  }
0x25e: {  	[sflag:s25] =	ssyncset.done $0x0  }
0x25f: {  	[sflag:s25] =	ssyncadd.s32 $0xFFFFC000  }
0x260: {  	_ =	swait.ge [sflag:s8], $0x4000  }
0x261: {  	s31 =	sand.u32 $0x3800, s0;
	s0 =	sand.u32 $0x380, s0;
	[sflag:s8] =	ssyncset.done $0x0  }
0x262: {  	s28 =	sor.u32 s0, s31;
	[sflag:s8] =	ssyncadd.s32 $0xFFFFC000  }
0x263: {  	v10 =	vld [tilespmem:s28+$0xC200]  }
0x264: {  	v11 =	vld [tilespmem:s28+$0xC210]  }
0x265: {  	v12 =	vld [tilespmem:s28+$0xC220]  }
0x266: {  	v13 =	vld [tilespmem:s28+$0xC230]  }
0x267: {  	v14 =	vld [tilespmem:s28+$0xC240]  }
0x268: {  	v15 =	vld [tilespmem:s28+$0xC250]  }
0x269: {  	v16 =	vld [tilespmem:s28+$0xC260]  }
0x26a: {  	v17 =	vld [tilespmem:s28+$0xC270]  }
0x26b: {  	v18 =	vld [tilespmem:s28+$0xC600]  }
0x26c: {  	v9 =	vld [tilespmem:s28+$0xC610]  }
0x26d: {  	v8 =	vld [tilespmem:s28+$0xC620]  }
0x26e: {  	v7 =	vld [tilespmem:s28+$0xC630]  }
0x26f: {  	v6 =	vld [tilespmem:s28+$0xC640]  }
0x270: {  	v5 =	vld [tilespmem:s28+$0xC650]  }
0x271: {  	v4 =	vld [tilespmem:s28+$0xC660]  }
0x272: {  	v3 =	vld [tilespmem:s28+$0xC670]  }
0x273: {  	v19 =	vld [tilespmem:s28+$0x4200]  }
0x274: {  	v20 =	vld [tilespmem:s28+$0x4210]  }
0x275: {  	v21 =	vld [tilespmem:s28+$0x4220]  }
0x276: {  	v22 =	vld [tilespmem:s28+$0x4230]  }
0x277: {  	v23 =	vld [tilespmem:s28+$0x4240]  }
0x278: {  	v10 =	vadd.f32 v10, v19;
	v19 =	vld [tilespmem:s28+$0x4250]  }
0x279: {  	v61 =	vld [tilespmem:s28+$0x4260];
	v11 =	vadd.f32 v11, v20  }
0x27a: {  	v62 =	vld [tilespmem:s28+$0x4270];
	[tilespmem:s28+$0x4200] =	vst v10;
	v10 =	vadd.f32 v12, v21  }
0x27b: {  	v63 =	vld [tilespmem:s28+$0x4600];
	[tilespmem:s28+$0x4210] =	vst v11;
	v11 =	vadd.f32 v13, v22  }
0x27c: {  	v13 =	vld [tilespmem:s28+$0x4610];
	[tilespmem:s28+$0x4220] =	vst v10;
	v10 =	vadd.f32 v14, v23  }
0x27d: {  	v12 =	vld [tilespmem:s28+$0x4620];
	[tilespmem:s28+$0x4230] =	vst v11;
	v11 =	vadd.f32 v15, v19  }
0x27e: {  	v14 =	vadd.f32 v16, v61;
	[tilespmem:s28+$0x4240] =	vst v10;
	v10 =	vld [tilespmem:s28+$0x4630]  }
0x27f: {  	v16 =	vadd.f32 v17, v62;
	[tilespmem:s28+$0x4250] =	vst v11;
	v11 =	vld [tilespmem:s28+$0x4640]  }
0x280: {  	s29 =	simm.s32 $0x100;
	s10 =	simm.s32 $0x80;
	v15 =	vadd.f32 v18, v63;
	[tilespmem:s28+$0x4260] =	vst v14;
	v14 =	vld [tilespmem:s28+$0x4650]  }
.LBB2_8:
0x281: {  	s0 =	sand.u32 $0x3800, s29;
	s31 =	sand.u32 $0x380, s10;
	p0 =	sne.s32 s29, $0x3F00;
	[tilespmem:s28+$0x4270] =	vst v16;
	v9 =	vadd.f32 v9, v13;
	v13 =	vld [tilespmem:s28+$0x4660]  }
0x282: {  	s0 =	sor.u32 s31, s0;
	[tilespmem:s28+$0x4600] =	vst v15;
	v8 =	vadd.f32 v8, v12;
	v12 =	vld [tilespmem:s28+$0x4670]  }
0x283: {  	v15 =	vld [tilespmem:s0+$0xC200];
	[tilespmem:s28+$0x4610] =	vst v9;
	v7 =	vadd.f32 v7, v10  }
0x284: {  	v10 =	vld [tilespmem:s0+$0xC210];
	[tilespmem:s28+$0x4620] =	vst v8;
	v6 =	vadd.f32 v6, v11  }
0x285: {  	v11 =	vld [tilespmem:s0+$0xC220];
	[tilespmem:s28+$0x4630] =	vst v7;
	v5 =	vadd.f32 v5, v14  }
0x286: {  	v14 =	vld [tilespmem:s0+$0xC230];
	[tilespmem:s28+$0x4640] =	vst v6;
	v4 =	vadd.f32 v4, v13  }
0x287: {  	v13 =	vld [tilespmem:s0+$0xC240];
	[tilespmem:s28+$0x4650] =	vst v5;
	v3 =	vadd.f32 v3, v12  }
0x288: {  	v12 =	vld [tilespmem:s0+$0xC250];
	[tilespmem:s28+$0x4660] =	vst v4  }
0x289: {  	v16 =	vld [tilespmem:s0+$0xC260];
	[tilespmem:s28+$0x4670] =	vst v3;
	s28 =	smov.u32 s0  }
0x28a: {  	v17 =	vld [tilespmem:s28+$0xC270]  }
0x28b: {  	v18 =	vld [tilespmem:s28+$0xC600]  }
0x28c: {  	v9 =	vld [tilespmem:s28+$0xC610]  }
0x28d: {  	v8 =	vld [tilespmem:s28+$0xC620]  }
0x28e: {  	v7 =	vld [tilespmem:s28+$0xC630]  }
0x28f: {  	v6 =	vld [tilespmem:s28+$0xC640]  }
0x290: {  	v5 =	vld [tilespmem:s28+$0xC650]  }
0x291: {  	v4 =	vld [tilespmem:s28+$0xC660]  }
0x292: {  	v3 =	vld [tilespmem:s28+$0xC670]  }
0x293: {  	v19 =	vld [tilespmem:s28+$0x4200]  }
0x294: {  	v20 =	vld [tilespmem:s28+$0x4210]  }
0x295: {  	v21 =	vld [tilespmem:s28+$0x4220]  }
0x296: {  	v22 =	vld [tilespmem:s28+$0x4230]  }
0x297: {  	v23 =	vld [tilespmem:s28+$0x4240]  }
0x298: {  	v15 =	vadd.f32 v15, v19;
	v19 =	vld [tilespmem:s28+$0x4250]  }
0x299: {  	v10 =	vadd.f32 v10, v20;
	v20 =	vld [tilespmem:s28+$0x4260]  }
0x29a: {  	[tilespmem:s28+$0x4200] =	vst v15;
	v11 =	vadd.f32 v11, v21;
	v15 =	vld [tilespmem:s28+$0x4270]  }
0x29b: {  	[tilespmem:s28+$0x4210] =	vst v10;
	v10 =	vadd.f32 v14, v22;
	v14 =	vld [tilespmem:s28+$0x4600]  }
.Ltmp3:
0x29c: {  	[tilespmem:s28+$0x4220] =	vst v11;
	v11 =	vadd.f32 v13, v23;
	v13 =	vld [tilespmem:s28+$0x4610];
	(pc) =	sbr.rel @p0 .LBB2_8-.Ltmp3, $4  }
0x29d: {  	[tilespmem:s28+$0x4230] =	vst v10;
	v19 =	vadd.f32 v12, v19;
	v12 =	vld [tilespmem:s28+$0x4620]  }
0x29e: {  	[tilespmem:s28+$0x4240] =	vst v11;
	v20 =	vadd.f32 v16, v20;
	v10 =	vld [tilespmem:s28+$0x4630]  }
0x29f: {  	[tilespmem:s28+$0x4250] =	vst v19;
	v16 =	vadd.f32 v17, v15;
	v11 =	vld [tilespmem:s28+$0x4640]  }
0x2a0: {  	s10 =	sadd.s32 $0x80, s10;
	s29 =	sadd.s32 $0x100, s29;
	[tilespmem:s28+$0x4260] =	vst v20;
	v15 =	vadd.f32 v18, v14;
	v14 =	vld [tilespmem:s28+$0x4650]  }
0x2a1: {  	[tilespmem:s28+$0x4270] =	vst v16;
	v9 =	vadd.f32 v9, v13;
	v62 =	vld [tilespmem:s28+$0x4660]  }
0x2a2: {  	v63 =	vld [tilespmem:s28+$0x4670];
	[tilespmem:s28+$0x4600] =	vst v15;
	v8 =	vadd.f32 v8, v12  }
0x2a3: {  	[tilespmem:s28+$0x4610] =	vst v9;
	v7 =	vadd.f32 v7, v10  }
0x2a4: {  	[tilespmem:s28+$0x4620] =	vst v8;
	v6 =	vadd.f32 v6, v11  }
0x2a5: {  	[tilespmem:s28+$0x4630] =	vst v7;
	v5 =	vadd.f32 v5, v14  }
0x2a6: {  	[tilespmem:s28+$0x4640] =	vst v6;
	v4 =	vadd.f32 v4, v62  }
0x2a7: {  	v3 =	vadd.f32 v3, v63;
	[tilespmem:s28+$0x4650] =	vst v5  }
0x2a8: {  	[tilespmem:s28+$0x4660] =	vst v4  }
0x2a9: {  	s0 =	rddreg [dreg:$0x7];
	[tilespmem:s28+$0x4670] =	vst v3  }
0x2aa: {  	[hbm4b:s0+s3] =	stream.linear.scatter [tilespmem:s30], [sflag:$0x6], $0x4000, $0x38;
	[tilespmem:$0x10200] =	vst v63  }
0x2ab: {  	_ =	swait.ge [sflag:s7], $0x4000  }
0x2ac: {  	[sflag:s7] =	ssyncset.done $0x0  }
0x2ad: {  	[sflag:s7] =	ssyncadd.s32 $0xFFFFC000  }
0x2ae: {  	_ =	swait.ge [sflag:s26], $0x4000  }
0x2af: {  	s9 =	sadd.s32 $0x1, s9;
	s31 =	rddreg [dreg:$0x8]  }
0x2b0: {  	p0 =	sne.s32 s9, s31  }
.Ltmp4:
0x2b1: {  	_ = 	snop;
	(pc) =	sbr.rel @p0 .LBB2_1-.Ltmp4, $3  }
0x2b2: {  	_ =	sdelay $0x1  }
0x2b3: {  	[sflag:s26] =	ssyncset.done $0x0  }
0x2b4: {  	[sflag:s26] =	ssyncadd.s32 $0xFFFFC000  }
0x2b5: {  	_ =	sfence.sel $0x180000  }
0x2b6: {  	[bflag:$0x0] =	sbarrier.arrive $0xFFFF  }
0x2b7: {  	_ =	strace $0x9000004D  }
0x2b8: {  	s0 =	stileid.u32;
	[bflag:$0x2] =	sbarrier.arrive $0xFFFF  }
0x2b9: {  	p0 =	sne.s32 s0, $0x0;
	s0 =	rddreg [dreg:$0x2]  }
0x2ba: {  	s0 =	sadd.s32 @!p0 $0x100000, s0  }
0x2bb: {  	[sflag:s0] =	ssyncadd.tile.s32 @!p0 $0x1;
	_ =	shalt  }
.Lfunc_end2:
_tile_overlayer_lowered:
.L_overlay_start_2:
0x2bc: {  	(tag) =	ssettag $0x2  }
0x2bd: {  	s0 =	rddreg [dreg:$0x0];
	s2 =	stileid.u32  }
0x2be: {  	s1 =	rddreg [dreg:$0x1];
	p0 =	sne.s32 s2, $0x0  }
0x2bf: {  	s3 =	rddreg [dreg:$0x2];
	[bflag:$0x3] =	sbarrier.arrive $0xFFFF;
	s2 =	simm.s32 @!p0 $0x1C07  }
0x2c0: {  	[timem:s3], [sflag:s2] =	dma.local @!p0 [hbm:s0], s1  }
0x2c1: {  	s0 =	simm.s32 @!p0 $0x7  }
0x2c2: {  	_ =	swait.ge @!p0 [sflag:s0], s1  }
0x2c3: {  	s1 =	ssub.s32 @!p0 $0x0, s1;
	[sflag:s0] =	ssyncset.done @!p0 $0x0  }
0x2c4: {  	[sflag:s0] =	ssyncadd.s32 @!p0 s1  }
0x2c5: {  	[bflag:$0x3] =	sbarrier.arrive $0xFFFF  }
0x2c6: {  	_ =	shalt  }

</sc_bundles>
